<compile_context>
chip_gen: v7x
topology: tpu7x:2x2x1
jax: 0.10.2.dev20260603
libtpu: 0.0.44.dev20260713+nightly
codegen_flags: <defaults>
</compile_context>

<pallas_src>
import functools

import jax
import jax.numpy as jnp
from jax import lax
from jax.experimental import pallas as pl
from jax.experimental.pallas import tpu as pltpu
from jax.experimental.pallas import tpu_sc as plsc

N = 10000
E = 320000
D = 128

NC = 2
NS = 16
NW = NC * NS

CH = 128
NCH = 80
E_PAD = NW * CH * NCH
NREAL = E // CH
NPAD = 10240
RPT = NPAD // NS



W = 8
PAIRS = NCH // (2 * W)


def _sc_body(with_counts, *refs):
    if with_counts:
        (y_hbm, src_hbm, dst_hbm, out_hbm, cnt_hbm,
         sA, dA, sB, dB, rows0, rows1, ones_v, zc_v,
         acc_sh, cnt_sh, *sems) = refs
    else:
        (y_hbm, src_hbm, dst_hbm, out_hbm,
         sA, dA, sB, dB, rows0, rows1, ones_v, zc_v,
         acc_sh, cnt_sh, *sems) = refs
    rows = (rows0, rows1)
    gs0, gs1, ss0, ss1, cs0, cs1, iwA, iwB = sems
    gs = (gs0, gs1)
    ss = (ss0, ss1)
    cs = (cs0, cs1)

    c = lax.axis_index("c")
    s = lax.axis_index("s")
    base = s * RPT
    wid = c * NS + s
    tile_chunk0 = wid * NCH

    zeros16 = jnp.zeros((16,), jnp.float32)

    def _zrow(i, carry):
        for j in range(D // 16):
            rows0[i, pl.ds(j * 16, 16)] = zeros16
        return carry
    lax.fori_loop(0, CH, _zrow, 0)
    for j in range(CH // 16):
        ones_v[pl.ds(j * 16, 16)] = jnp.ones((16,), jnp.float32)
    for j in range(RPT // 16):
        zc_v[pl.ds(j * 16, 16)] = zeros16

    for k in range(RPT // CH):
        pltpu.sync_copy(rows0, acc_sh.at[pl.ds(base + k * CH, CH)])
    pltpu.sync_copy(zc_v, cnt_sh.at[pl.ds(base, RPT)])

    def _fetch(win_idx, sbuf, dbuf, sem):
        off = tile_chunk0 + win_idx * W
        pltpu.async_copy(src_hbm.at[pl.ds(off, W)], sbuf, sem)
        pltpu.async_copy(dst_hbm.at[pl.ds(off, W)], dbuf, sem)

    def _fetch_wait(sbuf, dbuf, sem):
        pltpu.make_async_copy(src_hbm.at[pl.ds(0, W)], sbuf, sem).wait()
        pltpu.make_async_copy(dst_hbm.at[pl.ds(0, W)], dbuf, sem).wait()

    _fetch(0, sA, dA, iwA)
    _fetch(1, sB, dB, iwB)
    _fetch_wait(sA, dA, iwA)
    pltpu.async_copy(y_hbm.at[sA.at[0]], rows[0], gs[0])
    pltpu.async_copy(y_hbm.at[sA.at[1]], rows[1], gs[1])

    plsc.subcore_barrier()

    def _pair(i, carry):
        not_last = i < PAIRS - 1
        for phase in range(2):
            swin, dwin = (sA, dA) if phase == 0 else (sB, dB)
            nswin = sB if phase == 0 else sA
            gc_base = tile_chunk0 + (2 * i + phase) * W
            for kk in range(W):
                p = kk % 2
                active = gc_base + kk < NREAL
                if kk == 6:
                    if phase == 0:
                        _fetch_wait(sB, dB, iwB)
                    else:
                        @pl.when(not_last)
                        def _():
                            _fetch_wait(sA, dA, iwA)

                @pl.when(active)
                def _(kk=kk, p=p):
                    pltpu.make_async_copy(
                        y_hbm.at[swin.at[kk]], rows[p], gs[p]).wait()
                    pltpu.async_copy(rows[p], acc_sh.at[dwin.at[kk]], ss[p],
                                     add=True)
                    if with_counts:
                        pltpu.async_copy(ones_v, cnt_sh.at[dwin.at[kk]], cs[p],
                                         add=True)
                    pltpu.make_async_copy(
                        rows[p], acc_sh.at[dwin.at[kk]], ss[p]).wait()

                nxt_active = gc_base + kk + 2 < NREAL
                if kk < W - 2:
                    def _issue(nref=swin, row=rows[p], sem=gs[p], kkn=kk + 2):
                        pltpu.async_copy(y_hbm.at[nref.at[kkn]], row, sem)
                    pl.when(nxt_active)(_issue)
                else:
                    lookahead_ok = (phase == 0) or not_last

                    def _issue(nref=nswin, row=rows[p], sem=gs[p], kkn=kk - 6):
                        pltpu.async_copy(y_hbm.at[nref.at[kkn]], row, sem)
                    if lookahead_ok is True:
                        pl.when(nxt_active)(_issue)
                    else:
                        pl.when(jnp.logical_and(not_last, nxt_active))(_issue)

                if with_counts:
                    @pl.when(active)
                    def _(kk=kk, p=p):
                        pltpu.make_async_copy(
                            ones_v, cnt_sh.at[dwin.at[kk]], cs[p]).wait()
            @pl.when(not_last)
            def _():
                if phase == 0:
                    _fetch(2 * i + 2, sA, dA, iwA)
                else:
                    _fetch(2 * i + 3, sB, dB, iwB)
        return carry
    lax.fori_loop(0, PAIRS, _pair, 0)

    plsc.subcore_barrier()

    RLAST = N - (NS - 1) * RPT

    @pl.when(s < NS - 1)
    def _():
        pltpu.sync_copy(acc_sh.at[pl.ds(base, RPT)],
                        out_hbm.at[pl.ds(c * N + base, RPT)])

    @pl.when(s == NS - 1)
    def _():
        pltpu.sync_copy(acc_sh.at[pl.ds(base, RLAST)],
                        out_hbm.at[pl.ds(c * N + base, RLAST)])
    if with_counts:
        pltpu.sync_copy(cnt_sh.at[pl.ds(base, RPT)],
                        cnt_hbm.at[pl.ds(c * NPAD + base, RPT)])


def _make_sc_kernel(with_counts):
    out_type = [jax.ShapeDtypeStruct((NC * N, D), jnp.float32)]
    if with_counts:
        out_type.append(jax.ShapeDtypeStruct((NC * NPAD,), jnp.float32))
    mesh = plsc.VectorSubcoreMesh(core_axis_name="c", subcore_axis_name="s",
                                  num_cores=NC, num_subcores=NS)
    return pl.kernel(
        functools.partial(_sc_body, with_counts),
        out_type=out_type,
        mesh=mesh,
        scratch_types=[
            pltpu.VMEM((W, CH), jnp.int32),
            pltpu.VMEM((W, CH), jnp.int32),
            pltpu.VMEM((W, CH), jnp.int32),
            pltpu.VMEM((W, CH), jnp.int32),
            pltpu.VMEM((CH, D), jnp.float32),
            pltpu.VMEM((CH, D), jnp.float32),
            pltpu.VMEM((CH,), jnp.float32),
            pltpu.VMEM((RPT,), jnp.float32),
            pltpu.VMEM_SHARED((NPAD, D), jnp.float32),
            pltpu.VMEM_SHARED((NPAD,), jnp.float32),
        ] + [pltpu.SemaphoreType.DMA] * 8,
        name="sage_segment_sum" + ("_cnt" if with_counts else ""),
    )


_sc_kernel_cache = {}


def _sc_kernel(with_counts):
    if with_counts not in _sc_kernel_cache:
        _sc_kernel_cache[with_counts] = _make_sc_kernel(with_counts)
    return _sc_kernel_cache[with_counts]



_BLK = 2000


def _dotT(a, w):
    return lax.dot_general(a, w, (((1,), (1,)), ((), ())),
                           preferred_element_type=jnp.float32)


def _pre_body(x_ref, wl_ref, wr_ref, b_ref, y_ref, z_ref):
    xb = x_ref[...]
    y_ref[...] = _dotT(xb, wl_ref[...])
    z_ref[...] = _dotT(xb, wr_ref[...]) + b_ref[...]


def _mid_body(p0_ref, p1_ref, c0_ref, c1_ref, z1_ref, wl_ref, wr_ref, b_ref,
              y2_ref, z2_ref):
    cnt = jnp.maximum(c0_ref[...] + c1_ref[...], 1.0)
    h = jnp.maximum((p0_ref[...] + p1_ref[...]) / cnt + z1_ref[...], 0.0)
    y2_ref[...] = _dotT(h, wl_ref[...])
    z2_ref[...] = _dotT(h, wr_ref[...]) + b_ref[...]


def _post_body(p0_ref, p1_ref, c0_ref, c1_ref, z2_ref, o_ref):
    cnt = jnp.maximum(c0_ref[...] + c1_ref[...], 1.0)
    o_ref[...] = (p0_ref[...] + p1_ref[...]) / cnt + z2_ref[...]


_row_spec = pl.BlockSpec((_BLK, D), lambda i: (i, 0))
_row1_spec = pl.BlockSpec((_BLK, D), lambda i: (i + N // _BLK, 0))
_cnt_spec = pl.BlockSpec((_BLK, 1), lambda i: (i, 0))
_w_spec = pl.BlockSpec((D, D), lambda i: (0, 0))
_b_spec = pl.BlockSpec((1, D), lambda i: (0, 0))
_f32 = jnp.float32


_pre_call = pl.pallas_call(
    _pre_body,
    grid=(N // _BLK,),
    in_specs=[_row_spec, _w_spec, _w_spec, _b_spec],
    out_specs=[_row_spec, _row_spec],
    out_shape=[jax.ShapeDtypeStruct((N, D), _f32)] * 2,
)

_mid_call = pl.pallas_call(
    _mid_body,
    grid=(N // _BLK,),
    in_specs=[_row_spec, _row1_spec, _cnt_spec, _cnt_spec, _row_spec,
              _w_spec, _w_spec, _b_spec],
    out_specs=[_row_spec, _row_spec],
    out_shape=[jax.ShapeDtypeStruct((N, D), _f32)] * 2,
)

_post_call = pl.pallas_call(
    _post_body,
    grid=(N // _BLK,),
    in_specs=[_row_spec, _row1_spec, _cnt_spec, _cnt_spec, _row_spec],
    out_specs=_row_spec,
    out_shape=jax.ShapeDtypeStruct((N, D), _f32),
)



def kernel(x, edge_index, W1l, b1, W1r, W2l, b2, W2r):
    src = edge_index[0].astype(jnp.int32)
    dst = edge_index[1].astype(jnp.int32)
    pad = E_PAD - E
    src_p = jnp.concatenate([src, jnp.zeros((pad,), jnp.int32)]).reshape(E_PAD // CH, CH)
    pad_dst = N + (jnp.arange(pad, dtype=jnp.int32) % (NPAD - N))
    dst_p = jnp.concatenate([dst, pad_dst]).reshape(E_PAD // CH, CH)

    b1r = b1.reshape(1, D)
    b2r = b2.reshape(1, D)

    y1, z1 = _pre_call(x, W1l, W1r, b1r)
    parts1, cnts = _sc_kernel(True)(y1, src_p, dst_p)
    c0 = cnts[0:N].reshape(N, 1)
    c1 = cnts[NPAD:NPAD + N].reshape(N, 1)

    y2, z2 = _mid_call(parts1, parts1, c0, c1, z1, W2l, W2r, b2r)
    (parts2,) = _sc_kernel(False)(y2, src_p, dst_p)
    return _post_call(parts2, parts2, c0, c1, z2)

# --- scband reference (transcript-rebuilt; emitter-appended) ---
"""Pipeline reference for scband-graph-sage-34342558499453 (READ-ONLY COPY).

The authoritative reference and input builder live on the scoring server;
editing this copy changes nothing except your own understanding.
"""

import jax, jax.numpy as jnp
import numpy as np

N_NODES = 10000
N_EDGES = 320000
D_IN = 128
D_HID = 128
D_OUT = 128


def setup_inputs(seed: int = 0) -> dict:
    key = jax.random.key(seed)
    k1, k2, k3, k4, k5, k6, k7, k8 = jax.random.split(key, 8)
    x = jax.random.normal(k1, (N_NODES, D_IN), dtype=jnp.float32)
    edge_index = jax.random.randint(k2, (2, N_EDGES), 0, N_NODES, dtype=jnp.int64)
    s1 = 1.0 / np.sqrt(D_IN)
    s2 = 1.0 / np.sqrt(D_HID)
    W1l = jax.random.uniform(k3, (D_HID, D_IN), dtype=jnp.float32, minval=-s1, maxval=s1)
    b1 = jax.random.uniform(k4, (D_HID,), dtype=jnp.float32, minval=-s1, maxval=s1)
    W1r = jax.random.uniform(k5, (D_HID, D_IN), dtype=jnp.float32, minval=-s1, maxval=s1)
    W2l = jax.random.uniform(k6, (D_OUT, D_HID), dtype=jnp.float32, minval=-s2, maxval=s2)
    b2 = jax.random.uniform(k7, (D_OUT,), dtype=jnp.float32, minval=-s2, maxval=s2)
    W2r = jax.random.uniform(k8, (D_OUT, D_HID), dtype=jnp.float32, minval=-s2, maxval=s2)
    return {"x": x, "edge_index": edge_index, "W1l": W1l, "b1": b1, "W1r": W1r, "W2l": W2l, "b2": b2, "W2r": W2r}


def _sage_conv(x, edge_index, Wl, bl, Wr):
    # PyG SAGEConv with mean aggregation:
    #   out = lin_l(mean_{j in N(i)} x_j) + lin_r(x_i)
    src = edge_index[0]
    dst = edge_index[1]
    n = x.shape[0]
    msg = jnp.take(x, src, axis=0)                      # gather (SparseCore)
    agg = jax.ops.segment_sum(msg, dst, num_segments=n)  # scatter-add
    cnt = jax.ops.segment_sum(jnp.ones((src.shape[0],), dtype=x.dtype), dst, num_segments=n)
    mean = agg / jnp.clip(cnt, 1.0, None)[:, None]
    return mean @ Wl.T + bl + x @ Wr.T


def reference(x, edge_index, W1l, b1, W1r, W2l, b2, W2r):
    h = _sage_conv(x, edge_index, W1l, b1, W1r)
    h = jax.nn.relu(h)
    out = _sage_conv(h, edge_index, W2l, b2, W2r)
    return out

if __name__ == "__main__":
    import jax
    _d = setup_inputs()
    print(jax.jit(kernel)(*tuple(_d.values())))

</pallas_src>

<mosaic_0001>
#map = affine_map<(d0, d1) -> (0, 0)>
module attributes {stable_mosaic.version = 14 : i64} {
  func.func @sage_segment_sum(%arg0: i32, %arg1: i32, %arg2: memref<10000x128xf32, #tpu.memory_space<hbm>>, %arg3: memref<2560x128xi32, #tpu.memory_space<hbm>>, %arg4: memref<2560x128xi32, #tpu.memory_space<hbm>>, %arg5: memref<20000x128xf32, #tpu.memory_space<hbm>>, %arg6: memref<8x128xi32, #tpu.memory_space<vmem>>, %arg7: memref<8x128xi32, #tpu.memory_space<vmem>>, %arg8: memref<8x128xi32, #tpu.memory_space<vmem>>, %arg9: memref<8x128xi32, #tpu.memory_space<vmem>>, %arg10: memref<128x128xf32, #tpu.memory_space<vmem>>, %arg11: memref<128x128xf32, #tpu.memory_space<vmem>>, %arg12: memref<128xf32, #tpu.memory_space<vmem>>, %arg13: memref<640xf32, #tpu.memory_space<vmem>>, %arg14: memref<10240x128xf32, #tpu.memory_space<vmem_shared>>, %arg15: memref<10240xf32, #tpu.memory_space<vmem_shared>>, %arg16: memref<!tpu.dma_semaphore, #tpu.memory_space<semaphore_mem>>, %arg17: memref<!tpu.dma_semaphore, #tpu.memory_space<semaphore_mem>>, %arg18: memref<!tpu.dma_semaphore, #tpu.memory_space<semaphore_mem>>, %arg19: memref<!tpu.dma_semaphore, #tpu.memory_space<semaphore_mem>>, %arg20: memref<!tpu.dma_semaphore, #tpu.memory_space<semaphore_mem>>, %arg21: memref<!tpu.dma_semaphore, #tpu.memory_space<semaphore_mem>>, %arg22: memref<!tpu.dma_semaphore, #tpu.memory_space<semaphore_mem>>, %arg23: memref<!tpu.dma_semaphore, #tpu.memory_space<semaphore_mem>>) attributes {dimension_semantics = [#tpu.dimension_semantics<core_parallel>, #tpu.dimension_semantics<subcore_parallel>], iteration_bounds = array<i64: 2, 16>, scalar_prefetch = 0 : i64, scratch_operands = 18 : i64, tpu.core_type = #tpu.core_type<sc_vector_subcore>, window_params = [{transform_indices = #map}, {transform_indices = #map}, {transform_indices = #map}, {transform_indices = #map}]} {
    %mul3A = arith.constant 640 : i32
    %mul3A_0 = arith.muli %arg1, %mul3A : i32
    %mul3A_1 = arith.constant 16 : i32
    %mul3A_2 = arith.muli %arg0, %mul3A_1 : i32
    %add3A = arith.addi %mul3A_2, %arg1 : i32
    %mul3A_3 = arith.constant 80 : i32
    %mul3A_4 = arith.muli %add3A, %mul3A_3 : i32
    %broadcast_in_dim3A = arith.constant 0.000000e+00 : f32
    %broadcast_in_dim3A_5 = vector.broadcast %broadcast_in_dim3A : f32 to vector<16xf32>
    %scan3A = arith.constant 0 : i32
    %scan3A_6 = arith.constant 0 : i32
    %scan3A_7 = arith.constant 128 : i32
    %scan3A_8 = arith.addi %scan3A_6, %scan3A_7 : i32
    %scan3A_9 = arith.constant 1 : i32
    scf.for %scan3A_285 = %scan3A_6 to %scan3A_8 step %scan3A_9  : i32 {
      %swap3A_286 = arith.index_cast %scan3A_285 : i32 to index
      %swap3A_287 = arith.constant 0 : index
      %swap3A_288 = tpu.vector_load %arg10[%swap3A_286, %swap3A_287] {strides = array<i32>} : memref<128x128xf32, #tpu.memory_space<vmem>>, vector<1x16xf32>,
      %swap3A_289 = vector.shape_cast %swap3A_288 : vector<1x16xf32> to vector<16xf32>
      %swap3A_290 = vector.shape_cast %broadcast_in_dim3A_5 : vector<16xf32> to vector<1x16xf32>
      tpu.vector_store %arg10[%swap3A_286, %swap3A_287], %swap3A_290 {strides = array<i32>} : memref<128x128xf32, #tpu.memory_space<vmem>>, vector<1x16xf32>,
      %swap3A_291 = arith.index_cast %scan3A_285 : i32 to index
      %swap3A_292 = arith.constant 16 : index
      %swap3A_293 = tpu.vector_load %arg10[%swap3A_291, %swap3A_292] {strides = array<i32>} : memref<128x128xf32, #tpu.memory_space<vmem>>, vector<1x16xf32>,
      %swap3A_294 = vector.shape_cast %swap3A_293 : vector<1x16xf32> to vector<16xf32>
      %swap3A_295 = vector.shape_cast %broadcast_in_dim3A_5 : vector<16xf32> to vector<1x16xf32>
      tpu.vector_store %arg10[%swap3A_291, %swap3A_292], %swap3A_295 {strides = array<i32>} : memref<128x128xf32, #tpu.memory_space<vmem>>, vector<1x16xf32>,
      %swap3A_296 = arith.index_cast %scan3A_285 : i32 to index
      %swap3A_297 = arith.constant 32 : index
      %swap3A_298 = tpu.vector_load %arg10[%swap3A_296, %swap3A_297] {strides = array<i32>} : memref<128x128xf32, #tpu.memory_space<vmem>>, vector<1x16xf32>,
      %swap3A_299 = vector.shape_cast %swap3A_298 : vector<1x16xf32> to vector<16xf32>
      %swap3A_300 = vector.shape_cast %broadcast_in_dim3A_5 : vector<16xf32> to vector<1x16xf32>
      tpu.vector_store %arg10[%swap3A_296, %swap3A_297], %swap3A_300 {strides = array<i32>} : memref<128x128xf32, #tpu.memory_space<vmem>>, vector<1x16xf32>,
      %swap3A_301 = arith.index_cast %scan3A_285 : i32 to index
      %swap3A_302 = arith.constant 48 : index
      %swap3A_303 = tpu.vector_load %arg10[%swap3A_301, %swap3A_302] {strides = array<i32>} : memref<128x128xf32, #tpu.memory_space<vmem>>, vector<1x16xf32>,
      %swap3A_304 = vector.shape_cast %swap3A_303 : vector<1x16xf32> to vector<16xf32>
      %swap3A_305 = vector.shape_cast %broadcast_in_dim3A_5 : vector<16xf32> to vector<1x16xf32>
      tpu.vector_store %arg10[%swap3A_301, %swap3A_302], %swap3A_305 {strides = array<i32>} : memref<128x128xf32, #tpu.memory_space<vmem>>, vector<1x16xf32>,
      %swap3A_306 = arith.index_cast %scan3A_285 : i32 to index
      %swap3A_307 = arith.constant 64 : index
      %swap3A_308 = tpu.vector_load %arg10[%swap3A_306, %swap3A_307] {strides = array<i32>} : memref<128x128xf32, #tpu.memory_space<vmem>>, vector<1x16xf32>,
      %swap3A_309 = vector.shape_cast %swap3A_308 : vector<1x16xf32> to vector<16xf32>
      %swap3A_310 = vector.shape_cast %broadcast_in_dim3A_5 : vector<16xf32> to vector<1x16xf32>
      tpu.vector_store %arg10[%swap3A_306, %swap3A_307], %swap3A_310 {strides = array<i32>} : memref<128x128xf32, #tpu.memory_space<vmem>>, vector<1x16xf32>,
      %swap3A_311 = arith.index_cast %scan3A_285 : i32 to index
      %swap3A_312 = arith.constant 80 : index
      %swap3A_313 = tpu.vector_load %arg10[%swap3A_311, %swap3A_312] {strides = array<i32>} : memref<128x128xf32, #tpu.memory_space<vmem>>, vector<1x16xf32>,
      %swap3A_314 = vector.shape_cast %swap3A_313 : vector<1x16xf32> to vector<16xf32>
      %swap3A_315 = vector.shape_cast %broadcast_in_dim3A_5 : vector<16xf32> to vector<1x16xf32>
      tpu.vector_store %arg10[%swap3A_311, %swap3A_312], %swap3A_315 {strides = array<i32>} : memref<128x128xf32, #tpu.memory_space<vmem>>, vector<1x16xf32>,
      %swap3A_316 = arith.index_cast %scan3A_285 : i32 to index
      %swap3A_317 = arith.constant 96 : index
      %swap3A_318 = tpu.vector_load %arg10[%swap3A_316, %swap3A_317] {strides = array<i32>} : memref<128x128xf32, #tpu.memory_space<vmem>>, vector<1x16xf32>,
      %swap3A_319 = vector.shape_cast %swap3A_318 : vector<1x16xf32> to vector<16xf32>
      %swap3A_320 = vector.shape_cast %broadcast_in_dim3A_5 : vector<16xf32> to vector<1x16xf32>
      tpu.vector_store %arg10[%swap3A_316, %swap3A_317], %swap3A_320 {strides = array<i32>} : memref<128x128xf32, #tpu.memory_space<vmem>>, vector<1x16xf32>,
      %swap3A_321 = arith.index_cast %scan3A_285 : i32 to index
      %swap3A_322 = arith.constant 112 : index
      %swap3A_323 = tpu.vector_load %arg10[%swap3A_321, %swap3A_322] {strides = array<i32>} : memref<128x128xf32, #tpu.memory_space<vmem>>, vector<1x16xf32>,
      %swap3A_324 = vector.shape_cast %swap3A_323 : vector<1x16xf32> to vector<16xf32>
      %swap3A_325 = vector.shape_cast %broadcast_in_dim3A_5 : vector<16xf32> to vector<1x16xf32>
      tpu.vector_store %arg10[%swap3A_321, %swap3A_322], %swap3A_325 {strides = array<i32>} : memref<128x128xf32, #tpu.memory_space<vmem>>, vector<1x16xf32>,
    }
    %scan3A_10 = arith.constant 128 : i32
    %broadcast_in_dim3A_11 = arith.constant 1.000000e+00 : f32
    %broadcast_in_dim3A_12 = vector.broadcast %broadcast_in_dim3A_11 : f32 to vector<16xf32>
    %swap3A = arith.constant 0 : index
    %swap3A_13 = tpu.vector_load %arg12[%swap3A] {strides = array<i32>} : memref<128xf32, #tpu.memory_space<vmem>>, vector<16xf32>,
    %swap3A_14 = vector.shape_cast %swap3A_13 : vector<16xf32> to vector<16xf32>
    %swap3A_15 = vector.shape_cast %broadcast_in_dim3A_12 : vector<16xf32> to vector<16xf32>
    tpu.vector_store %arg12[%swap3A], %swap3A_15 {strides = array<i32>} : memref<128xf32, #tpu.memory_space<vmem>>, vector<16xf32>,
    %broadcast_in_dim3A_16 = arith.constant 1.000000e+00 : f32
    %broadcast_in_dim3A_17 = vector.broadcast %broadcast_in_dim3A_16 : f32 to vector<16xf32>
    %swap3A_18 = arith.constant 16 : index
    %swap3A_19 = tpu.vector_load %arg12[%swap3A_18] {strides = array<i32>} : memref<128xf32, #tpu.memory_space<vmem>>, vector<16xf32>,
    %swap3A_20 = vector.shape_cast %swap3A_19 : vector<16xf32> to vector<16xf32>
    %swap3A_21 = vector.shape_cast %broadcast_in_dim3A_17 : vector<16xf32> to vector<16xf32>
    tpu.vector_store %arg12[%swap3A_18], %swap3A_21 {strides = array<i32>} : memref<128xf32, #tpu.memory_space<vmem>>, vector<16xf32>,
    %broadcast_in_dim3A_22 = arith.constant 1.000000e+00 : f32
    %broadcast_in_dim3A_23 = vector.broadcast %broadcast_in_dim3A_22 : f32 to vector<16xf32>
    %swap3A_24 = arith.constant 32 : index
    %swap3A_25 = tpu.vector_load %arg12[%swap3A_24] {strides = array<i32>} : memref<128xf32, #tpu.memory_space<vmem>>, vector<16xf32>,
    %swap3A_26 = vector.shape_cast %swap3A_25 : vector<16xf32> to vector<16xf32>
    %swap3A_27 = vector.shape_cast %broadcast_in_dim3A_23 : vector<16xf32> to vector<16xf32>
    tpu.vector_store %arg12[%swap3A_24], %swap3A_27 {strides = array<i32>} : memref<128xf32, #tpu.memory_space<vmem>>, vector<16xf32>,
    %broadcast_in_dim3A_28 = arith.constant 1.000000e+00 : f32
    %broadcast_in_dim3A_29 = vector.broadcast %broadcast_in_dim3A_28 : f32 to vector<16xf32>
    %swap3A_30 = arith.constant 48 : index
    %swap3A_31 = tpu.vector_load %arg12[%swap3A_30] {strides = array<i32>} : memref<128xf32, #tpu.memory_space<vmem>>, vector<16xf32>,
    %swap3A_32 = vector.shape_cast %swap3A_31 : vector<16xf32> to vector<16xf32>
    %swap3A_33 = vector.shape_cast %broadcast_in_dim3A_29 : vector<16xf32> to vector<16xf32>
    tpu.vector_store %arg12[%swap3A_30], %swap3A_33 {strides = array<i32>} : memref<128xf32, #tpu.memory_space<vmem>>, vector<16xf32>,
    %broadcast_in_dim3A_34 = arith.constant 1.000000e+00 : f32
    %broadcast_in_dim3A_35 = vector.broadcast %broadcast_in_dim3A_34 : f32 to vector<16xf32>
    %swap3A_36 = arith.constant 64 : index
    %swap3A_37 = tpu.vector_load %arg12[%swap3A_36] {strides = array<i32>} : memref<128xf32, #tpu.memory_space<vmem>>, vector<16xf32>,
    %swap3A_38 = vector.shape_cast %swap3A_37 : vector<16xf32> to vector<16xf32>
    %swap3A_39 = vector.shape_cast %broadcast_in_dim3A_35 : vector<16xf32> to vector<16xf32>
    tpu.vector_store %arg12[%swap3A_36], %swap3A_39 {strides = array<i32>} : memref<128xf32, #tpu.memory_space<vmem>>, vector<16xf32>,
    %broadcast_in_dim3A_40 = arith.constant 1.000000e+00 : f32
    %broadcast_in_dim3A_41 = vector.broadcast %broadcast_in_dim3A_40 : f32 to vector<16xf32>
    %swap3A_42 = arith.constant 80 : index
    %swap3A_43 = tpu.vector_load %arg12[%swap3A_42] {strides = array<i32>} : memref<128xf32, #tpu.memory_space<vmem>>, vector<16xf32>,
    %swap3A_44 = vector.shape_cast %swap3A_43 : vector<16xf32> to vector<16xf32>
    %swap3A_45 = vector.shape_cast %broadcast_in_dim3A_41 : vector<16xf32> to vector<16xf32>
    tpu.vector_store %arg12[%swap3A_42], %swap3A_45 {strides = array<i32>} : memref<128xf32, #tpu.memory_space<vmem>>, vector<16xf32>,
    %broadcast_in_dim3A_46 = arith.constant 1.000000e+00 : f32
    %broadcast_in_dim3A_47 = vector.broadcast %broadcast_in_dim3A_46 : f32 to vector<16xf32>
    %swap3A_48 = arith.constant 96 : index
    %swap3A_49 = tpu.vector_load %arg12[%swap3A_48] {strides = array<i32>} : memref<128xf32, #tpu.memory_space<vmem>>, vector<16xf32>,
    %swap3A_50 = vector.shape_cast %swap3A_49 : vector<16xf32> to vector<16xf32>
    %swap3A_51 = vector.shape_cast %broadcast_in_dim3A_47 : vector<16xf32> to vector<16xf32>
    tpu.vector_store %arg12[%swap3A_48], %swap3A_51 {strides = array<i32>} : memref<128xf32, #tpu.memory_space<vmem>>, vector<16xf32>,
    %broadcast_in_dim3A_52 = arith.constant 1.000000e+00 : f32
    %broadcast_in_dim3A_53 = vector.broadcast %broadcast_in_dim3A_52 : f32 to vector<16xf32>
    %swap3A_54 = arith.constant 112 : index
    %swap3A_55 = tpu.vector_load %arg12[%swap3A_54] {strides = array<i32>} : memref<128xf32, #tpu.memory_space<vmem>>, vector<16xf32>,
    %swap3A_56 = vector.shape_cast %swap3A_55 : vector<16xf32> to vector<16xf32>
    %swap3A_57 = vector.shape_cast %broadcast_in_dim3A_53 : vector<16xf32> to vector<16xf32>
    tpu.vector_store %arg12[%swap3A_54], %swap3A_57 {strides = array<i32>} : memref<128xf32, #tpu.memory_space<vmem>>, vector<16xf32>,
    %swap3A_58 = arith.constant 0 : index
    %swap3A_59 = tpu.vector_load %arg13[%swap3A_58] {strides = array<i32>} : memref<640xf32, #tpu.memory_space<vmem>>, vector<16xf32>,
    %swap3A_60 = vector.shape_cast %swap3A_59 : vector<16xf32> to vector<16xf32>
    %swap3A_61 = vector.shape_cast %broadcast_in_dim3A_5 : vector<16xf32> to vector<16xf32>
    tpu.vector_store %arg13[%swap3A_58], %swap3A_61 {strides = array<i32>} : memref<640xf32, #tpu.memory_space<vmem>>, vector<16xf32>,
    %swap3A_62 = arith.constant 16 : index
    %swap3A_63 = tpu.vector_load %arg13[%swap3A_62] {strides = array<i32>} : memref<640xf32, #tpu.memory_space<vmem>>, vector<16xf32>,
    %swap3A_64 = vector.shape_cast %swap3A_63 : vector<16xf32> to vector<16xf32>
    %swap3A_65 = vector.shape_cast %broadcast_in_dim3A_5 : vector<16xf32> to vector<16xf32>
    tpu.vector_store %arg13[%swap3A_62], %swap3A_65 {strides = array<i32>} : memref<640xf32, #tpu.memory_space<vmem>>, vector<16xf32>,
    %swap3A_66 = arith.constant 32 : index
    %swap3A_67 = tpu.vector_load %arg13[%swap3A_66] {strides = array<i32>} : memref<640xf32, #tpu.memory_space<vmem>>, vector<16xf32>,
    %swap3A_68 = vector.shape_cast %swap3A_67 : vector<16xf32> to vector<16xf32>
    %swap3A_69 = vector.shape_cast %broadcast_in_dim3A_5 : vector<16xf32> to vector<16xf32>
    tpu.vector_store %arg13[%swap3A_66], %swap3A_69 {strides = array<i32>} : memref<640xf32, #tpu.memory_space<vmem>>, vector<16xf32>,
    %swap3A_70 = arith.constant 48 : index
    %swap3A_71 = tpu.vector_load %arg13[%swap3A_70] {strides = array<i32>} : memref<640xf32, #tpu.memory_space<vmem>>, vector<16xf32>,
    %swap3A_72 = vector.shape_cast %swap3A_71 : vector<16xf32> to vector<16xf32>
    %swap3A_73 = vector.shape_cast %broadcast_in_dim3A_5 : vector<16xf32> to vector<16xf32>
    tpu.vector_store %arg13[%swap3A_70], %swap3A_73 {strides = array<i32>} : memref<640xf32, #tpu.memory_space<vmem>>, vector<16xf32>,
    %swap3A_74 = arith.constant 64 : index
    %swap3A_75 = tpu.vector_load %arg13[%swap3A_74] {strides = array<i32>} : memref<640xf32, #tpu.memory_space<vmem>>, vector<16xf32>,
    %swap3A_76 = vector.shape_cast %swap3A_75 : vector<16xf32> to vector<16xf32>
    %swap3A_77 = vector.shape_cast %broadcast_in_dim3A_5 : vector<16xf32> to vector<16xf32>
    tpu.vector_store %arg13[%swap3A_74], %swap3A_77 {strides = array<i32>} : memref<640xf32, #tpu.memory_space<vmem>>, vector<16xf32>,
    %swap3A_78 = arith.constant 80 : index
    %swap3A_79 = tpu.vector_load %arg13[%swap3A_78] {strides = array<i32>} : memref<640xf32, #tpu.memory_space<vmem>>, vector<16xf32>,
    %swap3A_80 = vector.shape_cast %swap3A_79 : vector<16xf32> to vector<16xf32>
    %swap3A_81 = vector.shape_cast %broadcast_in_dim3A_5 : vector<16xf32> to vector<16xf32>
    tpu.vector_store %arg13[%swap3A_78], %swap3A_81 {strides = array<i32>} : memref<640xf32, #tpu.memory_space<vmem>>, vector<16xf32>,
    %swap3A_82 = arith.constant 96 : index
    %swap3A_83 = tpu.vector_load %arg13[%swap3A_82] {strides = array<i32>} : memref<640xf32, #tpu.memory_space<vmem>>, vector<16xf32>,
    %swap3A_84 = vector.shape_cast %swap3A_83 : vector<16xf32> to vector<16xf32>
    %swap3A_85 = vector.shape_cast %broadcast_in_dim3A_5 : vector<16xf32> to vector<16xf32>
    tpu.vector_store %arg13[%swap3A_82], %swap3A_85 {strides = array<i32>} : memref<640xf32, #tpu.memory_space<vmem>>, vector<16xf32>,
    %swap3A_86 = arith.constant 112 : index
    %swap3A_87 = tpu.vector_load %arg13[%swap3A_86] {strides = array<i32>} : memref<640xf32, #tpu.memory_space<vmem>>, vector<16xf32>,
    %swap3A_88 = vector.shape_cast %swap3A_87 : vector<16xf32> to vector<16xf32>
    %swap3A_89 = vector.shape_cast %broadcast_in_dim3A_5 : vector<16xf32> to vector<16xf32>
    tpu.vector_store %arg13[%swap3A_86], %swap3A_89 {strides = array<i32>} : memref<640xf32, #tpu.memory_space<vmem>>, vector<16xf32>,
    %swap3A_90 = arith.constant 128 : index
    %swap3A_91 = tpu.vector_load %arg13[%swap3A_90] {strides = array<i32>} : memref<640xf32, #tpu.memory_space<vmem>>, vector<16xf32>,
    %swap3A_92 = vector.shape_cast %swap3A_91 : vector<16xf32> to vector<16xf32>
    %swap3A_93 = vector.shape_cast %broadcast_in_dim3A_5 : vector<16xf32> to vector<16xf32>
    tpu.vector_store %arg13[%swap3A_90], %swap3A_93 {strides = array<i32>} : memref<640xf32, #tpu.memory_space<vmem>>, vector<16xf32>,
    %swap3A_94 = arith.constant 144 : index
    %swap3A_95 = tpu.vector_load %arg13[%swap3A_94] {strides = array<i32>} : memref<640xf32, #tpu.memory_space<vmem>>, vector<16xf32>,
    %swap3A_96 = vector.shape_cast %swap3A_95 : vector<16xf32> to vector<16xf32>
    %swap3A_97 = vector.shape_cast %broadcast_in_dim3A_5 : vector<16xf32> to vector<16xf32>
    tpu.vector_store %arg13[%swap3A_94], %swap3A_97 {strides = array<i32>} : memref<640xf32, #tpu.memory_space<vmem>>, vector<16xf32>,
    %swap3A_98 = arith.constant 160 : index
    %swap3A_99 = tpu.vector_load %arg13[%swap3A_98] {strides = array<i32>} : memref<640xf32, #tpu.memory_space<vmem>>, vector<16xf32>,
    %swap3A_100 = vector.shape_cast %swap3A_99 : vector<16xf32> to vector<16xf32>
    %swap3A_101 = vector.shape_cast %broadcast_in_dim3A_5 : vector<16xf32> to vector<16xf32>
    tpu.vector_store %arg13[%swap3A_98], %swap3A_101 {strides = array<i32>} : memref<640xf32, #tpu.memory_space<vmem>>, vector<16xf32>,
    %swap3A_102 = arith.constant 176 : index
    %swap3A_103 = tpu.vector_load %arg13[%swap3A_102] {strides = array<i32>} : memref<640xf32, #tpu.memory_space<vmem>>, vector<16xf32>,
    %swap3A_104 = vector.shape_cast %swap3A_103 : vector<16xf32> to vector<16xf32>
    %swap3A_105 = vector.shape_cast %broadcast_in_dim3A_5 : vector<16xf32> to vector<16xf32>
    tpu.vector_store %arg13[%swap3A_102], %swap3A_105 {strides = array<i32>} : memref<640xf32, #tpu.memory_space<vmem>>, vector<16xf32>,
    %swap3A_106 = arith.constant 192 : index
    %swap3A_107 = tpu.vector_load %arg13[%swap3A_106] {strides = array<i32>} : memref<640xf32, #tpu.memory_space<vmem>>, vector<16xf32>,
    %swap3A_108 = vector.shape_cast %swap3A_107 : vector<16xf32> to vector<16xf32>
    %swap3A_109 = vector.shape_cast %broadcast_in_dim3A_5 : vector<16xf32> to vector<16xf32>
    tpu.vector_store %arg13[%swap3A_106], %swap3A_109 {strides = array<i32>} : memref<640xf32, #tpu.memory_space<vmem>>, vector<16xf32>,
    %swap3A_110 = arith.constant 208 : index
    %swap3A_111 = tpu.vector_load %arg13[%swap3A_110] {strides = array<i32>} : memref<640xf32, #tpu.memory_space<vmem>>, vector<16xf32>,
    %swap3A_112 = vector.shape_cast %swap3A_111 : vector<16xf32> to vector<16xf32>
    %swap3A_113 = vector.shape_cast %broadcast_in_dim3A_5 : vector<16xf32> to vector<16xf32>
    tpu.vector_store %arg13[%swap3A_110], %swap3A_113 {strides = array<i32>} : memref<640xf32, #tpu.memory_space<vmem>>, vector<16xf32>,
    %swap3A_114 = arith.constant 224 : index
    %swap3A_115 = tpu.vector_load %arg13[%swap3A_114] {strides = array<i32>} : memref<640xf32, #tpu.memory_space<vmem>>, vector<16xf32>,
    %swap3A_116 = vector.shape_cast %swap3A_115 : vector<16xf32> to vector<16xf32>
    %swap3A_117 = vector.shape_cast %broadcast_in_dim3A_5 : vector<16xf32> to vector<16xf32>
    tpu.vector_store %arg13[%swap3A_114], %swap3A_117 {strides = array<i32>} : memref<640xf32, #tpu.memory_space<vmem>>, vector<16xf32>,
    %swap3A_118 = arith.constant 240 : index
    %swap3A_119 = tpu.vector_load %arg13[%swap3A_118] {strides = array<i32>} : memref<640xf32, #tpu.memory_space<vmem>>, vector<16xf32>,
    %swap3A_120 = vector.shape_cast %swap3A_119 : vector<16xf32> to vector<16xf32>
    %swap3A_121 = vector.shape_cast %broadcast_in_dim3A_5 : vector<16xf32> to vector<16xf32>
    tpu.vector_store %arg13[%swap3A_118], %swap3A_121 {strides = array<i32>} : memref<640xf32, #tpu.memory_space<vmem>>, vector<16xf32>,
    %swap3A_122 = arith.constant 256 : index
    %swap3A_123 = tpu.vector_load %arg13[%swap3A_122] {strides = array<i32>} : memref<640xf32, #tpu.memory_space<vmem>>, vector<16xf32>,
    %swap3A_124 = vector.shape_cast %swap3A_123 : vector<16xf32> to vector<16xf32>
    %swap3A_125 = vector.shape_cast %broadcast_in_dim3A_5 : vector<16xf32> to vector<16xf32>
    tpu.vector_store %arg13[%swap3A_122], %swap3A_125 {strides = array<i32>} : memref<640xf32, #tpu.memory_space<vmem>>, vector<16xf32>,
    %swap3A_126 = arith.constant 272 : index
    %swap3A_127 = tpu.vector_load %arg13[%swap3A_126] {strides = array<i32>} : memref<640xf32, #tpu.memory_space<vmem>>, vector<16xf32>,
    %swap3A_128 = vector.shape_cast %swap3A_127 : vector<16xf32> to vector<16xf32>
    %swap3A_129 = vector.shape_cast %broadcast_in_dim3A_5 : vector<16xf32> to vector<16xf32>
    tpu.vector_store %arg13[%swap3A_126], %swap3A_129 {strides = array<i32>} : memref<640xf32, #tpu.memory_space<vmem>>, vector<16xf32>,
    %swap3A_130 = arith.constant 288 : index
    %swap3A_131 = tpu.vector_load %arg13[%swap3A_130] {strides = array<i32>} : memref<640xf32, #tpu.memory_space<vmem>>, vector<16xf32>,
    %swap3A_132 = vector.shape_cast %swap3A_131 : vector<16xf32> to vector<16xf32>
    %swap3A_133 = vector.shape_cast %broadcast_in_dim3A_5 : vector<16xf32> to vector<16xf32>
    tpu.vector_store %arg13[%swap3A_130], %swap3A_133 {strides = array<i32>} : memref<640xf32, #tpu.memory_space<vmem>>, vector<16xf32>,
    %swap3A_134 = arith.constant 304 : index
    %swap3A_135 = tpu.vector_load %arg13[%swap3A_134] {strides = array<i32>} : memref<640xf32, #tpu.memory_space<vmem>>, vector<16xf32>,
    %swap3A_136 = vector.shape_cast %swap3A_135 : vector<16xf32> to vector<16xf32>
    %swap3A_137 = vector.shape_cast %broadcast_in_dim3A_5 : vector<16xf32> to vector<16xf32>
    tpu.vector_store %arg13[%swap3A_134], %swap3A_137 {strides = array<i32>} : memref<640xf32, #tpu.memory_space<vmem>>, vector<16xf32>,
    %swap3A_138 = arith.constant 320 : index
    %swap3A_139 = tpu.vector_load %arg13[%swap3A_138] {strides = array<i32>} : memref<640xf32, #tpu.memory_space<vmem>>, vector<16xf32>,
    %swap3A_140 = vector.shape_cast %swap3A_139 : vector<16xf32> to vector<16xf32>
    %swap3A_141 = vector.shape_cast %broadcast_in_dim3A_5 : vector<16xf32> to vector<16xf32>
    tpu.vector_store %arg13[%swap3A_138], %swap3A_141 {strides = array<i32>} : memref<640xf32, #tpu.memory_space<vmem>>, vector<16xf32>,
    %swap3A_142 = arith.constant 336 : index
    %swap3A_143 = tpu.vector_load %arg13[%swap3A_142] {strides = array<i32>} : memref<640xf32, #tpu.memory_space<vmem>>, vector<16xf32>,
    %swap3A_144 = vector.shape_cast %swap3A_143 : vector<16xf32> to vector<16xf32>
    %swap3A_145 = vector.shape_cast %broadcast_in_dim3A_5 : vector<16xf32> to vector<16xf32>
    tpu.vector_store %arg13[%swap3A_142], %swap3A_145 {strides = array<i32>} : memref<640xf32, #tpu.memory_space<vmem>>, vector<16xf32>,
    %swap3A_146 = arith.constant 352 : index
    %swap3A_147 = tpu.vector_load %arg13[%swap3A_146] {strides = array<i32>} : memref<640xf32, #tpu.memory_space<vmem>>, vector<16xf32>,
    %swap3A_148 = vector.shape_cast %swap3A_147 : vector<16xf32> to vector<16xf32>
    %swap3A_149 = vector.shape_cast %broadcast_in_dim3A_5 : vector<16xf32> to vector<16xf32>
    tpu.vector_store %arg13[%swap3A_146], %swap3A_149 {strides = array<i32>} : memref<640xf32, #tpu.memory_space<vmem>>, vector<16xf32>,
    %swap3A_150 = arith.constant 368 : index
    %swap3A_151 = tpu.vector_load %arg13[%swap3A_150] {strides = array<i32>} : memref<640xf32, #tpu.memory_space<vmem>>, vector<16xf32>,
    %swap3A_152 = vector.shape_cast %swap3A_151 : vector<16xf32> to vector<16xf32>
    %swap3A_153 = vector.shape_cast %broadcast_in_dim3A_5 : vector<16xf32> to vector<16xf32>
    tpu.vector_store %arg13[%swap3A_150], %swap3A_153 {strides = array<i32>} : memref<640xf32, #tpu.memory_space<vmem>>, vector<16xf32>,
    %swap3A_154 = arith.constant 384 : index
    %swap3A_155 = tpu.vector_load %arg13[%swap3A_154] {strides = array<i32>} : memref<640xf32, #tpu.memory_space<vmem>>, vector<16xf32>,
    %swap3A_156 = vector.shape_cast %swap3A_155 : vector<16xf32> to vector<16xf32>
    %swap3A_157 = vector.shape_cast %broadcast_in_dim3A_5 : vector<16xf32> to vector<16xf32>
    tpu.vector_store %arg13[%swap3A_154], %swap3A_157 {strides = array<i32>} : memref<640xf32, #tpu.memory_space<vmem>>, vector<16xf32>,
    %swap3A_158 = arith.constant 400 : index
    %swap3A_159 = tpu.vector_load %arg13[%swap3A_158] {strides = array<i32>} : memref<640xf32, #tpu.memory_space<vmem>>, vector<16xf32>,
    %swap3A_160 = vector.shape_cast %swap3A_159 : vector<16xf32> to vector<16xf32>
    %swap3A_161 = vector.shape_cast %broadcast_in_dim3A_5 : vector<16xf32> to vector<16xf32>
    tpu.vector_store %arg13[%swap3A_158], %swap3A_161 {strides = array<i32>} : memref<640xf32, #tpu.memory_space<vmem>>, vector<16xf32>,
    %swap3A_162 = arith.constant 416 : index
    %swap3A_163 = tpu.vector_load %arg13[%swap3A_162] {strides = array<i32>} : memref<640xf32, #tpu.memory_space<vmem>>, vector<16xf32>,
    %swap3A_164 = vector.shape_cast %swap3A_163 : vector<16xf32> to vector<16xf32>
    %swap3A_165 = vector.shape_cast %broadcast_in_dim3A_5 : vector<16xf32> to vector<16xf32>
    tpu.vector_store %arg13[%swap3A_162], %swap3A_165 {strides = array<i32>} : memref<640xf32, #tpu.memory_space<vmem>>, vector<16xf32>,
    %swap3A_166 = arith.constant 432 : index
    %swap3A_167 = tpu.vector_load %arg13[%swap3A_166] {strides = array<i32>} : memref<640xf32, #tpu.memory_space<vmem>>, vector<16xf32>,
    %swap3A_168 = vector.shape_cast %swap3A_167 : vector<16xf32> to vector<16xf32>
    %swap3A_169 = vector.shape_cast %broadcast_in_dim3A_5 : vector<16xf32> to vector<16xf32>
    tpu.vector_store %arg13[%swap3A_166], %swap3A_169 {strides = array<i32>} : memref<640xf32, #tpu.memory_space<vmem>>, vector<16xf32>,
    %swap3A_170 = arith.constant 448 : index
    %swap3A_171 = tpu.vector_load %arg13[%swap3A_170] {strides = array<i32>} : memref<640xf32, #tpu.memory_space<vmem>>, vector<16xf32>,
    %swap3A_172 = vector.shape_cast %swap3A_171 : vector<16xf32> to vector<16xf32>
    %swap3A_173 = vector.shape_cast %broadcast_in_dim3A_5 : vector<16xf32> to vector<16xf32>
    tpu.vector_store %arg13[%swap3A_170], %swap3A_173 {strides = array<i32>} : memref<640xf32, #tpu.memory_space<vmem>>, vector<16xf32>,
    %swap3A_174 = arith.constant 464 : index
    %swap3A_175 = tpu.vector_load %arg13[%swap3A_174] {strides = array<i32>} : memref<640xf32, #tpu.memory_space<vmem>>, vector<16xf32>,
    %swap3A_176 = vector.shape_cast %swap3A_175 : vector<16xf32> to vector<16xf32>
    %swap3A_177 = vector.shape_cast %broadcast_in_dim3A_5 : vector<16xf32> to vector<16xf32>
    tpu.vector_store %arg13[%swap3A_174], %swap3A_177 {strides = array<i32>} : memref<640xf32, #tpu.memory_space<vmem>>, vector<16xf32>,
    %swap3A_178 = arith.constant 480 : index
    %swap3A_179 = tpu.vector_load %arg13[%swap3A_178] {strides = array<i32>} : memref<640xf32, #tpu.memory_space<vmem>>, vector<16xf32>,
    %swap3A_180 = vector.shape_cast %swap3A_179 : vector<16xf32> to vector<16xf32>
    %swap3A_181 = vector.shape_cast %broadcast_in_dim3A_5 : vector<16xf32> to vector<16xf32>
    tpu.vector_store %arg13[%swap3A_178], %swap3A_181 {strides = array<i32>} : memref<640xf32, #tpu.memory_space<vmem>>, vector<16xf32>,
    %swap3A_182 = arith.constant 496 : index
    %swap3A_183 = tpu.vector_load %arg13[%swap3A_182] {strides = array<i32>} : memref<640xf32, #tpu.memory_space<vmem>>, vector<16xf32>,
    %swap3A_184 = vector.shape_cast %swap3A_183 : vector<16xf32> to vector<16xf32>
    %swap3A_185 = vector.shape_cast %broadcast_in_dim3A_5 : vector<16xf32> to vector<16xf32>
    tpu.vector_store %arg13[%swap3A_182], %swap3A_185 {strides = array<i32>} : memref<640xf32, #tpu.memory_space<vmem>>, vector<16xf32>,
    %swap3A_186 = arith.constant 512 : index
    %swap3A_187 = tpu.vector_load %arg13[%swap3A_186] {strides = array<i32>} : memref<640xf32, #tpu.memory_space<vmem>>, vector<16xf32>,
    %swap3A_188 = vector.shape_cast %swap3A_187 : vector<16xf32> to vector<16xf32>
    %swap3A_189 = vector.shape_cast %broadcast_in_dim3A_5 : vector<16xf32> to vector<16xf32>
    tpu.vector_store %arg13[%swap3A_186], %swap3A_189 {strides = array<i32>} : memref<640xf32, #tpu.memory_space<vmem>>, vector<16xf32>,
    %swap3A_190 = arith.constant 528 : index
    %swap3A_191 = tpu.vector_load %arg13[%swap3A_190] {strides = array<i32>} : memref<640xf32, #tpu.memory_space<vmem>>, vector<16xf32>,
    %swap3A_192 = vector.shape_cast %swap3A_191 : vector<16xf32> to vector<16xf32>
    %swap3A_193 = vector.shape_cast %broadcast_in_dim3A_5 : vector<16xf32> to vector<16xf32>
    tpu.vector_store %arg13[%swap3A_190], %swap3A_193 {strides = array<i32>} : memref<640xf32, #tpu.memory_space<vmem>>, vector<16xf32>,
    %swap3A_194 = arith.constant 544 : index
    %swap3A_195 = tpu.vector_load %arg13[%swap3A_194] {strides = array<i32>} : memref<640xf32, #tpu.memory_space<vmem>>, vector<16xf32>,
    %swap3A_196 = vector.shape_cast %swap3A_195 : vector<16xf32> to vector<16xf32>
    %swap3A_197 = vector.shape_cast %broadcast_in_dim3A_5 : vector<16xf32> to vector<16xf32>
    tpu.vector_store %arg13[%swap3A_194], %swap3A_197 {strides = array<i32>} : memref<640xf32, #tpu.memory_space<vmem>>, vector<16xf32>,
    %swap3A_198 = arith.constant 560 : index
    %swap3A_199 = tpu.vector_load %arg13[%swap3A_198] {strides = array<i32>} : memref<640xf32, #tpu.memory_space<vmem>>, vector<16xf32>,
    %swap3A_200 = vector.shape_cast %swap3A_199 : vector<16xf32> to vector<16xf32>
    %swap3A_201 = vector.shape_cast %broadcast_in_dim3A_5 : vector<16xf32> to vector<16xf32>
    tpu.vector_store %arg13[%swap3A_198], %swap3A_201 {strides = array<i32>} : memref<640xf32, #tpu.memory_space<vmem>>, vector<16xf32>,
    %swap3A_202 = arith.constant 576 : index
    %swap3A_203 = tpu.vector_load %arg13[%swap3A_202] {strides = array<i32>} : memref<640xf32, #tpu.memory_space<vmem>>, vector<16xf32>,
    %swap3A_204 = vector.shape_cast %swap3A_203 : vector<16xf32> to vector<16xf32>
    %swap3A_205 = vector.shape_cast %broadcast_in_dim3A_5 : vector<16xf32> to vector<16xf32>
    tpu.vector_store %arg13[%swap3A_202], %swap3A_205 {strides = array<i32>} : memref<640xf32, #tpu.memory_space<vmem>>, vector<16xf32>,
    %swap3A_206 = arith.constant 592 : index
    %swap3A_207 = tpu.vector_load %arg13[%swap3A_206] {strides = array<i32>} : memref<640xf32, #tpu.memory_space<vmem>>, vector<16xf32>,
    %swap3A_208 = vector.shape_cast %swap3A_207 : vector<16xf32> to vector<16xf32>
    %swap3A_209 = vector.shape_cast %broadcast_in_dim3A_5 : vector<16xf32> to vector<16xf32>
    tpu.vector_store %arg13[%swap3A_206], %swap3A_209 {strides = array<i32>} : memref<640xf32, #tpu.memory_space<vmem>>, vector<16xf32>,
    %swap3A_210 = arith.constant 608 : index
    %swap3A_211 = tpu.vector_load %arg13[%swap3A_210] {strides = array<i32>} : memref<640xf32, #tpu.memory_space<vmem>>, vector<16xf32>,
    %swap3A_212 = vector.shape_cast %swap3A_211 : vector<16xf32> to vector<16xf32>
    %swap3A_213 = vector.shape_cast %broadcast_in_dim3A_5 : vector<16xf32> to vector<16xf32>
    tpu.vector_store %arg13[%swap3A_210], %swap3A_213 {strides = array<i32>} : memref<640xf32, #tpu.memory_space<vmem>>, vector<16xf32>,
    %swap3A_214 = arith.constant 624 : index
    %swap3A_215 = tpu.vector_load %arg13[%swap3A_214] {strides = array<i32>} : memref<640xf32, #tpu.memory_space<vmem>>, vector<16xf32>,
    %swap3A_216 = vector.shape_cast %swap3A_215 : vector<16xf32> to vector<16xf32>
    %swap3A_217 = vector.shape_cast %broadcast_in_dim3A_5 : vector<16xf32> to vector<16xf32>
    tpu.vector_store %arg13[%swap3A_214], %swap3A_217 {strides = array<i32>} : memref<640xf32, #tpu.memory_space<vmem>>, vector<16xf32>,
    %add3A_218 = arith.constant 0 : i32
    %add3A_219 = arith.addi %mul3A_0, %add3A_218 : i32
    "tpu.region"() ({
      %run_scoped3A = tpu.sem_alloc : memref<!tpu.dma_semaphore, #tpu.memory_space<semaphore_mem>>
      %dma_start3A_285 = arith.constant 0 : i32
      %dma_start3A_286 = tpu.memref_slice %arg14[%add3A_219, %dma_start3A_285] : memref<10240x128xf32, #tpu.memory_space<vmem_shared>> -> memref<128x128xf32, #tpu.memory_space<vmem_shared>>
      %dma_start3A_287 = arith.constant 0 : i32
      %dma_start3A_288 = tpu.memref_slice %arg14[%add3A_219, %dma_start3A_287] : memref<10240x128xf32, #tpu.memory_space<vmem_shared>> -> memref<128x128xf32, #tpu.memory_space<vmem_shared>>
      tpu.enqueue_dma source(%arg10 : memref<128x128xf32, #tpu.memory_space<vmem>>) target(%dma_start3A_288 : memref<128x128xf32, #tpu.memory_space<vmem_shared>>) target_semaphore(%run_scoped3A : memref<!tpu.dma_semaphore, #tpu.memory_space<semaphore_mem>>)
      %dma_wait3A_289 = arith.constant 0 : i32
      %dma_wait3A_290 = tpu.memref_slice %arg14[%add3A_219, %dma_wait3A_289] : memref<10240x128xf32, #tpu.memory_space<vmem_shared>> -> memref<128x128xf32, #tpu.memory_space<vmem_shared>>
      %dma_wait3A_291 = arith.constant 0 : i32
      %dma_wait3A_292 = tpu.memref_slice %arg14[%add3A_219, %dma_wait3A_291] : memref<10240x128xf32, #tpu.memory_space<vmem_shared>> -> memref<128x128xf32, #tpu.memory_space<vmem_shared>>
      tpu.wait_dma2 semaphore(%run_scoped3A : memref<!tpu.dma_semaphore, #tpu.memory_space<semaphore_mem>>) src(%arg10 : memref<128x128xf32, #tpu.memory_space<vmem>>) dst(%dma_wait3A_292 : memref<128x128xf32, #tpu.memory_space<vmem_shared>>)
      tpu.yield
    }) : () -> ()
    %add3A_220 = arith.constant 128 : i32
    %add3A_221 = arith.addi %mul3A_0, %add3A_220 : i32
    "tpu.region"() ({
      %run_scoped3A = tpu.sem_alloc : memref<!tpu.dma_semaphore, #tpu.memory_space<semaphore_mem>>
      %dma_start3A_285 = arith.constant 0 : i32
      %dma_start3A_286 = tpu.memref_slice %arg14[%add3A_221, %dma_start3A_285] : memref<10240x128xf32, #tpu.memory_space<vmem_shared>> -> memref<128x128xf32, #tpu.memory_space<vmem_shared>>
      %dma_start3A_287 = arith.constant 0 : i32
      %dma_start3A_288 = tpu.memref_slice %arg14[%add3A_221, %dma_start3A_287] : memref<10240x128xf32, #tpu.memory_space<vmem_shared>> -> memref<128x128xf32, #tpu.memory_space<vmem_shared>>
      tpu.enqueue_dma source(%arg10 : memref<128x128xf32, #tpu.memory_space<vmem>>) target(%dma_start3A_288 : memref<128x128xf32, #tpu.memory_space<vmem_shared>>) target_semaphore(%run_scoped3A : memref<!tpu.dma_semaphore, #tpu.memory_space<semaphore_mem>>)
      %dma_wait3A_289 = arith.constant 0 : i32
      %dma_wait3A_290 = tpu.memref_slice %arg14[%add3A_221, %dma_wait3A_289] : memref<10240x128xf32, #tpu.memory_space<vmem_shared>> -> memref<128x128xf32, #tpu.memory_space<vmem_shared>>
      %dma_wait3A_291 = arith.constant 0 : i32
      %dma_wait3A_292 = tpu.memref_slice %arg14[%add3A_221, %dma_wait3A_291] : memref<10240x128xf32, #tpu.memory_space<vmem_shared>> -> memref<128x128xf32, #tpu.memory_space<vmem_shared>>
      tpu.wait_dma2 semaphore(%run_scoped3A : memref<!tpu.dma_semaphore, #tpu.memory_space<semaphore_mem>>) src(%arg10 : memref<128x128xf32, #tpu.memory_space<vmem>>) dst(%dma_wait3A_292 : memref<128x128xf32, #tpu.memory_space<vmem_shared>>)
      tpu.yield
    }) : () -> ()
    %add3A_222 = arith.constant 256 : i32
    %add3A_223 = arith.addi %mul3A_0, %add3A_222 : i32
    "tpu.region"() ({
      %run_scoped3A = tpu.sem_alloc : memref<!tpu.dma_semaphore, #tpu.memory_space<semaphore_mem>>
      %dma_start3A_285 = arith.constant 0 : i32
      %dma_start3A_286 = tpu.memref_slice %arg14[%add3A_223, %dma_start3A_285] : memref<10240x128xf32, #tpu.memory_space<vmem_shared>> -> memref<128x128xf32, #tpu.memory_space<vmem_shared>>
      %dma_start3A_287 = arith.constant 0 : i32
      %dma_start3A_288 = tpu.memref_slice %arg14[%add3A_223, %dma_start3A_287] : memref<10240x128xf32, #tpu.memory_space<vmem_shared>> -> memref<128x128xf32, #tpu.memory_space<vmem_shared>>
      tpu.enqueue_dma source(%arg10 : memref<128x128xf32, #tpu.memory_space<vmem>>) target(%dma_start3A_288 : memref<128x128xf32, #tpu.memory_space<vmem_shared>>) target_semaphore(%run_scoped3A : memref<!tpu.dma_semaphore, #tpu.memory_space<semaphore_mem>>)
      %dma_wait3A_289 = arith.constant 0 : i32
      %dma_wait3A_290 = tpu.memref_slice %arg14[%add3A_223, %dma_wait3A_289] : memref<10240x128xf32, #tpu.memory_space<vmem_shared>> -> memref<128x128xf32, #tpu.memory_space<vmem_shared>>
      %dma_wait3A_291 = arith.constant 0 : i32
      %dma_wait3A_292 = tpu.memref_slice %arg14[%add3A_223, %dma_wait3A_291] : memref<10240x128xf32, #tpu.memory_space<vmem_shared>> -> memref<128x128xf32, #tpu.memory_space<vmem_shared>>
      tpu.wait_dma2 semaphore(%run_scoped3A : memref<!tpu.dma_semaphore, #tpu.memory_space<semaphore_mem>>) src(%arg10 : memref<128x128xf32, #tpu.memory_space<vmem>>) dst(%dma_wait3A_292 : memref<128x128xf32, #tpu.memory_space<vmem_shared>>)
      tpu.yield
    }) : () -> ()
    %add3A_224 = arith.constant 384 : i32
    %add3A_225 = arith.addi %mul3A_0, %add3A_224 : i32
    "tpu.region"() ({
      %run_scoped3A = tpu.sem_alloc : memref<!tpu.dma_semaphore, #tpu.memory_space<semaphore_mem>>
      %dma_start3A_285 = arith.constant 0 : i32
      %dma_start3A_286 = tpu.memref_slice %arg14[%add3A_225, %dma_start3A_285] : memref<10240x128xf32, #tpu.memory_space<vmem_shared>> -> memref<128x128xf32, #tpu.memory_space<vmem_shared>>
      %dma_start3A_287 = arith.constant 0 : i32
      %dma_start3A_288 = tpu.memref_slice %arg14[%add3A_225, %dma_start3A_287] : memref<10240x128xf32, #tpu.memory_space<vmem_shared>> -> memref<128x128xf32, #tpu.memory_space<vmem_shared>>
      tpu.enqueue_dma source(%arg10 : memref<128x128xf32, #tpu.memory_space<vmem>>) target(%dma_start3A_288 : memref<128x128xf32, #tpu.memory_space<vmem_shared>>) target_semaphore(%run_scoped3A : memref<!tpu.dma_semaphore, #tpu.memory_space<semaphore_mem>>)
      %dma_wait3A_289 = arith.constant 0 : i32
      %dma_wait3A_290 = tpu.memref_slice %arg14[%add3A_225, %dma_wait3A_289] : memref<10240x128xf32, #tpu.memory_space<vmem_shared>> -> memref<128x128xf32, #tpu.memory_space<vmem_shared>>
      %dma_wait3A_291 = arith.constant 0 : i32
      %dma_wait3A_292 = tpu.memref_slice %arg14[%add3A_225, %dma_wait3A_291] : memref<10240x128xf32, #tpu.memory_space<vmem_shared>> -> memref<128x128xf32, #tpu.memory_space<vmem_shared>>
      tpu.wait_dma2 semaphore(%run_scoped3A : memref<!tpu.dma_semaphore, #tpu.memory_space<semaphore_mem>>) src(%arg10 : memref<128x128xf32, #tpu.memory_space<vmem>>) dst(%dma_wait3A_292 : memref<128x128xf32, #tpu.memory_space<vmem_shared>>)
      tpu.yield
    }) : () -> ()
    %add3A_226 = arith.constant 512 : i32
    %add3A_227 = arith.addi %mul3A_0, %add3A_226 : i32
    "tpu.region"() ({
      %run_scoped3A = tpu.sem_alloc : memref<!tpu.dma_semaphore, #tpu.memory_space<semaphore_mem>>
      %dma_start3A_285 = arith.constant 0 : i32
      %dma_start3A_286 = tpu.memref_slice %arg14[%add3A_227, %dma_start3A_285] : memref<10240x128xf32, #tpu.memory_space<vmem_shared>> -> memref<128x128xf32, #tpu.memory_space<vmem_shared>>
      %dma_start3A_287 = arith.constant 0 : i32
      %dma_start3A_288 = tpu.memref_slice %arg14[%add3A_227, %dma_start3A_287] : memref<10240x128xf32, #tpu.memory_space<vmem_shared>> -> memref<128x128xf32, #tpu.memory_space<vmem_shared>>
      tpu.enqueue_dma source(%arg10 : memref<128x128xf32, #tpu.memory_space<vmem>>) target(%dma_start3A_288 : memref<128x128xf32, #tpu.memory_space<vmem_shared>>) target_semaphore(%run_scoped3A : memref<!tpu.dma_semaphore, #tpu.memory_space<semaphore_mem>>)
      %dma_wait3A_289 = arith.constant 0 : i32
      %dma_wait3A_290 = tpu.memref_slice %arg14[%add3A_227, %dma_wait3A_289] : memref<10240x128xf32, #tpu.memory_space<vmem_shared>> -> memref<128x128xf32, #tpu.memory_space<vmem_shared>>
      %dma_wait3A_291 = arith.constant 0 : i32
      %dma_wait3A_292 = tpu.memref_slice %arg14[%add3A_227, %dma_wait3A_291] : memref<10240x128xf32, #tpu.memory_space<vmem_shared>> -> memref<128x128xf32, #tpu.memory_space<vmem_shared>>
      tpu.wait_dma2 semaphore(%run_scoped3A : memref<!tpu.dma_semaphore, #tpu.memory_space<semaphore_mem>>) src(%arg10 : memref<128x128xf32, #tpu.memory_space<vmem>>) dst(%dma_wait3A_292 : memref<128x128xf32, #tpu.memory_space<vmem_shared>>)
      tpu.yield
    }) : () -> ()
    "tpu.region"() ({
      %run_scoped3A = tpu.sem_alloc : memref<!tpu.dma_semaphore, #tpu.memory_space<semaphore_mem>>
      %dma_start3A_285 = tpu.memref_slice %arg15[%mul3A_0] : memref<10240xf32, #tpu.memory_space<vmem_shared>> -> memref<640xf32, #tpu.memory_space<vmem_shared>>
      %dma_start3A_286 = tpu.memref_slice %arg15[%mul3A_0] : memref<10240xf32, #tpu.memory_space<vmem_shared>> -> memref<640xf32, #tpu.memory_space<vmem_shared>>
      tpu.enqueue_dma source(%arg13 : memref<640xf32, #tpu.memory_space<vmem>>) target(%dma_start3A_286 : memref<640xf32, #tpu.memory_space<vmem_shared>>) target_semaphore(%run_scoped3A : memref<!tpu.dma_semaphore, #tpu.memory_space<semaphore_mem>>)
      %dma_wait3A_287 = tpu.memref_slice %arg15[%mul3A_0] : memref<10240xf32, #tpu.memory_space<vmem_shared>> -> memref<640xf32, #tpu.memory_space<vmem_shared>>
      %dma_wait3A_288 = tpu.memref_slice %arg15[%mul3A_0] : memref<10240xf32, #tpu.memory_space<vmem_shared>> -> memref<640xf32, #tpu.memory_space<vmem_shared>>
      tpu.wait_dma2 semaphore(%run_scoped3A : memref<!tpu.dma_semaphore, #tpu.memory_space<semaphore_mem>>) src(%arg13 : memref<640xf32, #tpu.memory_space<vmem>>) dst(%dma_wait3A_288 : memref<640xf32, #tpu.memory_space<vmem_shared>>)
      tpu.yield
    }) : () -> ()
    %add3A_228 = arith.constant 0 : i32
    %add3A_229 = arith.addi %mul3A_4, %add3A_228 : i32
    %dma_start3A = arith.constant 0 : i32
    %dma_start3A_230 = tpu.memref_slice %arg3[%add3A_229, %dma_start3A] : memref<2560x128xi32, #tpu.memory_space<hbm>> -> memref<8x128xi32, #tpu.memory_space<hbm>>
    %dma_start3A_231 = arith.constant 0 : i32
    %dma_start3A_232 = tpu.memref_slice %arg3[%add3A_229, %dma_start3A_231] : memref<2560x128xi32, #tpu.memory_space<hbm>> -> memref<8x128xi32, #tpu.memory_space<hbm>>
    tpu.enqueue_dma source(%dma_start3A_232 : memref<8x128xi32, #tpu.memory_space<hbm>>) target(%arg6 : memref<8x128xi32, #tpu.memory_space<vmem>>) target_semaphore(%arg22 : memref<!tpu.dma_semaphore, #tpu.memory_space<semaphore_mem>>)
    %dma_start3A_233 = arith.constant 0 : i32
    %dma_start3A_234 = tpu.memref_slice %arg4[%add3A_229, %dma_start3A_233] : memref<2560x128xi32, #tpu.memory_space<hbm>> -> memref<8x128xi32, #tpu.memory_space<hbm>>
    %dma_start3A_235 = arith.constant 0 : i32
    %dma_start3A_236 = tpu.memref_slice %arg4[%add3A_229, %dma_start3A_235] : memref<2560x128xi32, #tpu.memory_space<hbm>> -> memref<8x128xi32, #tpu.memory_space<hbm>>
    tpu.enqueue_dma source(%dma_start3A_236 : memref<8x128xi32, #tpu.memory_space<hbm>>) target(%arg7 : memref<8x128xi32, #tpu.memory_space<vmem>>) target_semaphore(%arg22 : memref<!tpu.dma_semaphore, #tpu.memory_space<semaphore_mem>>)
    %add3A_237 = arith.constant 8 : i32
    %add3A_238 = arith.addi %mul3A_4, %add3A_237 : i32
    %dma_start3A_239 = arith.constant 0 : i32
    %dma_start3A_240 = tpu.memref_slice %arg3[%add3A_238, %dma_start3A_239] : memref<2560x128xi32, #tpu.memory_space<hbm>> -> memref<8x128xi32, #tpu.memory_space<hbm>>
    %dma_start3A_241 = arith.constant 0 : i32
    %dma_start3A_242 = tpu.memref_slice %arg3[%add3A_238, %dma_start3A_241] : memref<2560x128xi32, #tpu.memory_space<hbm>> -> memref<8x128xi32, #tpu.memory_space<hbm>>
    tpu.enqueue_dma source(%dma_start3A_242 : memref<8x128xi32, #tpu.memory_space<hbm>>) target(%arg8 : memref<8x128xi32, #tpu.memory_space<vmem>>) target_semaphore(%arg23 : memref<!tpu.dma_semaphore, #tpu.memory_space<semaphore_mem>>)
    %dma_start3A_243 = arith.constant 0 : i32
    %dma_start3A_244 = tpu.memref_slice %arg4[%add3A_238, %dma_start3A_243] : memref<2560x128xi32, #tpu.memory_space<hbm>> -> memref<8x128xi32, #tpu.memory_space<hbm>>
    %dma_start3A_245 = arith.constant 0 : i32
    %dma_start3A_246 = tpu.memref_slice %arg4[%add3A_238, %dma_start3A_245] : memref<2560x128xi32, #tpu.memory_space<hbm>> -> memref<8x128xi32, #tpu.memory_space<hbm>>
    tpu.enqueue_dma source(%dma_start3A_246 : memref<8x128xi32, #tpu.memory_space<hbm>>) target(%arg9 : memref<8x128xi32, #tpu.memory_space<vmem>>) target_semaphore(%arg23 : memref<!tpu.dma_semaphore, #tpu.memory_space<semaphore_mem>>)
    %dma_wait3A = arith.constant 0 : i32
    %dma_wait3A_247 = arith.constant 0 : i32
    %dma_wait3A_248 = tpu.memref_slice %arg3[%dma_wait3A, %dma_wait3A_247] : memref<2560x128xi32, #tpu.memory_space<hbm>> -> memref<8x128xi32, #tpu.memory_space<hbm>>
    %dma_wait3A_249 = arith.constant 0 : i32
    %dma_wait3A_250 = arith.constant 0 : i32
    %dma_wait3A_251 = tpu.memref_slice %arg3[%dma_wait3A_249, %dma_wait3A_250] : memref<2560x128xi32, #tpu.memory_space<hbm>> -> memref<8x128xi32, #tpu.memory_space<hbm>>
    tpu.wait_dma2 semaphore(%arg22 : memref<!tpu.dma_semaphore, #tpu.memory_space<semaphore_mem>>) src(%dma_wait3A_251 : memref<8x128xi32, #tpu.memory_space<hbm>>) dst(%arg6 : memref<8x128xi32, #tpu.memory_space<vmem>>)
    %dma_wait3A_252 = arith.constant 0 : i32
    %dma_wait3A_253 = arith.constant 0 : i32
    %dma_wait3A_254 = tpu.memref_slice %arg4[%dma_wait3A_252, %dma_wait3A_253] : memref<2560x128xi32, #tpu.memory_space<hbm>> -> memref<8x128xi32, #tpu.memory_space<hbm>>
    %dma_wait3A_255 = arith.constant 0 : i32
    %dma_wait3A_256 = arith.constant 0 : i32
    %dma_wait3A_257 = tpu.memref_slice %arg4[%dma_wait3A_255, %dma_wait3A_256] : memref<2560x128xi32, #tpu.memory_space<hbm>> -> memref<8x128xi32, #tpu.memory_space<hbm>>
    tpu.wait_dma2 semaphore(%arg22 : memref<!tpu.dma_semaphore, #tpu.memory_space<semaphore_mem>>) src(%dma_wait3A_257 : memref<8x128xi32, #tpu.memory_space<hbm>>) dst(%arg7 : memref<8x128xi32, #tpu.memory_space<vmem>>)
    %dma_start3A_258 = arith.constant 0 : i32
    %dma_start3A_259 = arith.constant 0 : i32
    %dma_start3A_260 = tpu.memref_slice %arg6[%dma_start3A_258, %dma_start3A_259] : memref<8x128xi32, #tpu.memory_space<vmem>> -> memref<1x128xi32, #tpu.memory_space<vmem>>
    %dma_start3A_261 = tpu.memref_squeeze %dma_start3A_260 : memref<1x128xi32, #tpu.memory_space<vmem>> -> memref<128xi32, #tpu.memory_space<vmem>>
    %dma_start3A_262 = arith.constant 0 : i32
    %dma_start3A_263 = arith.constant 0 : i32
    %dma_start3A_264 = tpu.memref_slice %arg2[%dma_start3A_262, %dma_start3A_263] : memref<10000x128xf32, #tpu.memory_space<hbm>> -> memref<10000x128xf32, #tpu.memory_space<hbm>>
    tpu.enqueue_indirect_dma source(%dma_start3A_264 : memref<10000x128xf32, #tpu.memory_space<hbm>>) target(%arg10 : memref<128x128xf32, #tpu.memory_space<vmem>>) offsets(%dma_start3A_261 : memref<128xi32, #tpu.memory_space<vmem>>) semaphore(%arg16 : memref<!tpu.dma_semaphore, #tpu.memory_space<semaphore_mem>>)
    %dma_start3A_265 = arith.constant 1 : i32
    %dma_start3A_266 = arith.constant 0 : i32
    %dma_start3A_267 = tpu.memref_slice %arg6[%dma_start3A_265, %dma_start3A_266] : memref<8x128xi32, #tpu.memory_space<vmem>> -> memref<1x128xi32, #tpu.memory_space<vmem>>
    %dma_start3A_268 = tpu.memref_squeeze %dma_start3A_267 : memref<1x128xi32, #tpu.memory_space<vmem>> -> memref<128xi32, #tpu.memory_space<vmem>>
    %dma_start3A_269 = arith.constant 0 : i32
    %dma_start3A_270 = arith.constant 0 : i32
    %dma_start3A_271 = tpu.memref_slice %arg2[%dma_start3A_269, %dma_start3A_270] : memref<10000x128xf32, #tpu.memory_space<hbm>> -> memref<10000x128xf32, #tpu.memory_space<hbm>>
    tpu.enqueue_indirect_dma source(%dma_start3A_271 : memref<10000x128xf32, #tpu.memory_space<hbm>>) target(%arg11 : memref<128x128xf32, #tpu.memory_space<vmem>>) offsets(%dma_start3A_268 : memref<128xi32, #tpu.memory_space<vmem>>) semaphore(%arg17 : memref<!tpu.dma_semaphore, #tpu.memory_space<semaphore_mem>>)
    %barrier3A = arith.constant 0 : index
    tpu.barrier barrier_id(%barrier3A)
    %scan3A_272 = arith.constant 0 : i32
    %scan3A_273 = arith.constant 0 : i32
    %scan3A_274 = arith.constant 5 : i32
    %scan3A_275 = arith.addi %scan3A_273, %scan3A_274 : i32
    %scan3A_276 = arith.constant 1 : i32
    scf.for %scan3A_285 = %scan3A_273 to %scan3A_275 step %scan3A_276  : i32 {
      %lt3A_286 = arith.constant 4 : i32
      %lt3A_287 = arith.cmpi slt, %scan3A_285, %lt3A_286 : i32
      %mul3A_288 = arith.constant 2 : i32
      %mul3A_289 = arith.muli %mul3A_288, %scan3A_285 : i32
      %add3A_290 = arith.constant 0 : i32
      %add3A_291 = arith.addi %mul3A_289, %add3A_290 : i32
      %mul3A_292 = arith.constant 8 : i32
      %mul3A_293 = arith.muli %add3A_291, %mul3A_292 : i32
      %add3A_294 = arith.addi %mul3A_4, %mul3A_293 : i32
      %add3A_295 = arith.constant 0 : i32
      %add3A_296 = arith.addi %add3A_294, %add3A_295 : i32
      %lt3A_297 = arith.constant 2500 : i32
      %lt3A_298 = arith.cmpi slt, %add3A_296, %lt3A_297 : i32
      %convert_element_type3A_299 = arith.extui %lt3A_298 : i1 to i32
      %cond3A_300 = arith.constant 0 : i32
      %cond3A_301 = arith.cmpi ne, %convert_element_type3A_299, %cond3A_300 : i32
      scf.if %cond3A_301 {
        %dma_wait3A_580 = arith.constant 0 : i32
        %dma_wait3A_581 = arith.constant 0 : i32
        %dma_wait3A_582 = tpu.memref_slice %arg6[%dma_wait3A_580, %dma_wait3A_581] : memref<8x128xi32, #tpu.memory_space<vmem>> -> memref<1x128xi32, #tpu.memory_space<vmem>>
        %dma_wait3A_583 = tpu.memref_squeeze %dma_wait3A_582 : memref<1x128xi32, #tpu.memory_space<vmem>> -> memref<128xi32, #tpu.memory_space<vmem>>
        %dma_wait3A_584 = arith.constant 0 : i32
        %dma_wait3A_585 = arith.constant 0 : i32
        %dma_wait3A_586 = tpu.memref_slice %arg2[%dma_wait3A_584, %dma_wait3A_585] : memref<10000x128xf32, #tpu.memory_space<hbm>> -> memref<10000x128xf32, #tpu.memory_space<hbm>>
        tpu.wait_indirect_dma semaphore(%arg16 : memref<!tpu.dma_semaphore, #tpu.memory_space<semaphore_mem>>) src(%dma_wait3A_586 : memref<10000x128xf32, #tpu.memory_space<hbm>>) dst(%arg10 : memref<128x128xf32, #tpu.memory_space<vmem>>)
        %dma_start3A_587 = arith.constant 0 : i32
        %dma_start3A_588 = arith.constant 0 : i32
        %dma_start3A_589 = tpu.memref_slice %arg7[%dma_start3A_587, %dma_start3A_588] : memref<8x128xi32, #tpu.memory_space<vmem>> -> memref<1x128xi32, #tpu.memory_space<vmem>>
        %dma_start3A_590 = tpu.memref_squeeze %dma_start3A_589 : memref<1x128xi32, #tpu.memory_space<vmem>> -> memref<128xi32, #tpu.memory_space<vmem>>
        %dma_start3A_591 = arith.constant 0 : i32
        %dma_start3A_592 = arith.constant 0 : i32
        %dma_start3A_593 = tpu.memref_slice %arg14[%dma_start3A_591, %dma_start3A_592] : memref<10240x128xf32, #tpu.memory_space<vmem_shared>> -> memref<10240x128xf32, #tpu.memory_space<vmem_shared>>
        tpu.enqueue_indirect_dma source(%arg10 : memref<128x128xf32, #tpu.memory_space<vmem>>) target(%dma_start3A_593 : memref<10240x128xf32, #tpu.memory_space<vmem_shared>>) offsets(%dma_start3A_590 : memref<128xi32, #tpu.memory_space<vmem>>) semaphore(%arg18 : memref<!tpu.dma_semaphore, #tpu.memory_space<semaphore_mem>>) {add = true}
        %dma_wait3A_594 = arith.constant 0 : i32
        %dma_wait3A_595 = arith.constant 0 : i32
        %dma_wait3A_596 = tpu.memref_slice %arg7[%dma_wait3A_594, %dma_wait3A_595] : memref<8x128xi32, #tpu.memory_space<vmem>> -> memref<1x128xi32, #tpu.memory_space<vmem>>
        %dma_wait3A_597 = tpu.memref_squeeze %dma_wait3A_596 : memref<1x128xi32, #tpu.memory_space<vmem>> -> memref<128xi32, #tpu.memory_space<vmem>>
        %dma_wait3A_598 = arith.constant 0 : i32
        %dma_wait3A_599 = arith.constant 0 : i32
        %dma_wait3A_600 = tpu.memref_slice %arg14[%dma_wait3A_598, %dma_wait3A_599] : memref<10240x128xf32, #tpu.memory_space<vmem_shared>> -> memref<10240x128xf32, #tpu.memory_space<vmem_shared>>
        tpu.wait_indirect_dma semaphore(%arg18 : memref<!tpu.dma_semaphore, #tpu.memory_space<semaphore_mem>>) src(%arg10 : memref<128x128xf32, #tpu.memory_space<vmem>>) dst(%dma_wait3A_600 : memref<10240x128xf32, #tpu.memory_space<vmem_shared>>)
      } else {
      }
      %add3A_302 = arith.constant 0 : i32
      %add3A_303 = arith.addi %add3A_294, %add3A_302 : i32
      %add3A_304 = arith.constant 2 : i32
      %add3A_305 = arith.addi %add3A_303, %add3A_304 : i32
      %lt3A_306 = arith.constant 2500 : i32
      %lt3A_307 = arith.cmpi slt, %add3A_305, %lt3A_306 : i32
      %convert_element_type3A_308 = arith.extui %lt3A_307 : i1 to i32
      %cond3A_309 = arith.constant 0 : i32
      %cond3A_310 = arith.cmpi ne, %convert_element_type3A_308, %cond3A_309 : i32
      scf.if %cond3A_310 {
        %dma_start3A_580 = arith.constant 2 : i32
        %dma_start3A_581 = arith.constant 0 : i32
        %dma_start3A_582 = tpu.memref_slice %arg6[%dma_start3A_580, %dma_start3A_581] : memref<8x128xi32, #tpu.memory_space<vmem>> -> memref<1x128xi32, #tpu.memory_space<vmem>>
        %dma_start3A_583 = tpu.memref_squeeze %dma_start3A_582 : memref<1x128xi32, #tpu.memory_space<vmem>> -> memref<128xi32, #tpu.memory_space<vmem>>
        %dma_start3A_584 = arith.constant 0 : i32
        %dma_start3A_585 = arith.constant 0 : i32
        %dma_start3A_586 = tpu.memref_slice %arg2[%dma_start3A_584, %dma_start3A_585] : memref<10000x128xf32, #tpu.memory_space<hbm>> -> memref<10000x128xf32, #tpu.memory_space<hbm>>
        tpu.enqueue_indirect_dma source(%dma_start3A_586 : memref<10000x128xf32, #tpu.memory_space<hbm>>) target(%arg10 : memref<128x128xf32, #tpu.memory_space<vmem>>) offsets(%dma_start3A_583 : memref<128xi32, #tpu.memory_space<vmem>>) semaphore(%arg16 : memref<!tpu.dma_semaphore, #tpu.memory_space<semaphore_mem>>)
      } else {
      }
      %add3A_311 = arith.constant 1 : i32
      %add3A_312 = arith.addi %add3A_294, %add3A_311 : i32
      %lt3A_313 = arith.constant 2500 : i32
      %lt3A_314 = arith.cmpi slt, %add3A_312, %lt3A_313 : i32
      %convert_element_type3A_315 = arith.extui %lt3A_314 : i1 to i32
      %cond3A_316 = arith.constant 0 : i32
      %cond3A_317 = arith.cmpi ne, %convert_element_type3A_315, %cond3A_316 : i32
      scf.if %cond3A_317 {
        %dma_wait3A_580 = arith.constant 1 : i32
        %dma_wait3A_581 = arith.constant 0 : i32
        %dma_wait3A_582 = tpu.memref_slice %arg6[%dma_wait3A_580, %dma_wait3A_581] : memref<8x128xi32, #tpu.memory_space<vmem>> -> memref<1x128xi32, #tpu.memory_space<vmem>>
        %dma_wait3A_583 = tpu.memref_squeeze %dma_wait3A_582 : memref<1x128xi32, #tpu.memory_space<vmem>> -> memref<128xi32, #tpu.memory_space<vmem>>
        %dma_wait3A_584 = arith.constant 0 : i32
        %dma_wait3A_585 = arith.constant 0 : i32
        %dma_wait3A_586 = tpu.memref_slice %arg2[%dma_wait3A_584, %dma_wait3A_585] : memref<10000x128xf32, #tpu.memory_space<hbm>> -> memref<10000x128xf32, #tpu.memory_space<hbm>>
        tpu.wait_indirect_dma semaphore(%arg17 : memref<!tpu.dma_semaphore, #tpu.memory_space<semaphore_mem>>) src(%dma_wait3A_586 : memref<10000x128xf32, #tpu.memory_space<hbm>>) dst(%arg11 : memref<128x128xf32, #tpu.memory_space<vmem>>)
        %dma_start3A_587 = arith.constant 1 : i32
        %dma_start3A_588 = arith.constant 0 : i32
        %dma_start3A_589 = tpu.memref_slice %arg7[%dma_start3A_587, %dma_start3A_588] : memref<8x128xi32, #tpu.memory_space<vmem>> -> memref<1x128xi32, #tpu.memory_space<vmem>>
        %dma_start3A_590 = tpu.memref_squeeze %dma_start3A_589 : memref<1x128xi32, #tpu.memory_space<vmem>> -> memref<128xi32, #tpu.memory_space<vmem>>
        %dma_start3A_591 = arith.constant 0 : i32
        %dma_start3A_592 = arith.constant 0 : i32
        %dma_start3A_593 = tpu.memref_slice %arg14[%dma_start3A_591, %dma_start3A_592] : memref<10240x128xf32, #tpu.memory_space<vmem_shared>> -> memref<10240x128xf32, #tpu.memory_space<vmem_shared>>
        tpu.enqueue_indirect_dma source(%arg11 : memref<128x128xf32, #tpu.memory_space<vmem>>) target(%dma_start3A_593 : memref<10240x128xf32, #tpu.memory_space<vmem_shared>>) offsets(%dma_start3A_590 : memref<128xi32, #tpu.memory_space<vmem>>) semaphore(%arg19 : memref<!tpu.dma_semaphore, #tpu.memory_space<semaphore_mem>>) {add = true}
        %dma_wait3A_594 = arith.constant 1 : i32
        %dma_wait3A_595 = arith.constant 0 : i32
        %dma_wait3A_596 = tpu.memref_slice %arg7[%dma_wait3A_594, %dma_wait3A_595] : memref<8x128xi32, #tpu.memory_space<vmem>> -> memref<1x128xi32, #tpu.memory_space<vmem>>
        %dma_wait3A_597 = tpu.memref_squeeze %dma_wait3A_596 : memref<1x128xi32, #tpu.memory_space<vmem>> -> memref<128xi32, #tpu.memory_space<vmem>>
        %dma_wait3A_598 = arith.constant 0 : i32
        %dma_wait3A_599 = arith.constant 0 : i32
        %dma_wait3A_600 = tpu.memref_slice %arg14[%dma_wait3A_598, %dma_wait3A_599] : memref<10240x128xf32, #tpu.memory_space<vmem_shared>> -> memref<10240x128xf32, #tpu.memory_space<vmem_shared>>
        tpu.wait_indirect_dma semaphore(%arg19 : memref<!tpu.dma_semaphore, #tpu.memory_space<semaphore_mem>>) src(%arg11 : memref<128x128xf32, #tpu.memory_space<vmem>>) dst(%dma_wait3A_600 : memref<10240x128xf32, #tpu.memory_space<vmem_shared>>)
      } else {
      }
      %add3A_318 = arith.constant 1 : i32
      %add3A_319 = arith.addi %add3A_294, %add3A_318 : i32
      %add3A_320 = arith.constant 2 : i32
      %add3A_321 = arith.addi %add3A_319, %add3A_320 : i32
      %lt3A_322 = arith.constant 2500 : i32
      %lt3A_323 = arith.cmpi slt, %add3A_321, %lt3A_322 : i32
      %convert_element_type3A_324 = arith.extui %lt3A_323 : i1 to i32
      %cond3A_325 = arith.constant 0 : i32
      %cond3A_326 = arith.cmpi ne, %convert_element_type3A_324, %cond3A_325 : i32
      scf.if %cond3A_326 {
        %dma_start3A_580 = arith.constant 3 : i32
        %dma_start3A_581 = arith.constant 0 : i32
        %dma_start3A_582 = tpu.memref_slice %arg6[%dma_start3A_580, %dma_start3A_581] : memref<8x128xi32, #tpu.memory_space<vmem>> -> memref<1x128xi32, #tpu.memory_space<vmem>>
        %dma_start3A_583 = tpu.memref_squeeze %dma_start3A_582 : memref<1x128xi32, #tpu.memory_space<vmem>> -> memref<128xi32, #tpu.memory_space<vmem>>
        %dma_start3A_584 = arith.constant 0 : i32
        %dma_start3A_585 = arith.constant 0 : i32
        %dma_start3A_586 = tpu.memref_slice %arg2[%dma_start3A_584, %dma_start3A_585] : memref<10000x128xf32, #tpu.memory_space<hbm>> -> memref<10000x128xf32, #tpu.memory_space<hbm>>
        tpu.enqueue_indirect_dma source(%dma_start3A_586 : memref<10000x128xf32, #tpu.memory_space<hbm>>) target(%arg11 : memref<128x128xf32, #tpu.memory_space<vmem>>) offsets(%dma_start3A_583 : memref<128xi32, #tpu.memory_space<vmem>>) semaphore(%arg17 : memref<!tpu.dma_semaphore, #tpu.memory_space<semaphore_mem>>)
      } else {
      }
      %add3A_327 = arith.constant 2 : i32
      %add3A_328 = arith.addi %add3A_294, %add3A_327 : i32
      %lt3A_329 = arith.constant 2500 : i32
      %lt3A_330 = arith.cmpi slt, %add3A_328, %lt3A_329 : i32
      %convert_element_type3A_331 = arith.extui %lt3A_330 : i1 to i32
      %cond3A_332 = arith.constant 0 : i32
      %cond3A_333 = arith.cmpi ne, %convert_element_type3A_331, %cond3A_332 : i32
      scf.if %cond3A_333 {
        %dma_wait3A_580 = arith.constant 2 : i32
        %dma_wait3A_581 = arith.constant 0 : i32
        %dma_wait3A_582 = tpu.memref_slice %arg6[%dma_wait3A_580, %dma_wait3A_581] : memref<8x128xi32, #tpu.memory_space<vmem>> -> memref<1x128xi32, #tpu.memory_space<vmem>>
        %dma_wait3A_583 = tpu.memref_squeeze %dma_wait3A_582 : memref<1x128xi32, #tpu.memory_space<vmem>> -> memref<128xi32, #tpu.memory_space<vmem>>
        %dma_wait3A_584 = arith.constant 0 : i32
        %dma_wait3A_585 = arith.constant 0 : i32
        %dma_wait3A_586 = tpu.memref_slice %arg2[%dma_wait3A_584, %dma_wait3A_585] : memref<10000x128xf32, #tpu.memory_space<hbm>> -> memref<10000x128xf32, #tpu.memory_space<hbm>>
        tpu.wait_indirect_dma semaphore(%arg16 : memref<!tpu.dma_semaphore, #tpu.memory_space<semaphore_mem>>) src(%dma_wait3A_586 : memref<10000x128xf32, #tpu.memory_space<hbm>>) dst(%arg10 : memref<128x128xf32, #tpu.memory_space<vmem>>)
        %dma_start3A_587 = arith.constant 2 : i32
        %dma_start3A_588 = arith.constant 0 : i32
        %dma_start3A_589 = tpu.memref_slice %arg7[%dma_start3A_587, %dma_start3A_588] : memref<8x128xi32, #tpu.memory_space<vmem>> -> memref<1x128xi32, #tpu.memory_space<vmem>>
        %dma_start3A_590 = tpu.memref_squeeze %dma_start3A_589 : memref<1x128xi32, #tpu.memory_space<vmem>> -> memref<128xi32, #tpu.memory_space<vmem>>
        %dma_start3A_591 = arith.constant 0 : i32
        %dma_start3A_592 = arith.constant 0 : i32
        %dma_start3A_593 = tpu.memref_slice %arg14[%dma_start3A_591, %dma_start3A_592] : memref<10240x128xf32, #tpu.memory_space<vmem_shared>> -> memref<10240x128xf32, #tpu.memory_space<vmem_shared>>
        tpu.enqueue_indirect_dma source(%arg10 : memref<128x128xf32, #tpu.memory_space<vmem>>) target(%dma_start3A_593 : memref<10240x128xf32, #tpu.memory_space<vmem_shared>>) offsets(%dma_start3A_590 : memref<128xi32, #tpu.memory_space<vmem>>) semaphore(%arg18 : memref<!tpu.dma_semaphore, #tpu.memory_space<semaphore_mem>>) {add = true}
        %dma_wait3A_594 = arith.constant 2 : i32
        %dma_wait3A_595 = arith.constant 0 : i32
        %dma_wait3A_596 = tpu.memref_slice %arg7[%dma_wait3A_594, %dma_wait3A_595] : memref<8x128xi32, #tpu.memory_space<vmem>> -> memref<1x128xi32, #tpu.memory_space<vmem>>
        %dma_wait3A_597 = tpu.memref_squeeze %dma_wait3A_596 : memref<1x128xi32, #tpu.memory_space<vmem>> -> memref<128xi32, #tpu.memory_space<vmem>>
        %dma_wait3A_598 = arith.constant 0 : i32
        %dma_wait3A_599 = arith.constant 0 : i32
        %dma_wait3A_600 = tpu.memref_slice %arg14[%dma_wait3A_598, %dma_wait3A_599] : memref<10240x128xf32, #tpu.memory_space<vmem_shared>> -> memref<10240x128xf32, #tpu.memory_space<vmem_shared>>
        tpu.wait_indirect_dma semaphore(%arg18 : memref<!tpu.dma_semaphore, #tpu.memory_space<semaphore_mem>>) src(%arg10 : memref<128x128xf32, #tpu.memory_space<vmem>>) dst(%dma_wait3A_600 : memref<10240x128xf32, #tpu.memory_space<vmem_shared>>)
      } else {
      }
      %add3A_334 = arith.constant 2 : i32
      %add3A_335 = arith.addi %add3A_294, %add3A_334 : i32
      %add3A_336 = arith.constant 2 : i32
      %add3A_337 = arith.addi %add3A_335, %add3A_336 : i32
      %lt3A_338 = arith.constant 2500 : i32
      %lt3A_339 = arith.cmpi slt, %add3A_337, %lt3A_338 : i32
      %convert_element_type3A_340 = arith.extui %lt3A_339 : i1 to i32
      %cond3A_341 = arith.constant 0 : i32
      %cond3A_342 = arith.cmpi ne, %convert_element_type3A_340, %cond3A_341 : i32
      scf.if %cond3A_342 {
        %dma_start3A_580 = arith.constant 4 : i32
        %dma_start3A_581 = arith.constant 0 : i32
        %dma_start3A_582 = tpu.memref_slice %arg6[%dma_start3A_580, %dma_start3A_581] : memref<8x128xi32, #tpu.memory_space<vmem>> -> memref<1x128xi32, #tpu.memory_space<vmem>>
        %dma_start3A_583 = tpu.memref_squeeze %dma_start3A_582 : memref<1x128xi32, #tpu.memory_space<vmem>> -> memref<128xi32, #tpu.memory_space<vmem>>
        %dma_start3A_584 = arith.constant 0 : i32
        %dma_start3A_585 = arith.constant 0 : i32
        %dma_start3A_586 = tpu.memref_slice %arg2[%dma_start3A_584, %dma_start3A_585] : memref<10000x128xf32, #tpu.memory_space<hbm>> -> memref<10000x128xf32, #tpu.memory_space<hbm>>
        tpu.enqueue_indirect_dma source(%dma_start3A_586 : memref<10000x128xf32, #tpu.memory_space<hbm>>) target(%arg10 : memref<128x128xf32, #tpu.memory_space<vmem>>) offsets(%dma_start3A_583 : memref<128xi32, #tpu.memory_space<vmem>>) semaphore(%arg16 : memref<!tpu.dma_semaphore, #tpu.memory_space<semaphore_mem>>)
      } else {
      }
      %add3A_343 = arith.constant 3 : i32
      %add3A_344 = arith.addi %add3A_294, %add3A_343 : i32
      %lt3A_345 = arith.constant 2500 : i32
      %lt3A_346 = arith.cmpi slt, %add3A_344, %lt3A_345 : i32
      %convert_element_type3A_347 = arith.extui %lt3A_346 : i1 to i32
      %cond3A_348 = arith.constant 0 : i32
      %cond3A_349 = arith.cmpi ne, %convert_element_type3A_347, %cond3A_348 : i32
      scf.if %cond3A_349 {
        %dma_wait3A_580 = arith.constant 3 : i32
        %dma_wait3A_581 = arith.constant 0 : i32
        %dma_wait3A_582 = tpu.memref_slice %arg6[%dma_wait3A_580, %dma_wait3A_581] : memref<8x128xi32, #tpu.memory_space<vmem>> -> memref<1x128xi32, #tpu.memory_space<vmem>>
        %dma_wait3A_583 = tpu.memref_squeeze %dma_wait3A_582 : memref<1x128xi32, #tpu.memory_space<vmem>> -> memref<128xi32, #tpu.memory_space<vmem>>
        %dma_wait3A_584 = arith.constant 0 : i32
        %dma_wait3A_585 = arith.constant 0 : i32
        %dma_wait3A_586 = tpu.memref_slice %arg2[%dma_wait3A_584, %dma_wait3A_585] : memref<10000x128xf32, #tpu.memory_space<hbm>> -> memref<10000x128xf32, #tpu.memory_space<hbm>>
        tpu.wait_indirect_dma semaphore(%arg17 : memref<!tpu.dma_semaphore, #tpu.memory_space<semaphore_mem>>) src(%dma_wait3A_586 : memref<10000x128xf32, #tpu.memory_space<hbm>>) dst(%arg11 : memref<128x128xf32, #tpu.memory_space<vmem>>)
        %dma_start3A_587 = arith.constant 3 : i32
        %dma_start3A_588 = arith.constant 0 : i32
        %dma_start3A_589 = tpu.memref_slice %arg7[%dma_start3A_587, %dma_start3A_588] : memref<8x128xi32, #tpu.memory_space<vmem>> -> memref<1x128xi32, #tpu.memory_space<vmem>>
        %dma_start3A_590 = tpu.memref_squeeze %dma_start3A_589 : memref<1x128xi32, #tpu.memory_space<vmem>> -> memref<128xi32, #tpu.memory_space<vmem>>
        %dma_start3A_591 = arith.constant 0 : i32
        %dma_start3A_592 = arith.constant 0 : i32
        %dma_start3A_593 = tpu.memref_slice %arg14[%dma_start3A_591, %dma_start3A_592] : memref<10240x128xf32, #tpu.memory_space<vmem_shared>> -> memref<10240x128xf32, #tpu.memory_space<vmem_shared>>
        tpu.enqueue_indirect_dma source(%arg11 : memref<128x128xf32, #tpu.memory_space<vmem>>) target(%dma_start3A_593 : memref<10240x128xf32, #tpu.memory_space<vmem_shared>>) offsets(%dma_start3A_590 : memref<128xi32, #tpu.memory_space<vmem>>) semaphore(%arg19 : memref<!tpu.dma_semaphore, #tpu.memory_space<semaphore_mem>>) {add = true}
        %dma_wait3A_594 = arith.constant 3 : i32
        %dma_wait3A_595 = arith.constant 0 : i32
        %dma_wait3A_596 = tpu.memref_slice %arg7[%dma_wait3A_594, %dma_wait3A_595] : memref<8x128xi32, #tpu.memory_space<vmem>> -> memref<1x128xi32, #tpu.memory_space<vmem>>
        %dma_wait3A_597 = tpu.memref_squeeze %dma_wait3A_596 : memref<1x128xi32, #tpu.memory_space<vmem>> -> memref<128xi32, #tpu.memory_space<vmem>>
        %dma_wait3A_598 = arith.constant 0 : i32
        %dma_wait3A_599 = arith.constant 0 : i32
        %dma_wait3A_600 = tpu.memref_slice %arg14[%dma_wait3A_598, %dma_wait3A_599] : memref<10240x128xf32, #tpu.memory_space<vmem_shared>> -> memref<10240x128xf32, #tpu.memory_space<vmem_shared>>
        tpu.wait_indirect_dma semaphore(%arg19 : memref<!tpu.dma_semaphore, #tpu.memory_space<semaphore_mem>>) src(%arg11 : memref<128x128xf32, #tpu.memory_space<vmem>>) dst(%dma_wait3A_600 : memref<10240x128xf32, #tpu.memory_space<vmem_shared>>)
      } else {
      }
      %add3A_350 = arith.constant 3 : i32
      %add3A_351 = arith.addi %add3A_294, %add3A_350 : i32
      %add3A_352 = arith.constant 2 : i32
      %add3A_353 = arith.addi %add3A_351, %add3A_352 : i32
      %lt3A_354 = arith.constant 2500 : i32
      %lt3A_355 = arith.cmpi slt, %add3A_353, %lt3A_354 : i32
      %convert_element_type3A_356 = arith.extui %lt3A_355 : i1 to i32
      %cond3A_357 = arith.constant 0 : i32
      %cond3A_358 = arith.cmpi ne, %convert_element_type3A_356, %cond3A_357 : i32
      scf.if %cond3A_358 {
        %dma_start3A_580 = arith.constant 5 : i32
        %dma_start3A_581 = arith.constant 0 : i32
        %dma_start3A_582 = tpu.memref_slice %arg6[%dma_start3A_580, %dma_start3A_581] : memref<8x128xi32, #tpu.memory_space<vmem>> -> memref<1x128xi32, #tpu.memory_space<vmem>>
        %dma_start3A_583 = tpu.memref_squeeze %dma_start3A_582 : memref<1x128xi32, #tpu.memory_space<vmem>> -> memref<128xi32, #tpu.memory_space<vmem>>
        %dma_start3A_584 = arith.constant 0 : i32
        %dma_start3A_585 = arith.constant 0 : i32
        %dma_start3A_586 = tpu.memref_slice %arg2[%dma_start3A_584, %dma_start3A_585] : memref<10000x128xf32, #tpu.memory_space<hbm>> -> memref<10000x128xf32, #tpu.memory_space<hbm>>
        tpu.enqueue_indirect_dma source(%dma_start3A_586 : memref<10000x128xf32, #tpu.memory_space<hbm>>) target(%arg11 : memref<128x128xf32, #tpu.memory_space<vmem>>) offsets(%dma_start3A_583 : memref<128xi32, #tpu.memory_space<vmem>>) semaphore(%arg17 : memref<!tpu.dma_semaphore, #tpu.memory_space<semaphore_mem>>)
      } else {
      }
      %add3A_359 = arith.constant 4 : i32
      %add3A_360 = arith.addi %add3A_294, %add3A_359 : i32
      %lt3A_361 = arith.constant 2500 : i32
      %lt3A_362 = arith.cmpi slt, %add3A_360, %lt3A_361 : i32
      %convert_element_type3A_363 = arith.extui %lt3A_362 : i1 to i32
      %cond3A_364 = arith.constant 0 : i32
      %cond3A_365 = arith.cmpi ne, %convert_element_type3A_363, %cond3A_364 : i32
      scf.if %cond3A_365 {
        %dma_wait3A_580 = arith.constant 4 : i32
        %dma_wait3A_581 = arith.constant 0 : i32
        %dma_wait3A_582 = tpu.memref_slice %arg6[%dma_wait3A_580, %dma_wait3A_581] : memref<8x128xi32, #tpu.memory_space<vmem>> -> memref<1x128xi32, #tpu.memory_space<vmem>>
        %dma_wait3A_583 = tpu.memref_squeeze %dma_wait3A_582 : memref<1x128xi32, #tpu.memory_space<vmem>> -> memref<128xi32, #tpu.memory_space<vmem>>
        %dma_wait3A_584 = arith.constant 0 : i32
        %dma_wait3A_585 = arith.constant 0 : i32
        %dma_wait3A_586 = tpu.memref_slice %arg2[%dma_wait3A_584, %dma_wait3A_585] : memref<10000x128xf32, #tpu.memory_space<hbm>> -> memref<10000x128xf32, #tpu.memory_space<hbm>>
        tpu.wait_indirect_dma semaphore(%arg16 : memref<!tpu.dma_semaphore, #tpu.memory_space<semaphore_mem>>) src(%dma_wait3A_586 : memref<10000x128xf32, #tpu.memory_space<hbm>>) dst(%arg10 : memref<128x128xf32, #tpu.memory_space<vmem>>)
        %dma_start3A_587 = arith.constant 4 : i32
        %dma_start3A_588 = arith.constant 0 : i32
        %dma_start3A_589 = tpu.memref_slice %arg7[%dma_start3A_587, %dma_start3A_588] : memref<8x128xi32, #tpu.memory_space<vmem>> -> memref<1x128xi32, #tpu.memory_space<vmem>>
        %dma_start3A_590 = tpu.memref_squeeze %dma_start3A_589 : memref<1x128xi32, #tpu.memory_space<vmem>> -> memref<128xi32, #tpu.memory_space<vmem>>
        %dma_start3A_591 = arith.constant 0 : i32
        %dma_start3A_592 = arith.constant 0 : i32
        %dma_start3A_593 = tpu.memref_slice %arg14[%dma_start3A_591, %dma_start3A_592] : memref<10240x128xf32, #tpu.memory_space<vmem_shared>> -> memref<10240x128xf32, #tpu.memory_space<vmem_shared>>
        tpu.enqueue_indirect_dma source(%arg10 : memref<128x128xf32, #tpu.memory_space<vmem>>) target(%dma_start3A_593 : memref<10240x128xf32, #tpu.memory_space<vmem_shared>>) offsets(%dma_start3A_590 : memref<128xi32, #tpu.memory_space<vmem>>) semaphore(%arg18 : memref<!tpu.dma_semaphore, #tpu.memory_space<semaphore_mem>>) {add = true}
        %dma_wait3A_594 = arith.constant 4 : i32
        %dma_wait3A_595 = arith.constant 0 : i32
        %dma_wait3A_596 = tpu.memref_slice %arg7[%dma_wait3A_594, %dma_wait3A_595] : memref<8x128xi32, #tpu.memory_space<vmem>> -> memref<1x128xi32, #tpu.memory_space<vmem>>
        %dma_wait3A_597 = tpu.memref_squeeze %dma_wait3A_596 : memref<1x128xi32, #tpu.memory_space<vmem>> -> memref<128xi32, #tpu.memory_space<vmem>>
        %dma_wait3A_598 = arith.constant 0 : i32
        %dma_wait3A_599 = arith.constant 0 : i32
        %dma_wait3A_600 = tpu.memref_slice %arg14[%dma_wait3A_598, %dma_wait3A_599] : memref<10240x128xf32, #tpu.memory_space<vmem_shared>> -> memref<10240x128xf32, #tpu.memory_space<vmem_shared>>
        tpu.wait_indirect_dma semaphore(%arg18 : memref<!tpu.dma_semaphore, #tpu.memory_space<semaphore_mem>>) src(%arg10 : memref<128x128xf32, #tpu.memory_space<vmem>>) dst(%dma_wait3A_600 : memref<10240x128xf32, #tpu.memory_space<vmem_shared>>)
      } else {
      }
      %add3A_366 = arith.constant 4 : i32
      %add3A_367 = arith.addi %add3A_294, %add3A_366 : i32
      %add3A_368 = arith.constant 2 : i32
      %add3A_369 = arith.addi %add3A_367, %add3A_368 : i32
      %lt3A_370 = arith.constant 2500 : i32
      %lt3A_371 = arith.cmpi slt, %add3A_369, %lt3A_370 : i32
      %convert_element_type3A_372 = arith.extui %lt3A_371 : i1 to i32
      %cond3A_373 = arith.constant 0 : i32
      %cond3A_374 = arith.cmpi ne, %convert_element_type3A_372, %cond3A_373 : i32
      scf.if %cond3A_374 {
        %dma_start3A_580 = arith.constant 6 : i32
        %dma_start3A_581 = arith.constant 0 : i32
        %dma_start3A_582 = tpu.memref_slice %arg6[%dma_start3A_580, %dma_start3A_581] : memref<8x128xi32, #tpu.memory_space<vmem>> -> memref<1x128xi32, #tpu.memory_space<vmem>>
        %dma_start3A_583 = tpu.memref_squeeze %dma_start3A_582 : memref<1x128xi32, #tpu.memory_space<vmem>> -> memref<128xi32, #tpu.memory_space<vmem>>
        %dma_start3A_584 = arith.constant 0 : i32
        %dma_start3A_585 = arith.constant 0 : i32
        %dma_start3A_586 = tpu.memref_slice %arg2[%dma_start3A_584, %dma_start3A_585] : memref<10000x128xf32, #tpu.memory_space<hbm>> -> memref<10000x128xf32, #tpu.memory_space<hbm>>
        tpu.enqueue_indirect_dma source(%dma_start3A_586 : memref<10000x128xf32, #tpu.memory_space<hbm>>) target(%arg10 : memref<128x128xf32, #tpu.memory_space<vmem>>) offsets(%dma_start3A_583 : memref<128xi32, #tpu.memory_space<vmem>>) semaphore(%arg16 : memref<!tpu.dma_semaphore, #tpu.memory_space<semaphore_mem>>)
      } else {
      }
      %add3A_375 = arith.constant 5 : i32
      %add3A_376 = arith.addi %add3A_294, %add3A_375 : i32
      %lt3A_377 = arith.constant 2500 : i32
      %lt3A_378 = arith.cmpi slt, %add3A_376, %lt3A_377 : i32
      %convert_element_type3A_379 = arith.extui %lt3A_378 : i1 to i32
      %cond3A_380 = arith.constant 0 : i32
      %cond3A_381 = arith.cmpi ne, %convert_element_type3A_379, %cond3A_380 : i32
      scf.if %cond3A_381 {
        %dma_wait3A_580 = arith.constant 5 : i32
        %dma_wait3A_581 = arith.constant 0 : i32
        %dma_wait3A_582 = tpu.memref_slice %arg6[%dma_wait3A_580, %dma_wait3A_581] : memref<8x128xi32, #tpu.memory_space<vmem>> -> memref<1x128xi32, #tpu.memory_space<vmem>>
        %dma_wait3A_583 = tpu.memref_squeeze %dma_wait3A_582 : memref<1x128xi32, #tpu.memory_space<vmem>> -> memref<128xi32, #tpu.memory_space<vmem>>
        %dma_wait3A_584 = arith.constant 0 : i32
        %dma_wait3A_585 = arith.constant 0 : i32
        %dma_wait3A_586 = tpu.memref_slice %arg2[%dma_wait3A_584, %dma_wait3A_585] : memref<10000x128xf32, #tpu.memory_space<hbm>> -> memref<10000x128xf32, #tpu.memory_space<hbm>>
        tpu.wait_indirect_dma semaphore(%arg17 : memref<!tpu.dma_semaphore, #tpu.memory_space<semaphore_mem>>) src(%dma_wait3A_586 : memref<10000x128xf32, #tpu.memory_space<hbm>>) dst(%arg11 : memref<128x128xf32, #tpu.memory_space<vmem>>)
        %dma_start3A_587 = arith.constant 5 : i32
        %dma_start3A_588 = arith.constant 0 : i32
        %dma_start3A_589 = tpu.memref_slice %arg7[%dma_start3A_587, %dma_start3A_588] : memref<8x128xi32, #tpu.memory_space<vmem>> -> memref<1x128xi32, #tpu.memory_space<vmem>>
        %dma_start3A_590 = tpu.memref_squeeze %dma_start3A_589 : memref<1x128xi32, #tpu.memory_space<vmem>> -> memref<128xi32, #tpu.memory_space<vmem>>
        %dma_start3A_591 = arith.constant 0 : i32
        %dma_start3A_592 = arith.constant 0 : i32
        %dma_start3A_593 = tpu.memref_slice %arg14[%dma_start3A_591, %dma_start3A_592] : memref<10240x128xf32, #tpu.memory_space<vmem_shared>> -> memref<10240x128xf32, #tpu.memory_space<vmem_shared>>
        tpu.enqueue_indirect_dma source(%arg11 : memref<128x128xf32, #tpu.memory_space<vmem>>) target(%dma_start3A_593 : memref<10240x128xf32, #tpu.memory_space<vmem_shared>>) offsets(%dma_start3A_590 : memref<128xi32, #tpu.memory_space<vmem>>) semaphore(%arg19 : memref<!tpu.dma_semaphore, #tpu.memory_space<semaphore_mem>>) {add = true}
        %dma_wait3A_594 = arith.constant 5 : i32
        %dma_wait3A_595 = arith.constant 0 : i32
        %dma_wait3A_596 = tpu.memref_slice %arg7[%dma_wait3A_594, %dma_wait3A_595] : memref<8x128xi32, #tpu.memory_space<vmem>> -> memref<1x128xi32, #tpu.memory_space<vmem>>
        %dma_wait3A_597 = tpu.memref_squeeze %dma_wait3A_596 : memref<1x128xi32, #tpu.memory_space<vmem>> -> memref<128xi32, #tpu.memory_space<vmem>>
        %dma_wait3A_598 = arith.constant 0 : i32
        %dma_wait3A_599 = arith.constant 0 : i32
        %dma_wait3A_600 = tpu.memref_slice %arg14[%dma_wait3A_598, %dma_wait3A_599] : memref<10240x128xf32, #tpu.memory_space<vmem_shared>> -> memref<10240x128xf32, #tpu.memory_space<vmem_shared>>
        tpu.wait_indirect_dma semaphore(%arg19 : memref<!tpu.dma_semaphore, #tpu.memory_space<semaphore_mem>>) src(%arg11 : memref<128x128xf32, #tpu.memory_space<vmem>>) dst(%dma_wait3A_600 : memref<10240x128xf32, #tpu.memory_space<vmem_shared>>)
      } else {
      }
      %add3A_382 = arith.constant 5 : i32
      %add3A_383 = arith.addi %add3A_294, %add3A_382 : i32
      %add3A_384 = arith.constant 2 : i32
      %add3A_385 = arith.addi %add3A_383, %add3A_384 : i32
      %lt3A_386 = arith.constant 2500 : i32
      %lt3A_387 = arith.cmpi slt, %add3A_385, %lt3A_386 : i32
      %convert_element_type3A_388 = arith.extui %lt3A_387 : i1 to i32
      %cond3A_389 = arith.constant 0 : i32
      %cond3A_390 = arith.cmpi ne, %convert_element_type3A_388, %cond3A_389 : i32
      scf.if %cond3A_390 {
        %dma_start3A_580 = arith.constant 7 : i32
        %dma_start3A_581 = arith.constant 0 : i32
        %dma_start3A_582 = tpu.memref_slice %arg6[%dma_start3A_580, %dma_start3A_581] : memref<8x128xi32, #tpu.memory_space<vmem>> -> memref<1x128xi32, #tpu.memory_space<vmem>>
        %dma_start3A_583 = tpu.memref_squeeze %dma_start3A_582 : memref<1x128xi32, #tpu.memory_space<vmem>> -> memref<128xi32, #tpu.memory_space<vmem>>
        %dma_start3A_584 = arith.constant 0 : i32
        %dma_start3A_585 = arith.constant 0 : i32
        %dma_start3A_586 = tpu.memref_slice %arg2[%dma_start3A_584, %dma_start3A_585] : memref<10000x128xf32, #tpu.memory_space<hbm>> -> memref<10000x128xf32, #tpu.memory_space<hbm>>
        tpu.enqueue_indirect_dma source(%dma_start3A_586 : memref<10000x128xf32, #tpu.memory_space<hbm>>) target(%arg11 : memref<128x128xf32, #tpu.memory_space<vmem>>) offsets(%dma_start3A_583 : memref<128xi32, #tpu.memory_space<vmem>>) semaphore(%arg17 : memref<!tpu.dma_semaphore, #tpu.memory_space<semaphore_mem>>)
      } else {
      }
      %add3A_391 = arith.constant 6 : i32
      %add3A_392 = arith.addi %add3A_294, %add3A_391 : i32
      %lt3A_393 = arith.constant 2500 : i32
      %lt3A_394 = arith.cmpi slt, %add3A_392, %lt3A_393 : i32
      %dma_wait3A_395 = arith.constant 0 : i32
      %dma_wait3A_396 = arith.constant 0 : i32
      %dma_wait3A_397 = tpu.memref_slice %arg3[%dma_wait3A_395, %dma_wait3A_396] : memref<2560x128xi32, #tpu.memory_space<hbm>> -> memref<8x128xi32, #tpu.memory_space<hbm>>
      %dma_wait3A_398 = arith.constant 0 : i32
      %dma_wait3A_399 = arith.constant 0 : i32
      %dma_wait3A_400 = tpu.memref_slice %arg3[%dma_wait3A_398, %dma_wait3A_399] : memref<2560x128xi32, #tpu.memory_space<hbm>> -> memref<8x128xi32, #tpu.memory_space<hbm>>
      tpu.wait_dma2 semaphore(%arg23 : memref<!tpu.dma_semaphore, #tpu.memory_space<semaphore_mem>>) src(%dma_wait3A_400 : memref<8x128xi32, #tpu.memory_space<hbm>>) dst(%arg8 : memref<8x128xi32, #tpu.memory_space<vmem>>)
      %dma_wait3A_401 = arith.constant 0 : i32
      %dma_wait3A_402 = arith.constant 0 : i32
      %dma_wait3A_403 = tpu.memref_slice %arg4[%dma_wait3A_401, %dma_wait3A_402] : memref<2560x128xi32, #tpu.memory_space<hbm>> -> memref<8x128xi32, #tpu.memory_space<hbm>>
      %dma_wait3A_404 = arith.constant 0 : i32
      %dma_wait3A_405 = arith.constant 0 : i32
      %dma_wait3A_406 = tpu.memref_slice %arg4[%dma_wait3A_404, %dma_wait3A_405] : memref<2560x128xi32, #tpu.memory_space<hbm>> -> memref<8x128xi32, #tpu.memory_space<hbm>>
      tpu.wait_dma2 semaphore(%arg23 : memref<!tpu.dma_semaphore, #tpu.memory_space<semaphore_mem>>) src(%dma_wait3A_406 : memref<8x128xi32, #tpu.memory_space<hbm>>) dst(%arg9 : memref<8x128xi32, #tpu.memory_space<vmem>>)
      %convert_element_type3A_407 = arith.extui %lt3A_394 : i1 to i32
      %cond3A_408 = arith.constant 0 : i32
      %cond3A_409 = arith.cmpi ne, %convert_element_type3A_407, %cond3A_408 : i32
      scf.if %cond3A_409 {
        %dma_wait3A_580 = arith.constant 6 : i32
        %dma_wait3A_581 = arith.constant 0 : i32
        %dma_wait3A_582 = tpu.memref_slice %arg6[%dma_wait3A_580, %dma_wait3A_581] : memref<8x128xi32, #tpu.memory_space<vmem>> -> memref<1x128xi32, #tpu.memory_space<vmem>>
        %dma_wait3A_583 = tpu.memref_squeeze %dma_wait3A_582 : memref<1x128xi32, #tpu.memory_space<vmem>> -> memref<128xi32, #tpu.memory_space<vmem>>
        %dma_wait3A_584 = arith.constant 0 : i32
        %dma_wait3A_585 = arith.constant 0 : i32
        %dma_wait3A_586 = tpu.memref_slice %arg2[%dma_wait3A_584, %dma_wait3A_585] : memref<10000x128xf32, #tpu.memory_space<hbm>> -> memref<10000x128xf32, #tpu.memory_space<hbm>>
        tpu.wait_indirect_dma semaphore(%arg16 : memref<!tpu.dma_semaphore, #tpu.memory_space<semaphore_mem>>) src(%dma_wait3A_586 : memref<10000x128xf32, #tpu.memory_space<hbm>>) dst(%arg10 : memref<128x128xf32, #tpu.memory_space<vmem>>)
        %dma_start3A_587 = arith.constant 6 : i32
        %dma_start3A_588 = arith.constant 0 : i32
        %dma_start3A_589 = tpu.memref_slice %arg7[%dma_start3A_587, %dma_start3A_588] : memref<8x128xi32, #tpu.memory_space<vmem>> -> memref<1x128xi32, #tpu.memory_space<vmem>>
        %dma_start3A_590 = tpu.memref_squeeze %dma_start3A_589 : memref<1x128xi32, #tpu.memory_space<vmem>> -> memref<128xi32, #tpu.memory_space<vmem>>
        %dma_start3A_591 = arith.constant 0 : i32
        %dma_start3A_592 = arith.constant 0 : i32
        %dma_start3A_593 = tpu.memref_slice %arg14[%dma_start3A_591, %dma_start3A_592] : memref<10240x128xf32, #tpu.memory_space<vmem_shared>> -> memref<10240x128xf32, #tpu.memory_space<vmem_shared>>
        tpu.enqueue_indirect_dma source(%arg10 : memref<128x128xf32, #tpu.memory_space<vmem>>) target(%dma_start3A_593 : memref<10240x128xf32, #tpu.memory_space<vmem_shared>>) offsets(%dma_start3A_590 : memref<128xi32, #tpu.memory_space<vmem>>) semaphore(%arg18 : memref<!tpu.dma_semaphore, #tpu.memory_space<semaphore_mem>>) {add = true}
        %dma_wait3A_594 = arith.constant 6 : i32
        %dma_wait3A_595 = arith.constant 0 : i32
        %dma_wait3A_596 = tpu.memref_slice %arg7[%dma_wait3A_594, %dma_wait3A_595] : memref<8x128xi32, #tpu.memory_space<vmem>> -> memref<1x128xi32, #tpu.memory_space<vmem>>
        %dma_wait3A_597 = tpu.memref_squeeze %dma_wait3A_596 : memref<1x128xi32, #tpu.memory_space<vmem>> -> memref<128xi32, #tpu.memory_space<vmem>>
        %dma_wait3A_598 = arith.constant 0 : i32
        %dma_wait3A_599 = arith.constant 0 : i32
        %dma_wait3A_600 = tpu.memref_slice %arg14[%dma_wait3A_598, %dma_wait3A_599] : memref<10240x128xf32, #tpu.memory_space<vmem_shared>> -> memref<10240x128xf32, #tpu.memory_space<vmem_shared>>
        tpu.wait_indirect_dma semaphore(%arg18 : memref<!tpu.dma_semaphore, #tpu.memory_space<semaphore_mem>>) src(%arg10 : memref<128x128xf32, #tpu.memory_space<vmem>>) dst(%dma_wait3A_600 : memref<10240x128xf32, #tpu.memory_space<vmem_shared>>)
      } else {
      }
      %add3A_410 = arith.constant 6 : i32
      %add3A_411 = arith.addi %add3A_294, %add3A_410 : i32
      %add3A_412 = arith.constant 2 : i32
      %add3A_413 = arith.addi %add3A_411, %add3A_412 : i32
      %lt3A_414 = arith.constant 2500 : i32
      %lt3A_415 = arith.cmpi slt, %add3A_413, %lt3A_414 : i32
      %convert_element_type3A_416 = arith.extui %lt3A_415 : i1 to i32
      %cond3A_417 = arith.constant 0 : i32
      %cond3A_418 = arith.cmpi ne, %convert_element_type3A_416, %cond3A_417 : i32
      scf.if %cond3A_418 {
        %dma_start3A_580 = arith.constant 0 : i32
        %dma_start3A_581 = arith.constant 0 : i32
        %dma_start3A_582 = tpu.memref_slice %arg8[%dma_start3A_580, %dma_start3A_581] : memref<8x128xi32, #tpu.memory_space<vmem>> -> memref<1x128xi32, #tpu.memory_space<vmem>>
        %dma_start3A_583 = tpu.memref_squeeze %dma_start3A_582 : memref<1x128xi32, #tpu.memory_space<vmem>> -> memref<128xi32, #tpu.memory_space<vmem>>
        %dma_start3A_584 = arith.constant 0 : i32
        %dma_start3A_585 = arith.constant 0 : i32
        %dma_start3A_586 = tpu.memref_slice %arg2[%dma_start3A_584, %dma_start3A_585] : memref<10000x128xf32, #tpu.memory_space<hbm>> -> memref<10000x128xf32, #tpu.memory_space<hbm>>
        tpu.enqueue_indirect_dma source(%dma_start3A_586 : memref<10000x128xf32, #tpu.memory_space<hbm>>) target(%arg10 : memref<128x128xf32, #tpu.memory_space<vmem>>) offsets(%dma_start3A_583 : memref<128xi32, #tpu.memory_space<vmem>>) semaphore(%arg16 : memref<!tpu.dma_semaphore, #tpu.memory_space<semaphore_mem>>)
      } else {
      }
      %add3A_419 = arith.constant 7 : i32
      %add3A_420 = arith.addi %add3A_294, %add3A_419 : i32
      %lt3A_421 = arith.constant 2500 : i32
      %lt3A_422 = arith.cmpi slt, %add3A_420, %lt3A_421 : i32
      %convert_element_type3A_423 = arith.extui %lt3A_422 : i1 to i32
      %cond3A_424 = arith.constant 0 : i32
      %cond3A_425 = arith.cmpi ne, %convert_element_type3A_423, %cond3A_424 : i32
      scf.if %cond3A_425 {
        %dma_wait3A_580 = arith.constant 7 : i32
        %dma_wait3A_581 = arith.constant 0 : i32
        %dma_wait3A_582 = tpu.memref_slice %arg6[%dma_wait3A_580, %dma_wait3A_581] : memref<8x128xi32, #tpu.memory_space<vmem>> -> memref<1x128xi32, #tpu.memory_space<vmem>>
        %dma_wait3A_583 = tpu.memref_squeeze %dma_wait3A_582 : memref<1x128xi32, #tpu.memory_space<vmem>> -> memref<128xi32, #tpu.memory_space<vmem>>
        %dma_wait3A_584 = arith.constant 0 : i32
        %dma_wait3A_585 = arith.constant 0 : i32
        %dma_wait3A_586 = tpu.memref_slice %arg2[%dma_wait3A_584, %dma_wait3A_585] : memref<10000x128xf32, #tpu.memory_space<hbm>> -> memref<10000x128xf32, #tpu.memory_space<hbm>>
        tpu.wait_indirect_dma semaphore(%arg17 : memref<!tpu.dma_semaphore, #tpu.memory_space<semaphore_mem>>) src(%dma_wait3A_586 : memref<10000x128xf32, #tpu.memory_space<hbm>>) dst(%arg11 : memref<128x128xf32, #tpu.memory_space<vmem>>)
        %dma_start3A_587 = arith.constant 7 : i32
        %dma_start3A_588 = arith.constant 0 : i32
        %dma_start3A_589 = tpu.memref_slice %arg7[%dma_start3A_587, %dma_start3A_588] : memref<8x128xi32, #tpu.memory_space<vmem>> -> memref<1x128xi32, #tpu.memory_space<vmem>>
        %dma_start3A_590 = tpu.memref_squeeze %dma_start3A_589 : memref<1x128xi32, #tpu.memory_space<vmem>> -> memref<128xi32, #tpu.memory_space<vmem>>
        %dma_start3A_591 = arith.constant 0 : i32
        %dma_start3A_592 = arith.constant 0 : i32
        %dma_start3A_593 = tpu.memref_slice %arg14[%dma_start3A_591, %dma_start3A_592] : memref<10240x128xf32, #tpu.memory_space<vmem_shared>> -> memref<10240x128xf32, #tpu.memory_space<vmem_shared>>
        tpu.enqueue_indirect_dma source(%arg11 : memref<128x128xf32, #tpu.memory_space<vmem>>) target(%dma_start3A_593 : memref<10240x128xf32, #tpu.memory_space<vmem_shared>>) offsets(%dma_start3A_590 : memref<128xi32, #tpu.memory_space<vmem>>) semaphore(%arg19 : memref<!tpu.dma_semaphore, #tpu.memory_space<semaphore_mem>>) {add = true}
        %dma_wait3A_594 = arith.constant 7 : i32
        %dma_wait3A_595 = arith.constant 0 : i32
        %dma_wait3A_596 = tpu.memref_slice %arg7[%dma_wait3A_594, %dma_wait3A_595] : memref<8x128xi32, #tpu.memory_space<vmem>> -> memref<1x128xi32, #tpu.memory_space<vmem>>
        %dma_wait3A_597 = tpu.memref_squeeze %dma_wait3A_596 : memref<1x128xi32, #tpu.memory_space<vmem>> -> memref<128xi32, #tpu.memory_space<vmem>>
        %dma_wait3A_598 = arith.constant 0 : i32
        %dma_wait3A_599 = arith.constant 0 : i32
        %dma_wait3A_600 = tpu.memref_slice %arg14[%dma_wait3A_598, %dma_wait3A_599] : memref<10240x128xf32, #tpu.memory_space<vmem_shared>> -> memref<10240x128xf32, #tpu.memory_space<vmem_shared>>
        tpu.wait_indirect_dma semaphore(%arg19 : memref<!tpu.dma_semaphore, #tpu.memory_space<semaphore_mem>>) src(%arg11 : memref<128x128xf32, #tpu.memory_space<vmem>>) dst(%dma_wait3A_600 : memref<10240x128xf32, #tpu.memory_space<vmem_shared>>)
      } else {
      }
      %add3A_426 = arith.constant 7 : i32
      %add3A_427 = arith.addi %add3A_294, %add3A_426 : i32
      %add3A_428 = arith.constant 2 : i32
      %add3A_429 = arith.addi %add3A_427, %add3A_428 : i32
      %lt3A_430 = arith.constant 2500 : i32
      %lt3A_431 = arith.cmpi slt, %add3A_429, %lt3A_430 : i32
      %convert_element_type3A_432 = arith.extui %lt3A_431 : i1 to i32
      %cond3A_433 = arith.constant 0 : i32
      %cond3A_434 = arith.cmpi ne, %convert_element_type3A_432, %cond3A_433 : i32
      scf.if %cond3A_434 {
        %dma_start3A_580 = arith.constant 1 : i32
        %dma_start3A_581 = arith.constant 0 : i32
        %dma_start3A_582 = tpu.memref_slice %arg8[%dma_start3A_580, %dma_start3A_581] : memref<8x128xi32, #tpu.memory_space<vmem>> -> memref<1x128xi32, #tpu.memory_space<vmem>>
        %dma_start3A_583 = tpu.memref_squeeze %dma_start3A_582 : memref<1x128xi32, #tpu.memory_space<vmem>> -> memref<128xi32, #tpu.memory_space<vmem>>
        %dma_start3A_584 = arith.constant 0 : i32
        %dma_start3A_585 = arith.constant 0 : i32
        %dma_start3A_586 = tpu.memref_slice %arg2[%dma_start3A_584, %dma_start3A_585] : memref<10000x128xf32, #tpu.memory_space<hbm>> -> memref<10000x128xf32, #tpu.memory_space<hbm>>
        tpu.enqueue_indirect_dma source(%dma_start3A_586 : memref<10000x128xf32, #tpu.memory_space<hbm>>) target(%arg11 : memref<128x128xf32, #tpu.memory_space<vmem>>) offsets(%dma_start3A_583 : memref<128xi32, #tpu.memory_space<vmem>>) semaphore(%arg17 : memref<!tpu.dma_semaphore, #tpu.memory_space<semaphore_mem>>)
      } else {
      }
      %convert_element_type3A_435 = arith.extui %lt3A_287 : i1 to i32
      %cond3A_436 = arith.constant 0 : i32
      %cond3A_437 = arith.cmpi ne, %convert_element_type3A_435, %cond3A_436 : i32
      scf.if %cond3A_437 {
        %mul3A_580 = arith.constant 2 : i32
        %mul3A_581 = arith.muli %mul3A_580, %scan3A_285 : i32
        %add3A_582 = arith.constant 2 : i32
        %add3A_583 = arith.addi %mul3A_581, %add3A_582 : i32
        %mul3A_584 = arith.constant 8 : i32
        %mul3A_585 = arith.muli %add3A_583, %mul3A_584 : i32
        %add3A_586 = arith.addi %mul3A_4, %mul3A_585 : i32
        %dma_start3A_587 = arith.constant 0 : i32
        %dma_start3A_588 = tpu.memref_slice %arg3[%add3A_586, %dma_start3A_587] : memref<2560x128xi32, #tpu.memory_space<hbm>> -> memref<8x128xi32, #tpu.memory_space<hbm>>
        %dma_start3A_589 = arith.constant 0 : i32
        %dma_start3A_590 = tpu.memref_slice %arg3[%add3A_586, %dma_start3A_589] : memref<2560x128xi32, #tpu.memory_space<hbm>> -> memref<8x128xi32, #tpu.memory_space<hbm>>
        tpu.enqueue_dma source(%dma_start3A_590 : memref<8x128xi32, #tpu.memory_space<hbm>>) target(%arg6 : memref<8x128xi32, #tpu.memory_space<vmem>>) target_semaphore(%arg22 : memref<!tpu.dma_semaphore, #tpu.memory_space<semaphore_mem>>)
        %dma_start3A_591 = arith.constant 0 : i32
        %dma_start3A_592 = tpu.memref_slice %arg4[%add3A_586, %dma_start3A_591] : memref<2560x128xi32, #tpu.memory_space<hbm>> -> memref<8x128xi32, #tpu.memory_space<hbm>>
        %dma_start3A_593 = arith.constant 0 : i32
        %dma_start3A_594 = tpu.memref_slice %arg4[%add3A_586, %dma_start3A_593] : memref<2560x128xi32, #tpu.memory_space<hbm>> -> memref<8x128xi32, #tpu.memory_space<hbm>>
        tpu.enqueue_dma source(%dma_start3A_594 : memref<8x128xi32, #tpu.memory_space<hbm>>) target(%arg7 : memref<8x128xi32, #tpu.memory_space<vmem>>) target_semaphore(%arg22 : memref<!tpu.dma_semaphore, #tpu.memory_space<semaphore_mem>>)
      } else {
      }
      %mul3A_438 = arith.constant 2 : i32
      %mul3A_439 = arith.muli %mul3A_438, %scan3A_285 : i32
      %add3A_440 = arith.constant 1 : i32
      %add3A_441 = arith.addi %mul3A_439, %add3A_440 : i32
      %mul3A_442 = arith.constant 8 : i32
      %mul3A_443 = arith.muli %add3A_441, %mul3A_442 : i32
      %add3A_444 = arith.addi %mul3A_4, %mul3A_443 : i32
      %add3A_445 = arith.constant 0 : i32
      %add3A_446 = arith.addi %add3A_444, %add3A_445 : i32
      %lt3A_447 = arith.constant 2500 : i32
      %lt3A_448 = arith.cmpi slt, %add3A_446, %lt3A_447 : i32
      %convert_element_type3A_449 = arith.extui %lt3A_448 : i1 to i32
      %cond3A_450 = arith.constant 0 : i32
      %cond3A_451 = arith.cmpi ne, %convert_element_type3A_449, %cond3A_450 : i32
      scf.if %cond3A_451 {
        %dma_wait3A_580 = arith.constant 0 : i32
        %dma_wait3A_581 = arith.constant 0 : i32
        %dma_wait3A_582 = tpu.memref_slice %arg8[%dma_wait3A_580, %dma_wait3A_581] : memref<8x128xi32, #tpu.memory_space<vmem>> -> memref<1x128xi32, #tpu.memory_space<vmem>>
        %dma_wait3A_583 = tpu.memref_squeeze %dma_wait3A_582 : memref<1x128xi32, #tpu.memory_space<vmem>> -> memref<128xi32, #tpu.memory_space<vmem>>
        %dma_wait3A_584 = arith.constant 0 : i32
        %dma_wait3A_585 = arith.constant 0 : i32
        %dma_wait3A_586 = tpu.memref_slice %arg2[%dma_wait3A_584, %dma_wait3A_585] : memref<10000x128xf32, #tpu.memory_space<hbm>> -> memref<10000x128xf32, #tpu.memory_space<hbm>>
        tpu.wait_indirect_dma semaphore(%arg16 : memref<!tpu.dma_semaphore, #tpu.memory_space<semaphore_mem>>) src(%dma_wait3A_586 : memref<10000x128xf32, #tpu.memory_space<hbm>>) dst(%arg10 : memref<128x128xf32, #tpu.memory_space<vmem>>)
        %dma_start3A_587 = arith.constant 0 : i32
        %dma_start3A_588 = arith.constant 0 : i32
        %dma_start3A_589 = tpu.memref_slice %arg9[%dma_start3A_587, %dma_start3A_588] : memref<8x128xi32, #tpu.memory_space<vmem>> -> memref<1x128xi32, #tpu.memory_space<vmem>>
        %dma_start3A_590 = tpu.memref_squeeze %dma_start3A_589 : memref<1x128xi32, #tpu.memory_space<vmem>> -> memref<128xi32, #tpu.memory_space<vmem>>
        %dma_start3A_591 = arith.constant 0 : i32
        %dma_start3A_592 = arith.constant 0 : i32
        %dma_start3A_593 = tpu.memref_slice %arg14[%dma_start3A_591, %dma_start3A_592] : memref<10240x128xf32, #tpu.memory_space<vmem_shared>> -> memref<10240x128xf32, #tpu.memory_space<vmem_shared>>
        tpu.enqueue_indirect_dma source(%arg10 : memref<128x128xf32, #tpu.memory_space<vmem>>) target(%dma_start3A_593 : memref<10240x128xf32, #tpu.memory_space<vmem_shared>>) offsets(%dma_start3A_590 : memref<128xi32, #tpu.memory_space<vmem>>) semaphore(%arg18 : memref<!tpu.dma_semaphore, #tpu.memory_space<semaphore_mem>>) {add = true}
        %dma_wait3A_594 = arith.constant 0 : i32
        %dma_wait3A_595 = arith.constant 0 : i32
        %dma_wait3A_596 = tpu.memref_slice %arg9[%dma_wait3A_594, %dma_wait3A_595] : memref<8x128xi32, #tpu.memory_space<vmem>> -> memref<1x128xi32, #tpu.memory_space<vmem>>
        %dma_wait3A_597 = tpu.memref_squeeze %dma_wait3A_596 : memref<1x128xi32, #tpu.memory_space<vmem>> -> memref<128xi32, #tpu.memory_space<vmem>>
        %dma_wait3A_598 = arith.constant 0 : i32
        %dma_wait3A_599 = arith.constant 0 : i32
        %dma_wait3A_600 = tpu.memref_slice %arg14[%dma_wait3A_598, %dma_wait3A_599] : memref<10240x128xf32, #tpu.memory_space<vmem_shared>> -> memref<10240x128xf32, #tpu.memory_space<vmem_shared>>
        tpu.wait_indirect_dma semaphore(%arg18 : memref<!tpu.dma_semaphore, #tpu.memory_space<semaphore_mem>>) src(%arg10 : memref<128x128xf32, #tpu.memory_space<vmem>>) dst(%dma_wait3A_600 : memref<10240x128xf32, #tpu.memory_space<vmem_shared>>)
      } else {
      }
      %add3A_452 = arith.constant 0 : i32
      %add3A_453 = arith.addi %add3A_444, %add3A_452 : i32
      %add3A_454 = arith.constant 2 : i32
      %add3A_455 = arith.addi %add3A_453, %add3A_454 : i32
      %lt3A_456 = arith.constant 2500 : i32
      %lt3A_457 = arith.cmpi slt, %add3A_455, %lt3A_456 : i32
      %convert_element_type3A_458 = arith.extui %lt3A_457 : i1 to i32
      %cond3A_459 = arith.constant 0 : i32
      %cond3A_460 = arith.cmpi ne, %convert_element_type3A_458, %cond3A_459 : i32
      scf.if %cond3A_460 {
        %dma_start3A_580 = arith.constant 2 : i32
        %dma_start3A_581 = arith.constant 0 : i32
        %dma_start3A_582 = tpu.memref_slice %arg8[%dma_start3A_580, %dma_start3A_581] : memref<8x128xi32, #tpu.memory_space<vmem>> -> memref<1x128xi32, #tpu.memory_space<vmem>>
        %dma_start3A_583 = tpu.memref_squeeze %dma_start3A_582 : memref<1x128xi32, #tpu.memory_space<vmem>> -> memref<128xi32, #tpu.memory_space<vmem>>
        %dma_start3A_584 = arith.constant 0 : i32
        %dma_start3A_585 = arith.constant 0 : i32
        %dma_start3A_586 = tpu.memref_slice %arg2[%dma_start3A_584, %dma_start3A_585] : memref<10000x128xf32, #tpu.memory_space<hbm>> -> memref<10000x128xf32, #tpu.memory_space<hbm>>
        tpu.enqueue_indirect_dma source(%dma_start3A_586 : memref<10000x128xf32, #tpu.memory_space<hbm>>) target(%arg10 : memref<128x128xf32, #tpu.memory_space<vmem>>) offsets(%dma_start3A_583 : memref<128xi32, #tpu.memory_space<vmem>>) semaphore(%arg16 : memref<!tpu.dma_semaphore, #tpu.memory_space<semaphore_mem>>)
      } else {
      }
      %add3A_461 = arith.constant 1 : i32
      %add3A_462 = arith.addi %add3A_444, %add3A_461 : i32
      %lt3A_463 = arith.constant 2500 : i32
      %lt3A_464 = arith.cmpi slt, %add3A_462, %lt3A_463 : i32
      %convert_element_type3A_465 = arith.extui %lt3A_464 : i1 to i32
      %cond3A_466 = arith.constant 0 : i32
      %cond3A_467 = arith.cmpi ne, %convert_element_type3A_465, %cond3A_466 : i32
      scf.if %cond3A_467 {
        %dma_wait3A_580 = arith.constant 1 : i32
        %dma_wait3A_581 = arith.constant 0 : i32
        %dma_wait3A_582 = tpu.memref_slice %arg8[%dma_wait3A_580, %dma_wait3A_581] : memref<8x128xi32, #tpu.memory_space<vmem>> -> memref<1x128xi32, #tpu.memory_space<vmem>>
        %dma_wait3A_583 = tpu.memref_squeeze %dma_wait3A_582 : memref<1x128xi32, #tpu.memory_space<vmem>> -> memref<128xi32, #tpu.memory_space<vmem>>
        %dma_wait3A_584 = arith.constant 0 : i32
        %dma_wait3A_585 = arith.constant 0 : i32
        %dma_wait3A_586 = tpu.memref_slice %arg2[%dma_wait3A_584, %dma_wait3A_585] : memref<10000x128xf32, #tpu.memory_space<hbm>> -> memref<10000x128xf32, #tpu.memory_space<hbm>>
        tpu.wait_indirect_dma semaphore(%arg17 : memref<!tpu.dma_semaphore, #tpu.memory_space<semaphore_mem>>) src(%dma_wait3A_586 : memref<10000x128xf32, #tpu.memory_space<hbm>>) dst(%arg11 : memref<128x128xf32, #tpu.memory_space<vmem>>)
        %dma_start3A_587 = arith.constant 1 : i32
        %dma_start3A_588 = arith.constant 0 : i32
        %dma_start3A_589 = tpu.memref_slice %arg9[%dma_start3A_587, %dma_start3A_588] : memref<8x128xi32, #tpu.memory_space<vmem>> -> memref<1x128xi32, #tpu.memory_space<vmem>>
        %dma_start3A_590 = tpu.memref_squeeze %dma_start3A_589 : memref<1x128xi32, #tpu.memory_space<vmem>> -> memref<128xi32, #tpu.memory_space<vmem>>
        %dma_start3A_591 = arith.constant 0 : i32
        %dma_start3A_592 = arith.constant 0 : i32
        %dma_start3A_593 = tpu.memref_slice %arg14[%dma_start3A_591, %dma_start3A_592] : memref<10240x128xf32, #tpu.memory_space<vmem_shared>> -> memref<10240x128xf32, #tpu.memory_space<vmem_shared>>
        tpu.enqueue_indirect_dma source(%arg11 : memref<128x128xf32, #tpu.memory_space<vmem>>) target(%dma_start3A_593 : memref<10240x128xf32, #tpu.memory_space<vmem_shared>>) offsets(%dma_start3A_590 : memref<128xi32, #tpu.memory_space<vmem>>) semaphore(%arg19 : memref<!tpu.dma_semaphore, #tpu.memory_space<semaphore_mem>>) {add = true}
        %dma_wait3A_594 = arith.constant 1 : i32
        %dma_wait3A_595 = arith.constant 0 : i32
        %dma_wait3A_596 = tpu.memref_slice %arg9[%dma_wait3A_594, %dma_wait3A_595] : memref<8x128xi32, #tpu.memory_space<vmem>> -> memref<1x128xi32, #tpu.memory_space<vmem>>
        %dma_wait3A_597 = tpu.memref_squeeze %dma_wait3A_596 : memref<1x128xi32, #tpu.memory_space<vmem>> -> memref<128xi32, #tpu.memory_space<vmem>>
        %dma_wait3A_598 = arith.constant 0 : i32
        %dma_wait3A_599 = arith.constant 0 : i32
        %dma_wait3A_600 = tpu.memref_slice %arg14[%dma_wait3A_598, %dma_wait3A_599] : memref<10240x128xf32, #tpu.memory_space<vmem_shared>> -> memref<10240x128xf32, #tpu.memory_space<vmem_shared>>
        tpu.wait_indirect_dma semaphore(%arg19 : memref<!tpu.dma_semaphore, #tpu.memory_space<semaphore_mem>>) src(%arg11 : memref<128x128xf32, #tpu.memory_space<vmem>>) dst(%dma_wait3A_600 : memref<10240x128xf32, #tpu.memory_space<vmem_shared>>)
      } else {
      }
      %add3A_468 = arith.constant 1 : i32
      %add3A_469 = arith.addi %add3A_444, %add3A_468 : i32
      %add3A_470 = arith.constant 2 : i32
      %add3A_471 = arith.addi %add3A_469, %add3A_470 : i32
      %lt3A_472 = arith.constant 2500 : i32
      %lt3A_473 = arith.cmpi slt, %add3A_471, %lt3A_472 : i32
      %convert_element_type3A_474 = arith.extui %lt3A_473 : i1 to i32
      %cond3A_475 = arith.constant 0 : i32
      %cond3A_476 = arith.cmpi ne, %convert_element_type3A_474, %cond3A_475 : i32
      scf.if %cond3A_476 {
        %dma_start3A_580 = arith.constant 3 : i32
        %dma_start3A_581 = arith.constant 0 : i32
        %dma_start3A_582 = tpu.memref_slice %arg8[%dma_start3A_580, %dma_start3A_581] : memref<8x128xi32, #tpu.memory_space<vmem>> -> memref<1x128xi32, #tpu.memory_space<vmem>>
        %dma_start3A_583 = tpu.memref_squeeze %dma_start3A_582 : memref<1x128xi32, #tpu.memory_space<vmem>> -> memref<128xi32, #tpu.memory_space<vmem>>
        %dma_start3A_584 = arith.constant 0 : i32
        %dma_start3A_585 = arith.constant 0 : i32
        %dma_start3A_586 = tpu.memref_slice %arg2[%dma_start3A_584, %dma_start3A_585] : memref<10000x128xf32, #tpu.memory_space<hbm>> -> memref<10000x128xf32, #tpu.memory_space<hbm>>
        tpu.enqueue_indirect_dma source(%dma_start3A_586 : memref<10000x128xf32, #tpu.memory_space<hbm>>) target(%arg11 : memref<128x128xf32, #tpu.memory_space<vmem>>) offsets(%dma_start3A_583 : memref<128xi32, #tpu.memory_space<vmem>>) semaphore(%arg17 : memref<!tpu.dma_semaphore, #tpu.memory_space<semaphore_mem>>)
      } else {
      }
      %add3A_477 = arith.constant 2 : i32
      %add3A_478 = arith.addi %add3A_444, %add3A_477 : i32
      %lt3A_479 = arith.constant 2500 : i32
      %lt3A_480 = arith.cmpi slt, %add3A_478, %lt3A_479 : i32
      %convert_element_type3A_481 = arith.extui %lt3A_480 : i1 to i32
      %cond3A_482 = arith.constant 0 : i32
      %cond3A_483 = arith.cmpi ne, %convert_element_type3A_481, %cond3A_482 : i32
      scf.if %cond3A_483 {
        %dma_wait3A_580 = arith.constant 2 : i32
        %dma_wait3A_581 = arith.constant 0 : i32
        %dma_wait3A_582 = tpu.memref_slice %arg8[%dma_wait3A_580, %dma_wait3A_581] : memref<8x128xi32, #tpu.memory_space<vmem>> -> memref<1x128xi32, #tpu.memory_space<vmem>>
        %dma_wait3A_583 = tpu.memref_squeeze %dma_wait3A_582 : memref<1x128xi32, #tpu.memory_space<vmem>> -> memref<128xi32, #tpu.memory_space<vmem>>
        %dma_wait3A_584 = arith.constant 0 : i32
        %dma_wait3A_585 = arith.constant 0 : i32
        %dma_wait3A_586 = tpu.memref_slice %arg2[%dma_wait3A_584, %dma_wait3A_585] : memref<10000x128xf32, #tpu.memory_space<hbm>> -> memref<10000x128xf32, #tpu.memory_space<hbm>>
        tpu.wait_indirect_dma semaphore(%arg16 : memref<!tpu.dma_semaphore, #tpu.memory_space<semaphore_mem>>) src(%dma_wait3A_586 : memref<10000x128xf32, #tpu.memory_space<hbm>>) dst(%arg10 : memref<128x128xf32, #tpu.memory_space<vmem>>)
        %dma_start3A_587 = arith.constant 2 : i32
        %dma_start3A_588 = arith.constant 0 : i32
        %dma_start3A_589 = tpu.memref_slice %arg9[%dma_start3A_587, %dma_start3A_588] : memref<8x128xi32, #tpu.memory_space<vmem>> -> memref<1x128xi32, #tpu.memory_space<vmem>>
        %dma_start3A_590 = tpu.memref_squeeze %dma_start3A_589 : memref<1x128xi32, #tpu.memory_space<vmem>> -> memref<128xi32, #tpu.memory_space<vmem>>
        %dma_start3A_591 = arith.constant 0 : i32
        %dma_start3A_592 = arith.constant 0 : i32
        %dma_start3A_593 = tpu.memref_slice %arg14[%dma_start3A_591, %dma_start3A_592] : memref<10240x128xf32, #tpu.memory_space<vmem_shared>> -> memref<10240x128xf32, #tpu.memory_space<vmem_shared>>
        tpu.enqueue_indirect_dma source(%arg10 : memref<128x128xf32, #tpu.memory_space<vmem>>) target(%dma_start3A_593 : memref<10240x128xf32, #tpu.memory_space<vmem_shared>>) offsets(%dma_start3A_590 : memref<128xi32, #tpu.memory_space<vmem>>) semaphore(%arg18 : memref<!tpu.dma_semaphore, #tpu.memory_space<semaphore_mem>>) {add = true}
        %dma_wait3A_594 = arith.constant 2 : i32
        %dma_wait3A_595 = arith.constant 0 : i32
        %dma_wait3A_596 = tpu.memref_slice %arg9[%dma_wait3A_594, %dma_wait3A_595] : memref<8x128xi32, #tpu.memory_space<vmem>> -> memref<1x128xi32, #tpu.memory_space<vmem>>
        %dma_wait3A_597 = tpu.memref_squeeze %dma_wait3A_596 : memref<1x128xi32, #tpu.memory_space<vmem>> -> memref<128xi32, #tpu.memory_space<vmem>>
        %dma_wait3A_598 = arith.constant 0 : i32
        %dma_wait3A_599 = arith.constant 0 : i32
        %dma_wait3A_600 = tpu.memref_slice %arg14[%dma_wait3A_598, %dma_wait3A_599] : memref<10240x128xf32, #tpu.memory_space<vmem_shared>> -> memref<10240x128xf32, #tpu.memory_space<vmem_shared>>
        tpu.wait_indirect_dma semaphore(%arg18 : memref<!tpu.dma_semaphore, #tpu.memory_space<semaphore_mem>>) src(%arg10 : memref<128x128xf32, #tpu.memory_space<vmem>>) dst(%dma_wait3A_600 : memref<10240x128xf32, #tpu.memory_space<vmem_shared>>)
      } else {
      }
      %add3A_484 = arith.constant 2 : i32
      %add3A_485 = arith.addi %add3A_444, %add3A_484 : i32
      %add3A_486 = arith.constant 2 : i32
      %add3A_487 = arith.addi %add3A_485, %add3A_486 : i32
      %lt3A_488 = arith.constant 2500 : i32
      %lt3A_489 = arith.cmpi slt, %add3A_487, %lt3A_488 : i32
      %convert_element_type3A_490 = arith.extui %lt3A_489 : i1 to i32
      %cond3A_491 = arith.constant 0 : i32
      %cond3A_492 = arith.cmpi ne, %convert_element_type3A_490, %cond3A_491 : i32
      scf.if %cond3A_492 {
        %dma_start3A_580 = arith.constant 4 : i32
        %dma_start3A_581 = arith.constant 0 : i32
        %dma_start3A_582 = tpu.memref_slice %arg8[%dma_start3A_580, %dma_start3A_581] : memref<8x128xi32, #tpu.memory_space<vmem>> -> memref<1x128xi32, #tpu.memory_space<vmem>>
        %dma_start3A_583 = tpu.memref_squeeze %dma_start3A_582 : memref<1x128xi32, #tpu.memory_space<vmem>> -> memref<128xi32, #tpu.memory_space<vmem>>
        %dma_start3A_584 = arith.constant 0 : i32
        %dma_start3A_585 = arith.constant 0 : i32
        %dma_start3A_586 = tpu.memref_slice %arg2[%dma_start3A_584, %dma_start3A_585] : memref<10000x128xf32, #tpu.memory_space<hbm>> -> memref<10000x128xf32, #tpu.memory_space<hbm>>
        tpu.enqueue_indirect_dma source(%dma_start3A_586 : memref<10000x128xf32, #tpu.memory_space<hbm>>) target(%arg10 : memref<128x128xf32, #tpu.memory_space<vmem>>) offsets(%dma_start3A_583 : memref<128xi32, #tpu.memory_space<vmem>>) semaphore(%arg16 : memref<!tpu.dma_semaphore, #tpu.memory_space<semaphore_mem>>)
      } else {
      }
      %add3A_493 = arith.constant 3 : i32
      %add3A_494 = arith.addi %add3A_444, %add3A_493 : i32
      %lt3A_495 = arith.constant 2500 : i32
      %lt3A_496 = arith.cmpi slt, %add3A_494, %lt3A_495 : i32
      %convert_element_type3A_497 = arith.extui %lt3A_496 : i1 to i32
      %cond3A_498 = arith.constant 0 : i32
      %cond3A_499 = arith.cmpi ne, %convert_element_type3A_497, %cond3A_498 : i32
      scf.if %cond3A_499 {
        %dma_wait3A_580 = arith.constant 3 : i32
        %dma_wait3A_581 = arith.constant 0 : i32
        %dma_wait3A_582 = tpu.memref_slice %arg8[%dma_wait3A_580, %dma_wait3A_581] : memref<8x128xi32, #tpu.memory_space<vmem>> -> memref<1x128xi32, #tpu.memory_space<vmem>>
        %dma_wait3A_583 = tpu.memref_squeeze %dma_wait3A_582 : memref<1x128xi32, #tpu.memory_space<vmem>> -> memref<128xi32, #tpu.memory_space<vmem>>
        %dma_wait3A_584 = arith.constant 0 : i32
        %dma_wait3A_585 = arith.constant 0 : i32
        %dma_wait3A_586 = tpu.memref_slice %arg2[%dma_wait3A_584, %dma_wait3A_585] : memref<10000x128xf32, #tpu.memory_space<hbm>> -> memref<10000x128xf32, #tpu.memory_space<hbm>>
        tpu.wait_indirect_dma semaphore(%arg17 : memref<!tpu.dma_semaphore, #tpu.memory_space<semaphore_mem>>) src(%dma_wait3A_586 : memref<10000x128xf32, #tpu.memory_space<hbm>>) dst(%arg11 : memref<128x128xf32, #tpu.memory_space<vmem>>)
        %dma_start3A_587 = arith.constant 3 : i32
        %dma_start3A_588 = arith.constant 0 : i32
        %dma_start3A_589 = tpu.memref_slice %arg9[%dma_start3A_587, %dma_start3A_588] : memref<8x128xi32, #tpu.memory_space<vmem>> -> memref<1x128xi32, #tpu.memory_space<vmem>>
        %dma_start3A_590 = tpu.memref_squeeze %dma_start3A_589 : memref<1x128xi32, #tpu.memory_space<vmem>> -> memref<128xi32, #tpu.memory_space<vmem>>
        %dma_start3A_591 = arith.constant 0 : i32
        %dma_start3A_592 = arith.constant 0 : i32
        %dma_start3A_593 = tpu.memref_slice %arg14[%dma_start3A_591, %dma_start3A_592] : memref<10240x128xf32, #tpu.memory_space<vmem_shared>> -> memref<10240x128xf32, #tpu.memory_space<vmem_shared>>
        tpu.enqueue_indirect_dma source(%arg11 : memref<128x128xf32, #tpu.memory_space<vmem>>) target(%dma_start3A_593 : memref<10240x128xf32, #tpu.memory_space<vmem_shared>>) offsets(%dma_start3A_590 : memref<128xi32, #tpu.memory_space<vmem>>) semaphore(%arg19 : memref<!tpu.dma_semaphore, #tpu.memory_space<semaphore_mem>>) {add = true}
        %dma_wait3A_594 = arith.constant 3 : i32
        %dma_wait3A_595 = arith.constant 0 : i32
        %dma_wait3A_596 = tpu.memref_slice %arg9[%dma_wait3A_594, %dma_wait3A_595] : memref<8x128xi32, #tpu.memory_space<vmem>> -> memref<1x128xi32, #tpu.memory_space<vmem>>
        %dma_wait3A_597 = tpu.memref_squeeze %dma_wait3A_596 : memref<1x128xi32, #tpu.memory_space<vmem>> -> memref<128xi32, #tpu.memory_space<vmem>>
        %dma_wait3A_598 = arith.constant 0 : i32
        %dma_wait3A_599 = arith.constant 0 : i32
        %dma_wait3A_600 = tpu.memref_slice %arg14[%dma_wait3A_598, %dma_wait3A_599] : memref<10240x128xf32, #tpu.memory_space<vmem_shared>> -> memref<10240x128xf32, #tpu.memory_space<vmem_shared>>
        tpu.wait_indirect_dma semaphore(%arg19 : memref<!tpu.dma_semaphore, #tpu.memory_space<semaphore_mem>>) src(%arg11 : memref<128x128xf32, #tpu.memory_space<vmem>>) dst(%dma_wait3A_600 : memref<10240x128xf32, #tpu.memory_space<vmem_shared>>)
      } else {
      }
      %add3A_500 = arith.constant 3 : i32
      %add3A_501 = arith.addi %add3A_444, %add3A_500 : i32
      %add3A_502 = arith.constant 2 : i32
      %add3A_503 = arith.addi %add3A_501, %add3A_502 : i32
      %lt3A_504 = arith.constant 2500 : i32
      %lt3A_505 = arith.cmpi slt, %add3A_503, %lt3A_504 : i32
      %convert_element_type3A_506 = arith.extui %lt3A_505 : i1 to i32
      %cond3A_507 = arith.constant 0 : i32
      %cond3A_508 = arith.cmpi ne, %convert_element_type3A_506, %cond3A_507 : i32
      scf.if %cond3A_508 {
        %dma_start3A_580 = arith.constant 5 : i32
        %dma_start3A_581 = arith.constant 0 : i32
        %dma_start3A_582 = tpu.memref_slice %arg8[%dma_start3A_580, %dma_start3A_581] : memref<8x128xi32, #tpu.memory_space<vmem>> -> memref<1x128xi32, #tpu.memory_space<vmem>>
        %dma_start3A_583 = tpu.memref_squeeze %dma_start3A_582 : memref<1x128xi32, #tpu.memory_space<vmem>> -> memref<128xi32, #tpu.memory_space<vmem>>
        %dma_start3A_584 = arith.constant 0 : i32
        %dma_start3A_585 = arith.constant 0 : i32
        %dma_start3A_586 = tpu.memref_slice %arg2[%dma_start3A_584, %dma_start3A_585] : memref<10000x128xf32, #tpu.memory_space<hbm>> -> memref<10000x128xf32, #tpu.memory_space<hbm>>
        tpu.enqueue_indirect_dma source(%dma_start3A_586 : memref<10000x128xf32, #tpu.memory_space<hbm>>) target(%arg11 : memref<128x128xf32, #tpu.memory_space<vmem>>) offsets(%dma_start3A_583 : memref<128xi32, #tpu.memory_space<vmem>>) semaphore(%arg17 : memref<!tpu.dma_semaphore, #tpu.memory_space<semaphore_mem>>)
      } else {
      }
      %add3A_509 = arith.constant 4 : i32
      %add3A_510 = arith.addi %add3A_444, %add3A_509 : i32
      %lt3A_511 = arith.constant 2500 : i32
      %lt3A_512 = arith.cmpi slt, %add3A_510, %lt3A_511 : i32
      %convert_element_type3A_513 = arith.extui %lt3A_512 : i1 to i32
      %cond3A_514 = arith.constant 0 : i32
      %cond3A_515 = arith.cmpi ne, %convert_element_type3A_513, %cond3A_514 : i32
      scf.if %cond3A_515 {
        %dma_wait3A_580 = arith.constant 4 : i32
        %dma_wait3A_581 = arith.constant 0 : i32
        %dma_wait3A_582 = tpu.memref_slice %arg8[%dma_wait3A_580, %dma_wait3A_581] : memref<8x128xi32, #tpu.memory_space<vmem>> -> memref<1x128xi32, #tpu.memory_space<vmem>>
        %dma_wait3A_583 = tpu.memref_squeeze %dma_wait3A_582 : memref<1x128xi32, #tpu.memory_space<vmem>> -> memref<128xi32, #tpu.memory_space<vmem>>
        %dma_wait3A_584 = arith.constant 0 : i32
        %dma_wait3A_585 = arith.constant 0 : i32
        %dma_wait3A_586 = tpu.memref_slice %arg2[%dma_wait3A_584, %dma_wait3A_585] : memref<10000x128xf32, #tpu.memory_space<hbm>> -> memref<10000x128xf32, #tpu.memory_space<hbm>>
        tpu.wait_indirect_dma semaphore(%arg16 : memref<!tpu.dma_semaphore, #tpu.memory_space<semaphore_mem>>) src(%dma_wait3A_586 : memref<10000x128xf32, #tpu.memory_space<hbm>>) dst(%arg10 : memref<128x128xf32, #tpu.memory_space<vmem>>)
        %dma_start3A_587 = arith.constant 4 : i32
        %dma_start3A_588 = arith.constant 0 : i32
        %dma_start3A_589 = tpu.memref_slice %arg9[%dma_start3A_587, %dma_start3A_588] : memref<8x128xi32, #tpu.memory_space<vmem>> -> memref<1x128xi32, #tpu.memory_space<vmem>>
        %dma_start3A_590 = tpu.memref_squeeze %dma_start3A_589 : memref<1x128xi32, #tpu.memory_space<vmem>> -> memref<128xi32, #tpu.memory_space<vmem>>
        %dma_start3A_591 = arith.constant 0 : i32
        %dma_start3A_592 = arith.constant 0 : i32
        %dma_start3A_593 = tpu.memref_slice %arg14[%dma_start3A_591, %dma_start3A_592] : memref<10240x128xf32, #tpu.memory_space<vmem_shared>> -> memref<10240x128xf32, #tpu.memory_space<vmem_shared>>
        tpu.enqueue_indirect_dma source(%arg10 : memref<128x128xf32, #tpu.memory_space<vmem>>) target(%dma_start3A_593 : memref<10240x128xf32, #tpu.memory_space<vmem_shared>>) offsets(%dma_start3A_590 : memref<128xi32, #tpu.memory_space<vmem>>) semaphore(%arg18 : memref<!tpu.dma_semaphore, #tpu.memory_space<semaphore_mem>>) {add = true}
        %dma_wait3A_594 = arith.constant 4 : i32
        %dma_wait3A_595 = arith.constant 0 : i32
        %dma_wait3A_596 = tpu.memref_slice %arg9[%dma_wait3A_594, %dma_wait3A_595] : memref<8x128xi32, #tpu.memory_space<vmem>> -> memref<1x128xi32, #tpu.memory_space<vmem>>
        %dma_wait3A_597 = tpu.memref_squeeze %dma_wait3A_596 : memref<1x128xi32, #tpu.memory_space<vmem>> -> memref<128xi32, #tpu.memory_space<vmem>>
        %dma_wait3A_598 = arith.constant 0 : i32
        %dma_wait3A_599 = arith.constant 0 : i32
        %dma_wait3A_600 = tpu.memref_slice %arg14[%dma_wait3A_598, %dma_wait3A_599] : memref<10240x128xf32, #tpu.memory_space<vmem_shared>> -> memref<10240x128xf32, #tpu.memory_space<vmem_shared>>
        tpu.wait_indirect_dma semaphore(%arg18 : memref<!tpu.dma_semaphore, #tpu.memory_space<semaphore_mem>>) src(%arg10 : memref<128x128xf32, #tpu.memory_space<vmem>>) dst(%dma_wait3A_600 : memref<10240x128xf32, #tpu.memory_space<vmem_shared>>)
      } else {
      }
      %add3A_516 = arith.constant 4 : i32
      %add3A_517 = arith.addi %add3A_444, %add3A_516 : i32
      %add3A_518 = arith.constant 2 : i32
      %add3A_519 = arith.addi %add3A_517, %add3A_518 : i32
      %lt3A_520 = arith.constant 2500 : i32
      %lt3A_521 = arith.cmpi slt, %add3A_519, %lt3A_520 : i32
      %convert_element_type3A_522 = arith.extui %lt3A_521 : i1 to i32
      %cond3A_523 = arith.constant 0 : i32
      %cond3A_524 = arith.cmpi ne, %convert_element_type3A_522, %cond3A_523 : i32
      scf.if %cond3A_524 {
        %dma_start3A_580 = arith.constant 6 : i32
        %dma_start3A_581 = arith.constant 0 : i32
        %dma_start3A_582 = tpu.memref_slice %arg8[%dma_start3A_580, %dma_start3A_581] : memref<8x128xi32, #tpu.memory_space<vmem>> -> memref<1x128xi32, #tpu.memory_space<vmem>>
        %dma_start3A_583 = tpu.memref_squeeze %dma_start3A_582 : memref<1x128xi32, #tpu.memory_space<vmem>> -> memref<128xi32, #tpu.memory_space<vmem>>
        %dma_start3A_584 = arith.constant 0 : i32
        %dma_start3A_585 = arith.constant 0 : i32
        %dma_start3A_586 = tpu.memref_slice %arg2[%dma_start3A_584, %dma_start3A_585] : memref<10000x128xf32, #tpu.memory_space<hbm>> -> memref<10000x128xf32, #tpu.memory_space<hbm>>
        tpu.enqueue_indirect_dma source(%dma_start3A_586 : memref<10000x128xf32, #tpu.memory_space<hbm>>) target(%arg10 : memref<128x128xf32, #tpu.memory_space<vmem>>) offsets(%dma_start3A_583 : memref<128xi32, #tpu.memory_space<vmem>>) semaphore(%arg16 : memref<!tpu.dma_semaphore, #tpu.memory_space<semaphore_mem>>)
      } else {
      }
      %add3A_525 = arith.constant 5 : i32
      %add3A_526 = arith.addi %add3A_444, %add3A_525 : i32
      %lt3A_527 = arith.constant 2500 : i32
      %lt3A_528 = arith.cmpi slt, %add3A_526, %lt3A_527 : i32
      %convert_element_type3A_529 = arith.extui %lt3A_528 : i1 to i32
      %cond3A_530 = arith.constant 0 : i32
      %cond3A_531 = arith.cmpi ne, %convert_element_type3A_529, %cond3A_530 : i32
      scf.if %cond3A_531 {
        %dma_wait3A_580 = arith.constant 5 : i32
        %dma_wait3A_581 = arith.constant 0 : i32
        %dma_wait3A_582 = tpu.memref_slice %arg8[%dma_wait3A_580, %dma_wait3A_581] : memref<8x128xi32, #tpu.memory_space<vmem>> -> memref<1x128xi32, #tpu.memory_space<vmem>>
        %dma_wait3A_583 = tpu.memref_squeeze %dma_wait3A_582 : memref<1x128xi32, #tpu.memory_space<vmem>> -> memref<128xi32, #tpu.memory_space<vmem>>
        %dma_wait3A_584 = arith.constant 0 : i32
        %dma_wait3A_585 = arith.constant 0 : i32
        %dma_wait3A_586 = tpu.memref_slice %arg2[%dma_wait3A_584, %dma_wait3A_585] : memref<10000x128xf32, #tpu.memory_space<hbm>> -> memref<10000x128xf32, #tpu.memory_space<hbm>>
        tpu.wait_indirect_dma semaphore(%arg17 : memref<!tpu.dma_semaphore, #tpu.memory_space<semaphore_mem>>) src(%dma_wait3A_586 : memref<10000x128xf32, #tpu.memory_space<hbm>>) dst(%arg11 : memref<128x128xf32, #tpu.memory_space<vmem>>)
        %dma_start3A_587 = arith.constant 5 : i32
        %dma_start3A_588 = arith.constant 0 : i32
        %dma_start3A_589 = tpu.memref_slice %arg9[%dma_start3A_587, %dma_start3A_588] : memref<8x128xi32, #tpu.memory_space<vmem>> -> memref<1x128xi32, #tpu.memory_space<vmem>>
        %dma_start3A_590 = tpu.memref_squeeze %dma_start3A_589 : memref<1x128xi32, #tpu.memory_space<vmem>> -> memref<128xi32, #tpu.memory_space<vmem>>
        %dma_start3A_591 = arith.constant 0 : i32
        %dma_start3A_592 = arith.constant 0 : i32
        %dma_start3A_593 = tpu.memref_slice %arg14[%dma_start3A_591, %dma_start3A_592] : memref<10240x128xf32, #tpu.memory_space<vmem_shared>> -> memref<10240x128xf32, #tpu.memory_space<vmem_shared>>
        tpu.enqueue_indirect_dma source(%arg11 : memref<128x128xf32, #tpu.memory_space<vmem>>) target(%dma_start3A_593 : memref<10240x128xf32, #tpu.memory_space<vmem_shared>>) offsets(%dma_start3A_590 : memref<128xi32, #tpu.memory_space<vmem>>) semaphore(%arg19 : memref<!tpu.dma_semaphore, #tpu.memory_space<semaphore_mem>>) {add = true}
        %dma_wait3A_594 = arith.constant 5 : i32
        %dma_wait3A_595 = arith.constant 0 : i32
        %dma_wait3A_596 = tpu.memref_slice %arg9[%dma_wait3A_594, %dma_wait3A_595] : memref<8x128xi32, #tpu.memory_space<vmem>> -> memref<1x128xi32, #tpu.memory_space<vmem>>
        %dma_wait3A_597 = tpu.memref_squeeze %dma_wait3A_596 : memref<1x128xi32, #tpu.memory_space<vmem>> -> memref<128xi32, #tpu.memory_space<vmem>>
        %dma_wait3A_598 = arith.constant 0 : i32
        %dma_wait3A_599 = arith.constant 0 : i32
        %dma_wait3A_600 = tpu.memref_slice %arg14[%dma_wait3A_598, %dma_wait3A_599] : memref<10240x128xf32, #tpu.memory_space<vmem_shared>> -> memref<10240x128xf32, #tpu.memory_space<vmem_shared>>
        tpu.wait_indirect_dma semaphore(%arg19 : memref<!tpu.dma_semaphore, #tpu.memory_space<semaphore_mem>>) src(%arg11 : memref<128x128xf32, #tpu.memory_space<vmem>>) dst(%dma_wait3A_600 : memref<10240x128xf32, #tpu.memory_space<vmem_shared>>)
      } else {
      }
      %add3A_532 = arith.constant 5 : i32
      %add3A_533 = arith.addi %add3A_444, %add3A_532 : i32
      %add3A_534 = arith.constant 2 : i32
      %add3A_535 = arith.addi %add3A_533, %add3A_534 : i32
      %lt3A_536 = arith.constant 2500 : i32
      %lt3A_537 = arith.cmpi slt, %add3A_535, %lt3A_536 : i32
      %convert_element_type3A_538 = arith.extui %lt3A_537 : i1 to i32
      %cond3A_539 = arith.constant 0 : i32
      %cond3A_540 = arith.cmpi ne, %convert_element_type3A_538, %cond3A_539 : i32
      scf.if %cond3A_540 {
        %dma_start3A_580 = arith.constant 7 : i32
        %dma_start3A_581 = arith.constant 0 : i32
        %dma_start3A_582 = tpu.memref_slice %arg8[%dma_start3A_580, %dma_start3A_581] : memref<8x128xi32, #tpu.memory_space<vmem>> -> memref<1x128xi32, #tpu.memory_space<vmem>>
        %dma_start3A_583 = tpu.memref_squeeze %dma_start3A_582 : memref<1x128xi32, #tpu.memory_space<vmem>> -> memref<128xi32, #tpu.memory_space<vmem>>
        %dma_start3A_584 = arith.constant 0 : i32
        %dma_start3A_585 = arith.constant 0 : i32
        %dma_start3A_586 = tpu.memref_slice %arg2[%dma_start3A_584, %dma_start3A_585] : memref<10000x128xf32, #tpu.memory_space<hbm>> -> memref<10000x128xf32, #tpu.memory_space<hbm>>
        tpu.enqueue_indirect_dma source(%dma_start3A_586 : memref<10000x128xf32, #tpu.memory_space<hbm>>) target(%arg11 : memref<128x128xf32, #tpu.memory_space<vmem>>) offsets(%dma_start3A_583 : memref<128xi32, #tpu.memory_space<vmem>>) semaphore(%arg17 : memref<!tpu.dma_semaphore, #tpu.memory_space<semaphore_mem>>)
      } else {
      }
      %add3A_541 = arith.constant 6 : i32
      %add3A_542 = arith.addi %add3A_444, %add3A_541 : i32
      %lt3A_543 = arith.constant 2500 : i32
      %lt3A_544 = arith.cmpi slt, %add3A_542, %lt3A_543 : i32
      %convert_element_type3A_545 = arith.extui %lt3A_287 : i1 to i32
      %cond3A_546 = arith.constant 0 : i32
      %cond3A_547 = arith.cmpi ne, %convert_element_type3A_545, %cond3A_546 : i32
      scf.if %cond3A_547 {
        %dma_wait3A_580 = arith.constant 0 : i32
        %dma_wait3A_581 = arith.constant 0 : i32
        %dma_wait3A_582 = tpu.memref_slice %arg3[%dma_wait3A_580, %dma_wait3A_581] : memref<2560x128xi32, #tpu.memory_space<hbm>> -> memref<8x128xi32, #tpu.memory_space<hbm>>
        %dma_wait3A_583 = arith.constant 0 : i32
        %dma_wait3A_584 = arith.constant 0 : i32
        %dma_wait3A_585 = tpu.memref_slice %arg3[%dma_wait3A_583, %dma_wait3A_584] : memref<2560x128xi32, #tpu.memory_space<hbm>> -> memref<8x128xi32, #tpu.memory_space<hbm>>
        tpu.wait_dma2 semaphore(%arg22 : memref<!tpu.dma_semaphore, #tpu.memory_space<semaphore_mem>>) src(%dma_wait3A_585 : memref<8x128xi32, #tpu.memory_space<hbm>>) dst(%arg6 : memref<8x128xi32, #tpu.memory_space<vmem>>)
        %dma_wait3A_586 = arith.constant 0 : i32
        %dma_wait3A_587 = arith.constant 0 : i32
        %dma_wait3A_588 = tpu.memref_slice %arg4[%dma_wait3A_586, %dma_wait3A_587] : memref<2560x128xi32, #tpu.memory_space<hbm>> -> memref<8x128xi32, #tpu.memory_space<hbm>>
        %dma_wait3A_589 = arith.constant 0 : i32
        %dma_wait3A_590 = arith.constant 0 : i32
        %dma_wait3A_591 = tpu.memref_slice %arg4[%dma_wait3A_589, %dma_wait3A_590] : memref<2560x128xi32, #tpu.memory_space<hbm>> -> memref<8x128xi32, #tpu.memory_space<hbm>>
        tpu.wait_dma2 semaphore(%arg22 : memref<!tpu.dma_semaphore, #tpu.memory_space<semaphore_mem>>) src(%dma_wait3A_591 : memref<8x128xi32, #tpu.memory_space<hbm>>) dst(%arg7 : memref<8x128xi32, #tpu.memory_space<vmem>>)
      } else {
      }
      %convert_element_type3A_548 = arith.extui %lt3A_544 : i1 to i32
      %cond3A_549 = arith.constant 0 : i32
      %cond3A_550 = arith.cmpi ne, %convert_element_type3A_548, %cond3A_549 : i32
      scf.if %cond3A_550 {
        %dma_wait3A_580 = arith.constant 6 : i32
        %dma_wait3A_581 = arith.constant 0 : i32
        %dma_wait3A_582 = tpu.memref_slice %arg8[%dma_wait3A_580, %dma_wait3A_581] : memref<8x128xi32, #tpu.memory_space<vmem>> -> memref<1x128xi32, #tpu.memory_space<vmem>>
        %dma_wait3A_583 = tpu.memref_squeeze %dma_wait3A_582 : memref<1x128xi32, #tpu.memory_space<vmem>> -> memref<128xi32, #tpu.memory_space<vmem>>
        %dma_wait3A_584 = arith.constant 0 : i32
        %dma_wait3A_585 = arith.constant 0 : i32
        %dma_wait3A_586 = tpu.memref_slice %arg2[%dma_wait3A_584, %dma_wait3A_585] : memref<10000x128xf32, #tpu.memory_space<hbm>> -> memref<10000x128xf32, #tpu.memory_space<hbm>>
        tpu.wait_indirect_dma semaphore(%arg16 : memref<!tpu.dma_semaphore, #tpu.memory_space<semaphore_mem>>) src(%dma_wait3A_586 : memref<10000x128xf32, #tpu.memory_space<hbm>>) dst(%arg10 : memref<128x128xf32, #tpu.memory_space<vmem>>)
        %dma_start3A_587 = arith.constant 6 : i32
        %dma_start3A_588 = arith.constant 0 : i32
        %dma_start3A_589 = tpu.memref_slice %arg9[%dma_start3A_587, %dma_start3A_588] : memref<8x128xi32, #tpu.memory_space<vmem>> -> memref<1x128xi32, #tpu.memory_space<vmem>>
        %dma_start3A_590 = tpu.memref_squeeze %dma_start3A_589 : memref<1x128xi32, #tpu.memory_space<vmem>> -> memref<128xi32, #tpu.memory_space<vmem>>
        %dma_start3A_591 = arith.constant 0 : i32
        %dma_start3A_592 = arith.constant 0 : i32
        %dma_start3A_593 = tpu.memref_slice %arg14[%dma_start3A_591, %dma_start3A_592] : memref<10240x128xf32, #tpu.memory_space<vmem_shared>> -> memref<10240x128xf32, #tpu.memory_space<vmem_shared>>
        tpu.enqueue_indirect_dma source(%arg10 : memref<128x128xf32, #tpu.memory_space<vmem>>) target(%dma_start3A_593 : memref<10240x128xf32, #tpu.memory_space<vmem_shared>>) offsets(%dma_start3A_590 : memref<128xi32, #tpu.memory_space<vmem>>) semaphore(%arg18 : memref<!tpu.dma_semaphore, #tpu.memory_space<semaphore_mem>>) {add = true}
        %dma_wait3A_594 = arith.constant 6 : i32
        %dma_wait3A_595 = arith.constant 0 : i32
        %dma_wait3A_596 = tpu.memref_slice %arg9[%dma_wait3A_594, %dma_wait3A_595] : memref<8x128xi32, #tpu.memory_space<vmem>> -> memref<1x128xi32, #tpu.memory_space<vmem>>
        %dma_wait3A_597 = tpu.memref_squeeze %dma_wait3A_596 : memref<1x128xi32, #tpu.memory_space<vmem>> -> memref<128xi32, #tpu.memory_space<vmem>>
        %dma_wait3A_598 = arith.constant 0 : i32
        %dma_wait3A_599 = arith.constant 0 : i32
        %dma_wait3A_600 = tpu.memref_slice %arg14[%dma_wait3A_598, %dma_wait3A_599] : memref<10240x128xf32, #tpu.memory_space<vmem_shared>> -> memref<10240x128xf32, #tpu.memory_space<vmem_shared>>
        tpu.wait_indirect_dma semaphore(%arg18 : memref<!tpu.dma_semaphore, #tpu.memory_space<semaphore_mem>>) src(%arg10 : memref<128x128xf32, #tpu.memory_space<vmem>>) dst(%dma_wait3A_600 : memref<10240x128xf32, #tpu.memory_space<vmem_shared>>)
      } else {
      }
      %add3A_551 = arith.constant 6 : i32
      %add3A_552 = arith.addi %add3A_444, %add3A_551 : i32
      %add3A_553 = arith.constant 2 : i32
      %add3A_554 = arith.addi %add3A_552, %add3A_553 : i32
      %lt3A_555 = arith.constant 2500 : i32
      %lt3A_556 = arith.cmpi slt, %add3A_554, %lt3A_555 : i32
      %and3A = arith.andi %lt3A_287, %lt3A_556 : i1
      %convert_element_type3A_557 = arith.extui %and3A : i1 to i32
      %cond3A_558 = arith.constant 0 : i32
      %cond3A_559 = arith.cmpi ne, %convert_element_type3A_557, %cond3A_558 : i32
      scf.if %cond3A_559 {
        %dma_start3A_580 = arith.constant 0 : i32
        %dma_start3A_581 = arith.constant 0 : i32
        %dma_start3A_582 = tpu.memref_slice %arg6[%dma_start3A_580, %dma_start3A_581] : memref<8x128xi32, #tpu.memory_space<vmem>> -> memref<1x128xi32, #tpu.memory_space<vmem>>
        %dma_start3A_583 = tpu.memref_squeeze %dma_start3A_582 : memref<1x128xi32, #tpu.memory_space<vmem>> -> memref<128xi32, #tpu.memory_space<vmem>>
        %dma_start3A_584 = arith.constant 0 : i32
        %dma_start3A_585 = arith.constant 0 : i32
        %dma_start3A_586 = tpu.memref_slice %arg2[%dma_start3A_584, %dma_start3A_585] : memref<10000x128xf32, #tpu.memory_space<hbm>> -> memref<10000x128xf32, #tpu.memory_space<hbm>>
        tpu.enqueue_indirect_dma source(%dma_start3A_586 : memref<10000x128xf32, #tpu.memory_space<hbm>>) target(%arg10 : memref<128x128xf32, #tpu.memory_space<vmem>>) offsets(%dma_start3A_583 : memref<128xi32, #tpu.memory_space<vmem>>) semaphore(%arg16 : memref<!tpu.dma_semaphore, #tpu.memory_space<semaphore_mem>>)
      } else {
      }
      %add3A_560 = arith.constant 7 : i32
      %add3A_561 = arith.addi %add3A_444, %add3A_560 : i32
      %lt3A_562 = arith.constant 2500 : i32
      %lt3A_563 = arith.cmpi slt, %add3A_561, %lt3A_562 : i32
      %convert_element_type3A_564 = arith.extui %lt3A_563 : i1 to i32
      %cond3A_565 = arith.constant 0 : i32
      %cond3A_566 = arith.cmpi ne, %convert_element_type3A_564, %cond3A_565 : i32
      scf.if %cond3A_566 {
        %dma_wait3A_580 = arith.constant 7 : i32
        %dma_wait3A_581 = arith.constant 0 : i32
        %dma_wait3A_582 = tpu.memref_slice %arg8[%dma_wait3A_580, %dma_wait3A_581] : memref<8x128xi32, #tpu.memory_space<vmem>> -> memref<1x128xi32, #tpu.memory_space<vmem>>
        %dma_wait3A_583 = tpu.memref_squeeze %dma_wait3A_582 : memref<1x128xi32, #tpu.memory_space<vmem>> -> memref<128xi32, #tpu.memory_space<vmem>>
        %dma_wait3A_584 = arith.constant 0 : i32
        %dma_wait3A_585 = arith.constant 0 : i32
        %dma_wait3A_586 = tpu.memref_slice %arg2[%dma_wait3A_584, %dma_wait3A_585] : memref<10000x128xf32, #tpu.memory_space<hbm>> -> memref<10000x128xf32, #tpu.memory_space<hbm>>
        tpu.wait_indirect_dma semaphore(%arg17 : memref<!tpu.dma_semaphore, #tpu.memory_space<semaphore_mem>>) src(%dma_wait3A_586 : memref<10000x128xf32, #tpu.memory_space<hbm>>) dst(%arg11 : memref<128x128xf32, #tpu.memory_space<vmem>>)
        %dma_start3A_587 = arith.constant 7 : i32
        %dma_start3A_588 = arith.constant 0 : i32
        %dma_start3A_589 = tpu.memref_slice %arg9[%dma_start3A_587, %dma_start3A_588] : memref<8x128xi32, #tpu.memory_space<vmem>> -> memref<1x128xi32, #tpu.memory_space<vmem>>
        %dma_start3A_590 = tpu.memref_squeeze %dma_start3A_589 : memref<1x128xi32, #tpu.memory_space<vmem>> -> memref<128xi32, #tpu.memory_space<vmem>>
        %dma_start3A_591 = arith.constant 0 : i32
        %dma_start3A_592 = arith.constant 0 : i32
        %dma_start3A_593 = tpu.memref_slice %arg14[%dma_start3A_591, %dma_start3A_592] : memref<10240x128xf32, #tpu.memory_space<vmem_shared>> -> memref<10240x128xf32, #tpu.memory_space<vmem_shared>>
        tpu.enqueue_indirect_dma source(%arg11 : memref<128x128xf32, #tpu.memory_space<vmem>>) target(%dma_start3A_593 : memref<10240x128xf32, #tpu.memory_space<vmem_shared>>) offsets(%dma_start3A_590 : memref<128xi32, #tpu.memory_space<vmem>>) semaphore(%arg19 : memref<!tpu.dma_semaphore, #tpu.memory_space<semaphore_mem>>) {add = true}
        %dma_wait3A_594 = arith.constant 7 : i32
        %dma_wait3A_595 = arith.constant 0 : i32
        %dma_wait3A_596 = tpu.memref_slice %arg9[%dma_wait3A_594, %dma_wait3A_595] : memref<8x128xi32, #tpu.memory_space<vmem>> -> memref<1x128xi32, #tpu.memory_space<vmem>>
        %dma_wait3A_597 = tpu.memref_squeeze %dma_wait3A_596 : memref<1x128xi32, #tpu.memory_space<vmem>> -> memref<128xi32, #tpu.memory_space<vmem>>
        %dma_wait3A_598 = arith.constant 0 : i32
        %dma_wait3A_599 = arith.constant 0 : i32
        %dma_wait3A_600 = tpu.memref_slice %arg14[%dma_wait3A_598, %dma_wait3A_599] : memref<10240x128xf32, #tpu.memory_space<vmem_shared>> -> memref<10240x128xf32, #tpu.memory_space<vmem_shared>>
        tpu.wait_indirect_dma semaphore(%arg19 : memref<!tpu.dma_semaphore, #tpu.memory_space<semaphore_mem>>) src(%arg11 : memref<128x128xf32, #tpu.memory_space<vmem>>) dst(%dma_wait3A_600 : memref<10240x128xf32, #tpu.memory_space<vmem_shared>>)
      } else {
      }
      %add3A_567 = arith.constant 7 : i32
      %add3A_568 = arith.addi %add3A_444, %add3A_567 : i32
      %add3A_569 = arith.constant 2 : i32
      %add3A_570 = arith.addi %add3A_568, %add3A_569 : i32
      %lt3A_571 = arith.constant 2500 : i32
      %lt3A_572 = arith.cmpi slt, %add3A_570, %lt3A_571 : i32
      %and3A_573 = arith.andi %lt3A_287, %lt3A_572 : i1
      %convert_element_type3A_574 = arith.extui %and3A_573 : i1 to i32
      %cond3A_575 = arith.constant 0 : i32
      %cond3A_576 = arith.cmpi ne, %convert_element_type3A_574, %cond3A_575 : i32
      scf.if %cond3A_576 {
        %dma_start3A_580 = arith.constant 1 : i32
        %dma_start3A_581 = arith.constant 0 : i32
        %dma_start3A_582 = tpu.memref_slice %arg6[%dma_start3A_580, %dma_start3A_581] : memref<8x128xi32, #tpu.memory_space<vmem>> -> memref<1x128xi32, #tpu.memory_space<vmem>>
        %dma_start3A_583 = tpu.memref_squeeze %dma_start3A_582 : memref<1x128xi32, #tpu.memory_space<vmem>> -> memref<128xi32, #tpu.memory_space<vmem>>
        %dma_start3A_584 = arith.constant 0 : i32
        %dma_start3A_585 = arith.constant 0 : i32
        %dma_start3A_586 = tpu.memref_slice %arg2[%dma_start3A_584, %dma_start3A_585] : memref<10000x128xf32, #tpu.memory_space<hbm>> -> memref<10000x128xf32, #tpu.memory_space<hbm>>
        tpu.enqueue_indirect_dma source(%dma_start3A_586 : memref<10000x128xf32, #tpu.memory_space<hbm>>) target(%arg11 : memref<128x128xf32, #tpu.memory_space<vmem>>) offsets(%dma_start3A_583 : memref<128xi32, #tpu.memory_space<vmem>>) semaphore(%arg17 : memref<!tpu.dma_semaphore, #tpu.memory_space<semaphore_mem>>)
      } else {
      }
      %convert_element_type3A_577 = arith.extui %lt3A_287 : i1 to i32
      %cond3A_578 = arith.constant 0 : i32
      %cond3A_579 = arith.cmpi ne, %convert_element_type3A_577, %cond3A_578 : i32
      scf.if %cond3A_579 {
        %mul3A_580 = arith.constant 2 : i32
        %mul3A_581 = arith.muli %mul3A_580, %scan3A_285 : i32
        %add3A_582 = arith.constant 3 : i32
        %add3A_583 = arith.addi %mul3A_581, %add3A_582 : i32
        %mul3A_584 = arith.constant 8 : i32
        %mul3A_585 = arith.muli %add3A_583, %mul3A_584 : i32
        %add3A_586 = arith.addi %mul3A_4, %mul3A_585 : i32
        %dma_start3A_587 = arith.constant 0 : i32
        %dma_start3A_588 = tpu.memref_slice %arg3[%add3A_586, %dma_start3A_587] : memref<2560x128xi32, #tpu.memory_space<hbm>> -> memref<8x128xi32, #tpu.memory_space<hbm>>
        %dma_start3A_589 = arith.constant 0 : i32
        %dma_start3A_590 = tpu.memref_slice %arg3[%add3A_586, %dma_start3A_589] : memref<2560x128xi32, #tpu.memory_space<hbm>> -> memref<8x128xi32, #tpu.memory_space<hbm>>
        tpu.enqueue_dma source(%dma_start3A_590 : memref<8x128xi32, #tpu.memory_space<hbm>>) target(%arg8 : memref<8x128xi32, #tpu.memory_space<vmem>>) target_semaphore(%arg23 : memref<!tpu.dma_semaphore, #tpu.memory_space<semaphore_mem>>)
        %dma_start3A_591 = arith.constant 0 : i32
        %dma_start3A_592 = tpu.memref_slice %arg4[%add3A_586, %dma_start3A_591] : memref<2560x128xi32, #tpu.memory_space<hbm>> -> memref<8x128xi32, #tpu.memory_space<hbm>>
        %dma_start3A_593 = arith.constant 0 : i32
        %dma_start3A_594 = tpu.memref_slice %arg4[%add3A_586, %dma_start3A_593] : memref<2560x128xi32, #tpu.memory_space<hbm>> -> memref<8x128xi32, #tpu.memory_space<hbm>>
        tpu.enqueue_dma source(%dma_start3A_594 : memref<8x128xi32, #tpu.memory_space<hbm>>) target(%arg9 : memref<8x128xi32, #tpu.memory_space<vmem>>) target_semaphore(%arg23 : memref<!tpu.dma_semaphore, #tpu.memory_space<semaphore_mem>>)
      } else {
      }
    }
    %scan3A_277 = arith.constant 5 : i32
    %barrier3A_278 = arith.constant 0 : index
    tpu.barrier barrier_id(%barrier3A_278)
    %lt3A = arith.constant 15 : i32
    %lt3A_279 = arith.cmpi slt, %arg1, %lt3A : i32
    %convert_element_type3A = arith.extui %lt3A_279 : i1 to i32
    %cond3A = arith.constant 0 : i32
    %cond3A_280 = arith.cmpi ne, %convert_element_type3A, %cond3A : i32
    scf.if %cond3A_280 {
      %mul3A_285 = arith.constant 10000 : i32
      %mul3A_286 = arith.muli %arg0, %mul3A_285 : i32
      %add3A_287 = arith.addi %mul3A_286, %mul3A_0 : i32
      "tpu.region"() ({
        %run_scoped3A = tpu.sem_alloc : memref<!tpu.dma_semaphore, #tpu.memory_space<semaphore_mem>>
        %dma_start3A_288 = arith.constant 0 : i32
        %dma_start3A_289 = tpu.memref_slice %arg5[%add3A_287, %dma_start3A_288] : memref<20000x128xf32, #tpu.memory_space<hbm>> -> memref<640x128xf32, #tpu.memory_space<hbm>>
        %dma_start3A_290 = arith.constant 0 : i32
        %dma_start3A_291 = tpu.memref_slice %arg14[%mul3A_0, %dma_start3A_290] : memref<10240x128xf32, #tpu.memory_space<vmem_shared>> -> memref<640x128xf32, #tpu.memory_space<vmem_shared>>
        tpu.enqueue_dma source(%dma_start3A_291 : memref<640x128xf32, #tpu.memory_space<vmem_shared>>) target(%dma_start3A_289 : memref<640x128xf32, #tpu.memory_space<hbm>>) target_semaphore(%run_scoped3A : memref<!tpu.dma_semaphore, #tpu.memory_space<semaphore_mem>>)
        %dma_wait3A_292 = arith.constant 0 : i32
        %dma_wait3A_293 = tpu.memref_slice %arg5[%add3A_287, %dma_wait3A_292] : memref<20000x128xf32, #tpu.memory_space<hbm>> -> memref<640x128xf32, #tpu.memory_space<hbm>>
        %dma_wait3A_294 = arith.constant 0 : i32
        %dma_wait3A_295 = tpu.memref_slice %arg14[%mul3A_0, %dma_wait3A_294] : memref<10240x128xf32, #tpu.memory_space<vmem_shared>> -> memref<640x128xf32, #tpu.memory_space<vmem_shared>>
        tpu.wait_dma2 semaphore(%run_scoped3A : memref<!tpu.dma_semaphore, #tpu.memory_space<semaphore_mem>>) src(%dma_wait3A_295 : memref<640x128xf32, #tpu.memory_space<vmem_shared>>) dst(%dma_wait3A_293 : memref<640x128xf32, #tpu.memory_space<hbm>>)
        tpu.yield
      }) : () -> ()
    } else {
    }
    %eq3A = arith.constant 15 : i32
    %eq3A_281 = arith.cmpi eq, %arg1, %eq3A : i32
    %convert_element_type3A_282 = arith.extui %eq3A_281 : i1 to i32
    %cond3A_283 = arith.constant 0 : i32
    %cond3A_284 = arith.cmpi ne, %convert_element_type3A_282, %cond3A_283 : i32
    scf.if %cond3A_284 {
      %mul3A_285 = arith.constant 10000 : i32
      %mul3A_286 = arith.muli %arg0, %mul3A_285 : i32
      %add3A_287 = arith.addi %mul3A_286, %mul3A_0 : i32
      "tpu.region"() ({
        %run_scoped3A = tpu.sem_alloc : memref<!tpu.dma_semaphore, #tpu.memory_space<semaphore_mem>>
        %dma_start3A_288 = arith.constant 0 : i32
        %dma_start3A_289 = tpu.memref_slice %arg5[%add3A_287, %dma_start3A_288] : memref<20000x128xf32, #tpu.memory_space<hbm>> -> memref<400x128xf32, #tpu.memory_space<hbm>>
        %dma_start3A_290 = arith.constant 0 : i32
        %dma_start3A_291 = tpu.memref_slice %arg14[%mul3A_0, %dma_start3A_290] : memref<10240x128xf32, #tpu.memory_space<vmem_shared>> -> memref<400x128xf32, #tpu.memory_space<vmem_shared>>
        tpu.enqueue_dma source(%dma_start3A_291 : memref<400x128xf32, #tpu.memory_space<vmem_shared>>) target(%dma_start3A_289 : memref<400x128xf32, #tpu.memory_space<hbm>>) target_semaphore(%run_scoped3A : memref<!tpu.dma_semaphore, #tpu.memory_space<semaphore_mem>>)
        %dma_wait3A_292 = arith.constant 0 : i32
        %dma_wait3A_293 = tpu.memref_slice %arg5[%add3A_287, %dma_wait3A_292] : memref<20000x128xf32, #tpu.memory_space<hbm>> -> memref<400x128xf32, #tpu.memory_space<hbm>>
        %dma_wait3A_294 = arith.constant 0 : i32
        %dma_wait3A_295 = tpu.memref_slice %arg14[%mul3A_0, %dma_wait3A_294] : memref<10240x128xf32, #tpu.memory_space<vmem_shared>> -> memref<400x128xf32, #tpu.memory_space<vmem_shared>>
        tpu.wait_dma2 semaphore(%run_scoped3A : memref<!tpu.dma_semaphore, #tpu.memory_space<semaphore_mem>>) src(%dma_wait3A_295 : memref<400x128xf32, #tpu.memory_space<vmem_shared>>) dst(%dma_wait3A_293 : memref<400x128xf32, #tpu.memory_space<hbm>>)
        tpu.yield
      }) : () -> ()
    } else {
    }
    return
  }
}

#map = affine_map<(d0, d1) -> (0, 0)>
#map1 = affine_map<(d0, d1) -> (0)>
module attributes {stable_mosaic.version = 14 : i64} {
  func.func @sage_segment_sum_cnt(%arg0: i32, %arg1: i32, %arg2: memref<10000x128xf32, #tpu.memory_space<hbm>>, %arg3: memref<2560x128xi32, #tpu.memory_space<hbm>>, %arg4: memref<2560x128xi32, #tpu.memory_space<hbm>>, %arg5: memref<20000x128xf32, #tpu.memory_space<hbm>>, %arg6: memref<20480xf32, #tpu.memory_space<hbm>>, %arg7: memref<8x128xi32, #tpu.memory_space<vmem>>, %arg8: memref<8x128xi32, #tpu.memory_space<vmem>>, %arg9: memref<8x128xi32, #tpu.memory_space<vmem>>, %arg10: memref<8x128xi32, #tpu.memory_space<vmem>>, %arg11: memref<128x128xf32, #tpu.memory_space<vmem>>, %arg12: memref<128x128xf32, #tpu.memory_space<vmem>>, %arg13: memref<128xf32, #tpu.memory_space<vmem>>, %arg14: memref<640xf32, #tpu.memory_space<vmem>>, %arg15: memref<10240x128xf32, #tpu.memory_space<vmem_shared>>, %arg16: memref<10240xf32, #tpu.memory_space<vmem_shared>>, %arg17: memref<!tpu.dma_semaphore, #tpu.memory_space<semaphore_mem>>, %arg18: memref<!tpu.dma_semaphore, #tpu.memory_space<semaphore_mem>>, %arg19: memref<!tpu.dma_semaphore, #tpu.memory_space<semaphore_mem>>, %arg20: memref<!tpu.dma_semaphore, #tpu.memory_space<semaphore_mem>>, %arg21: memref<!tpu.dma_semaphore, #tpu.memory_space<semaphore_mem>>, %arg22: memref<!tpu.dma_semaphore, #tpu.memory_space<semaphore_mem>>, %arg23: memref<!tpu.dma_semaphore, #tpu.memory_space<semaphore_mem>>, %arg24: memref<!tpu.dma_semaphore, #tpu.memory_space<semaphore_mem>>) attributes {dimension_semantics = [#tpu.dimension_semantics<core_parallel>, #tpu.dimension_semantics<subcore_parallel>], iteration_bounds = array<i64: 2, 16>, scalar_prefetch = 0 : i64, scratch_operands = 18 : i64, tpu.core_type = #tpu.core_type<sc_vector_subcore>, window_params = [{transform_indices = #map}, {transform_indices = #map}, {transform_indices = #map}, {transform_indices = #map}, {transform_indices = #map1}]} {
    %mul3A = arith.constant 640 : i32
    %mul3A_0 = arith.muli %arg1, %mul3A : i32
    %mul3A_1 = arith.constant 16 : i32
    %mul3A_2 = arith.muli %arg0, %mul3A_1 : i32
    %add3A = arith.addi %mul3A_2, %arg1 : i32
    %mul3A_3 = arith.constant 80 : i32
    %mul3A_4 = arith.muli %add3A, %mul3A_3 : i32
    %broadcast_in_dim3A = arith.constant 0.000000e+00 : f32
    %broadcast_in_dim3A_5 = vector.broadcast %broadcast_in_dim3A : f32 to vector<16xf32>
    %scan3A = arith.constant 0 : i32
    %scan3A_6 = arith.constant 0 : i32
    %scan3A_7 = arith.constant 128 : i32
    %scan3A_8 = arith.addi %scan3A_6, %scan3A_7 : i32
    %scan3A_9 = arith.constant 1 : i32
    scf.for %scan3A_288 = %scan3A_6 to %scan3A_8 step %scan3A_9  : i32 {
      %swap3A_289 = arith.index_cast %scan3A_288 : i32 to index
      %swap3A_290 = arith.constant 0 : index
      %swap3A_291 = tpu.vector_load %arg11[%swap3A_289, %swap3A_290] {strides = array<i32>} : memref<128x128xf32, #tpu.memory_space<vmem>>, vector<1x16xf32>,
      %swap3A_292 = vector.shape_cast %swap3A_291 : vector<1x16xf32> to vector<16xf32>
      %swap3A_293 = vector.shape_cast %broadcast_in_dim3A_5 : vector<16xf32> to vector<1x16xf32>
      tpu.vector_store %arg11[%swap3A_289, %swap3A_290], %swap3A_293 {strides = array<i32>} : memref<128x128xf32, #tpu.memory_space<vmem>>, vector<1x16xf32>,
      %swap3A_294 = arith.index_cast %scan3A_288 : i32 to index
      %swap3A_295 = arith.constant 16 : index
      %swap3A_296 = tpu.vector_load %arg11[%swap3A_294, %swap3A_295] {strides = array<i32>} : memref<128x128xf32, #tpu.memory_space<vmem>>, vector<1x16xf32>,
      %swap3A_297 = vector.shape_cast %swap3A_296 : vector<1x16xf32> to vector<16xf32>
      %swap3A_298 = vector.shape_cast %broadcast_in_dim3A_5 : vector<16xf32> to vector<1x16xf32>
      tpu.vector_store %arg11[%swap3A_294, %swap3A_295], %swap3A_298 {strides = array<i32>} : memref<128x128xf32, #tpu.memory_space<vmem>>, vector<1x16xf32>,
      %swap3A_299 = arith.index_cast %scan3A_288 : i32 to index
      %swap3A_300 = arith.constant 32 : index
      %swap3A_301 = tpu.vector_load %arg11[%swap3A_299, %swap3A_300] {strides = array<i32>} : memref<128x128xf32, #tpu.memory_space<vmem>>, vector<1x16xf32>,
      %swap3A_302 = vector.shape_cast %swap3A_301 : vector<1x16xf32> to vector<16xf32>
      %swap3A_303 = vector.shape_cast %broadcast_in_dim3A_5 : vector<16xf32> to vector<1x16xf32>
      tpu.vector_store %arg11[%swap3A_299, %swap3A_300], %swap3A_303 {strides = array<i32>} : memref<128x128xf32, #tpu.memory_space<vmem>>, vector<1x16xf32>,
      %swap3A_304 = arith.index_cast %scan3A_288 : i32 to index
      %swap3A_305 = arith.constant 48 : index
      %swap3A_306 = tpu.vector_load %arg11[%swap3A_304, %swap3A_305] {strides = array<i32>} : memref<128x128xf32, #tpu.memory_space<vmem>>, vector<1x16xf32>,
      %swap3A_307 = vector.shape_cast %swap3A_306 : vector<1x16xf32> to vector<16xf32>
      %swap3A_308 = vector.shape_cast %broadcast_in_dim3A_5 : vector<16xf32> to vector<1x16xf32>
      tpu.vector_store %arg11[%swap3A_304, %swap3A_305], %swap3A_308 {strides = array<i32>} : memref<128x128xf32, #tpu.memory_space<vmem>>, vector<1x16xf32>,
      %swap3A_309 = arith.index_cast %scan3A_288 : i32 to index
      %swap3A_310 = arith.constant 64 : index
      %swap3A_311 = tpu.vector_load %arg11[%swap3A_309, %swap3A_310] {strides = array<i32>} : memref<128x128xf32, #tpu.memory_space<vmem>>, vector<1x16xf32>,
      %swap3A_312 = vector.shape_cast %swap3A_311 : vector<1x16xf32> to vector<16xf32>
      %swap3A_313 = vector.shape_cast %broadcast_in_dim3A_5 : vector<16xf32> to vector<1x16xf32>
      tpu.vector_store %arg11[%swap3A_309, %swap3A_310], %swap3A_313 {strides = array<i32>} : memref<128x128xf32, #tpu.memory_space<vmem>>, vector<1x16xf32>,
      %swap3A_314 = arith.index_cast %scan3A_288 : i32 to index
      %swap3A_315 = arith.constant 80 : index
      %swap3A_316 = tpu.vector_load %arg11[%swap3A_314, %swap3A_315] {strides = array<i32>} : memref<128x128xf32, #tpu.memory_space<vmem>>, vector<1x16xf32>,
      %swap3A_317 = vector.shape_cast %swap3A_316 : vector<1x16xf32> to vector<16xf32>
      %swap3A_318 = vector.shape_cast %broadcast_in_dim3A_5 : vector<16xf32> to vector<1x16xf32>
      tpu.vector_store %arg11[%swap3A_314, %swap3A_315], %swap3A_318 {strides = array<i32>} : memref<128x128xf32, #tpu.memory_space<vmem>>, vector<1x16xf32>,
      %swap3A_319 = arith.index_cast %scan3A_288 : i32 to index
      %swap3A_320 = arith.constant 96 : index
      %swap3A_321 = tpu.vector_load %arg11[%swap3A_319, %swap3A_320] {strides = array<i32>} : memref<128x128xf32, #tpu.memory_space<vmem>>, vector<1x16xf32>,
      %swap3A_322 = vector.shape_cast %swap3A_321 : vector<1x16xf32> to vector<16xf32>
      %swap3A_323 = vector.shape_cast %broadcast_in_dim3A_5 : vector<16xf32> to vector<1x16xf32>
      tpu.vector_store %arg11[%swap3A_319, %swap3A_320], %swap3A_323 {strides = array<i32>} : memref<128x128xf32, #tpu.memory_space<vmem>>, vector<1x16xf32>,
      %swap3A_324 = arith.index_cast %scan3A_288 : i32 to index
      %swap3A_325 = arith.constant 112 : index
      %swap3A_326 = tpu.vector_load %arg11[%swap3A_324, %swap3A_325] {strides = array<i32>} : memref<128x128xf32, #tpu.memory_space<vmem>>, vector<1x16xf32>,
      %swap3A_327 = vector.shape_cast %swap3A_326 : vector<1x16xf32> to vector<16xf32>
      %swap3A_328 = vector.shape_cast %broadcast_in_dim3A_5 : vector<16xf32> to vector<1x16xf32>
      tpu.vector_store %arg11[%swap3A_324, %swap3A_325], %swap3A_328 {strides = array<i32>} : memref<128x128xf32, #tpu.memory_space<vmem>>, vector<1x16xf32>,
    }
    %scan3A_10 = arith.constant 128 : i32
    %broadcast_in_dim3A_11 = arith.constant 1.000000e+00 : f32
    %broadcast_in_dim3A_12 = vector.broadcast %broadcast_in_dim3A_11 : f32 to vector<16xf32>
    %swap3A = arith.constant 0 : index
    %swap3A_13 = tpu.vector_load %arg13[%swap3A] {strides = array<i32>} : memref<128xf32, #tpu.memory_space<vmem>>, vector<16xf32>,
    %swap3A_14 = vector.shape_cast %swap3A_13 : vector<16xf32> to vector<16xf32>
    %swap3A_15 = vector.shape_cast %broadcast_in_dim3A_12 : vector<16xf32> to vector<16xf32>
    tpu.vector_store %arg13[%swap3A], %swap3A_15 {strides = array<i32>} : memref<128xf32, #tpu.memory_space<vmem>>, vector<16xf32>,
    %broadcast_in_dim3A_16 = arith.constant 1.000000e+00 : f32
    %broadcast_in_dim3A_17 = vector.broadcast %broadcast_in_dim3A_16 : f32 to vector<16xf32>
    %swap3A_18 = arith.constant 16 : index
    %swap3A_19 = tpu.vector_load %arg13[%swap3A_18] {strides = array<i32>} : memref<128xf32, #tpu.memory_space<vmem>>, vector<16xf32>,
    %swap3A_20 = vector.shape_cast %swap3A_19 : vector<16xf32> to vector<16xf32>
    %swap3A_21 = vector.shape_cast %broadcast_in_dim3A_17 : vector<16xf32> to vector<16xf32>
    tpu.vector_store %arg13[%swap3A_18], %swap3A_21 {strides = array<i32>} : memref<128xf32, #tpu.memory_space<vmem>>, vector<16xf32>,
    %broadcast_in_dim3A_22 = arith.constant 1.000000e+00 : f32
    %broadcast_in_dim3A_23 = vector.broadcast %broadcast_in_dim3A_22 : f32 to vector<16xf32>
    %swap3A_24 = arith.constant 32 : index
    %swap3A_25 = tpu.vector_load %arg13[%swap3A_24] {strides = array<i32>} : memref<128xf32, #tpu.memory_space<vmem>>, vector<16xf32>,
    %swap3A_26 = vector.shape_cast %swap3A_25 : vector<16xf32> to vector<16xf32>
    %swap3A_27 = vector.shape_cast %broadcast_in_dim3A_23 : vector<16xf32> to vector<16xf32>
    tpu.vector_store %arg13[%swap3A_24], %swap3A_27 {strides = array<i32>} : memref<128xf32, #tpu.memory_space<vmem>>, vector<16xf32>,
    %broadcast_in_dim3A_28 = arith.constant 1.000000e+00 : f32
    %broadcast_in_dim3A_29 = vector.broadcast %broadcast_in_dim3A_28 : f32 to vector<16xf32>
    %swap3A_30 = arith.constant 48 : index
    %swap3A_31 = tpu.vector_load %arg13[%swap3A_30] {strides = array<i32>} : memref<128xf32, #tpu.memory_space<vmem>>, vector<16xf32>,
    %swap3A_32 = vector.shape_cast %swap3A_31 : vector<16xf32> to vector<16xf32>
    %swap3A_33 = vector.shape_cast %broadcast_in_dim3A_29 : vector<16xf32> to vector<16xf32>
    tpu.vector_store %arg13[%swap3A_30], %swap3A_33 {strides = array<i32>} : memref<128xf32, #tpu.memory_space<vmem>>, vector<16xf32>,
    %broadcast_in_dim3A_34 = arith.constant 1.000000e+00 : f32
    %broadcast_in_dim3A_35 = vector.broadcast %broadcast_in_dim3A_34 : f32 to vector<16xf32>
    %swap3A_36 = arith.constant 64 : index
    %swap3A_37 = tpu.vector_load %arg13[%swap3A_36] {strides = array<i32>} : memref<128xf32, #tpu.memory_space<vmem>>, vector<16xf32>,
    %swap3A_38 = vector.shape_cast %swap3A_37 : vector<16xf32> to vector<16xf32>
    %swap3A_39 = vector.shape_cast %broadcast_in_dim3A_35 : vector<16xf32> to vector<16xf32>
    tpu.vector_store %arg13[%swap3A_36], %swap3A_39 {strides = array<i32>} : memref<128xf32, #tpu.memory_space<vmem>>, vector<16xf32>,
    %broadcast_in_dim3A_40 = arith.constant 1.000000e+00 : f32
    %broadcast_in_dim3A_41 = vector.broadcast %broadcast_in_dim3A_40 : f32 to vector<16xf32>
    %swap3A_42 = arith.constant 80 : index
    %swap3A_43 = tpu.vector_load %arg13[%swap3A_42] {strides = array<i32>} : memref<128xf32, #tpu.memory_space<vmem>>, vector<16xf32>,
    %swap3A_44 = vector.shape_cast %swap3A_43 : vector<16xf32> to vector<16xf32>
    %swap3A_45 = vector.shape_cast %broadcast_in_dim3A_41 : vector<16xf32> to vector<16xf32>
    tpu.vector_store %arg13[%swap3A_42], %swap3A_45 {strides = array<i32>} : memref<128xf32, #tpu.memory_space<vmem>>, vector<16xf32>,
    %broadcast_in_dim3A_46 = arith.constant 1.000000e+00 : f32
    %broadcast_in_dim3A_47 = vector.broadcast %broadcast_in_dim3A_46 : f32 to vector<16xf32>
    %swap3A_48 = arith.constant 96 : index
    %swap3A_49 = tpu.vector_load %arg13[%swap3A_48] {strides = array<i32>} : memref<128xf32, #tpu.memory_space<vmem>>, vector<16xf32>,
    %swap3A_50 = vector.shape_cast %swap3A_49 : vector<16xf32> to vector<16xf32>
    %swap3A_51 = vector.shape_cast %broadcast_in_dim3A_47 : vector<16xf32> to vector<16xf32>
    tpu.vector_store %arg13[%swap3A_48], %swap3A_51 {strides = array<i32>} : memref<128xf32, #tpu.memory_space<vmem>>, vector<16xf32>,
    %broadcast_in_dim3A_52 = arith.constant 1.000000e+00 : f32
    %broadcast_in_dim3A_53 = vector.broadcast %broadcast_in_dim3A_52 : f32 to vector<16xf32>
    %swap3A_54 = arith.constant 112 : index
    %swap3A_55 = tpu.vector_load %arg13[%swap3A_54] {strides = array<i32>} : memref<128xf32, #tpu.memory_space<vmem>>, vector<16xf32>,
    %swap3A_56 = vector.shape_cast %swap3A_55 : vector<16xf32> to vector<16xf32>
    %swap3A_57 = vector.shape_cast %broadcast_in_dim3A_53 : vector<16xf32> to vector<16xf32>
    tpu.vector_store %arg13[%swap3A_54], %swap3A_57 {strides = array<i32>} : memref<128xf32, #tpu.memory_space<vmem>>, vector<16xf32>,
    %swap3A_58 = arith.constant 0 : index
    %swap3A_59 = tpu.vector_load %arg14[%swap3A_58] {strides = array<i32>} : memref<640xf32, #tpu.memory_space<vmem>>, vector<16xf32>,
    %swap3A_60 = vector.shape_cast %swap3A_59 : vector<16xf32> to vector<16xf32>
    %swap3A_61 = vector.shape_cast %broadcast_in_dim3A_5 : vector<16xf32> to vector<16xf32>
    tpu.vector_store %arg14[%swap3A_58], %swap3A_61 {strides = array<i32>} : memref<640xf32, #tpu.memory_space<vmem>>, vector<16xf32>,
    %swap3A_62 = arith.constant 16 : index
    %swap3A_63 = tpu.vector_load %arg14[%swap3A_62] {strides = array<i32>} : memref<640xf32, #tpu.memory_space<vmem>>, vector<16xf32>,
    %swap3A_64 = vector.shape_cast %swap3A_63 : vector<16xf32> to vector<16xf32>
    %swap3A_65 = vector.shape_cast %broadcast_in_dim3A_5 : vector<16xf32> to vector<16xf32>
    tpu.vector_store %arg14[%swap3A_62], %swap3A_65 {strides = array<i32>} : memref<640xf32, #tpu.memory_space<vmem>>, vector<16xf32>,
    %swap3A_66 = arith.constant 32 : index
    %swap3A_67 = tpu.vector_load %arg14[%swap3A_66] {strides = array<i32>} : memref<640xf32, #tpu.memory_space<vmem>>, vector<16xf32>,
    %swap3A_68 = vector.shape_cast %swap3A_67 : vector<16xf32> to vector<16xf32>
    %swap3A_69 = vector.shape_cast %broadcast_in_dim3A_5 : vector<16xf32> to vector<16xf32>
    tpu.vector_store %arg14[%swap3A_66], %swap3A_69 {strides = array<i32>} : memref<640xf32, #tpu.memory_space<vmem>>, vector<16xf32>,
    %swap3A_70 = arith.constant 48 : index
    %swap3A_71 = tpu.vector_load %arg14[%swap3A_70] {strides = array<i32>} : memref<640xf32, #tpu.memory_space<vmem>>, vector<16xf32>,
    %swap3A_72 = vector.shape_cast %swap3A_71 : vector<16xf32> to vector<16xf32>
    %swap3A_73 = vector.shape_cast %broadcast_in_dim3A_5 : vector<16xf32> to vector<16xf32>
    tpu.vector_store %arg14[%swap3A_70], %swap3A_73 {strides = array<i32>} : memref<640xf32, #tpu.memory_space<vmem>>, vector<16xf32>,
    %swap3A_74 = arith.constant 64 : index
    %swap3A_75 = tpu.vector_load %arg14[%swap3A_74] {strides = array<i32>} : memref<640xf32, #tpu.memory_space<vmem>>, vector<16xf32>,
    %swap3A_76 = vector.shape_cast %swap3A_75 : vector<16xf32> to vector<16xf32>
    %swap3A_77 = vector.shape_cast %broadcast_in_dim3A_5 : vector<16xf32> to vector<16xf32>
    tpu.vector_store %arg14[%swap3A_74], %swap3A_77 {strides = array<i32>} : memref<640xf32, #tpu.memory_space<vmem>>, vector<16xf32>,
    %swap3A_78 = arith.constant 80 : index
    %swap3A_79 = tpu.vector_load %arg14[%swap3A_78] {strides = array<i32>} : memref<640xf32, #tpu.memory_space<vmem>>, vector<16xf32>,
    %swap3A_80 = vector.shape_cast %swap3A_79 : vector<16xf32> to vector<16xf32>
    %swap3A_81 = vector.shape_cast %broadcast_in_dim3A_5 : vector<16xf32> to vector<16xf32>
    tpu.vector_store %arg14[%swap3A_78], %swap3A_81 {strides = array<i32>} : memref<640xf32, #tpu.memory_space<vmem>>, vector<16xf32>,
    %swap3A_82 = arith.constant 96 : index
    %swap3A_83 = tpu.vector_load %arg14[%swap3A_82] {strides = array<i32>} : memref<640xf32, #tpu.memory_space<vmem>>, vector<16xf32>,
    %swap3A_84 = vector.shape_cast %swap3A_83 : vector<16xf32> to vector<16xf32>
    %swap3A_85 = vector.shape_cast %broadcast_in_dim3A_5 : vector<16xf32> to vector<16xf32>
    tpu.vector_store %arg14[%swap3A_82], %swap3A_85 {strides = array<i32>} : memref<640xf32, #tpu.memory_space<vmem>>, vector<16xf32>,
    %swap3A_86 = arith.constant 112 : index
    %swap3A_87 = tpu.vector_load %arg14[%swap3A_86] {strides = array<i32>} : memref<640xf32, #tpu.memory_space<vmem>>, vector<16xf32>,
    %swap3A_88 = vector.shape_cast %swap3A_87 : vector<16xf32> to vector<16xf32>
    %swap3A_89 = vector.shape_cast %broadcast_in_dim3A_5 : vector<16xf32> to vector<16xf32>
    tpu.vector_store %arg14[%swap3A_86], %swap3A_89 {strides = array<i32>} : memref<640xf32, #tpu.memory_space<vmem>>, vector<16xf32>,
    %swap3A_90 = arith.constant 128 : index
    %swap3A_91 = tpu.vector_load %arg14[%swap3A_90] {strides = array<i32>} : memref<640xf32, #tpu.memory_space<vmem>>, vector<16xf32>,
    %swap3A_92 = vector.shape_cast %swap3A_91 : vector<16xf32> to vector<16xf32>
    %swap3A_93 = vector.shape_cast %broadcast_in_dim3A_5 : vector<16xf32> to vector<16xf32>
    tpu.vector_store %arg14[%swap3A_90], %swap3A_93 {strides = array<i32>} : memref<640xf32, #tpu.memory_space<vmem>>, vector<16xf32>,
    %swap3A_94 = arith.constant 144 : index
    %swap3A_95 = tpu.vector_load %arg14[%swap3A_94] {strides = array<i32>} : memref<640xf32, #tpu.memory_space<vmem>>, vector<16xf32>,
    %swap3A_96 = vector.shape_cast %swap3A_95 : vector<16xf32> to vector<16xf32>
    %swap3A_97 = vector.shape_cast %broadcast_in_dim3A_5 : vector<16xf32> to vector<16xf32>
    tpu.vector_store %arg14[%swap3A_94], %swap3A_97 {strides = array<i32>} : memref<640xf32, #tpu.memory_space<vmem>>, vector<16xf32>,
    %swap3A_98 = arith.constant 160 : index
    %swap3A_99 = tpu.vector_load %arg14[%swap3A_98] {strides = array<i32>} : memref<640xf32, #tpu.memory_space<vmem>>, vector<16xf32>,
    %swap3A_100 = vector.shape_cast %swap3A_99 : vector<16xf32> to vector<16xf32>
    %swap3A_101 = vector.shape_cast %broadcast_in_dim3A_5 : vector<16xf32> to vector<16xf32>
    tpu.vector_store %arg14[%swap3A_98], %swap3A_101 {strides = array<i32>} : memref<640xf32, #tpu.memory_space<vmem>>, vector<16xf32>,
    %swap3A_102 = arith.constant 176 : index
    %swap3A_103 = tpu.vector_load %arg14[%swap3A_102] {strides = array<i32>} : memref<640xf32, #tpu.memory_space<vmem>>, vector<16xf32>,
    %swap3A_104 = vector.shape_cast %swap3A_103 : vector<16xf32> to vector<16xf32>
    %swap3A_105 = vector.shape_cast %broadcast_in_dim3A_5 : vector<16xf32> to vector<16xf32>
    tpu.vector_store %arg14[%swap3A_102], %swap3A_105 {strides = array<i32>} : memref<640xf32, #tpu.memory_space<vmem>>, vector<16xf32>,
    %swap3A_106 = arith.constant 192 : index
    %swap3A_107 = tpu.vector_load %arg14[%swap3A_106] {strides = array<i32>} : memref<640xf32, #tpu.memory_space<vmem>>, vector<16xf32>,
    %swap3A_108 = vector.shape_cast %swap3A_107 : vector<16xf32> to vector<16xf32>
    %swap3A_109 = vector.shape_cast %broadcast_in_dim3A_5 : vector<16xf32> to vector<16xf32>
    tpu.vector_store %arg14[%swap3A_106], %swap3A_109 {strides = array<i32>} : memref<640xf32, #tpu.memory_space<vmem>>, vector<16xf32>,
    %swap3A_110 = arith.constant 208 : index
    %swap3A_111 = tpu.vector_load %arg14[%swap3A_110] {strides = array<i32>} : memref<640xf32, #tpu.memory_space<vmem>>, vector<16xf32>,
    %swap3A_112 = vector.shape_cast %swap3A_111 : vector<16xf32> to vector<16xf32>
    %swap3A_113 = vector.shape_cast %broadcast_in_dim3A_5 : vector<16xf32> to vector<16xf32>
    tpu.vector_store %arg14[%swap3A_110], %swap3A_113 {strides = array<i32>} : memref<640xf32, #tpu.memory_space<vmem>>, vector<16xf32>,
    %swap3A_114 = arith.constant 224 : index
    %swap3A_115 = tpu.vector_load %arg14[%swap3A_114] {strides = array<i32>} : memref<640xf32, #tpu.memory_space<vmem>>, vector<16xf32>,
    %swap3A_116 = vector.shape_cast %swap3A_115 : vector<16xf32> to vector<16xf32>
    %swap3A_117 = vector.shape_cast %broadcast_in_dim3A_5 : vector<16xf32> to vector<16xf32>
    tpu.vector_store %arg14[%swap3A_114], %swap3A_117 {strides = array<i32>} : memref<640xf32, #tpu.memory_space<vmem>>, vector<16xf32>,
    %swap3A_118 = arith.constant 240 : index
    %swap3A_119 = tpu.vector_load %arg14[%swap3A_118] {strides = array<i32>} : memref<640xf32, #tpu.memory_space<vmem>>, vector<16xf32>,
    %swap3A_120 = vector.shape_cast %swap3A_119 : vector<16xf32> to vector<16xf32>
    %swap3A_121 = vector.shape_cast %broadcast_in_dim3A_5 : vector<16xf32> to vector<16xf32>
    tpu.vector_store %arg14[%swap3A_118], %swap3A_121 {strides = array<i32>} : memref<640xf32, #tpu.memory_space<vmem>>, vector<16xf32>,
    %swap3A_122 = arith.constant 256 : index
    %swap3A_123 = tpu.vector_load %arg14[%swap3A_122] {strides = array<i32>} : memref<640xf32, #tpu.memory_space<vmem>>, vector<16xf32>,
    %swap3A_124 = vector.shape_cast %swap3A_123 : vector<16xf32> to vector<16xf32>
    %swap3A_125 = vector.shape_cast %broadcast_in_dim3A_5 : vector<16xf32> to vector<16xf32>
    tpu.vector_store %arg14[%swap3A_122], %swap3A_125 {strides = array<i32>} : memref<640xf32, #tpu.memory_space<vmem>>, vector<16xf32>,
    %swap3A_126 = arith.constant 272 : index
    %swap3A_127 = tpu.vector_load %arg14[%swap3A_126] {strides = array<i32>} : memref<640xf32, #tpu.memory_space<vmem>>, vector<16xf32>,
    %swap3A_128 = vector.shape_cast %swap3A_127 : vector<16xf32> to vector<16xf32>
    %swap3A_129 = vector.shape_cast %broadcast_in_dim3A_5 : vector<16xf32> to vector<16xf32>
    tpu.vector_store %arg14[%swap3A_126], %swap3A_129 {strides = array<i32>} : memref<640xf32, #tpu.memory_space<vmem>>, vector<16xf32>,
    %swap3A_130 = arith.constant 288 : index
    %swap3A_131 = tpu.vector_load %arg14[%swap3A_130] {strides = array<i32>} : memref<640xf32, #tpu.memory_space<vmem>>, vector<16xf32>,
    %swap3A_132 = vector.shape_cast %swap3A_131 : vector<16xf32> to vector<16xf32>
    %swap3A_133 = vector.shape_cast %broadcast_in_dim3A_5 : vector<16xf32> to vector<16xf32>
    tpu.vector_store %arg14[%swap3A_130], %swap3A_133 {strides = array<i32>} : memref<640xf32, #tpu.memory_space<vmem>>, vector<16xf32>,
    %swap3A_134 = arith.constant 304 : index
    %swap3A_135 = tpu.vector_load %arg14[%swap3A_134] {strides = array<i32>} : memref<640xf32, #tpu.memory_space<vmem>>, vector<16xf32>,
    %swap3A_136 = vector.shape_cast %swap3A_135 : vector<16xf32> to vector<16xf32>
    %swap3A_137 = vector.shape_cast %broadcast_in_dim3A_5 : vector<16xf32> to vector<16xf32>
    tpu.vector_store %arg14[%swap3A_134], %swap3A_137 {strides = array<i32>} : memref<640xf32, #tpu.memory_space<vmem>>, vector<16xf32>,
    %swap3A_138 = arith.constant 320 : index
    %swap3A_139 = tpu.vector_load %arg14[%swap3A_138] {strides = array<i32>} : memref<640xf32, #tpu.memory_space<vmem>>, vector<16xf32>,
    %swap3A_140 = vector.shape_cast %swap3A_139 : vector<16xf32> to vector<16xf32>
    %swap3A_141 = vector.shape_cast %broadcast_in_dim3A_5 : vector<16xf32> to vector<16xf32>
    tpu.vector_store %arg14[%swap3A_138], %swap3A_141 {strides = array<i32>} : memref<640xf32, #tpu.memory_space<vmem>>, vector<16xf32>,
    %swap3A_142 = arith.constant 336 : index
    %swap3A_143 = tpu.vector_load %arg14[%swap3A_142] {strides = array<i32>} : memref<640xf32, #tpu.memory_space<vmem>>, vector<16xf32>,
    %swap3A_144 = vector.shape_cast %swap3A_143 : vector<16xf32> to vector<16xf32>
    %swap3A_145 = vector.shape_cast %broadcast_in_dim3A_5 : vector<16xf32> to vector<16xf32>
    tpu.vector_store %arg14[%swap3A_142], %swap3A_145 {strides = array<i32>} : memref<640xf32, #tpu.memory_space<vmem>>, vector<16xf32>,
    %swap3A_146 = arith.constant 352 : index
    %swap3A_147 = tpu.vector_load %arg14[%swap3A_146] {strides = array<i32>} : memref<640xf32, #tpu.memory_space<vmem>>, vector<16xf32>,
    %swap3A_148 = vector.shape_cast %swap3A_147 : vector<16xf32> to vector<16xf32>
    %swap3A_149 = vector.shape_cast %broadcast_in_dim3A_5 : vector<16xf32> to vector<16xf32>
    tpu.vector_store %arg14[%swap3A_146], %swap3A_149 {strides = array<i32>} : memref<640xf32, #tpu.memory_space<vmem>>, vector<16xf32>,
    %swap3A_150 = arith.constant 368 : index
    %swap3A_151 = tpu.vector_load %arg14[%swap3A_150] {strides = array<i32>} : memref<640xf32, #tpu.memory_space<vmem>>, vector<16xf32>,
    %swap3A_152 = vector.shape_cast %swap3A_151 : vector<16xf32> to vector<16xf32>
    %swap3A_153 = vector.shape_cast %broadcast_in_dim3A_5 : vector<16xf32> to vector<16xf32>
    tpu.vector_store %arg14[%swap3A_150], %swap3A_153 {strides = array<i32>} : memref<640xf32, #tpu.memory_space<vmem>>, vector<16xf32>,
    %swap3A_154 = arith.constant 384 : index
    %swap3A_155 = tpu.vector_load %arg14[%swap3A_154] {strides = array<i32>} : memref<640xf32, #tpu.memory_space<vmem>>, vector<16xf32>,
    %swap3A_156 = vector.shape_cast %swap3A_155 : vector<16xf32> to vector<16xf32>
    %swap3A_157 = vector.shape_cast %broadcast_in_dim3A_5 : vector<16xf32> to vector<16xf32>
    tpu.vector_store %arg14[%swap3A_154], %swap3A_157 {strides = array<i32>} : memref<640xf32, #tpu.memory_space<vmem>>, vector<16xf32>,
    %swap3A_158 = arith.constant 400 : index
    %swap3A_159 = tpu.vector_load %arg14[%swap3A_158] {strides = array<i32>} : memref<640xf32, #tpu.memory_space<vmem>>, vector<16xf32>,
    %swap3A_160 = vector.shape_cast %swap3A_159 : vector<16xf32> to vector<16xf32>
    %swap3A_161 = vector.shape_cast %broadcast_in_dim3A_5 : vector<16xf32> to vector<16xf32>
    tpu.vector_store %arg14[%swap3A_158], %swap3A_161 {strides = array<i32>} : memref<640xf32, #tpu.memory_space<vmem>>, vector<16xf32>,
    %swap3A_162 = arith.constant 416 : index
    %swap3A_163 = tpu.vector_load %arg14[%swap3A_162] {strides = array<i32>} : memref<640xf32, #tpu.memory_space<vmem>>, vector<16xf32>,
    %swap3A_164 = vector.shape_cast %swap3A_163 : vector<16xf32> to vector<16xf32>
    %swap3A_165 = vector.shape_cast %broadcast_in_dim3A_5 : vector<16xf32> to vector<16xf32>
    tpu.vector_store %arg14[%swap3A_162], %swap3A_165 {strides = array<i32>} : memref<640xf32, #tpu.memory_space<vmem>>, vector<16xf32>,
    %swap3A_166 = arith.constant 432 : index
    %swap3A_167 = tpu.vector_load %arg14[%swap3A_166] {strides = array<i32>} : memref<640xf32, #tpu.memory_space<vmem>>, vector<16xf32>,
    %swap3A_168 = vector.shape_cast %swap3A_167 : vector<16xf32> to vector<16xf32>
    %swap3A_169 = vector.shape_cast %broadcast_in_dim3A_5 : vector<16xf32> to vector<16xf32>
    tpu.vector_store %arg14[%swap3A_166], %swap3A_169 {strides = array<i32>} : memref<640xf32, #tpu.memory_space<vmem>>, vector<16xf32>,
    %swap3A_170 = arith.constant 448 : index
    %swap3A_171 = tpu.vector_load %arg14[%swap3A_170] {strides = array<i32>} : memref<640xf32, #tpu.memory_space<vmem>>, vector<16xf32>,
    %swap3A_172 = vector.shape_cast %swap3A_171 : vector<16xf32> to vector<16xf32>
    %swap3A_173 = vector.shape_cast %broadcast_in_dim3A_5 : vector<16xf32> to vector<16xf32>
    tpu.vector_store %arg14[%swap3A_170], %swap3A_173 {strides = array<i32>} : memref<640xf32, #tpu.memory_space<vmem>>, vector<16xf32>,
    %swap3A_174 = arith.constant 464 : index
    %swap3A_175 = tpu.vector_load %arg14[%swap3A_174] {strides = array<i32>} : memref<640xf32, #tpu.memory_space<vmem>>, vector<16xf32>,
    %swap3A_176 = vector.shape_cast %swap3A_175 : vector<16xf32> to vector<16xf32>
    %swap3A_177 = vector.shape_cast %broadcast_in_dim3A_5 : vector<16xf32> to vector<16xf32>
    tpu.vector_store %arg14[%swap3A_174], %swap3A_177 {strides = array<i32>} : memref<640xf32, #tpu.memory_space<vmem>>, vector<16xf32>,
    %swap3A_178 = arith.constant 480 : index
    %swap3A_179 = tpu.vector_load %arg14[%swap3A_178] {strides = array<i32>} : memref<640xf32, #tpu.memory_space<vmem>>, vector<16xf32>,
    %swap3A_180 = vector.shape_cast %swap3A_179 : vector<16xf32> to vector<16xf32>
    %swap3A_181 = vector.shape_cast %broadcast_in_dim3A_5 : vector<16xf32> to vector<16xf32>
    tpu.vector_store %arg14[%swap3A_178], %swap3A_181 {strides = array<i32>} : memref<640xf32, #tpu.memory_space<vmem>>, vector<16xf32>,
    %swap3A_182 = arith.constant 496 : index
    %swap3A_183 = tpu.vector_load %arg14[%swap3A_182] {strides = array<i32>} : memref<640xf32, #tpu.memory_space<vmem>>, vector<16xf32>,
    %swap3A_184 = vector.shape_cast %swap3A_183 : vector<16xf32> to vector<16xf32>
    %swap3A_185 = vector.shape_cast %broadcast_in_dim3A_5 : vector<16xf32> to vector<16xf32>
    tpu.vector_store %arg14[%swap3A_182], %swap3A_185 {strides = array<i32>} : memref<640xf32, #tpu.memory_space<vmem>>, vector<16xf32>,
    %swap3A_186 = arith.constant 512 : index
    %swap3A_187 = tpu.vector_load %arg14[%swap3A_186] {strides = array<i32>} : memref<640xf32, #tpu.memory_space<vmem>>, vector<16xf32>,
    %swap3A_188 = vector.shape_cast %swap3A_187 : vector<16xf32> to vector<16xf32>
    %swap3A_189 = vector.shape_cast %broadcast_in_dim3A_5 : vector<16xf32> to vector<16xf32>
    tpu.vector_store %arg14[%swap3A_186], %swap3A_189 {strides = array<i32>} : memref<640xf32, #tpu.memory_space<vmem>>, vector<16xf32>,
    %swap3A_190 = arith.constant 528 : index
    %swap3A_191 = tpu.vector_load %arg14[%swap3A_190] {strides = array<i32>} : memref<640xf32, #tpu.memory_space<vmem>>, vector<16xf32>,
    %swap3A_192 = vector.shape_cast %swap3A_191 : vector<16xf32> to vector<16xf32>
    %swap3A_193 = vector.shape_cast %broadcast_in_dim3A_5 : vector<16xf32> to vector<16xf32>
    tpu.vector_store %arg14[%swap3A_190], %swap3A_193 {strides = array<i32>} : memref<640xf32, #tpu.memory_space<vmem>>, vector<16xf32>,
    %swap3A_194 = arith.constant 544 : index
    %swap3A_195 = tpu.vector_load %arg14[%swap3A_194] {strides = array<i32>} : memref<640xf32, #tpu.memory_space<vmem>>, vector<16xf32>,
    %swap3A_196 = vector.shape_cast %swap3A_195 : vector<16xf32> to vector<16xf32>
    %swap3A_197 = vector.shape_cast %broadcast_in_dim3A_5 : vector<16xf32> to vector<16xf32>
    tpu.vector_store %arg14[%swap3A_194], %swap3A_197 {strides = array<i32>} : memref<640xf32, #tpu.memory_space<vmem>>, vector<16xf32>,
    %swap3A_198 = arith.constant 560 : index
    %swap3A_199 = tpu.vector_load %arg14[%swap3A_198] {strides = array<i32>} : memref<640xf32, #tpu.memory_space<vmem>>, vector<16xf32>,
    %swap3A_200 = vector.shape_cast %swap3A_199 : vector<16xf32> to vector<16xf32>
    %swap3A_201 = vector.shape_cast %broadcast_in_dim3A_5 : vector<16xf32> to vector<16xf32>
    tpu.vector_store %arg14[%swap3A_198], %swap3A_201 {strides = array<i32>} : memref<640xf32, #tpu.memory_space<vmem>>, vector<16xf32>,
    %swap3A_202 = arith.constant 576 : index
    %swap3A_203 = tpu.vector_load %arg14[%swap3A_202] {strides = array<i32>} : memref<640xf32, #tpu.memory_space<vmem>>, vector<16xf32>,
    %swap3A_204 = vector.shape_cast %swap3A_203 : vector<16xf32> to vector<16xf32>
    %swap3A_205 = vector.shape_cast %broadcast_in_dim3A_5 : vector<16xf32> to vector<16xf32>
    tpu.vector_store %arg14[%swap3A_202], %swap3A_205 {strides = array<i32>} : memref<640xf32, #tpu.memory_space<vmem>>, vector<16xf32>,
    %swap3A_206 = arith.constant 592 : index
    %swap3A_207 = tpu.vector_load %arg14[%swap3A_206] {strides = array<i32>} : memref<640xf32, #tpu.memory_space<vmem>>, vector<16xf32>,
    %swap3A_208 = vector.shape_cast %swap3A_207 : vector<16xf32> to vector<16xf32>
    %swap3A_209 = vector.shape_cast %broadcast_in_dim3A_5 : vector<16xf32> to vector<16xf32>
    tpu.vector_store %arg14[%swap3A_206], %swap3A_209 {strides = array<i32>} : memref<640xf32, #tpu.memory_space<vmem>>, vector<16xf32>,
    %swap3A_210 = arith.constant 608 : index
    %swap3A_211 = tpu.vector_load %arg14[%swap3A_210] {strides = array<i32>} : memref<640xf32, #tpu.memory_space<vmem>>, vector<16xf32>,
    %swap3A_212 = vector.shape_cast %swap3A_211 : vector<16xf32> to vector<16xf32>
    %swap3A_213 = vector.shape_cast %broadcast_in_dim3A_5 : vector<16xf32> to vector<16xf32>
    tpu.vector_store %arg14[%swap3A_210], %swap3A_213 {strides = array<i32>} : memref<640xf32, #tpu.memory_space<vmem>>, vector<16xf32>,
    %swap3A_214 = arith.constant 624 : index
    %swap3A_215 = tpu.vector_load %arg14[%swap3A_214] {strides = array<i32>} : memref<640xf32, #tpu.memory_space<vmem>>, vector<16xf32>,
    %swap3A_216 = vector.shape_cast %swap3A_215 : vector<16xf32> to vector<16xf32>
    %swap3A_217 = vector.shape_cast %broadcast_in_dim3A_5 : vector<16xf32> to vector<16xf32>
    tpu.vector_store %arg14[%swap3A_214], %swap3A_217 {strides = array<i32>} : memref<640xf32, #tpu.memory_space<vmem>>, vector<16xf32>,
    %add3A_218 = arith.constant 0 : i32
    %add3A_219 = arith.addi %mul3A_0, %add3A_218 : i32
    "tpu.region"() ({
      %run_scoped3A = tpu.sem_alloc : memref<!tpu.dma_semaphore, #tpu.memory_space<semaphore_mem>>
      %dma_start3A_288 = arith.constant 0 : i32
      %dma_start3A_289 = tpu.memref_slice %arg15[%add3A_219, %dma_start3A_288] : memref<10240x128xf32, #tpu.memory_space<vmem_shared>> -> memref<128x128xf32, #tpu.memory_space<vmem_shared>>
      %dma_start3A_290 = arith.constant 0 : i32
      %dma_start3A_291 = tpu.memref_slice %arg15[%add3A_219, %dma_start3A_290] : memref<10240x128xf32, #tpu.memory_space<vmem_shared>> -> memref<128x128xf32, #tpu.memory_space<vmem_shared>>
      tpu.enqueue_dma source(%arg11 : memref<128x128xf32, #tpu.memory_space<vmem>>) target(%dma_start3A_291 : memref<128x128xf32, #tpu.memory_space<vmem_shared>>) target_semaphore(%run_scoped3A : memref<!tpu.dma_semaphore, #tpu.memory_space<semaphore_mem>>)
      %dma_wait3A_292 = arith.constant 0 : i32
      %dma_wait3A_293 = tpu.memref_slice %arg15[%add3A_219, %dma_wait3A_292] : memref<10240x128xf32, #tpu.memory_space<vmem_shared>> -> memref<128x128xf32, #tpu.memory_space<vmem_shared>>
      %dma_wait3A_294 = arith.constant 0 : i32
      %dma_wait3A_295 = tpu.memref_slice %arg15[%add3A_219, %dma_wait3A_294] : memref<10240x128xf32, #tpu.memory_space<vmem_shared>> -> memref<128x128xf32, #tpu.memory_space<vmem_shared>>
      tpu.wait_dma2 semaphore(%run_scoped3A : memref<!tpu.dma_semaphore, #tpu.memory_space<semaphore_mem>>) src(%arg11 : memref<128x128xf32, #tpu.memory_space<vmem>>) dst(%dma_wait3A_295 : memref<128x128xf32, #tpu.memory_space<vmem_shared>>)
      tpu.yield
    }) : () -> ()
    %add3A_220 = arith.constant 128 : i32
    %add3A_221 = arith.addi %mul3A_0, %add3A_220 : i32
    "tpu.region"() ({
      %run_scoped3A = tpu.sem_alloc : memref<!tpu.dma_semaphore, #tpu.memory_space<semaphore_mem>>
      %dma_start3A_288 = arith.constant 0 : i32
      %dma_start3A_289 = tpu.memref_slice %arg15[%add3A_221, %dma_start3A_288] : memref<10240x128xf32, #tpu.memory_space<vmem_shared>> -> memref<128x128xf32, #tpu.memory_space<vmem_shared>>
      %dma_start3A_290 = arith.constant 0 : i32
      %dma_start3A_291 = tpu.memref_slice %arg15[%add3A_221, %dma_start3A_290] : memref<10240x128xf32, #tpu.memory_space<vmem_shared>> -> memref<128x128xf32, #tpu.memory_space<vmem_shared>>
      tpu.enqueue_dma source(%arg11 : memref<128x128xf32, #tpu.memory_space<vmem>>) target(%dma_start3A_291 : memref<128x128xf32, #tpu.memory_space<vmem_shared>>) target_semaphore(%run_scoped3A : memref<!tpu.dma_semaphore, #tpu.memory_space<semaphore_mem>>)
      %dma_wait3A_292 = arith.constant 0 : i32
      %dma_wait3A_293 = tpu.memref_slice %arg15[%add3A_221, %dma_wait3A_292] : memref<10240x128xf32, #tpu.memory_space<vmem_shared>> -> memref<128x128xf32, #tpu.memory_space<vmem_shared>>
      %dma_wait3A_294 = arith.constant 0 : i32
      %dma_wait3A_295 = tpu.memref_slice %arg15[%add3A_221, %dma_wait3A_294] : memref<10240x128xf32, #tpu.memory_space<vmem_shared>> -> memref<128x128xf32, #tpu.memory_space<vmem_shared>>
      tpu.wait_dma2 semaphore(%run_scoped3A : memref<!tpu.dma_semaphore, #tpu.memory_space<semaphore_mem>>) src(%arg11 : memref<128x128xf32, #tpu.memory_space<vmem>>) dst(%dma_wait3A_295 : memref<128x128xf32, #tpu.memory_space<vmem_shared>>)
      tpu.yield
    }) : () -> ()
    %add3A_222 = arith.constant 256 : i32
    %add3A_223 = arith.addi %mul3A_0, %add3A_222 : i32
    "tpu.region"() ({
      %run_scoped3A = tpu.sem_alloc : memref<!tpu.dma_semaphore, #tpu.memory_space<semaphore_mem>>
      %dma_start3A_288 = arith.constant 0 : i32
      %dma_start3A_289 = tpu.memref_slice %arg15[%add3A_223, %dma_start3A_288] : memref<10240x128xf32, #tpu.memory_space<vmem_shared>> -> memref<128x128xf32, #tpu.memory_space<vmem_shared>>
      %dma_start3A_290 = arith.constant 0 : i32
      %dma_start3A_291 = tpu.memref_slice %arg15[%add3A_223, %dma_start3A_290] : memref<10240x128xf32, #tpu.memory_space<vmem_shared>> -> memref<128x128xf32, #tpu.memory_space<vmem_shared>>
      tpu.enqueue_dma source(%arg11 : memref<128x128xf32, #tpu.memory_space<vmem>>) target(%dma_start3A_291 : memref<128x128xf32, #tpu.memory_space<vmem_shared>>) target_semaphore(%run_scoped3A : memref<!tpu.dma_semaphore, #tpu.memory_space<semaphore_mem>>)
      %dma_wait3A_292 = arith.constant 0 : i32
      %dma_wait3A_293 = tpu.memref_slice %arg15[%add3A_223, %dma_wait3A_292] : memref<10240x128xf32, #tpu.memory_space<vmem_shared>> -> memref<128x128xf32, #tpu.memory_space<vmem_shared>>
      %dma_wait3A_294 = arith.constant 0 : i32
      %dma_wait3A_295 = tpu.memref_slice %arg15[%add3A_223, %dma_wait3A_294] : memref<10240x128xf32, #tpu.memory_space<vmem_shared>> -> memref<128x128xf32, #tpu.memory_space<vmem_shared>>
      tpu.wait_dma2 semaphore(%run_scoped3A : memref<!tpu.dma_semaphore, #tpu.memory_space<semaphore_mem>>) src(%arg11 : memref<128x128xf32, #tpu.memory_space<vmem>>) dst(%dma_wait3A_295 : memref<128x128xf32, #tpu.memory_space<vmem_shared>>)
      tpu.yield
    }) : () -> ()
    %add3A_224 = arith.constant 384 : i32
    %add3A_225 = arith.addi %mul3A_0, %add3A_224 : i32
    "tpu.region"() ({
      %run_scoped3A = tpu.sem_alloc : memref<!tpu.dma_semaphore, #tpu.memory_space<semaphore_mem>>
      %dma_start3A_288 = arith.constant 0 : i32
      %dma_start3A_289 = tpu.memref_slice %arg15[%add3A_225, %dma_start3A_288] : memref<10240x128xf32, #tpu.memory_space<vmem_shared>> -> memref<128x128xf32, #tpu.memory_space<vmem_shared>>
      %dma_start3A_290 = arith.constant 0 : i32
      %dma_start3A_291 = tpu.memref_slice %arg15[%add3A_225, %dma_start3A_290] : memref<10240x128xf32, #tpu.memory_space<vmem_shared>> -> memref<128x128xf32, #tpu.memory_space<vmem_shared>>
      tpu.enqueue_dma source(%arg11 : memref<128x128xf32, #tpu.memory_space<vmem>>) target(%dma_start3A_291 : memref<128x128xf32, #tpu.memory_space<vmem_shared>>) target_semaphore(%run_scoped3A : memref<!tpu.dma_semaphore, #tpu.memory_space<semaphore_mem>>)
      %dma_wait3A_292 = arith.constant 0 : i32
      %dma_wait3A_293 = tpu.memref_slice %arg15[%add3A_225, %dma_wait3A_292] : memref<10240x128xf32, #tpu.memory_space<vmem_shared>> -> memref<128x128xf32, #tpu.memory_space<vmem_shared>>
      %dma_wait3A_294 = arith.constant 0 : i32
      %dma_wait3A_295 = tpu.memref_slice %arg15[%add3A_225, %dma_wait3A_294] : memref<10240x128xf32, #tpu.memory_space<vmem_shared>> -> memref<128x128xf32, #tpu.memory_space<vmem_shared>>
      tpu.wait_dma2 semaphore(%run_scoped3A : memref<!tpu.dma_semaphore, #tpu.memory_space<semaphore_mem>>) src(%arg11 : memref<128x128xf32, #tpu.memory_space<vmem>>) dst(%dma_wait3A_295 : memref<128x128xf32, #tpu.memory_space<vmem_shared>>)
      tpu.yield
    }) : () -> ()
    %add3A_226 = arith.constant 512 : i32
    %add3A_227 = arith.addi %mul3A_0, %add3A_226 : i32
    "tpu.region"() ({
      %run_scoped3A = tpu.sem_alloc : memref<!tpu.dma_semaphore, #tpu.memory_space<semaphore_mem>>
      %dma_start3A_288 = arith.constant 0 : i32
      %dma_start3A_289 = tpu.memref_slice %arg15[%add3A_227, %dma_start3A_288] : memref<10240x128xf32, #tpu.memory_space<vmem_shared>> -> memref<128x128xf32, #tpu.memory_space<vmem_shared>>
      %dma_start3A_290 = arith.constant 0 : i32
      %dma_start3A_291 = tpu.memref_slice %arg15[%add3A_227, %dma_start3A_290] : memref<10240x128xf32, #tpu.memory_space<vmem_shared>> -> memref<128x128xf32, #tpu.memory_space<vmem_shared>>
      tpu.enqueue_dma source(%arg11 : memref<128x128xf32, #tpu.memory_space<vmem>>) target(%dma_start3A_291 : memref<128x128xf32, #tpu.memory_space<vmem_shared>>) target_semaphore(%run_scoped3A : memref<!tpu.dma_semaphore, #tpu.memory_space<semaphore_mem>>)
      %dma_wait3A_292 = arith.constant 0 : i32
      %dma_wait3A_293 = tpu.memref_slice %arg15[%add3A_227, %dma_wait3A_292] : memref<10240x128xf32, #tpu.memory_space<vmem_shared>> -> memref<128x128xf32, #tpu.memory_space<vmem_shared>>
      %dma_wait3A_294 = arith.constant 0 : i32
      %dma_wait3A_295 = tpu.memref_slice %arg15[%add3A_227, %dma_wait3A_294] : memref<10240x128xf32, #tpu.memory_space<vmem_shared>> -> memref<128x128xf32, #tpu.memory_space<vmem_shared>>
      tpu.wait_dma2 semaphore(%run_scoped3A : memref<!tpu.dma_semaphore, #tpu.memory_space<semaphore_mem>>) src(%arg11 : memref<128x128xf32, #tpu.memory_space<vmem>>) dst(%dma_wait3A_295 : memref<128x128xf32, #tpu.memory_space<vmem_shared>>)
      tpu.yield
    }) : () -> ()
    "tpu.region"() ({
      %run_scoped3A = tpu.sem_alloc : memref<!tpu.dma_semaphore, #tpu.memory_space<semaphore_mem>>
      %dma_start3A_288 = tpu.memref_slice %arg16[%mul3A_0] : memref<10240xf32, #tpu.memory_space<vmem_shared>> -> memref<640xf32, #tpu.memory_space<vmem_shared>>
      %dma_start3A_289 = tpu.memref_slice %arg16[%mul3A_0] : memref<10240xf32, #tpu.memory_space<vmem_shared>> -> memref<640xf32, #tpu.memory_space<vmem_shared>>
      tpu.enqueue_dma source(%arg14 : memref<640xf32, #tpu.memory_space<vmem>>) target(%dma_start3A_289 : memref<640xf32, #tpu.memory_space<vmem_shared>>) target_semaphore(%run_scoped3A : memref<!tpu.dma_semaphore, #tpu.memory_space<semaphore_mem>>)
      %dma_wait3A_290 = tpu.memref_slice %arg16[%mul3A_0] : memref<10240xf32, #tpu.memory_space<vmem_shared>> -> memref<640xf32, #tpu.memory_space<vmem_shared>>
      %dma_wait3A_291 = tpu.memref_slice %arg16[%mul3A_0] : memref<10240xf32, #tpu.memory_space<vmem_shared>> -> memref<640xf32, #tpu.memory_space<vmem_shared>>
      tpu.wait_dma2 semaphore(%run_scoped3A : memref<!tpu.dma_semaphore, #tpu.memory_space<semaphore_mem>>) src(%arg14 : memref<640xf32, #tpu.memory_space<vmem>>) dst(%dma_wait3A_291 : memref<640xf32, #tpu.memory_space<vmem_shared>>)
      tpu.yield
    }) : () -> ()
    %add3A_228 = arith.constant 0 : i32
    %add3A_229 = arith.addi %mul3A_4, %add3A_228 : i32
    %dma_start3A = arith.constant 0 : i32
    %dma_start3A_230 = tpu.memref_slice %arg3[%add3A_229, %dma_start3A] : memref<2560x128xi32, #tpu.memory_space<hbm>> -> memref<8x128xi32, #tpu.memory_space<hbm>>
    %dma_start3A_231 = arith.constant 0 : i32
    %dma_start3A_232 = tpu.memref_slice %arg3[%add3A_229, %dma_start3A_231] : memref<2560x128xi32, #tpu.memory_space<hbm>> -> memref<8x128xi32, #tpu.memory_space<hbm>>
    tpu.enqueue_dma source(%dma_start3A_232 : memref<8x128xi32, #tpu.memory_space<hbm>>) target(%arg7 : memref<8x128xi32, #tpu.memory_space<vmem>>) target_semaphore(%arg23 : memref<!tpu.dma_semaphore, #tpu.memory_space<semaphore_mem>>)
    %dma_start3A_233 = arith.constant 0 : i32
    %dma_start3A_234 = tpu.memref_slice %arg4[%add3A_229, %dma_start3A_233] : memref<2560x128xi32, #tpu.memory_space<hbm>> -> memref<8x128xi32, #tpu.memory_space<hbm>>
    %dma_start3A_235 = arith.constant 0 : i32
    %dma_start3A_236 = tpu.memref_slice %arg4[%add3A_229, %dma_start3A_235] : memref<2560x128xi32, #tpu.memory_space<hbm>> -> memref<8x128xi32, #tpu.memory_space<hbm>>
    tpu.enqueue_dma source(%dma_start3A_236 : memref<8x128xi32, #tpu.memory_space<hbm>>) target(%arg8 : memref<8x128xi32, #tpu.memory_space<vmem>>) target_semaphore(%arg23 : memref<!tpu.dma_semaphore, #tpu.memory_space<semaphore_mem>>)
    %add3A_237 = arith.constant 8 : i32
    %add3A_238 = arith.addi %mul3A_4, %add3A_237 : i32
    %dma_start3A_239 = arith.constant 0 : i32
    %dma_start3A_240 = tpu.memref_slice %arg3[%add3A_238, %dma_start3A_239] : memref<2560x128xi32, #tpu.memory_space<hbm>> -> memref<8x128xi32, #tpu.memory_space<hbm>>
    %dma_start3A_241 = arith.constant 0 : i32
    %dma_start3A_242 = tpu.memref_slice %arg3[%add3A_238, %dma_start3A_241] : memref<2560x128xi32, #tpu.memory_space<hbm>> -> memref<8x128xi32, #tpu.memory_space<hbm>>
    tpu.enqueue_dma source(%dma_start3A_242 : memref<8x128xi32, #tpu.memory_space<hbm>>) target(%arg9 : memref<8x128xi32, #tpu.memory_space<vmem>>) target_semaphore(%arg24 : memref<!tpu.dma_semaphore, #tpu.memory_space<semaphore_mem>>)
    %dma_start3A_243 = arith.constant 0 : i32
    %dma_start3A_244 = tpu.memref_slice %arg4[%add3A_238, %dma_start3A_243] : memref<2560x128xi32, #tpu.memory_space<hbm>> -> memref<8x128xi32, #tpu.memory_space<hbm>>
    %dma_start3A_245 = arith.constant 0 : i32
    %dma_start3A_246 = tpu.memref_slice %arg4[%add3A_238, %dma_start3A_245] : memref<2560x128xi32, #tpu.memory_space<hbm>> -> memref<8x128xi32, #tpu.memory_space<hbm>>
    tpu.enqueue_dma source(%dma_start3A_246 : memref<8x128xi32, #tpu.memory_space<hbm>>) target(%arg10 : memref<8x128xi32, #tpu.memory_space<vmem>>) target_semaphore(%arg24 : memref<!tpu.dma_semaphore, #tpu.memory_space<semaphore_mem>>)
    %dma_wait3A = arith.constant 0 : i32
    %dma_wait3A_247 = arith.constant 0 : i32
    %dma_wait3A_248 = tpu.memref_slice %arg3[%dma_wait3A, %dma_wait3A_247] : memref<2560x128xi32, #tpu.memory_space<hbm>> -> memref<8x128xi32, #tpu.memory_space<hbm>>
    %dma_wait3A_249 = arith.constant 0 : i32
    %dma_wait3A_250 = arith.constant 0 : i32
    %dma_wait3A_251 = tpu.memref_slice %arg3[%dma_wait3A_249, %dma_wait3A_250] : memref<2560x128xi32, #tpu.memory_space<hbm>> -> memref<8x128xi32, #tpu.memory_space<hbm>>
    tpu.wait_dma2 semaphore(%arg23 : memref<!tpu.dma_semaphore, #tpu.memory_space<semaphore_mem>>) src(%dma_wait3A_251 : memref<8x128xi32, #tpu.memory_space<hbm>>) dst(%arg7 : memref<8x128xi32, #tpu.memory_space<vmem>>)
    %dma_wait3A_252 = arith.constant 0 : i32
    %dma_wait3A_253 = arith.constant 0 : i32
    %dma_wait3A_254 = tpu.memref_slice %arg4[%dma_wait3A_252, %dma_wait3A_253] : memref<2560x128xi32, #tpu.memory_space<hbm>> -> memref<8x128xi32, #tpu.memory_space<hbm>>
    %dma_wait3A_255 = arith.constant 0 : i32
    %dma_wait3A_256 = arith.constant 0 : i32
    %dma_wait3A_257 = tpu.memref_slice %arg4[%dma_wait3A_255, %dma_wait3A_256] : memref<2560x128xi32, #tpu.memory_space<hbm>> -> memref<8x128xi32, #tpu.memory_space<hbm>>
    tpu.wait_dma2 semaphore(%arg23 : memref<!tpu.dma_semaphore, #tpu.memory_space<semaphore_mem>>) src(%dma_wait3A_257 : memref<8x128xi32, #tpu.memory_space<hbm>>) dst(%arg8 : memref<8x128xi32, #tpu.memory_space<vmem>>)
    %dma_start3A_258 = arith.constant 0 : i32
    %dma_start3A_259 = arith.constant 0 : i32
    %dma_start3A_260 = tpu.memref_slice %arg7[%dma_start3A_258, %dma_start3A_259] : memref<8x128xi32, #tpu.memory_space<vmem>> -> memref<1x128xi32, #tpu.memory_space<vmem>>
    %dma_start3A_261 = tpu.memref_squeeze %dma_start3A_260 : memref<1x128xi32, #tpu.memory_space<vmem>> -> memref<128xi32, #tpu.memory_space<vmem>>
    %dma_start3A_262 = arith.constant 0 : i32
    %dma_start3A_263 = arith.constant 0 : i32
    %dma_start3A_264 = tpu.memref_slice %arg2[%dma_start3A_262, %dma_start3A_263] : memref<10000x128xf32, #tpu.memory_space<hbm>> -> memref<10000x128xf32, #tpu.memory_space<hbm>>
    tpu.enqueue_indirect_dma source(%dma_start3A_264 : memref<10000x128xf32, #tpu.memory_space<hbm>>) target(%arg11 : memref<128x128xf32, #tpu.memory_space<vmem>>) offsets(%dma_start3A_261 : memref<128xi32, #tpu.memory_space<vmem>>) semaphore(%arg17 : memref<!tpu.dma_semaphore, #tpu.memory_space<semaphore_mem>>)
    %dma_start3A_265 = arith.constant 1 : i32
    %dma_start3A_266 = arith.constant 0 : i32
    %dma_start3A_267 = tpu.memref_slice %arg7[%dma_start3A_265, %dma_start3A_266] : memref<8x128xi32, #tpu.memory_space<vmem>> -> memref<1x128xi32, #tpu.memory_space<vmem>>
    %dma_start3A_268 = tpu.memref_squeeze %dma_start3A_267 : memref<1x128xi32, #tpu.memory_space<vmem>> -> memref<128xi32, #tpu.memory_space<vmem>>
    %dma_start3A_269 = arith.constant 0 : i32
    %dma_start3A_270 = arith.constant 0 : i32
    %dma_start3A_271 = tpu.memref_slice %arg2[%dma_start3A_269, %dma_start3A_270] : memref<10000x128xf32, #tpu.memory_space<hbm>> -> memref<10000x128xf32, #tpu.memory_space<hbm>>
    tpu.enqueue_indirect_dma source(%dma_start3A_271 : memref<10000x128xf32, #tpu.memory_space<hbm>>) target(%arg12 : memref<128x128xf32, #tpu.memory_space<vmem>>) offsets(%dma_start3A_268 : memref<128xi32, #tpu.memory_space<vmem>>) semaphore(%arg18 : memref<!tpu.dma_semaphore, #tpu.memory_space<semaphore_mem>>)
    %barrier3A = arith.constant 0 : index
    tpu.barrier barrier_id(%barrier3A)
    %scan3A_272 = arith.constant 0 : i32
    %scan3A_273 = arith.constant 0 : i32
    %scan3A_274 = arith.constant 5 : i32
    %scan3A_275 = arith.addi %scan3A_273, %scan3A_274 : i32
    %scan3A_276 = arith.constant 1 : i32
    scf.for %scan3A_288 = %scan3A_273 to %scan3A_275 step %scan3A_276  : i32 {
      %lt3A_289 = arith.constant 4 : i32
      %lt3A_290 = arith.cmpi slt, %scan3A_288, %lt3A_289 : i32
      %mul3A_291 = arith.constant 2 : i32
      %mul3A_292 = arith.muli %mul3A_291, %scan3A_288 : i32
      %add3A_293 = arith.constant 0 : i32
      %add3A_294 = arith.addi %mul3A_292, %add3A_293 : i32
      %mul3A_295 = arith.constant 8 : i32
      %mul3A_296 = arith.muli %add3A_294, %mul3A_295 : i32
      %add3A_297 = arith.addi %mul3A_4, %mul3A_296 : i32
      %add3A_298 = arith.constant 0 : i32
      %add3A_299 = arith.addi %add3A_297, %add3A_298 : i32
      %lt3A_300 = arith.constant 2500 : i32
      %lt3A_301 = arith.cmpi slt, %add3A_299, %lt3A_300 : i32
      %convert_element_type3A_302 = arith.extui %lt3A_301 : i1 to i32
      %cond3A_303 = arith.constant 0 : i32
      %cond3A_304 = arith.cmpi ne, %convert_element_type3A_302, %cond3A_303 : i32
      scf.if %cond3A_304 {
        %dma_wait3A_631 = arith.constant 0 : i32
        %dma_wait3A_632 = arith.constant 0 : i32
        %dma_wait3A_633 = tpu.memref_slice %arg7[%dma_wait3A_631, %dma_wait3A_632] : memref<8x128xi32, #tpu.memory_space<vmem>> -> memref<1x128xi32, #tpu.memory_space<vmem>>
        %dma_wait3A_634 = tpu.memref_squeeze %dma_wait3A_633 : memref<1x128xi32, #tpu.memory_space<vmem>> -> memref<128xi32, #tpu.memory_space<vmem>>
        %dma_wait3A_635 = arith.constant 0 : i32
        %dma_wait3A_636 = arith.constant 0 : i32
        %dma_wait3A_637 = tpu.memref_slice %arg2[%dma_wait3A_635, %dma_wait3A_636] : memref<10000x128xf32, #tpu.memory_space<hbm>> -> memref<10000x128xf32, #tpu.memory_space<hbm>>
        tpu.wait_indirect_dma semaphore(%arg17 : memref<!tpu.dma_semaphore, #tpu.memory_space<semaphore_mem>>) src(%dma_wait3A_637 : memref<10000x128xf32, #tpu.memory_space<hbm>>) dst(%arg11 : memref<128x128xf32, #tpu.memory_space<vmem>>)
        %dma_start3A_638 = arith.constant 0 : i32
        %dma_start3A_639 = arith.constant 0 : i32
        %dma_start3A_640 = tpu.memref_slice %arg8[%dma_start3A_638, %dma_start3A_639] : memref<8x128xi32, #tpu.memory_space<vmem>> -> memref<1x128xi32, #tpu.memory_space<vmem>>
        %dma_start3A_641 = tpu.memref_squeeze %dma_start3A_640 : memref<1x128xi32, #tpu.memory_space<vmem>> -> memref<128xi32, #tpu.memory_space<vmem>>
        %dma_start3A_642 = arith.constant 0 : i32
        %dma_start3A_643 = arith.constant 0 : i32
        %dma_start3A_644 = tpu.memref_slice %arg15[%dma_start3A_642, %dma_start3A_643] : memref<10240x128xf32, #tpu.memory_space<vmem_shared>> -> memref<10240x128xf32, #tpu.memory_space<vmem_shared>>
        tpu.enqueue_indirect_dma source(%arg11 : memref<128x128xf32, #tpu.memory_space<vmem>>) target(%dma_start3A_644 : memref<10240x128xf32, #tpu.memory_space<vmem_shared>>) offsets(%dma_start3A_641 : memref<128xi32, #tpu.memory_space<vmem>>) semaphore(%arg19 : memref<!tpu.dma_semaphore, #tpu.memory_space<semaphore_mem>>) {add = true}
        %dma_start3A_645 = arith.constant 0 : i32
        %dma_start3A_646 = arith.constant 0 : i32
        %dma_start3A_647 = tpu.memref_slice %arg8[%dma_start3A_645, %dma_start3A_646] : memref<8x128xi32, #tpu.memory_space<vmem>> -> memref<1x128xi32, #tpu.memory_space<vmem>>
        %dma_start3A_648 = tpu.memref_squeeze %dma_start3A_647 : memref<1x128xi32, #tpu.memory_space<vmem>> -> memref<128xi32, #tpu.memory_space<vmem>>
        %dma_start3A_649 = arith.constant 0 : i32
        %dma_start3A_650 = tpu.memref_slice %arg16[%dma_start3A_649] : memref<10240xf32, #tpu.memory_space<vmem_shared>> -> memref<10240xf32, #tpu.memory_space<vmem_shared>>
        tpu.enqueue_indirect_dma source(%arg13 : memref<128xf32, #tpu.memory_space<vmem>>) target(%dma_start3A_650 : memref<10240xf32, #tpu.memory_space<vmem_shared>>) offsets(%dma_start3A_648 : memref<128xi32, #tpu.memory_space<vmem>>) semaphore(%arg21 : memref<!tpu.dma_semaphore, #tpu.memory_space<semaphore_mem>>) {add = true}
        %dma_wait3A_651 = arith.constant 0 : i32
        %dma_wait3A_652 = arith.constant 0 : i32
        %dma_wait3A_653 = tpu.memref_slice %arg8[%dma_wait3A_651, %dma_wait3A_652] : memref<8x128xi32, #tpu.memory_space<vmem>> -> memref<1x128xi32, #tpu.memory_space<vmem>>
        %dma_wait3A_654 = tpu.memref_squeeze %dma_wait3A_653 : memref<1x128xi32, #tpu.memory_space<vmem>> -> memref<128xi32, #tpu.memory_space<vmem>>
        %dma_wait3A_655 = arith.constant 0 : i32
        %dma_wait3A_656 = arith.constant 0 : i32
        %dma_wait3A_657 = tpu.memref_slice %arg15[%dma_wait3A_655, %dma_wait3A_656] : memref<10240x128xf32, #tpu.memory_space<vmem_shared>> -> memref<10240x128xf32, #tpu.memory_space<vmem_shared>>
        tpu.wait_indirect_dma semaphore(%arg19 : memref<!tpu.dma_semaphore, #tpu.memory_space<semaphore_mem>>) src(%arg11 : memref<128x128xf32, #tpu.memory_space<vmem>>) dst(%dma_wait3A_657 : memref<10240x128xf32, #tpu.memory_space<vmem_shared>>)
      } else {
      }
      %add3A_305 = arith.constant 0 : i32
      %add3A_306 = arith.addi %add3A_297, %add3A_305 : i32
      %add3A_307 = arith.constant 2 : i32
      %add3A_308 = arith.addi %add3A_306, %add3A_307 : i32
      %lt3A_309 = arith.constant 2500 : i32
      %lt3A_310 = arith.cmpi slt, %add3A_308, %lt3A_309 : i32
      %convert_element_type3A_311 = arith.extui %lt3A_310 : i1 to i32
      %cond3A_312 = arith.constant 0 : i32
      %cond3A_313 = arith.cmpi ne, %convert_element_type3A_311, %cond3A_312 : i32
      scf.if %cond3A_313 {
        %dma_start3A_631 = arith.constant 2 : i32
        %dma_start3A_632 = arith.constant 0 : i32
        %dma_start3A_633 = tpu.memref_slice %arg7[%dma_start3A_631, %dma_start3A_632] : memref<8x128xi32, #tpu.memory_space<vmem>> -> memref<1x128xi32, #tpu.memory_space<vmem>>
        %dma_start3A_634 = tpu.memref_squeeze %dma_start3A_633 : memref<1x128xi32, #tpu.memory_space<vmem>> -> memref<128xi32, #tpu.memory_space<vmem>>
        %dma_start3A_635 = arith.constant 0 : i32
        %dma_start3A_636 = arith.constant 0 : i32
        %dma_start3A_637 = tpu.memref_slice %arg2[%dma_start3A_635, %dma_start3A_636] : memref<10000x128xf32, #tpu.memory_space<hbm>> -> memref<10000x128xf32, #tpu.memory_space<hbm>>
        tpu.enqueue_indirect_dma source(%dma_start3A_637 : memref<10000x128xf32, #tpu.memory_space<hbm>>) target(%arg11 : memref<128x128xf32, #tpu.memory_space<vmem>>) offsets(%dma_start3A_634 : memref<128xi32, #tpu.memory_space<vmem>>) semaphore(%arg17 : memref<!tpu.dma_semaphore, #tpu.memory_space<semaphore_mem>>)
      } else {
      }
      %convert_element_type3A_314 = arith.extui %lt3A_301 : i1 to i32
      %cond3A_315 = arith.constant 0 : i32
      %cond3A_316 = arith.cmpi ne, %convert_element_type3A_314, %cond3A_315 : i32
      scf.if %cond3A_316 {
        %dma_wait3A_631 = arith.constant 0 : i32
        %dma_wait3A_632 = arith.constant 0 : i32
        %dma_wait3A_633 = tpu.memref_slice %arg8[%dma_wait3A_631, %dma_wait3A_632] : memref<8x128xi32, #tpu.memory_space<vmem>> -> memref<1x128xi32, #tpu.memory_space<vmem>>
        %dma_wait3A_634 = tpu.memref_squeeze %dma_wait3A_633 : memref<1x128xi32, #tpu.memory_space<vmem>> -> memref<128xi32, #tpu.memory_space<vmem>>
        %dma_wait3A_635 = arith.constant 0 : i32
        %dma_wait3A_636 = tpu.memref_slice %arg16[%dma_wait3A_635] : memref<10240xf32, #tpu.memory_space<vmem_shared>> -> memref<10240xf32, #tpu.memory_space<vmem_shared>>
        tpu.wait_indirect_dma semaphore(%arg21 : memref<!tpu.dma_semaphore, #tpu.memory_space<semaphore_mem>>) src(%arg13 : memref<128xf32, #tpu.memory_space<vmem>>) dst(%dma_wait3A_636 : memref<10240xf32, #tpu.memory_space<vmem_shared>>)
      } else {
      }
      %add3A_317 = arith.constant 1 : i32
      %add3A_318 = arith.addi %add3A_297, %add3A_317 : i32
      %lt3A_319 = arith.constant 2500 : i32
      %lt3A_320 = arith.cmpi slt, %add3A_318, %lt3A_319 : i32
      %convert_element_type3A_321 = arith.extui %lt3A_320 : i1 to i32
      %cond3A_322 = arith.constant 0 : i32
      %cond3A_323 = arith.cmpi ne, %convert_element_type3A_321, %cond3A_322 : i32
      scf.if %cond3A_323 {
        %dma_wait3A_631 = arith.constant 1 : i32
        %dma_wait3A_632 = arith.constant 0 : i32
        %dma_wait3A_633 = tpu.memref_slice %arg7[%dma_wait3A_631, %dma_wait3A_632] : memref<8x128xi32, #tpu.memory_space<vmem>> -> memref<1x128xi32, #tpu.memory_space<vmem>>
        %dma_wait3A_634 = tpu.memref_squeeze %dma_wait3A_633 : memref<1x128xi32, #tpu.memory_space<vmem>> -> memref<128xi32, #tpu.memory_space<vmem>>
        %dma_wait3A_635 = arith.constant 0 : i32
        %dma_wait3A_636 = arith.constant 0 : i32
        %dma_wait3A_637 = tpu.memref_slice %arg2[%dma_wait3A_635, %dma_wait3A_636] : memref<10000x128xf32, #tpu.memory_space<hbm>> -> memref<10000x128xf32, #tpu.memory_space<hbm>>
        tpu.wait_indirect_dma semaphore(%arg18 : memref<!tpu.dma_semaphore, #tpu.memory_space<semaphore_mem>>) src(%dma_wait3A_637 : memref<10000x128xf32, #tpu.memory_space<hbm>>) dst(%arg12 : memref<128x128xf32, #tpu.memory_space<vmem>>)
        %dma_start3A_638 = arith.constant 1 : i32
        %dma_start3A_639 = arith.constant 0 : i32
        %dma_start3A_640 = tpu.memref_slice %arg8[%dma_start3A_638, %dma_start3A_639] : memref<8x128xi32, #tpu.memory_space<vmem>> -> memref<1x128xi32, #tpu.memory_space<vmem>>
        %dma_start3A_641 = tpu.memref_squeeze %dma_start3A_640 : memref<1x128xi32, #tpu.memory_space<vmem>> -> memref<128xi32, #tpu.memory_space<vmem>>
        %dma_start3A_642 = arith.constant 0 : i32
        %dma_start3A_643 = arith.constant 0 : i32
        %dma_start3A_644 = tpu.memref_slice %arg15[%dma_start3A_642, %dma_start3A_643] : memref<10240x128xf32, #tpu.memory_space<vmem_shared>> -> memref<10240x128xf32, #tpu.memory_space<vmem_shared>>
        tpu.enqueue_indirect_dma source(%arg12 : memref<128x128xf32, #tpu.memory_space<vmem>>) target(%dma_start3A_644 : memref<10240x128xf32, #tpu.memory_space<vmem_shared>>) offsets(%dma_start3A_641 : memref<128xi32, #tpu.memory_space<vmem>>) semaphore(%arg20 : memref<!tpu.dma_semaphore, #tpu.memory_space<semaphore_mem>>) {add = true}
        %dma_start3A_645 = arith.constant 1 : i32
        %dma_start3A_646 = arith.constant 0 : i32
        %dma_start3A_647 = tpu.memref_slice %arg8[%dma_start3A_645, %dma_start3A_646] : memref<8x128xi32, #tpu.memory_space<vmem>> -> memref<1x128xi32, #tpu.memory_space<vmem>>
        %dma_start3A_648 = tpu.memref_squeeze %dma_start3A_647 : memref<1x128xi32, #tpu.memory_space<vmem>> -> memref<128xi32, #tpu.memory_space<vmem>>
        %dma_start3A_649 = arith.constant 0 : i32
        %dma_start3A_650 = tpu.memref_slice %arg16[%dma_start3A_649] : memref<10240xf32, #tpu.memory_space<vmem_shared>> -> memref<10240xf32, #tpu.memory_space<vmem_shared>>
        tpu.enqueue_indirect_dma source(%arg13 : memref<128xf32, #tpu.memory_space<vmem>>) target(%dma_start3A_650 : memref<10240xf32, #tpu.memory_space<vmem_shared>>) offsets(%dma_start3A_648 : memref<128xi32, #tpu.memory_space<vmem>>) semaphore(%arg22 : memref<!tpu.dma_semaphore, #tpu.memory_space<semaphore_mem>>) {add = true}
        %dma_wait3A_651 = arith.constant 1 : i32
        %dma_wait3A_652 = arith.constant 0 : i32
        %dma_wait3A_653 = tpu.memref_slice %arg8[%dma_wait3A_651, %dma_wait3A_652] : memref<8x128xi32, #tpu.memory_space<vmem>> -> memref<1x128xi32, #tpu.memory_space<vmem>>
        %dma_wait3A_654 = tpu.memref_squeeze %dma_wait3A_653 : memref<1x128xi32, #tpu.memory_space<vmem>> -> memref<128xi32, #tpu.memory_space<vmem>>
        %dma_wait3A_655 = arith.constant 0 : i32
        %dma_wait3A_656 = arith.constant 0 : i32
        %dma_wait3A_657 = tpu.memref_slice %arg15[%dma_wait3A_655, %dma_wait3A_656] : memref<10240x128xf32, #tpu.memory_space<vmem_shared>> -> memref<10240x128xf32, #tpu.memory_space<vmem_shared>>
        tpu.wait_indirect_dma semaphore(%arg20 : memref<!tpu.dma_semaphore, #tpu.memory_space<semaphore_mem>>) src(%arg12 : memref<128x128xf32, #tpu.memory_space<vmem>>) dst(%dma_wait3A_657 : memref<10240x128xf32, #tpu.memory_space<vmem_shared>>)
      } else {
      }
      %add3A_324 = arith.constant 1 : i32
      %add3A_325 = arith.addi %add3A_297, %add3A_324 : i32
      %add3A_326 = arith.constant 2 : i32
      %add3A_327 = arith.addi %add3A_325, %add3A_326 : i32
      %lt3A_328 = arith.constant 2500 : i32
      %lt3A_329 = arith.cmpi slt, %add3A_327, %lt3A_328 : i32
      %convert_element_type3A_330 = arith.extui %lt3A_329 : i1 to i32
      %cond3A_331 = arith.constant 0 : i32
      %cond3A_332 = arith.cmpi ne, %convert_element_type3A_330, %cond3A_331 : i32
      scf.if %cond3A_332 {
        %dma_start3A_631 = arith.constant 3 : i32
        %dma_start3A_632 = arith.constant 0 : i32
        %dma_start3A_633 = tpu.memref_slice %arg7[%dma_start3A_631, %dma_start3A_632] : memref<8x128xi32, #tpu.memory_space<vmem>> -> memref<1x128xi32, #tpu.memory_space<vmem>>
        %dma_start3A_634 = tpu.memref_squeeze %dma_start3A_633 : memref<1x128xi32, #tpu.memory_space<vmem>> -> memref<128xi32, #tpu.memory_space<vmem>>
        %dma_start3A_635 = arith.constant 0 : i32
        %dma_start3A_636 = arith.constant 0 : i32
        %dma_start3A_637 = tpu.memref_slice %arg2[%dma_start3A_635, %dma_start3A_636] : memref<10000x128xf32, #tpu.memory_space<hbm>> -> memref<10000x128xf32, #tpu.memory_space<hbm>>
        tpu.enqueue_indirect_dma source(%dma_start3A_637 : memref<10000x128xf32, #tpu.memory_space<hbm>>) target(%arg12 : memref<128x128xf32, #tpu.memory_space<vmem>>) offsets(%dma_start3A_634 : memref<128xi32, #tpu.memory_space<vmem>>) semaphore(%arg18 : memref<!tpu.dma_semaphore, #tpu.memory_space<semaphore_mem>>)
      } else {
      }
      %convert_element_type3A_333 = arith.extui %lt3A_320 : i1 to i32
      %cond3A_334 = arith.constant 0 : i32
      %cond3A_335 = arith.cmpi ne, %convert_element_type3A_333, %cond3A_334 : i32
      scf.if %cond3A_335 {
        %dma_wait3A_631 = arith.constant 1 : i32
        %dma_wait3A_632 = arith.constant 0 : i32
        %dma_wait3A_633 = tpu.memref_slice %arg8[%dma_wait3A_631, %dma_wait3A_632] : memref<8x128xi32, #tpu.memory_space<vmem>> -> memref<1x128xi32, #tpu.memory_space<vmem>>
        %dma_wait3A_634 = tpu.memref_squeeze %dma_wait3A_633 : memref<1x128xi32, #tpu.memory_space<vmem>> -> memref<128xi32, #tpu.memory_space<vmem>>
        %dma_wait3A_635 = arith.constant 0 : i32
        %dma_wait3A_636 = tpu.memref_slice %arg16[%dma_wait3A_635] : memref<10240xf32, #tpu.memory_space<vmem_shared>> -> memref<10240xf32, #tpu.memory_space<vmem_shared>>
        tpu.wait_indirect_dma semaphore(%arg22 : memref<!tpu.dma_semaphore, #tpu.memory_space<semaphore_mem>>) src(%arg13 : memref<128xf32, #tpu.memory_space<vmem>>) dst(%dma_wait3A_636 : memref<10240xf32, #tpu.memory_space<vmem_shared>>)
      } else {
      }
      %add3A_336 = arith.constant 2 : i32
      %add3A_337 = arith.addi %add3A_297, %add3A_336 : i32
      %lt3A_338 = arith.constant 2500 : i32
      %lt3A_339 = arith.cmpi slt, %add3A_337, %lt3A_338 : i32
      %convert_element_type3A_340 = arith.extui %lt3A_339 : i1 to i32
      %cond3A_341 = arith.constant 0 : i32
      %cond3A_342 = arith.cmpi ne, %convert_element_type3A_340, %cond3A_341 : i32
      scf.if %cond3A_342 {
        %dma_wait3A_631 = arith.constant 2 : i32
        %dma_wait3A_632 = arith.constant 0 : i32
        %dma_wait3A_633 = tpu.memref_slice %arg7[%dma_wait3A_631, %dma_wait3A_632] : memref<8x128xi32, #tpu.memory_space<vmem>> -> memref<1x128xi32, #tpu.memory_space<vmem>>
        %dma_wait3A_634 = tpu.memref_squeeze %dma_wait3A_633 : memref<1x128xi32, #tpu.memory_space<vmem>> -> memref<128xi32, #tpu.memory_space<vmem>>
        %dma_wait3A_635 = arith.constant 0 : i32
        %dma_wait3A_636 = arith.constant 0 : i32
        %dma_wait3A_637 = tpu.memref_slice %arg2[%dma_wait3A_635, %dma_wait3A_636] : memref<10000x128xf32, #tpu.memory_space<hbm>> -> memref<10000x128xf32, #tpu.memory_space<hbm>>
        tpu.wait_indirect_dma semaphore(%arg17 : memref<!tpu.dma_semaphore, #tpu.memory_space<semaphore_mem>>) src(%dma_wait3A_637 : memref<10000x128xf32, #tpu.memory_space<hbm>>) dst(%arg11 : memref<128x128xf32, #tpu.memory_space<vmem>>)
        %dma_start3A_638 = arith.constant 2 : i32
        %dma_start3A_639 = arith.constant 0 : i32
        %dma_start3A_640 = tpu.memref_slice %arg8[%dma_start3A_638, %dma_start3A_639] : memref<8x128xi32, #tpu.memory_space<vmem>> -> memref<1x128xi32, #tpu.memory_space<vmem>>
        %dma_start3A_641 = tpu.memref_squeeze %dma_start3A_640 : memref<1x128xi32, #tpu.memory_space<vmem>> -> memref<128xi32, #tpu.memory_space<vmem>>
        %dma_start3A_642 = arith.constant 0 : i32
        %dma_start3A_643 = arith.constant 0 : i32
        %dma_start3A_644 = tpu.memref_slice %arg15[%dma_start3A_642, %dma_start3A_643] : memref<10240x128xf32, #tpu.memory_space<vmem_shared>> -> memref<10240x128xf32, #tpu.memory_space<vmem_shared>>
        tpu.enqueue_indirect_dma source(%arg11 : memref<128x128xf32, #tpu.memory_space<vmem>>) target(%dma_start3A_644 : memref<10240x128xf32, #tpu.memory_space<vmem_shared>>) offsets(%dma_start3A_641 : memref<128xi32, #tpu.memory_space<vmem>>) semaphore(%arg19 : memref<!tpu.dma_semaphore, #tpu.memory_space<semaphore_mem>>) {add = true}
        %dma_start3A_645 = arith.constant 2 : i32
        %dma_start3A_646 = arith.constant 0 : i32
        %dma_start3A_647 = tpu.memref_slice %arg8[%dma_start3A_645, %dma_start3A_646] : memref<8x128xi32, #tpu.memory_space<vmem>> -> memref<1x128xi32, #tpu.memory_space<vmem>>
        %dma_start3A_648 = tpu.memref_squeeze %dma_start3A_647 : memref<1x128xi32, #tpu.memory_space<vmem>> -> memref<128xi32, #tpu.memory_space<vmem>>
        %dma_start3A_649 = arith.constant 0 : i32
        %dma_start3A_650 = tpu.memref_slice %arg16[%dma_start3A_649] : memref<10240xf32, #tpu.memory_space<vmem_shared>> -> memref<10240xf32, #tpu.memory_space<vmem_shared>>
        tpu.enqueue_indirect_dma source(%arg13 : memref<128xf32, #tpu.memory_space<vmem>>) target(%dma_start3A_650 : memref<10240xf32, #tpu.memory_space<vmem_shared>>) offsets(%dma_start3A_648 : memref<128xi32, #tpu.memory_space<vmem>>) semaphore(%arg21 : memref<!tpu.dma_semaphore, #tpu.memory_space<semaphore_mem>>) {add = true}
        %dma_wait3A_651 = arith.constant 2 : i32
        %dma_wait3A_652 = arith.constant 0 : i32
        %dma_wait3A_653 = tpu.memref_slice %arg8[%dma_wait3A_651, %dma_wait3A_652] : memref<8x128xi32, #tpu.memory_space<vmem>> -> memref<1x128xi32, #tpu.memory_space<vmem>>
        %dma_wait3A_654 = tpu.memref_squeeze %dma_wait3A_653 : memref<1x128xi32, #tpu.memory_space<vmem>> -> memref<128xi32, #tpu.memory_space<vmem>>
        %dma_wait3A_655 = arith.constant 0 : i32
        %dma_wait3A_656 = arith.constant 0 : i32
        %dma_wait3A_657 = tpu.memref_slice %arg15[%dma_wait3A_655, %dma_wait3A_656] : memref<10240x128xf32, #tpu.memory_space<vmem_shared>> -> memref<10240x128xf32, #tpu.memory_space<vmem_shared>>
        tpu.wait_indirect_dma semaphore(%arg19 : memref<!tpu.dma_semaphore, #tpu.memory_space<semaphore_mem>>) src(%arg11 : memref<128x128xf32, #tpu.memory_space<vmem>>) dst(%dma_wait3A_657 : memref<10240x128xf32, #tpu.memory_space<vmem_shared>>)
      } else {
      }
      %add3A_343 = arith.constant 2 : i32
      %add3A_344 = arith.addi %add3A_297, %add3A_343 : i32
      %add3A_345 = arith.constant 2 : i32
      %add3A_346 = arith.addi %add3A_344, %add3A_345 : i32
      %lt3A_347 = arith.constant 2500 : i32
      %lt3A_348 = arith.cmpi slt, %add3A_346, %lt3A_347 : i32
      %convert_element_type3A_349 = arith.extui %lt3A_348 : i1 to i32
      %cond3A_350 = arith.constant 0 : i32
      %cond3A_351 = arith.cmpi ne, %convert_element_type3A_349, %cond3A_350 : i32
      scf.if %cond3A_351 {
        %dma_start3A_631 = arith.constant 4 : i32
        %dma_start3A_632 = arith.constant 0 : i32
        %dma_start3A_633 = tpu.memref_slice %arg7[%dma_start3A_631, %dma_start3A_632] : memref<8x128xi32, #tpu.memory_space<vmem>> -> memref<1x128xi32, #tpu.memory_space<vmem>>
        %dma_start3A_634 = tpu.memref_squeeze %dma_start3A_633 : memref<1x128xi32, #tpu.memory_space<vmem>> -> memref<128xi32, #tpu.memory_space<vmem>>
        %dma_start3A_635 = arith.constant 0 : i32
        %dma_start3A_636 = arith.constant 0 : i32
        %dma_start3A_637 = tpu.memref_slice %arg2[%dma_start3A_635, %dma_start3A_636] : memref<10000x128xf32, #tpu.memory_space<hbm>> -> memref<10000x128xf32, #tpu.memory_space<hbm>>
        tpu.enqueue_indirect_dma source(%dma_start3A_637 : memref<10000x128xf32, #tpu.memory_space<hbm>>) target(%arg11 : memref<128x128xf32, #tpu.memory_space<vmem>>) offsets(%dma_start3A_634 : memref<128xi32, #tpu.memory_space<vmem>>) semaphore(%arg17 : memref<!tpu.dma_semaphore, #tpu.memory_space<semaphore_mem>>)
      } else {
      }
      %convert_element_type3A_352 = arith.extui %lt3A_339 : i1 to i32
      %cond3A_353 = arith.constant 0 : i32
      %cond3A_354 = arith.cmpi ne, %convert_element_type3A_352, %cond3A_353 : i32
      scf.if %cond3A_354 {
        %dma_wait3A_631 = arith.constant 2 : i32
        %dma_wait3A_632 = arith.constant 0 : i32
        %dma_wait3A_633 = tpu.memref_slice %arg8[%dma_wait3A_631, %dma_wait3A_632] : memref<8x128xi32, #tpu.memory_space<vmem>> -> memref<1x128xi32, #tpu.memory_space<vmem>>
        %dma_wait3A_634 = tpu.memref_squeeze %dma_wait3A_633 : memref<1x128xi32, #tpu.memory_space<vmem>> -> memref<128xi32, #tpu.memory_space<vmem>>
        %dma_wait3A_635 = arith.constant 0 : i32
        %dma_wait3A_636 = tpu.memref_slice %arg16[%dma_wait3A_635] : memref<10240xf32, #tpu.memory_space<vmem_shared>> -> memref<10240xf32, #tpu.memory_space<vmem_shared>>
        tpu.wait_indirect_dma semaphore(%arg21 : memref<!tpu.dma_semaphore, #tpu.memory_space<semaphore_mem>>) src(%arg13 : memref<128xf32, #tpu.memory_space<vmem>>) dst(%dma_wait3A_636 : memref<10240xf32, #tpu.memory_space<vmem_shared>>)
      } else {
      }
      %add3A_355 = arith.constant 3 : i32
      %add3A_356 = arith.addi %add3A_297, %add3A_355 : i32
      %lt3A_357 = arith.constant 2500 : i32
      %lt3A_358 = arith.cmpi slt, %add3A_356, %lt3A_357 : i32
      %convert_element_type3A_359 = arith.extui %lt3A_358 : i1 to i32
      %cond3A_360 = arith.constant 0 : i32
      %cond3A_361 = arith.cmpi ne, %convert_element_type3A_359, %cond3A_360 : i32
      scf.if %cond3A_361 {
        %dma_wait3A_631 = arith.constant 3 : i32
        %dma_wait3A_632 = arith.constant 0 : i32
        %dma_wait3A_633 = tpu.memref_slice %arg7[%dma_wait3A_631, %dma_wait3A_632] : memref<8x128xi32, #tpu.memory_space<vmem>> -> memref<1x128xi32, #tpu.memory_space<vmem>>
        %dma_wait3A_634 = tpu.memref_squeeze %dma_wait3A_633 : memref<1x128xi32, #tpu.memory_space<vmem>> -> memref<128xi32, #tpu.memory_space<vmem>>
        %dma_wait3A_635 = arith.constant 0 : i32
        %dma_wait3A_636 = arith.constant 0 : i32
        %dma_wait3A_637 = tpu.memref_slice %arg2[%dma_wait3A_635, %dma_wait3A_636] : memref<10000x128xf32, #tpu.memory_space<hbm>> -> memref<10000x128xf32, #tpu.memory_space<hbm>>
        tpu.wait_indirect_dma semaphore(%arg18 : memref<!tpu.dma_semaphore, #tpu.memory_space<semaphore_mem>>) src(%dma_wait3A_637 : memref<10000x128xf32, #tpu.memory_space<hbm>>) dst(%arg12 : memref<128x128xf32, #tpu.memory_space<vmem>>)
        %dma_start3A_638 = arith.constant 3 : i32
        %dma_start3A_639 = arith.constant 0 : i32
        %dma_start3A_640 = tpu.memref_slice %arg8[%dma_start3A_638, %dma_start3A_639] : memref<8x128xi32, #tpu.memory_space<vmem>> -> memref<1x128xi32, #tpu.memory_space<vmem>>
        %dma_start3A_641 = tpu.memref_squeeze %dma_start3A_640 : memref<1x128xi32, #tpu.memory_space<vmem>> -> memref<128xi32, #tpu.memory_space<vmem>>
        %dma_start3A_642 = arith.constant 0 : i32
        %dma_start3A_643 = arith.constant 0 : i32
        %dma_start3A_644 = tpu.memref_slice %arg15[%dma_start3A_642, %dma_start3A_643] : memref<10240x128xf32, #tpu.memory_space<vmem_shared>> -> memref<10240x128xf32, #tpu.memory_space<vmem_shared>>
        tpu.enqueue_indirect_dma source(%arg12 : memref<128x128xf32, #tpu.memory_space<vmem>>) target(%dma_start3A_644 : memref<10240x128xf32, #tpu.memory_space<vmem_shared>>) offsets(%dma_start3A_641 : memref<128xi32, #tpu.memory_space<vmem>>) semaphore(%arg20 : memref<!tpu.dma_semaphore, #tpu.memory_space<semaphore_mem>>) {add = true}
        %dma_start3A_645 = arith.constant 3 : i32
        %dma_start3A_646 = arith.constant 0 : i32
        %dma_start3A_647 = tpu.memref_slice %arg8[%dma_start3A_645, %dma_start3A_646] : memref<8x128xi32, #tpu.memory_space<vmem>> -> memref<1x128xi32, #tpu.memory_space<vmem>>
        %dma_start3A_648 = tpu.memref_squeeze %dma_start3A_647 : memref<1x128xi32, #tpu.memory_space<vmem>> -> memref<128xi32, #tpu.memory_space<vmem>>
        %dma_start3A_649 = arith.constant 0 : i32
        %dma_start3A_650 = tpu.memref_slice %arg16[%dma_start3A_649] : memref<10240xf32, #tpu.memory_space<vmem_shared>> -> memref<10240xf32, #tpu.memory_space<vmem_shared>>
        tpu.enqueue_indirect_dma source(%arg13 : memref<128xf32, #tpu.memory_space<vmem>>) target(%dma_start3A_650 : memref<10240xf32, #tpu.memory_space<vmem_shared>>) offsets(%dma_start3A_648 : memref<128xi32, #tpu.memory_space<vmem>>) semaphore(%arg22 : memref<!tpu.dma_semaphore, #tpu.memory_space<semaphore_mem>>) {add = true}
        %dma_wait3A_651 = arith.constant 3 : i32
        %dma_wait3A_652 = arith.constant 0 : i32
        %dma_wait3A_653 = tpu.memref_slice %arg8[%dma_wait3A_651, %dma_wait3A_652] : memref<8x128xi32, #tpu.memory_space<vmem>> -> memref<1x128xi32, #tpu.memory_space<vmem>>
        %dma_wait3A_654 = tpu.memref_squeeze %dma_wait3A_653 : memref<1x128xi32, #tpu.memory_space<vmem>> -> memref<128xi32, #tpu.memory_space<vmem>>
        %dma_wait3A_655 = arith.constant 0 : i32
        %dma_wait3A_656 = arith.constant 0 : i32
        %dma_wait3A_657 = tpu.memref_slice %arg15[%dma_wait3A_655, %dma_wait3A_656] : memref<10240x128xf32, #tpu.memory_space<vmem_shared>> -> memref<10240x128xf32, #tpu.memory_space<vmem_shared>>
        tpu.wait_indirect_dma semaphore(%arg20 : memref<!tpu.dma_semaphore, #tpu.memory_space<semaphore_mem>>) src(%arg12 : memref<128x128xf32, #tpu.memory_space<vmem>>) dst(%dma_wait3A_657 : memref<10240x128xf32, #tpu.memory_space<vmem_shared>>)
      } else {
      }
      %add3A_362 = arith.constant 3 : i32
      %add3A_363 = arith.addi %add3A_297, %add3A_362 : i32
      %add3A_364 = arith.constant 2 : i32
      %add3A_365 = arith.addi %add3A_363, %add3A_364 : i32
      %lt3A_366 = arith.constant 2500 : i32
      %lt3A_367 = arith.cmpi slt, %add3A_365, %lt3A_366 : i32
      %convert_element_type3A_368 = arith.extui %lt3A_367 : i1 to i32
      %cond3A_369 = arith.constant 0 : i32
      %cond3A_370 = arith.cmpi ne, %convert_element_type3A_368, %cond3A_369 : i32
      scf.if %cond3A_370 {
        %dma_start3A_631 = arith.constant 5 : i32
        %dma_start3A_632 = arith.constant 0 : i32
        %dma_start3A_633 = tpu.memref_slice %arg7[%dma_start3A_631, %dma_start3A_632] : memref<8x128xi32, #tpu.memory_space<vmem>> -> memref<1x128xi32, #tpu.memory_space<vmem>>
        %dma_start3A_634 = tpu.memref_squeeze %dma_start3A_633 : memref<1x128xi32, #tpu.memory_space<vmem>> -> memref<128xi32, #tpu.memory_space<vmem>>
        %dma_start3A_635 = arith.constant 0 : i32
        %dma_start3A_636 = arith.constant 0 : i32
        %dma_start3A_637 = tpu.memref_slice %arg2[%dma_start3A_635, %dma_start3A_636] : memref<10000x128xf32, #tpu.memory_space<hbm>> -> memref<10000x128xf32, #tpu.memory_space<hbm>>
        tpu.enqueue_indirect_dma source(%dma_start3A_637 : memref<10000x128xf32, #tpu.memory_space<hbm>>) target(%arg12 : memref<128x128xf32, #tpu.memory_space<vmem>>) offsets(%dma_start3A_634 : memref<128xi32, #tpu.memory_space<vmem>>) semaphore(%arg18 : memref<!tpu.dma_semaphore, #tpu.memory_space<semaphore_mem>>)
      } else {
      }
      %convert_element_type3A_371 = arith.extui %lt3A_358 : i1 to i32
      %cond3A_372 = arith.constant 0 : i32
      %cond3A_373 = arith.cmpi ne, %convert_element_type3A_371, %cond3A_372 : i32
      scf.if %cond3A_373 {
        %dma_wait3A_631 = arith.constant 3 : i32
        %dma_wait3A_632 = arith.constant 0 : i32
        %dma_wait3A_633 = tpu.memref_slice %arg8[%dma_wait3A_631, %dma_wait3A_632] : memref<8x128xi32, #tpu.memory_space<vmem>> -> memref<1x128xi32, #tpu.memory_space<vmem>>
        %dma_wait3A_634 = tpu.memref_squeeze %dma_wait3A_633 : memref<1x128xi32, #tpu.memory_space<vmem>> -> memref<128xi32, #tpu.memory_space<vmem>>
        %dma_wait3A_635 = arith.constant 0 : i32
        %dma_wait3A_636 = tpu.memref_slice %arg16[%dma_wait3A_635] : memref<10240xf32, #tpu.memory_space<vmem_shared>> -> memref<10240xf32, #tpu.memory_space<vmem_shared>>
        tpu.wait_indirect_dma semaphore(%arg22 : memref<!tpu.dma_semaphore, #tpu.memory_space<semaphore_mem>>) src(%arg13 : memref<128xf32, #tpu.memory_space<vmem>>) dst(%dma_wait3A_636 : memref<10240xf32, #tpu.memory_space<vmem_shared>>)
      } else {
      }
      %add3A_374 = arith.constant 4 : i32
      %add3A_375 = arith.addi %add3A_297, %add3A_374 : i32
      %lt3A_376 = arith.constant 2500 : i32
      %lt3A_377 = arith.cmpi slt, %add3A_375, %lt3A_376 : i32
      %convert_element_type3A_378 = arith.extui %lt3A_377 : i1 to i32
      %cond3A_379 = arith.constant 0 : i32
      %cond3A_380 = arith.cmpi ne, %convert_element_type3A_378, %cond3A_379 : i32
      scf.if %cond3A_380 {
        %dma_wait3A_631 = arith.constant 4 : i32
        %dma_wait3A_632 = arith.constant 0 : i32
        %dma_wait3A_633 = tpu.memref_slice %arg7[%dma_wait3A_631, %dma_wait3A_632] : memref<8x128xi32, #tpu.memory_space<vmem>> -> memref<1x128xi32, #tpu.memory_space<vmem>>
        %dma_wait3A_634 = tpu.memref_squeeze %dma_wait3A_633 : memref<1x128xi32, #tpu.memory_space<vmem>> -> memref<128xi32, #tpu.memory_space<vmem>>
        %dma_wait3A_635 = arith.constant 0 : i32
        %dma_wait3A_636 = arith.constant 0 : i32
        %dma_wait3A_637 = tpu.memref_slice %arg2[%dma_wait3A_635, %dma_wait3A_636] : memref<10000x128xf32, #tpu.memory_space<hbm>> -> memref<10000x128xf32, #tpu.memory_space<hbm>>
        tpu.wait_indirect_dma semaphore(%arg17 : memref<!tpu.dma_semaphore, #tpu.memory_space<semaphore_mem>>) src(%dma_wait3A_637 : memref<10000x128xf32, #tpu.memory_space<hbm>>) dst(%arg11 : memref<128x128xf32, #tpu.memory_space<vmem>>)
        %dma_start3A_638 = arith.constant 4 : i32
        %dma_start3A_639 = arith.constant 0 : i32
        %dma_start3A_640 = tpu.memref_slice %arg8[%dma_start3A_638, %dma_start3A_639] : memref<8x128xi32, #tpu.memory_space<vmem>> -> memref<1x128xi32, #tpu.memory_space<vmem>>
        %dma_start3A_641 = tpu.memref_squeeze %dma_start3A_640 : memref<1x128xi32, #tpu.memory_space<vmem>> -> memref<128xi32, #tpu.memory_space<vmem>>
        %dma_start3A_642 = arith.constant 0 : i32
        %dma_start3A_643 = arith.constant 0 : i32
        %dma_start3A_644 = tpu.memref_slice %arg15[%dma_start3A_642, %dma_start3A_643] : memref<10240x128xf32, #tpu.memory_space<vmem_shared>> -> memref<10240x128xf32, #tpu.memory_space<vmem_shared>>
        tpu.enqueue_indirect_dma source(%arg11 : memref<128x128xf32, #tpu.memory_space<vmem>>) target(%dma_start3A_644 : memref<10240x128xf32, #tpu.memory_space<vmem_shared>>) offsets(%dma_start3A_641 : memref<128xi32, #tpu.memory_space<vmem>>) semaphore(%arg19 : memref<!tpu.dma_semaphore, #tpu.memory_space<semaphore_mem>>) {add = true}
        %dma_start3A_645 = arith.constant 4 : i32
        %dma_start3A_646 = arith.constant 0 : i32
        %dma_start3A_647 = tpu.memref_slice %arg8[%dma_start3A_645, %dma_start3A_646] : memref<8x128xi32, #tpu.memory_space<vmem>> -> memref<1x128xi32, #tpu.memory_space<vmem>>
        %dma_start3A_648 = tpu.memref_squeeze %dma_start3A_647 : memref<1x128xi32, #tpu.memory_space<vmem>> -> memref<128xi32, #tpu.memory_space<vmem>>
        %dma_start3A_649 = arith.constant 0 : i32
        %dma_start3A_650 = tpu.memref_slice %arg16[%dma_start3A_649] : memref<10240xf32, #tpu.memory_space<vmem_shared>> -> memref<10240xf32, #tpu.memory_space<vmem_shared>>
        tpu.enqueue_indirect_dma source(%arg13 : memref<128xf32, #tpu.memory_space<vmem>>) target(%dma_start3A_650 : memref<10240xf32, #tpu.memory_space<vmem_shared>>) offsets(%dma_start3A_648 : memref<128xi32, #tpu.memory_space<vmem>>) semaphore(%arg21 : memref<!tpu.dma_semaphore, #tpu.memory_space<semaphore_mem>>) {add = true}
        %dma_wait3A_651 = arith.constant 4 : i32
        %dma_wait3A_652 = arith.constant 0 : i32
        %dma_wait3A_653 = tpu.memref_slice %arg8[%dma_wait3A_651, %dma_wait3A_652] : memref<8x128xi32, #tpu.memory_space<vmem>> -> memref<1x128xi32, #tpu.memory_space<vmem>>
        %dma_wait3A_654 = tpu.memref_squeeze %dma_wait3A_653 : memref<1x128xi32, #tpu.memory_space<vmem>> -> memref<128xi32, #tpu.memory_space<vmem>>
        %dma_wait3A_655 = arith.constant 0 : i32
        %dma_wait3A_656 = arith.constant 0 : i32
        %dma_wait3A_657 = tpu.memref_slice %arg15[%dma_wait3A_655, %dma_wait3A_656] : memref<10240x128xf32, #tpu.memory_space<vmem_shared>> -> memref<10240x128xf32, #tpu.memory_space<vmem_shared>>
        tpu.wait_indirect_dma semaphore(%arg19 : memref<!tpu.dma_semaphore, #tpu.memory_space<semaphore_mem>>) src(%arg11 : memref<128x128xf32, #tpu.memory_space<vmem>>) dst(%dma_wait3A_657 : memref<10240x128xf32, #tpu.memory_space<vmem_shared>>)
      } else {
      }
      %add3A_381 = arith.constant 4 : i32
      %add3A_382 = arith.addi %add3A_297, %add3A_381 : i32
      %add3A_383 = arith.constant 2 : i32
      %add3A_384 = arith.addi %add3A_382, %add3A_383 : i32
      %lt3A_385 = arith.constant 2500 : i32
      %lt3A_386 = arith.cmpi slt, %add3A_384, %lt3A_385 : i32
      %convert_element_type3A_387 = arith.extui %lt3A_386 : i1 to i32
      %cond3A_388 = arith.constant 0 : i32
      %cond3A_389 = arith.cmpi ne, %convert_element_type3A_387, %cond3A_388 : i32
      scf.if %cond3A_389 {
        %dma_start3A_631 = arith.constant 6 : i32
        %dma_start3A_632 = arith.constant 0 : i32
        %dma_start3A_633 = tpu.memref_slice %arg7[%dma_start3A_631, %dma_start3A_632] : memref<8x128xi32, #tpu.memory_space<vmem>> -> memref<1x128xi32, #tpu.memory_space<vmem>>
        %dma_start3A_634 = tpu.memref_squeeze %dma_start3A_633 : memref<1x128xi32, #tpu.memory_space<vmem>> -> memref<128xi32, #tpu.memory_space<vmem>>
        %dma_start3A_635 = arith.constant 0 : i32
        %dma_start3A_636 = arith.constant 0 : i32
        %dma_start3A_637 = tpu.memref_slice %arg2[%dma_start3A_635, %dma_start3A_636] : memref<10000x128xf32, #tpu.memory_space<hbm>> -> memref<10000x128xf32, #tpu.memory_space<hbm>>
        tpu.enqueue_indirect_dma source(%dma_start3A_637 : memref<10000x128xf32, #tpu.memory_space<hbm>>) target(%arg11 : memref<128x128xf32, #tpu.memory_space<vmem>>) offsets(%dma_start3A_634 : memref<128xi32, #tpu.memory_space<vmem>>) semaphore(%arg17 : memref<!tpu.dma_semaphore, #tpu.memory_space<semaphore_mem>>)
      } else {
      }
      %convert_element_type3A_390 = arith.extui %lt3A_377 : i1 to i32
      %cond3A_391 = arith.constant 0 : i32
      %cond3A_392 = arith.cmpi ne, %convert_element_type3A_390, %cond3A_391 : i32
      scf.if %cond3A_392 {
        %dma_wait3A_631 = arith.constant 4 : i32
        %dma_wait3A_632 = arith.constant 0 : i32
        %dma_wait3A_633 = tpu.memref_slice %arg8[%dma_wait3A_631, %dma_wait3A_632] : memref<8x128xi32, #tpu.memory_space<vmem>> -> memref<1x128xi32, #tpu.memory_space<vmem>>
        %dma_wait3A_634 = tpu.memref_squeeze %dma_wait3A_633 : memref<1x128xi32, #tpu.memory_space<vmem>> -> memref<128xi32, #tpu.memory_space<vmem>>
        %dma_wait3A_635 = arith.constant 0 : i32
        %dma_wait3A_636 = tpu.memref_slice %arg16[%dma_wait3A_635] : memref<10240xf32, #tpu.memory_space<vmem_shared>> -> memref<10240xf32, #tpu.memory_space<vmem_shared>>
        tpu.wait_indirect_dma semaphore(%arg21 : memref<!tpu.dma_semaphore, #tpu.memory_space<semaphore_mem>>) src(%arg13 : memref<128xf32, #tpu.memory_space<vmem>>) dst(%dma_wait3A_636 : memref<10240xf32, #tpu.memory_space<vmem_shared>>)
      } else {
      }
      %add3A_393 = arith.constant 5 : i32
      %add3A_394 = arith.addi %add3A_297, %add3A_393 : i32
      %lt3A_395 = arith.constant 2500 : i32
      %lt3A_396 = arith.cmpi slt, %add3A_394, %lt3A_395 : i32
      %convert_element_type3A_397 = arith.extui %lt3A_396 : i1 to i32
      %cond3A_398 = arith.constant 0 : i32
      %cond3A_399 = arith.cmpi ne, %convert_element_type3A_397, %cond3A_398 : i32
      scf.if %cond3A_399 {
        %dma_wait3A_631 = arith.constant 5 : i32
        %dma_wait3A_632 = arith.constant 0 : i32
        %dma_wait3A_633 = tpu.memref_slice %arg7[%dma_wait3A_631, %dma_wait3A_632] : memref<8x128xi32, #tpu.memory_space<vmem>> -> memref<1x128xi32, #tpu.memory_space<vmem>>
        %dma_wait3A_634 = tpu.memref_squeeze %dma_wait3A_633 : memref<1x128xi32, #tpu.memory_space<vmem>> -> memref<128xi32, #tpu.memory_space<vmem>>
        %dma_wait3A_635 = arith.constant 0 : i32
        %dma_wait3A_636 = arith.constant 0 : i32
        %dma_wait3A_637 = tpu.memref_slice %arg2[%dma_wait3A_635, %dma_wait3A_636] : memref<10000x128xf32, #tpu.memory_space<hbm>> -> memref<10000x128xf32, #tpu.memory_space<hbm>>
        tpu.wait_indirect_dma semaphore(%arg18 : memref<!tpu.dma_semaphore, #tpu.memory_space<semaphore_mem>>) src(%dma_wait3A_637 : memref<10000x128xf32, #tpu.memory_space<hbm>>) dst(%arg12 : memref<128x128xf32, #tpu.memory_space<vmem>>)
        %dma_start3A_638 = arith.constant 5 : i32
        %dma_start3A_639 = arith.constant 0 : i32
        %dma_start3A_640 = tpu.memref_slice %arg8[%dma_start3A_638, %dma_start3A_639] : memref<8x128xi32, #tpu.memory_space<vmem>> -> memref<1x128xi32, #tpu.memory_space<vmem>>
        %dma_start3A_641 = tpu.memref_squeeze %dma_start3A_640 : memref<1x128xi32, #tpu.memory_space<vmem>> -> memref<128xi32, #tpu.memory_space<vmem>>
        %dma_start3A_642 = arith.constant 0 : i32
        %dma_start3A_643 = arith.constant 0 : i32
        %dma_start3A_644 = tpu.memref_slice %arg15[%dma_start3A_642, %dma_start3A_643] : memref<10240x128xf32, #tpu.memory_space<vmem_shared>> -> memref<10240x128xf32, #tpu.memory_space<vmem_shared>>
        tpu.enqueue_indirect_dma source(%arg12 : memref<128x128xf32, #tpu.memory_space<vmem>>) target(%dma_start3A_644 : memref<10240x128xf32, #tpu.memory_space<vmem_shared>>) offsets(%dma_start3A_641 : memref<128xi32, #tpu.memory_space<vmem>>) semaphore(%arg20 : memref<!tpu.dma_semaphore, #tpu.memory_space<semaphore_mem>>) {add = true}
        %dma_start3A_645 = arith.constant 5 : i32
        %dma_start3A_646 = arith.constant 0 : i32
        %dma_start3A_647 = tpu.memref_slice %arg8[%dma_start3A_645, %dma_start3A_646] : memref<8x128xi32, #tpu.memory_space<vmem>> -> memref<1x128xi32, #tpu.memory_space<vmem>>
        %dma_start3A_648 = tpu.memref_squeeze %dma_start3A_647 : memref<1x128xi32, #tpu.memory_space<vmem>> -> memref<128xi32, #tpu.memory_space<vmem>>
        %dma_start3A_649 = arith.constant 0 : i32
        %dma_start3A_650 = tpu.memref_slice %arg16[%dma_start3A_649] : memref<10240xf32, #tpu.memory_space<vmem_shared>> -> memref<10240xf32, #tpu.memory_space<vmem_shared>>
        tpu.enqueue_indirect_dma source(%arg13 : memref<128xf32, #tpu.memory_space<vmem>>) target(%dma_start3A_650 : memref<10240xf32, #tpu.memory_space<vmem_shared>>) offsets(%dma_start3A_648 : memref<128xi32, #tpu.memory_space<vmem>>) semaphore(%arg22 : memref<!tpu.dma_semaphore, #tpu.memory_space<semaphore_mem>>) {add = true}
        %dma_wait3A_651 = arith.constant 5 : i32
        %dma_wait3A_652 = arith.constant 0 : i32
        %dma_wait3A_653 = tpu.memref_slice %arg8[%dma_wait3A_651, %dma_wait3A_652] : memref<8x128xi32, #tpu.memory_space<vmem>> -> memref<1x128xi32, #tpu.memory_space<vmem>>
        %dma_wait3A_654 = tpu.memref_squeeze %dma_wait3A_653 : memref<1x128xi32, #tpu.memory_space<vmem>> -> memref<128xi32, #tpu.memory_space<vmem>>
        %dma_wait3A_655 = arith.constant 0 : i32
        %dma_wait3A_656 = arith.constant 0 : i32
        %dma_wait3A_657 = tpu.memref_slice %arg15[%dma_wait3A_655, %dma_wait3A_656] : memref<10240x128xf32, #tpu.memory_space<vmem_shared>> -> memref<10240x128xf32, #tpu.memory_space<vmem_shared>>
        tpu.wait_indirect_dma semaphore(%arg20 : memref<!tpu.dma_semaphore, #tpu.memory_space<semaphore_mem>>) src(%arg12 : memref<128x128xf32, #tpu.memory_space<vmem>>) dst(%dma_wait3A_657 : memref<10240x128xf32, #tpu.memory_space<vmem_shared>>)
      } else {
      }
      %add3A_400 = arith.constant 5 : i32
      %add3A_401 = arith.addi %add3A_297, %add3A_400 : i32
      %add3A_402 = arith.constant 2 : i32
      %add3A_403 = arith.addi %add3A_401, %add3A_402 : i32
      %lt3A_404 = arith.constant 2500 : i32
      %lt3A_405 = arith.cmpi slt, %add3A_403, %lt3A_404 : i32
      %convert_element_type3A_406 = arith.extui %lt3A_405 : i1 to i32
      %cond3A_407 = arith.constant 0 : i32
      %cond3A_408 = arith.cmpi ne, %convert_element_type3A_406, %cond3A_407 : i32
      scf.if %cond3A_408 {
        %dma_start3A_631 = arith.constant 7 : i32
        %dma_start3A_632 = arith.constant 0 : i32
        %dma_start3A_633 = tpu.memref_slice %arg7[%dma_start3A_631, %dma_start3A_632] : memref<8x128xi32, #tpu.memory_space<vmem>> -> memref<1x128xi32, #tpu.memory_space<vmem>>
        %dma_start3A_634 = tpu.memref_squeeze %dma_start3A_633 : memref<1x128xi32, #tpu.memory_space<vmem>> -> memref<128xi32, #tpu.memory_space<vmem>>
        %dma_start3A_635 = arith.constant 0 : i32
        %dma_start3A_636 = arith.constant 0 : i32
        %dma_start3A_637 = tpu.memref_slice %arg2[%dma_start3A_635, %dma_start3A_636] : memref<10000x128xf32, #tpu.memory_space<hbm>> -> memref<10000x128xf32, #tpu.memory_space<hbm>>
        tpu.enqueue_indirect_dma source(%dma_start3A_637 : memref<10000x128xf32, #tpu.memory_space<hbm>>) target(%arg12 : memref<128x128xf32, #tpu.memory_space<vmem>>) offsets(%dma_start3A_634 : memref<128xi32, #tpu.memory_space<vmem>>) semaphore(%arg18 : memref<!tpu.dma_semaphore, #tpu.memory_space<semaphore_mem>>)
      } else {
      }
      %convert_element_type3A_409 = arith.extui %lt3A_396 : i1 to i32
      %cond3A_410 = arith.constant 0 : i32
      %cond3A_411 = arith.cmpi ne, %convert_element_type3A_409, %cond3A_410 : i32
      scf.if %cond3A_411 {
        %dma_wait3A_631 = arith.constant 5 : i32
        %dma_wait3A_632 = arith.constant 0 : i32
        %dma_wait3A_633 = tpu.memref_slice %arg8[%dma_wait3A_631, %dma_wait3A_632] : memref<8x128xi32, #tpu.memory_space<vmem>> -> memref<1x128xi32, #tpu.memory_space<vmem>>
        %dma_wait3A_634 = tpu.memref_squeeze %dma_wait3A_633 : memref<1x128xi32, #tpu.memory_space<vmem>> -> memref<128xi32, #tpu.memory_space<vmem>>
        %dma_wait3A_635 = arith.constant 0 : i32
        %dma_wait3A_636 = tpu.memref_slice %arg16[%dma_wait3A_635] : memref<10240xf32, #tpu.memory_space<vmem_shared>> -> memref<10240xf32, #tpu.memory_space<vmem_shared>>
        tpu.wait_indirect_dma semaphore(%arg22 : memref<!tpu.dma_semaphore, #tpu.memory_space<semaphore_mem>>) src(%arg13 : memref<128xf32, #tpu.memory_space<vmem>>) dst(%dma_wait3A_636 : memref<10240xf32, #tpu.memory_space<vmem_shared>>)
      } else {
      }
      %add3A_412 = arith.constant 6 : i32
      %add3A_413 = arith.addi %add3A_297, %add3A_412 : i32
      %lt3A_414 = arith.constant 2500 : i32
      %lt3A_415 = arith.cmpi slt, %add3A_413, %lt3A_414 : i32
      %dma_wait3A_416 = arith.constant 0 : i32
      %dma_wait3A_417 = arith.constant 0 : i32
      %dma_wait3A_418 = tpu.memref_slice %arg3[%dma_wait3A_416, %dma_wait3A_417] : memref<2560x128xi32, #tpu.memory_space<hbm>> -> memref<8x128xi32, #tpu.memory_space<hbm>>
      %dma_wait3A_419 = arith.constant 0 : i32
      %dma_wait3A_420 = arith.constant 0 : i32
      %dma_wait3A_421 = tpu.memref_slice %arg3[%dma_wait3A_419, %dma_wait3A_420] : memref<2560x128xi32, #tpu.memory_space<hbm>> -> memref<8x128xi32, #tpu.memory_space<hbm>>
      tpu.wait_dma2 semaphore(%arg24 : memref<!tpu.dma_semaphore, #tpu.memory_space<semaphore_mem>>) src(%dma_wait3A_421 : memref<8x128xi32, #tpu.memory_space<hbm>>) dst(%arg9 : memref<8x128xi32, #tpu.memory_space<vmem>>)
      %dma_wait3A_422 = arith.constant 0 : i32
      %dma_wait3A_423 = arith.constant 0 : i32
      %dma_wait3A_424 = tpu.memref_slice %arg4[%dma_wait3A_422, %dma_wait3A_423] : memref<2560x128xi32, #tpu.memory_space<hbm>> -> memref<8x128xi32, #tpu.memory_space<hbm>>
      %dma_wait3A_425 = arith.constant 0 : i32
      %dma_wait3A_426 = arith.constant 0 : i32
      %dma_wait3A_427 = tpu.memref_slice %arg4[%dma_wait3A_425, %dma_wait3A_426] : memref<2560x128xi32, #tpu.memory_space<hbm>> -> memref<8x128xi32, #tpu.memory_space<hbm>>
      tpu.wait_dma2 semaphore(%arg24 : memref<!tpu.dma_semaphore, #tpu.memory_space<semaphore_mem>>) src(%dma_wait3A_427 : memref<8x128xi32, #tpu.memory_space<hbm>>) dst(%arg10 : memref<8x128xi32, #tpu.memory_space<vmem>>)
      %convert_element_type3A_428 = arith.extui %lt3A_415 : i1 to i32
      %cond3A_429 = arith.constant 0 : i32
      %cond3A_430 = arith.cmpi ne, %convert_element_type3A_428, %cond3A_429 : i32
      scf.if %cond3A_430 {
        %dma_wait3A_631 = arith.constant 6 : i32
        %dma_wait3A_632 = arith.constant 0 : i32
        %dma_wait3A_633 = tpu.memref_slice %arg7[%dma_wait3A_631, %dma_wait3A_632] : memref<8x128xi32, #tpu.memory_space<vmem>> -> memref<1x128xi32, #tpu.memory_space<vmem>>
        %dma_wait3A_634 = tpu.memref_squeeze %dma_wait3A_633 : memref<1x128xi32, #tpu.memory_space<vmem>> -> memref<128xi32, #tpu.memory_space<vmem>>
        %dma_wait3A_635 = arith.constant 0 : i32
        %dma_wait3A_636 = arith.constant 0 : i32
        %dma_wait3A_637 = tpu.memref_slice %arg2[%dma_wait3A_635, %dma_wait3A_636] : memref<10000x128xf32, #tpu.memory_space<hbm>> -> memref<10000x128xf32, #tpu.memory_space<hbm>>
        tpu.wait_indirect_dma semaphore(%arg17 : memref<!tpu.dma_semaphore, #tpu.memory_space<semaphore_mem>>) src(%dma_wait3A_637 : memref<10000x128xf32, #tpu.memory_space<hbm>>) dst(%arg11 : memref<128x128xf32, #tpu.memory_space<vmem>>)
        %dma_start3A_638 = arith.constant 6 : i32
        %dma_start3A_639 = arith.constant 0 : i32
        %dma_start3A_640 = tpu.memref_slice %arg8[%dma_start3A_638, %dma_start3A_639] : memref<8x128xi32, #tpu.memory_space<vmem>> -> memref<1x128xi32, #tpu.memory_space<vmem>>
        %dma_start3A_641 = tpu.memref_squeeze %dma_start3A_640 : memref<1x128xi32, #tpu.memory_space<vmem>> -> memref<128xi32, #tpu.memory_space<vmem>>
        %dma_start3A_642 = arith.constant 0 : i32
        %dma_start3A_643 = arith.constant 0 : i32
        %dma_start3A_644 = tpu.memref_slice %arg15[%dma_start3A_642, %dma_start3A_643] : memref<10240x128xf32, #tpu.memory_space<vmem_shared>> -> memref<10240x128xf32, #tpu.memory_space<vmem_shared>>
        tpu.enqueue_indirect_dma source(%arg11 : memref<128x128xf32, #tpu.memory_space<vmem>>) target(%dma_start3A_644 : memref<10240x128xf32, #tpu.memory_space<vmem_shared>>) offsets(%dma_start3A_641 : memref<128xi32, #tpu.memory_space<vmem>>) semaphore(%arg19 : memref<!tpu.dma_semaphore, #tpu.memory_space<semaphore_mem>>) {add = true}
        %dma_start3A_645 = arith.constant 6 : i32
        %dma_start3A_646 = arith.constant 0 : i32
        %dma_start3A_647 = tpu.memref_slice %arg8[%dma_start3A_645, %dma_start3A_646] : memref<8x128xi32, #tpu.memory_space<vmem>> -> memref<1x128xi32, #tpu.memory_space<vmem>>
        %dma_start3A_648 = tpu.memref_squeeze %dma_start3A_647 : memref<1x128xi32, #tpu.memory_space<vmem>> -> memref<128xi32, #tpu.memory_space<vmem>>
        %dma_start3A_649 = arith.constant 0 : i32
        %dma_start3A_650 = tpu.memref_slice %arg16[%dma_start3A_649] : memref<10240xf32, #tpu.memory_space<vmem_shared>> -> memref<10240xf32, #tpu.memory_space<vmem_shared>>
        tpu.enqueue_indirect_dma source(%arg13 : memref<128xf32, #tpu.memory_space<vmem>>) target(%dma_start3A_650 : memref<10240xf32, #tpu.memory_space<vmem_shared>>) offsets(%dma_start3A_648 : memref<128xi32, #tpu.memory_space<vmem>>) semaphore(%arg21 : memref<!tpu.dma_semaphore, #tpu.memory_space<semaphore_mem>>) {add = true}
        %dma_wait3A_651 = arith.constant 6 : i32
        %dma_wait3A_652 = arith.constant 0 : i32
        %dma_wait3A_653 = tpu.memref_slice %arg8[%dma_wait3A_651, %dma_wait3A_652] : memref<8x128xi32, #tpu.memory_space<vmem>> -> memref<1x128xi32, #tpu.memory_space<vmem>>
        %dma_wait3A_654 = tpu.memref_squeeze %dma_wait3A_653 : memref<1x128xi32, #tpu.memory_space<vmem>> -> memref<128xi32, #tpu.memory_space<vmem>>
        %dma_wait3A_655 = arith.constant 0 : i32
        %dma_wait3A_656 = arith.constant 0 : i32
        %dma_wait3A_657 = tpu.memref_slice %arg15[%dma_wait3A_655, %dma_wait3A_656] : memref<10240x128xf32, #tpu.memory_space<vmem_shared>> -> memref<10240x128xf32, #tpu.memory_space<vmem_shared>>
        tpu.wait_indirect_dma semaphore(%arg19 : memref<!tpu.dma_semaphore, #tpu.memory_space<semaphore_mem>>) src(%arg11 : memref<128x128xf32, #tpu.memory_space<vmem>>) dst(%dma_wait3A_657 : memref<10240x128xf32, #tpu.memory_space<vmem_shared>>)
      } else {
      }
      %add3A_431 = arith.constant 6 : i32
      %add3A_432 = arith.addi %add3A_297, %add3A_431 : i32
      %add3A_433 = arith.constant 2 : i32
      %add3A_434 = arith.addi %add3A_432, %add3A_433 : i32
      %lt3A_435 = arith.constant 2500 : i32
      %lt3A_436 = arith.cmpi slt, %add3A_434, %lt3A_435 : i32
      %convert_element_type3A_437 = arith.extui %lt3A_436 : i1 to i32
      %cond3A_438 = arith.constant 0 : i32
      %cond3A_439 = arith.cmpi ne, %convert_element_type3A_437, %cond3A_438 : i32
      scf.if %cond3A_439 {
        %dma_start3A_631 = arith.constant 0 : i32
        %dma_start3A_632 = arith.constant 0 : i32
        %dma_start3A_633 = tpu.memref_slice %arg9[%dma_start3A_631, %dma_start3A_632] : memref<8x128xi32, #tpu.memory_space<vmem>> -> memref<1x128xi32, #tpu.memory_space<vmem>>
        %dma_start3A_634 = tpu.memref_squeeze %dma_start3A_633 : memref<1x128xi32, #tpu.memory_space<vmem>> -> memref<128xi32, #tpu.memory_space<vmem>>
        %dma_start3A_635 = arith.constant 0 : i32
        %dma_start3A_636 = arith.constant 0 : i32
        %dma_start3A_637 = tpu.memref_slice %arg2[%dma_start3A_635, %dma_start3A_636] : memref<10000x128xf32, #tpu.memory_space<hbm>> -> memref<10000x128xf32, #tpu.memory_space<hbm>>
        tpu.enqueue_indirect_dma source(%dma_start3A_637 : memref<10000x128xf32, #tpu.memory_space<hbm>>) target(%arg11 : memref<128x128xf32, #tpu.memory_space<vmem>>) offsets(%dma_start3A_634 : memref<128xi32, #tpu.memory_space<vmem>>) semaphore(%arg17 : memref<!tpu.dma_semaphore, #tpu.memory_space<semaphore_mem>>)
      } else {
      }
      %convert_element_type3A_440 = arith.extui %lt3A_415 : i1 to i32
      %cond3A_441 = arith.constant 0 : i32
      %cond3A_442 = arith.cmpi ne, %convert_element_type3A_440, %cond3A_441 : i32
      scf.if %cond3A_442 {
        %dma_wait3A_631 = arith.constant 6 : i32
        %dma_wait3A_632 = arith.constant 0 : i32
        %dma_wait3A_633 = tpu.memref_slice %arg8[%dma_wait3A_631, %dma_wait3A_632] : memref<8x128xi32, #tpu.memory_space<vmem>> -> memref<1x128xi32, #tpu.memory_space<vmem>>
        %dma_wait3A_634 = tpu.memref_squeeze %dma_wait3A_633 : memref<1x128xi32, #tpu.memory_space<vmem>> -> memref<128xi32, #tpu.memory_space<vmem>>
        %dma_wait3A_635 = arith.constant 0 : i32
        %dma_wait3A_636 = tpu.memref_slice %arg16[%dma_wait3A_635] : memref<10240xf32, #tpu.memory_space<vmem_shared>> -> memref<10240xf32, #tpu.memory_space<vmem_shared>>
        tpu.wait_indirect_dma semaphore(%arg21 : memref<!tpu.dma_semaphore, #tpu.memory_space<semaphore_mem>>) src(%arg13 : memref<128xf32, #tpu.memory_space<vmem>>) dst(%dma_wait3A_636 : memref<10240xf32, #tpu.memory_space<vmem_shared>>)
      } else {
      }
      %add3A_443 = arith.constant 7 : i32
      %add3A_444 = arith.addi %add3A_297, %add3A_443 : i32
      %lt3A_445 = arith.constant 2500 : i32
      %lt3A_446 = arith.cmpi slt, %add3A_444, %lt3A_445 : i32
      %convert_element_type3A_447 = arith.extui %lt3A_446 : i1 to i32
      %cond3A_448 = arith.constant 0 : i32
      %cond3A_449 = arith.cmpi ne, %convert_element_type3A_447, %cond3A_448 : i32
      scf.if %cond3A_449 {
        %dma_wait3A_631 = arith.constant 7 : i32
        %dma_wait3A_632 = arith.constant 0 : i32
        %dma_wait3A_633 = tpu.memref_slice %arg7[%dma_wait3A_631, %dma_wait3A_632] : memref<8x128xi32, #tpu.memory_space<vmem>> -> memref<1x128xi32, #tpu.memory_space<vmem>>
        %dma_wait3A_634 = tpu.memref_squeeze %dma_wait3A_633 : memref<1x128xi32, #tpu.memory_space<vmem>> -> memref<128xi32, #tpu.memory_space<vmem>>
        %dma_wait3A_635 = arith.constant 0 : i32
        %dma_wait3A_636 = arith.constant 0 : i32
        %dma_wait3A_637 = tpu.memref_slice %arg2[%dma_wait3A_635, %dma_wait3A_636] : memref<10000x128xf32, #tpu.memory_space<hbm>> -> memref<10000x128xf32, #tpu.memory_space<hbm>>
        tpu.wait_indirect_dma semaphore(%arg18 : memref<!tpu.dma_semaphore, #tpu.memory_space<semaphore_mem>>) src(%dma_wait3A_637 : memref<10000x128xf32, #tpu.memory_space<hbm>>) dst(%arg12 : memref<128x128xf32, #tpu.memory_space<vmem>>)
        %dma_start3A_638 = arith.constant 7 : i32
        %dma_start3A_639 = arith.constant 0 : i32
        %dma_start3A_640 = tpu.memref_slice %arg8[%dma_start3A_638, %dma_start3A_639] : memref<8x128xi32, #tpu.memory_space<vmem>> -> memref<1x128xi32, #tpu.memory_space<vmem>>
        %dma_start3A_641 = tpu.memref_squeeze %dma_start3A_640 : memref<1x128xi32, #tpu.memory_space<vmem>> -> memref<128xi32, #tpu.memory_space<vmem>>
        %dma_start3A_642 = arith.constant 0 : i32
        %dma_start3A_643 = arith.constant 0 : i32
        %dma_start3A_644 = tpu.memref_slice %arg15[%dma_start3A_642, %dma_start3A_643] : memref<10240x128xf32, #tpu.memory_space<vmem_shared>> -> memref<10240x128xf32, #tpu.memory_space<vmem_shared>>
        tpu.enqueue_indirect_dma source(%arg12 : memref<128x128xf32, #tpu.memory_space<vmem>>) target(%dma_start3A_644 : memref<10240x128xf32, #tpu.memory_space<vmem_shared>>) offsets(%dma_start3A_641 : memref<128xi32, #tpu.memory_space<vmem>>) semaphore(%arg20 : memref<!tpu.dma_semaphore, #tpu.memory_space<semaphore_mem>>) {add = true}
        %dma_start3A_645 = arith.constant 7 : i32
        %dma_start3A_646 = arith.constant 0 : i32
        %dma_start3A_647 = tpu.memref_slice %arg8[%dma_start3A_645, %dma_start3A_646] : memref<8x128xi32, #tpu.memory_space<vmem>> -> memref<1x128xi32, #tpu.memory_space<vmem>>
        %dma_start3A_648 = tpu.memref_squeeze %dma_start3A_647 : memref<1x128xi32, #tpu.memory_space<vmem>> -> memref<128xi32, #tpu.memory_space<vmem>>
        %dma_start3A_649 = arith.constant 0 : i32
        %dma_start3A_650 = tpu.memref_slice %arg16[%dma_start3A_649] : memref<10240xf32, #tpu.memory_space<vmem_shared>> -> memref<10240xf32, #tpu.memory_space<vmem_shared>>
        tpu.enqueue_indirect_dma source(%arg13 : memref<128xf32, #tpu.memory_space<vmem>>) target(%dma_start3A_650 : memref<10240xf32, #tpu.memory_space<vmem_shared>>) offsets(%dma_start3A_648 : memref<128xi32, #tpu.memory_space<vmem>>) semaphore(%arg22 : memref<!tpu.dma_semaphore, #tpu.memory_space<semaphore_mem>>) {add = true}
        %dma_wait3A_651 = arith.constant 7 : i32
        %dma_wait3A_652 = arith.constant 0 : i32
        %dma_wait3A_653 = tpu.memref_slice %arg8[%dma_wait3A_651, %dma_wait3A_652] : memref<8x128xi32, #tpu.memory_space<vmem>> -> memref<1x128xi32, #tpu.memory_space<vmem>>
        %dma_wait3A_654 = tpu.memref_squeeze %dma_wait3A_653 : memref<1x128xi32, #tpu.memory_space<vmem>> -> memref<128xi32, #tpu.memory_space<vmem>>
        %dma_wait3A_655 = arith.constant 0 : i32
        %dma_wait3A_656 = arith.constant 0 : i32
        %dma_wait3A_657 = tpu.memref_slice %arg15[%dma_wait3A_655, %dma_wait3A_656] : memref<10240x128xf32, #tpu.memory_space<vmem_shared>> -> memref<10240x128xf32, #tpu.memory_space<vmem_shared>>
        tpu.wait_indirect_dma semaphore(%arg20 : memref<!tpu.dma_semaphore, #tpu.memory_space<semaphore_mem>>) src(%arg12 : memref<128x128xf32, #tpu.memory_space<vmem>>) dst(%dma_wait3A_657 : memref<10240x128xf32, #tpu.memory_space<vmem_shared>>)
      } else {
      }
      %add3A_450 = arith.constant 7 : i32
      %add3A_451 = arith.addi %add3A_297, %add3A_450 : i32
      %add3A_452 = arith.constant 2 : i32
      %add3A_453 = arith.addi %add3A_451, %add3A_452 : i32
      %lt3A_454 = arith.constant 2500 : i32
      %lt3A_455 = arith.cmpi slt, %add3A_453, %lt3A_454 : i32
      %convert_element_type3A_456 = arith.extui %lt3A_455 : i1 to i32
      %cond3A_457 = arith.constant 0 : i32
      %cond3A_458 = arith.cmpi ne, %convert_element_type3A_456, %cond3A_457 : i32
      scf.if %cond3A_458 {
        %dma_start3A_631 = arith.constant 1 : i32
        %dma_start3A_632 = arith.constant 0 : i32
        %dma_start3A_633 = tpu.memref_slice %arg9[%dma_start3A_631, %dma_start3A_632] : memref<8x128xi32, #tpu.memory_space<vmem>> -> memref<1x128xi32, #tpu.memory_space<vmem>>
        %dma_start3A_634 = tpu.memref_squeeze %dma_start3A_633 : memref<1x128xi32, #tpu.memory_space<vmem>> -> memref<128xi32, #tpu.memory_space<vmem>>
        %dma_start3A_635 = arith.constant 0 : i32
        %dma_start3A_636 = arith.constant 0 : i32
        %dma_start3A_637 = tpu.memref_slice %arg2[%dma_start3A_635, %dma_start3A_636] : memref<10000x128xf32, #tpu.memory_space<hbm>> -> memref<10000x128xf32, #tpu.memory_space<hbm>>
        tpu.enqueue_indirect_dma source(%dma_start3A_637 : memref<10000x128xf32, #tpu.memory_space<hbm>>) target(%arg12 : memref<128x128xf32, #tpu.memory_space<vmem>>) offsets(%dma_start3A_634 : memref<128xi32, #tpu.memory_space<vmem>>) semaphore(%arg18 : memref<!tpu.dma_semaphore, #tpu.memory_space<semaphore_mem>>)
      } else {
      }
      %convert_element_type3A_459 = arith.extui %lt3A_446 : i1 to i32
      %cond3A_460 = arith.constant 0 : i32
      %cond3A_461 = arith.cmpi ne, %convert_element_type3A_459, %cond3A_460 : i32
      scf.if %cond3A_461 {
        %dma_wait3A_631 = arith.constant 7 : i32
        %dma_wait3A_632 = arith.constant 0 : i32
        %dma_wait3A_633 = tpu.memref_slice %arg8[%dma_wait3A_631, %dma_wait3A_632] : memref<8x128xi32, #tpu.memory_space<vmem>> -> memref<1x128xi32, #tpu.memory_space<vmem>>
        %dma_wait3A_634 = tpu.memref_squeeze %dma_wait3A_633 : memref<1x128xi32, #tpu.memory_space<vmem>> -> memref<128xi32, #tpu.memory_space<vmem>>
        %dma_wait3A_635 = arith.constant 0 : i32
        %dma_wait3A_636 = tpu.memref_slice %arg16[%dma_wait3A_635] : memref<10240xf32, #tpu.memory_space<vmem_shared>> -> memref<10240xf32, #tpu.memory_space<vmem_shared>>
        tpu.wait_indirect_dma semaphore(%arg22 : memref<!tpu.dma_semaphore, #tpu.memory_space<semaphore_mem>>) src(%arg13 : memref<128xf32, #tpu.memory_space<vmem>>) dst(%dma_wait3A_636 : memref<10240xf32, #tpu.memory_space<vmem_shared>>)
      } else {
      }
      %convert_element_type3A_462 = arith.extui %lt3A_290 : i1 to i32
      %cond3A_463 = arith.constant 0 : i32
      %cond3A_464 = arith.cmpi ne, %convert_element_type3A_462, %cond3A_463 : i32
      scf.if %cond3A_464 {
        %mul3A_631 = arith.constant 2 : i32
        %mul3A_632 = arith.muli %mul3A_631, %scan3A_288 : i32
        %add3A_633 = arith.constant 2 : i32
        %add3A_634 = arith.addi %mul3A_632, %add3A_633 : i32
        %mul3A_635 = arith.constant 8 : i32
        %mul3A_636 = arith.muli %add3A_634, %mul3A_635 : i32
        %add3A_637 = arith.addi %mul3A_4, %mul3A_636 : i32
        %dma_start3A_638 = arith.constant 0 : i32
        %dma_start3A_639 = tpu.memref_slice %arg3[%add3A_637, %dma_start3A_638] : memref<2560x128xi32, #tpu.memory_space<hbm>> -> memref<8x128xi32, #tpu.memory_space<hbm>>
        %dma_start3A_640 = arith.constant 0 : i32
        %dma_start3A_641 = tpu.memref_slice %arg3[%add3A_637, %dma_start3A_640] : memref<2560x128xi32, #tpu.memory_space<hbm>> -> memref<8x128xi32, #tpu.memory_space<hbm>>
        tpu.enqueue_dma source(%dma_start3A_641 : memref<8x128xi32, #tpu.memory_space<hbm>>) target(%arg7 : memref<8x128xi32, #tpu.memory_space<vmem>>) target_semaphore(%arg23 : memref<!tpu.dma_semaphore, #tpu.memory_space<semaphore_mem>>)
        %dma_start3A_642 = arith.constant 0 : i32
        %dma_start3A_643 = tpu.memref_slice %arg4[%add3A_637, %dma_start3A_642] : memref<2560x128xi32, #tpu.memory_space<hbm>> -> memref<8x128xi32, #tpu.memory_space<hbm>>
        %dma_start3A_644 = arith.constant 0 : i32
        %dma_start3A_645 = tpu.memref_slice %arg4[%add3A_637, %dma_start3A_644] : memref<2560x128xi32, #tpu.memory_space<hbm>> -> memref<8x128xi32, #tpu.memory_space<hbm>>
        tpu.enqueue_dma source(%dma_start3A_645 : memref<8x128xi32, #tpu.memory_space<hbm>>) target(%arg8 : memref<8x128xi32, #tpu.memory_space<vmem>>) target_semaphore(%arg23 : memref<!tpu.dma_semaphore, #tpu.memory_space<semaphore_mem>>)
      } else {
      }
      %mul3A_465 = arith.constant 2 : i32
      %mul3A_466 = arith.muli %mul3A_465, %scan3A_288 : i32
      %add3A_467 = arith.constant 1 : i32
      %add3A_468 = arith.addi %mul3A_466, %add3A_467 : i32
      %mul3A_469 = arith.constant 8 : i32
      %mul3A_470 = arith.muli %add3A_468, %mul3A_469 : i32
      %add3A_471 = arith.addi %mul3A_4, %mul3A_470 : i32
      %add3A_472 = arith.constant 0 : i32
      %add3A_473 = arith.addi %add3A_471, %add3A_472 : i32
      %lt3A_474 = arith.constant 2500 : i32
      %lt3A_475 = arith.cmpi slt, %add3A_473, %lt3A_474 : i32
      %convert_element_type3A_476 = arith.extui %lt3A_475 : i1 to i32
      %cond3A_477 = arith.constant 0 : i32
      %cond3A_478 = arith.cmpi ne, %convert_element_type3A_476, %cond3A_477 : i32
      scf.if %cond3A_478 {
        %dma_wait3A_631 = arith.constant 0 : i32
        %dma_wait3A_632 = arith.constant 0 : i32
        %dma_wait3A_633 = tpu.memref_slice %arg9[%dma_wait3A_631, %dma_wait3A_632] : memref<8x128xi32, #tpu.memory_space<vmem>> -> memref<1x128xi32, #tpu.memory_space<vmem>>
        %dma_wait3A_634 = tpu.memref_squeeze %dma_wait3A_633 : memref<1x128xi32, #tpu.memory_space<vmem>> -> memref<128xi32, #tpu.memory_space<vmem>>
        %dma_wait3A_635 = arith.constant 0 : i32
        %dma_wait3A_636 = arith.constant 0 : i32
        %dma_wait3A_637 = tpu.memref_slice %arg2[%dma_wait3A_635, %dma_wait3A_636] : memref<10000x128xf32, #tpu.memory_space<hbm>> -> memref<10000x128xf32, #tpu.memory_space<hbm>>
        tpu.wait_indirect_dma semaphore(%arg17 : memref<!tpu.dma_semaphore, #tpu.memory_space<semaphore_mem>>) src(%dma_wait3A_637 : memref<10000x128xf32, #tpu.memory_space<hbm>>) dst(%arg11 : memref<128x128xf32, #tpu.memory_space<vmem>>)
        %dma_start3A_638 = arith.constant 0 : i32
        %dma_start3A_639 = arith.constant 0 : i32
        %dma_start3A_640 = tpu.memref_slice %arg10[%dma_start3A_638, %dma_start3A_639] : memref<8x128xi32, #tpu.memory_space<vmem>> -> memref<1x128xi32, #tpu.memory_space<vmem>>
        %dma_start3A_641 = tpu.memref_squeeze %dma_start3A_640 : memref<1x128xi32, #tpu.memory_space<vmem>> -> memref<128xi32, #tpu.memory_space<vmem>>
        %dma_start3A_642 = arith.constant 0 : i32
        %dma_start3A_643 = arith.constant 0 : i32
        %dma_start3A_644 = tpu.memref_slice %arg15[%dma_start3A_642, %dma_start3A_643] : memref<10240x128xf32, #tpu.memory_space<vmem_shared>> -> memref<10240x128xf32, #tpu.memory_space<vmem_shared>>
        tpu.enqueue_indirect_dma source(%arg11 : memref<128x128xf32, #tpu.memory_space<vmem>>) target(%dma_start3A_644 : memref<10240x128xf32, #tpu.memory_space<vmem_shared>>) offsets(%dma_start3A_641 : memref<128xi32, #tpu.memory_space<vmem>>) semaphore(%arg19 : memref<!tpu.dma_semaphore, #tpu.memory_space<semaphore_mem>>) {add = true}
        %dma_start3A_645 = arith.constant 0 : i32
        %dma_start3A_646 = arith.constant 0 : i32
        %dma_start3A_647 = tpu.memref_slice %arg10[%dma_start3A_645, %dma_start3A_646] : memref<8x128xi32, #tpu.memory_space<vmem>> -> memref<1x128xi32, #tpu.memory_space<vmem>>
        %dma_start3A_648 = tpu.memref_squeeze %dma_start3A_647 : memref<1x128xi32, #tpu.memory_space<vmem>> -> memref<128xi32, #tpu.memory_space<vmem>>
        %dma_start3A_649 = arith.constant 0 : i32
        %dma_start3A_650 = tpu.memref_slice %arg16[%dma_start3A_649] : memref<10240xf32, #tpu.memory_space<vmem_shared>> -> memref<10240xf32, #tpu.memory_space<vmem_shared>>
        tpu.enqueue_indirect_dma source(%arg13 : memref<128xf32, #tpu.memory_space<vmem>>) target(%dma_start3A_650 : memref<10240xf32, #tpu.memory_space<vmem_shared>>) offsets(%dma_start3A_648 : memref<128xi32, #tpu.memory_space<vmem>>) semaphore(%arg21 : memref<!tpu.dma_semaphore, #tpu.memory_space<semaphore_mem>>) {add = true}
        %dma_wait3A_651 = arith.constant 0 : i32
        %dma_wait3A_652 = arith.constant 0 : i32
        %dma_wait3A_653 = tpu.memref_slice %arg10[%dma_wait3A_651, %dma_wait3A_652] : memref<8x128xi32, #tpu.memory_space<vmem>> -> memref<1x128xi32, #tpu.memory_space<vmem>>
        %dma_wait3A_654 = tpu.memref_squeeze %dma_wait3A_653 : memref<1x128xi32, #tpu.memory_space<vmem>> -> memref<128xi32, #tpu.memory_space<vmem>>
        %dma_wait3A_655 = arith.constant 0 : i32
        %dma_wait3A_656 = arith.constant 0 : i32
        %dma_wait3A_657 = tpu.memref_slice %arg15[%dma_wait3A_655, %dma_wait3A_656] : memref<10240x128xf32, #tpu.memory_space<vmem_shared>> -> memref<10240x128xf32, #tpu.memory_space<vmem_shared>>
        tpu.wait_indirect_dma semaphore(%arg19 : memref<!tpu.dma_semaphore, #tpu.memory_space<semaphore_mem>>) src(%arg11 : memref<128x128xf32, #tpu.memory_space<vmem>>) dst(%dma_wait3A_657 : memref<10240x128xf32, #tpu.memory_space<vmem_shared>>)
      } else {
      }
      %add3A_479 = arith.constant 0 : i32
      %add3A_480 = arith.addi %add3A_471, %add3A_479 : i32
      %add3A_481 = arith.constant 2 : i32
      %add3A_482 = arith.addi %add3A_480, %add3A_481 : i32
      %lt3A_483 = arith.constant 2500 : i32
      %lt3A_484 = arith.cmpi slt, %add3A_482, %lt3A_483 : i32
      %convert_element_type3A_485 = arith.extui %lt3A_484 : i1 to i32
      %cond3A_486 = arith.constant 0 : i32
      %cond3A_487 = arith.cmpi ne, %convert_element_type3A_485, %cond3A_486 : i32
      scf.if %cond3A_487 {
        %dma_start3A_631 = arith.constant 2 : i32
        %dma_start3A_632 = arith.constant 0 : i32
        %dma_start3A_633 = tpu.memref_slice %arg9[%dma_start3A_631, %dma_start3A_632] : memref<8x128xi32, #tpu.memory_space<vmem>> -> memref<1x128xi32, #tpu.memory_space<vmem>>
        %dma_start3A_634 = tpu.memref_squeeze %dma_start3A_633 : memref<1x128xi32, #tpu.memory_space<vmem>> -> memref<128xi32, #tpu.memory_space<vmem>>
        %dma_start3A_635 = arith.constant 0 : i32
        %dma_start3A_636 = arith.constant 0 : i32
        %dma_start3A_637 = tpu.memref_slice %arg2[%dma_start3A_635, %dma_start3A_636] : memref<10000x128xf32, #tpu.memory_space<hbm>> -> memref<10000x128xf32, #tpu.memory_space<hbm>>
        tpu.enqueue_indirect_dma source(%dma_start3A_637 : memref<10000x128xf32, #tpu.memory_space<hbm>>) target(%arg11 : memref<128x128xf32, #tpu.memory_space<vmem>>) offsets(%dma_start3A_634 : memref<128xi32, #tpu.memory_space<vmem>>) semaphore(%arg17 : memref<!tpu.dma_semaphore, #tpu.memory_space<semaphore_mem>>)
      } else {
      }
      %convert_element_type3A_488 = arith.extui %lt3A_475 : i1 to i32
      %cond3A_489 = arith.constant 0 : i32
      %cond3A_490 = arith.cmpi ne, %convert_element_type3A_488, %cond3A_489 : i32
      scf.if %cond3A_490 {
        %dma_wait3A_631 = arith.constant 0 : i32
        %dma_wait3A_632 = arith.constant 0 : i32
        %dma_wait3A_633 = tpu.memref_slice %arg10[%dma_wait3A_631, %dma_wait3A_632] : memref<8x128xi32, #tpu.memory_space<vmem>> -> memref<1x128xi32, #tpu.memory_space<vmem>>
        %dma_wait3A_634 = tpu.memref_squeeze %dma_wait3A_633 : memref<1x128xi32, #tpu.memory_space<vmem>> -> memref<128xi32, #tpu.memory_space<vmem>>
        %dma_wait3A_635 = arith.constant 0 : i32
        %dma_wait3A_636 = tpu.memref_slice %arg16[%dma_wait3A_635] : memref<10240xf32, #tpu.memory_space<vmem_shared>> -> memref<10240xf32, #tpu.memory_space<vmem_shared>>
        tpu.wait_indirect_dma semaphore(%arg21 : memref<!tpu.dma_semaphore, #tpu.memory_space<semaphore_mem>>) src(%arg13 : memref<128xf32, #tpu.memory_space<vmem>>) dst(%dma_wait3A_636 : memref<10240xf32, #tpu.memory_space<vmem_shared>>)
      } else {
      }
      %add3A_491 = arith.constant 1 : i32
      %add3A_492 = arith.addi %add3A_471, %add3A_491 : i32
      %lt3A_493 = arith.constant 2500 : i32
      %lt3A_494 = arith.cmpi slt, %add3A_492, %lt3A_493 : i32
      %convert_element_type3A_495 = arith.extui %lt3A_494 : i1 to i32
      %cond3A_496 = arith.constant 0 : i32
      %cond3A_497 = arith.cmpi ne, %convert_element_type3A_495, %cond3A_496 : i32
      scf.if %cond3A_497 {
        %dma_wait3A_631 = arith.constant 1 : i32
        %dma_wait3A_632 = arith.constant 0 : i32
        %dma_wait3A_633 = tpu.memref_slice %arg9[%dma_wait3A_631, %dma_wait3A_632] : memref<8x128xi32, #tpu.memory_space<vmem>> -> memref<1x128xi32, #tpu.memory_space<vmem>>
        %dma_wait3A_634 = tpu.memref_squeeze %dma_wait3A_633 : memref<1x128xi32, #tpu.memory_space<vmem>> -> memref<128xi32, #tpu.memory_space<vmem>>
        %dma_wait3A_635 = arith.constant 0 : i32
        %dma_wait3A_636 = arith.constant 0 : i32
        %dma_wait3A_637 = tpu.memref_slice %arg2[%dma_wait3A_635, %dma_wait3A_636] : memref<10000x128xf32, #tpu.memory_space<hbm>> -> memref<10000x128xf32, #tpu.memory_space<hbm>>
        tpu.wait_indirect_dma semaphore(%arg18 : memref<!tpu.dma_semaphore, #tpu.memory_space<semaphore_mem>>) src(%dma_wait3A_637 : memref<10000x128xf32, #tpu.memory_space<hbm>>) dst(%arg12 : memref<128x128xf32, #tpu.memory_space<vmem>>)
        %dma_start3A_638 = arith.constant 1 : i32
        %dma_start3A_639 = arith.constant 0 : i32
        %dma_start3A_640 = tpu.memref_slice %arg10[%dma_start3A_638, %dma_start3A_639] : memref<8x128xi32, #tpu.memory_space<vmem>> -> memref<1x128xi32, #tpu.memory_space<vmem>>
        %dma_start3A_641 = tpu.memref_squeeze %dma_start3A_640 : memref<1x128xi32, #tpu.memory_space<vmem>> -> memref<128xi32, #tpu.memory_space<vmem>>
        %dma_start3A_642 = arith.constant 0 : i32
        %dma_start3A_643 = arith.constant 0 : i32
        %dma_start3A_644 = tpu.memref_slice %arg15[%dma_start3A_642, %dma_start3A_643] : memref<10240x128xf32, #tpu.memory_space<vmem_shared>> -> memref<10240x128xf32, #tpu.memory_space<vmem_shared>>
        tpu.enqueue_indirect_dma source(%arg12 : memref<128x128xf32, #tpu.memory_space<vmem>>) target(%dma_start3A_644 : memref<10240x128xf32, #tpu.memory_space<vmem_shared>>) offsets(%dma_start3A_641 : memref<128xi32, #tpu.memory_space<vmem>>) semaphore(%arg20 : memref<!tpu.dma_semaphore, #tpu.memory_space<semaphore_mem>>) {add = true}
        %dma_start3A_645 = arith.constant 1 : i32
        %dma_start3A_646 = arith.constant 0 : i32
        %dma_start3A_647 = tpu.memref_slice %arg10[%dma_start3A_645, %dma_start3A_646] : memref<8x128xi32, #tpu.memory_space<vmem>> -> memref<1x128xi32, #tpu.memory_space<vmem>>
        %dma_start3A_648 = tpu.memref_squeeze %dma_start3A_647 : memref<1x128xi32, #tpu.memory_space<vmem>> -> memref<128xi32, #tpu.memory_space<vmem>>
        %dma_start3A_649 = arith.constant 0 : i32
        %dma_start3A_650 = tpu.memref_slice %arg16[%dma_start3A_649] : memref<10240xf32, #tpu.memory_space<vmem_shared>> -> memref<10240xf32, #tpu.memory_space<vmem_shared>>
        tpu.enqueue_indirect_dma source(%arg13 : memref<128xf32, #tpu.memory_space<vmem>>) target(%dma_start3A_650 : memref<10240xf32, #tpu.memory_space<vmem_shared>>) offsets(%dma_start3A_648 : memref<128xi32, #tpu.memory_space<vmem>>) semaphore(%arg22 : memref<!tpu.dma_semaphore, #tpu.memory_space<semaphore_mem>>) {add = true}
        %dma_wait3A_651 = arith.constant 1 : i32
        %dma_wait3A_652 = arith.constant 0 : i32
        %dma_wait3A_653 = tpu.memref_slice %arg10[%dma_wait3A_651, %dma_wait3A_652] : memref<8x128xi32, #tpu.memory_space<vmem>> -> memref<1x128xi32, #tpu.memory_space<vmem>>
        %dma_wait3A_654 = tpu.memref_squeeze %dma_wait3A_653 : memref<1x128xi32, #tpu.memory_space<vmem>> -> memref<128xi32, #tpu.memory_space<vmem>>
        %dma_wait3A_655 = arith.constant 0 : i32
        %dma_wait3A_656 = arith.constant 0 : i32
        %dma_wait3A_657 = tpu.memref_slice %arg15[%dma_wait3A_655, %dma_wait3A_656] : memref<10240x128xf32, #tpu.memory_space<vmem_shared>> -> memref<10240x128xf32, #tpu.memory_space<vmem_shared>>
        tpu.wait_indirect_dma semaphore(%arg20 : memref<!tpu.dma_semaphore, #tpu.memory_space<semaphore_mem>>) src(%arg12 : memref<128x128xf32, #tpu.memory_space<vmem>>) dst(%dma_wait3A_657 : memref<10240x128xf32, #tpu.memory_space<vmem_shared>>)
      } else {
      }
      %add3A_498 = arith.constant 1 : i32
      %add3A_499 = arith.addi %add3A_471, %add3A_498 : i32
      %add3A_500 = arith.constant 2 : i32
      %add3A_501 = arith.addi %add3A_499, %add3A_500 : i32
      %lt3A_502 = arith.constant 2500 : i32
      %lt3A_503 = arith.cmpi slt, %add3A_501, %lt3A_502 : i32
      %convert_element_type3A_504 = arith.extui %lt3A_503 : i1 to i32
      %cond3A_505 = arith.constant 0 : i32
      %cond3A_506 = arith.cmpi ne, %convert_element_type3A_504, %cond3A_505 : i32
      scf.if %cond3A_506 {
        %dma_start3A_631 = arith.constant 3 : i32
        %dma_start3A_632 = arith.constant 0 : i32
        %dma_start3A_633 = tpu.memref_slice %arg9[%dma_start3A_631, %dma_start3A_632] : memref<8x128xi32, #tpu.memory_space<vmem>> -> memref<1x128xi32, #tpu.memory_space<vmem>>
        %dma_start3A_634 = tpu.memref_squeeze %dma_start3A_633 : memref<1x128xi32, #tpu.memory_space<vmem>> -> memref<128xi32, #tpu.memory_space<vmem>>
        %dma_start3A_635 = arith.constant 0 : i32
        %dma_start3A_636 = arith.constant 0 : i32
        %dma_start3A_637 = tpu.memref_slice %arg2[%dma_start3A_635, %dma_start3A_636] : memref<10000x128xf32, #tpu.memory_space<hbm>> -> memref<10000x128xf32, #tpu.memory_space<hbm>>
        tpu.enqueue_indirect_dma source(%dma_start3A_637 : memref<10000x128xf32, #tpu.memory_space<hbm>>) target(%arg12 : memref<128x128xf32, #tpu.memory_space<vmem>>) offsets(%dma_start3A_634 : memref<128xi32, #tpu.memory_space<vmem>>) semaphore(%arg18 : memref<!tpu.dma_semaphore, #tpu.memory_space<semaphore_mem>>)
      } else {
      }
      %convert_element_type3A_507 = arith.extui %lt3A_494 : i1 to i32
      %cond3A_508 = arith.constant 0 : i32
      %cond3A_509 = arith.cmpi ne, %convert_element_type3A_507, %cond3A_508 : i32
      scf.if %cond3A_509 {
        %dma_wait3A_631 = arith.constant 1 : i32
        %dma_wait3A_632 = arith.constant 0 : i32
        %dma_wait3A_633 = tpu.memref_slice %arg10[%dma_wait3A_631, %dma_wait3A_632] : memref<8x128xi32, #tpu.memory_space<vmem>> -> memref<1x128xi32, #tpu.memory_space<vmem>>
        %dma_wait3A_634 = tpu.memref_squeeze %dma_wait3A_633 : memref<1x128xi32, #tpu.memory_space<vmem>> -> memref<128xi32, #tpu.memory_space<vmem>>
        %dma_wait3A_635 = arith.constant 0 : i32
        %dma_wait3A_636 = tpu.memref_slice %arg16[%dma_wait3A_635] : memref<10240xf32, #tpu.memory_space<vmem_shared>> -> memref<10240xf32, #tpu.memory_space<vmem_shared>>
        tpu.wait_indirect_dma semaphore(%arg22 : memref<!tpu.dma_semaphore, #tpu.memory_space<semaphore_mem>>) src(%arg13 : memref<128xf32, #tpu.memory_space<vmem>>) dst(%dma_wait3A_636 : memref<10240xf32, #tpu.memory_space<vmem_shared>>)
      } else {
      }
      %add3A_510 = arith.constant 2 : i32
      %add3A_511 = arith.addi %add3A_471, %add3A_510 : i32
      %lt3A_512 = arith.constant 2500 : i32
      %lt3A_513 = arith.cmpi slt, %add3A_511, %lt3A_512 : i32
      %convert_element_type3A_514 = arith.extui %lt3A_513 : i1 to i32
      %cond3A_515 = arith.constant 0 : i32
      %cond3A_516 = arith.cmpi ne, %convert_element_type3A_514, %cond3A_515 : i32
      scf.if %cond3A_516 {
        %dma_wait3A_631 = arith.constant 2 : i32
        %dma_wait3A_632 = arith.constant 0 : i32
        %dma_wait3A_633 = tpu.memref_slice %arg9[%dma_wait3A_631, %dma_wait3A_632] : memref<8x128xi32, #tpu.memory_space<vmem>> -> memref<1x128xi32, #tpu.memory_space<vmem>>
        %dma_wait3A_634 = tpu.memref_squeeze %dma_wait3A_633 : memref<1x128xi32, #tpu.memory_space<vmem>> -> memref<128xi32, #tpu.memory_space<vmem>>
        %dma_wait3A_635 = arith.constant 0 : i32
        %dma_wait3A_636 = arith.constant 0 : i32
        %dma_wait3A_637 = tpu.memref_slice %arg2[%dma_wait3A_635, %dma_wait3A_636] : memref<10000x128xf32, #tpu.memory_space<hbm>> -> memref<10000x128xf32, #tpu.memory_space<hbm>>
        tpu.wait_indirect_dma semaphore(%arg17 : memref<!tpu.dma_semaphore, #tpu.memory_space<semaphore_mem>>) src(%dma_wait3A_637 : memref<10000x128xf32, #tpu.memory_space<hbm>>) dst(%arg11 : memref<128x128xf32, #tpu.memory_space<vmem>>)
        %dma_start3A_638 = arith.constant 2 : i32
        %dma_start3A_639 = arith.constant 0 : i32
        %dma_start3A_640 = tpu.memref_slice %arg10[%dma_start3A_638, %dma_start3A_639] : memref<8x128xi32, #tpu.memory_space<vmem>> -> memref<1x128xi32, #tpu.memory_space<vmem>>
        %dma_start3A_641 = tpu.memref_squeeze %dma_start3A_640 : memref<1x128xi32, #tpu.memory_space<vmem>> -> memref<128xi32, #tpu.memory_space<vmem>>
        %dma_start3A_642 = arith.constant 0 : i32
        %dma_start3A_643 = arith.constant 0 : i32
        %dma_start3A_644 = tpu.memref_slice %arg15[%dma_start3A_642, %dma_start3A_643] : memref<10240x128xf32, #tpu.memory_space<vmem_shared>> -> memref<10240x128xf32, #tpu.memory_space<vmem_shared>>
        tpu.enqueue_indirect_dma source(%arg11 : memref<128x128xf32, #tpu.memory_space<vmem>>) target(%dma_start3A_644 : memref<10240x128xf32, #tpu.memory_space<vmem_shared>>) offsets(%dma_start3A_641 : memref<128xi32, #tpu.memory_space<vmem>>) semaphore(%arg19 : memref<!tpu.dma_semaphore, #tpu.memory_space<semaphore_mem>>) {add = true}
        %dma_start3A_645 = arith.constant 2 : i32
        %dma_start3A_646 = arith.constant 0 : i32
        %dma_start3A_647 = tpu.memref_slice %arg10[%dma_start3A_645, %dma_start3A_646] : memref<8x128xi32, #tpu.memory_space<vmem>> -> memref<1x128xi32, #tpu.memory_space<vmem>>
        %dma_start3A_648 = tpu.memref_squeeze %dma_start3A_647 : memref<1x128xi32, #tpu.memory_space<vmem>> -> memref<128xi32, #tpu.memory_space<vmem>>
        %dma_start3A_649 = arith.constant 0 : i32
        %dma_start3A_650 = tpu.memref_slice %arg16[%dma_start3A_649] : memref<10240xf32, #tpu.memory_space<vmem_shared>> -> memref<10240xf32, #tpu.memory_space<vmem_shared>>
        tpu.enqueue_indirect_dma source(%arg13 : memref<128xf32, #tpu.memory_space<vmem>>) target(%dma_start3A_650 : memref<10240xf32, #tpu.memory_space<vmem_shared>>) offsets(%dma_start3A_648 : memref<128xi32, #tpu.memory_space<vmem>>) semaphore(%arg21 : memref<!tpu.dma_semaphore, #tpu.memory_space<semaphore_mem>>) {add = true}
        %dma_wait3A_651 = arith.constant 2 : i32
        %dma_wait3A_652 = arith.constant 0 : i32
        %dma_wait3A_653 = tpu.memref_slice %arg10[%dma_wait3A_651, %dma_wait3A_652] : memref<8x128xi32, #tpu.memory_space<vmem>> -> memref<1x128xi32, #tpu.memory_space<vmem>>
        %dma_wait3A_654 = tpu.memref_squeeze %dma_wait3A_653 : memref<1x128xi32, #tpu.memory_space<vmem>> -> memref<128xi32, #tpu.memory_space<vmem>>
        %dma_wait3A_655 = arith.constant 0 : i32
        %dma_wait3A_656 = arith.constant 0 : i32
        %dma_wait3A_657 = tpu.memref_slice %arg15[%dma_wait3A_655, %dma_wait3A_656] : memref<10240x128xf32, #tpu.memory_space<vmem_shared>> -> memref<10240x128xf32, #tpu.memory_space<vmem_shared>>
        tpu.wait_indirect_dma semaphore(%arg19 : memref<!tpu.dma_semaphore, #tpu.memory_space<semaphore_mem>>) src(%arg11 : memref<128x128xf32, #tpu.memory_space<vmem>>) dst(%dma_wait3A_657 : memref<10240x128xf32, #tpu.memory_space<vmem_shared>>)
      } else {
      }
      %add3A_517 = arith.constant 2 : i32
      %add3A_518 = arith.addi %add3A_471, %add3A_517 : i32
      %add3A_519 = arith.constant 2 : i32
      %add3A_520 = arith.addi %add3A_518, %add3A_519 : i32
      %lt3A_521 = arith.constant 2500 : i32
      %lt3A_522 = arith.cmpi slt, %add3A_520, %lt3A_521 : i32
      %convert_element_type3A_523 = arith.extui %lt3A_522 : i1 to i32
      %cond3A_524 = arith.constant 0 : i32
      %cond3A_525 = arith.cmpi ne, %convert_element_type3A_523, %cond3A_524 : i32
      scf.if %cond3A_525 {
        %dma_start3A_631 = arith.constant 4 : i32
        %dma_start3A_632 = arith.constant 0 : i32
        %dma_start3A_633 = tpu.memref_slice %arg9[%dma_start3A_631, %dma_start3A_632] : memref<8x128xi32, #tpu.memory_space<vmem>> -> memref<1x128xi32, #tpu.memory_space<vmem>>
        %dma_start3A_634 = tpu.memref_squeeze %dma_start3A_633 : memref<1x128xi32, #tpu.memory_space<vmem>> -> memref<128xi32, #tpu.memory_space<vmem>>
        %dma_start3A_635 = arith.constant 0 : i32
        %dma_start3A_636 = arith.constant 0 : i32
        %dma_start3A_637 = tpu.memref_slice %arg2[%dma_start3A_635, %dma_start3A_636] : memref<10000x128xf32, #tpu.memory_space<hbm>> -> memref<10000x128xf32, #tpu.memory_space<hbm>>
        tpu.enqueue_indirect_dma source(%dma_start3A_637 : memref<10000x128xf32, #tpu.memory_space<hbm>>) target(%arg11 : memref<128x128xf32, #tpu.memory_space<vmem>>) offsets(%dma_start3A_634 : memref<128xi32, #tpu.memory_space<vmem>>) semaphore(%arg17 : memref<!tpu.dma_semaphore, #tpu.memory_space<semaphore_mem>>)
      } else {
      }
      %convert_element_type3A_526 = arith.extui %lt3A_513 : i1 to i32
      %cond3A_527 = arith.constant 0 : i32
      %cond3A_528 = arith.cmpi ne, %convert_element_type3A_526, %cond3A_527 : i32
      scf.if %cond3A_528 {
        %dma_wait3A_631 = arith.constant 2 : i32
        %dma_wait3A_632 = arith.constant 0 : i32
        %dma_wait3A_633 = tpu.memref_slice %arg10[%dma_wait3A_631, %dma_wait3A_632] : memref<8x128xi32, #tpu.memory_space<vmem>> -> memref<1x128xi32, #tpu.memory_space<vmem>>
        %dma_wait3A_634 = tpu.memref_squeeze %dma_wait3A_633 : memref<1x128xi32, #tpu.memory_space<vmem>> -> memref<128xi32, #tpu.memory_space<vmem>>
        %dma_wait3A_635 = arith.constant 0 : i32
        %dma_wait3A_636 = tpu.memref_slice %arg16[%dma_wait3A_635] : memref<10240xf32, #tpu.memory_space<vmem_shared>> -> memref<10240xf32, #tpu.memory_space<vmem_shared>>
        tpu.wait_indirect_dma semaphore(%arg21 : memref<!tpu.dma_semaphore, #tpu.memory_space<semaphore_mem>>) src(%arg13 : memref<128xf32, #tpu.memory_space<vmem>>) dst(%dma_wait3A_636 : memref<10240xf32, #tpu.memory_space<vmem_shared>>)
      } else {
      }
      %add3A_529 = arith.constant 3 : i32
      %add3A_530 = arith.addi %add3A_471, %add3A_529 : i32
      %lt3A_531 = arith.constant 2500 : i32
      %lt3A_532 = arith.cmpi slt, %add3A_530, %lt3A_531 : i32
      %convert_element_type3A_533 = arith.extui %lt3A_532 : i1 to i32
      %cond3A_534 = arith.constant 0 : i32
      %cond3A_535 = arith.cmpi ne, %convert_element_type3A_533, %cond3A_534 : i32
      scf.if %cond3A_535 {
        %dma_wait3A_631 = arith.constant 3 : i32
        %dma_wait3A_632 = arith.constant 0 : i32
        %dma_wait3A_633 = tpu.memref_slice %arg9[%dma_wait3A_631, %dma_wait3A_632] : memref<8x128xi32, #tpu.memory_space<vmem>> -> memref<1x128xi32, #tpu.memory_space<vmem>>
        %dma_wait3A_634 = tpu.memref_squeeze %dma_wait3A_633 : memref<1x128xi32, #tpu.memory_space<vmem>> -> memref<128xi32, #tpu.memory_space<vmem>>
        %dma_wait3A_635 = arith.constant 0 : i32
        %dma_wait3A_636 = arith.constant 0 : i32
        %dma_wait3A_637 = tpu.memref_slice %arg2[%dma_wait3A_635, %dma_wait3A_636] : memref<10000x128xf32, #tpu.memory_space<hbm>> -> memref<10000x128xf32, #tpu.memory_space<hbm>>
        tpu.wait_indirect_dma semaphore(%arg18 : memref<!tpu.dma_semaphore, #tpu.memory_space<semaphore_mem>>) src(%dma_wait3A_637 : memref<10000x128xf32, #tpu.memory_space<hbm>>) dst(%arg12 : memref<128x128xf32, #tpu.memory_space<vmem>>)
        %dma_start3A_638 = arith.constant 3 : i32
        %dma_start3A_639 = arith.constant 0 : i32
        %dma_start3A_640 = tpu.memref_slice %arg10[%dma_start3A_638, %dma_start3A_639] : memref<8x128xi32, #tpu.memory_space<vmem>> -> memref<1x128xi32, #tpu.memory_space<vmem>>
        %dma_start3A_641 = tpu.memref_squeeze %dma_start3A_640 : memref<1x128xi32, #tpu.memory_space<vmem>> -> memref<128xi32, #tpu.memory_space<vmem>>
        %dma_start3A_642 = arith.constant 0 : i32
        %dma_start3A_643 = arith.constant 0 : i32
        %dma_start3A_644 = tpu.memref_slice %arg15[%dma_start3A_642, %dma_start3A_643] : memref<10240x128xf32, #tpu.memory_space<vmem_shared>> -> memref<10240x128xf32, #tpu.memory_space<vmem_shared>>
        tpu.enqueue_indirect_dma source(%arg12 : memref<128x128xf32, #tpu.memory_space<vmem>>) target(%dma_start3A_644 : memref<10240x128xf32, #tpu.memory_space<vmem_shared>>) offsets(%dma_start3A_641 : memref<128xi32, #tpu.memory_space<vmem>>) semaphore(%arg20 : memref<!tpu.dma_semaphore, #tpu.memory_space<semaphore_mem>>) {add = true}
        %dma_start3A_645 = arith.constant 3 : i32
        %dma_start3A_646 = arith.constant 0 : i32
        %dma_start3A_647 = tpu.memref_slice %arg10[%dma_start3A_645, %dma_start3A_646] : memref<8x128xi32, #tpu.memory_space<vmem>> -> memref<1x128xi32, #tpu.memory_space<vmem>>
        %dma_start3A_648 = tpu.memref_squeeze %dma_start3A_647 : memref<1x128xi32, #tpu.memory_space<vmem>> -> memref<128xi32, #tpu.memory_space<vmem>>
        %dma_start3A_649 = arith.constant 0 : i32
        %dma_start3A_650 = tpu.memref_slice %arg16[%dma_start3A_649] : memref<10240xf32, #tpu.memory_space<vmem_shared>> -> memref<10240xf32, #tpu.memory_space<vmem_shared>>
        tpu.enqueue_indirect_dma source(%arg13 : memref<128xf32, #tpu.memory_space<vmem>>) target(%dma_start3A_650 : memref<10240xf32, #tpu.memory_space<vmem_shared>>) offsets(%dma_start3A_648 : memref<128xi32, #tpu.memory_space<vmem>>) semaphore(%arg22 : memref<!tpu.dma_semaphore, #tpu.memory_space<semaphore_mem>>) {add = true}
        %dma_wait3A_651 = arith.constant 3 : i32
        %dma_wait3A_652 = arith.constant 0 : i32
        %dma_wait3A_653 = tpu.memref_slice %arg10[%dma_wait3A_651, %dma_wait3A_652] : memref<8x128xi32, #tpu.memory_space<vmem>> -> memref<1x128xi32, #tpu.memory_space<vmem>>
        %dma_wait3A_654 = tpu.memref_squeeze %dma_wait3A_653 : memref<1x128xi32, #tpu.memory_space<vmem>> -> memref<128xi32, #tpu.memory_space<vmem>>
        %dma_wait3A_655 = arith.constant 0 : i32
        %dma_wait3A_656 = arith.constant 0 : i32
        %dma_wait3A_657 = tpu.memref_slice %arg15[%dma_wait3A_655, %dma_wait3A_656] : memref<10240x128xf32, #tpu.memory_space<vmem_shared>> -> memref<10240x128xf32, #tpu.memory_space<vmem_shared>>
        tpu.wait_indirect_dma semaphore(%arg20 : memref<!tpu.dma_semaphore, #tpu.memory_space<semaphore_mem>>) src(%arg12 : memref<128x128xf32, #tpu.memory_space<vmem>>) dst(%dma_wait3A_657 : memref<10240x128xf32, #tpu.memory_space<vmem_shared>>)
      } else {
      }
      %add3A_536 = arith.constant 3 : i32
      %add3A_537 = arith.addi %add3A_471, %add3A_536 : i32
      %add3A_538 = arith.constant 2 : i32
      %add3A_539 = arith.addi %add3A_537, %add3A_538 : i32
      %lt3A_540 = arith.constant 2500 : i32
      %lt3A_541 = arith.cmpi slt, %add3A_539, %lt3A_540 : i32
      %convert_element_type3A_542 = arith.extui %lt3A_541 : i1 to i32
      %cond3A_543 = arith.constant 0 : i32
      %cond3A_544 = arith.cmpi ne, %convert_element_type3A_542, %cond3A_543 : i32
      scf.if %cond3A_544 {
        %dma_start3A_631 = arith.constant 5 : i32
        %dma_start3A_632 = arith.constant 0 : i32
        %dma_start3A_633 = tpu.memref_slice %arg9[%dma_start3A_631, %dma_start3A_632] : memref<8x128xi32, #tpu.memory_space<vmem>> -> memref<1x128xi32, #tpu.memory_space<vmem>>
        %dma_start3A_634 = tpu.memref_squeeze %dma_start3A_633 : memref<1x128xi32, #tpu.memory_space<vmem>> -> memref<128xi32, #tpu.memory_space<vmem>>
        %dma_start3A_635 = arith.constant 0 : i32
        %dma_start3A_636 = arith.constant 0 : i32
        %dma_start3A_637 = tpu.memref_slice %arg2[%dma_start3A_635, %dma_start3A_636] : memref<10000x128xf32, #tpu.memory_space<hbm>> -> memref<10000x128xf32, #tpu.memory_space<hbm>>
        tpu.enqueue_indirect_dma source(%dma_start3A_637 : memref<10000x128xf32, #tpu.memory_space<hbm>>) target(%arg12 : memref<128x128xf32, #tpu.memory_space<vmem>>) offsets(%dma_start3A_634 : memref<128xi32, #tpu.memory_space<vmem>>) semaphore(%arg18 : memref<!tpu.dma_semaphore, #tpu.memory_space<semaphore_mem>>)
      } else {
      }
      %convert_element_type3A_545 = arith.extui %lt3A_532 : i1 to i32
      %cond3A_546 = arith.constant 0 : i32
      %cond3A_547 = arith.cmpi ne, %convert_element_type3A_545, %cond3A_546 : i32
      scf.if %cond3A_547 {
        %dma_wait3A_631 = arith.constant 3 : i32
        %dma_wait3A_632 = arith.constant 0 : i32
        %dma_wait3A_633 = tpu.memref_slice %arg10[%dma_wait3A_631, %dma_wait3A_632] : memref<8x128xi32, #tpu.memory_space<vmem>> -> memref<1x128xi32, #tpu.memory_space<vmem>>
        %dma_wait3A_634 = tpu.memref_squeeze %dma_wait3A_633 : memref<1x128xi32, #tpu.memory_space<vmem>> -> memref<128xi32, #tpu.memory_space<vmem>>
        %dma_wait3A_635 = arith.constant 0 : i32
        %dma_wait3A_636 = tpu.memref_slice %arg16[%dma_wait3A_635] : memref<10240xf32, #tpu.memory_space<vmem_shared>> -> memref<10240xf32, #tpu.memory_space<vmem_shared>>
        tpu.wait_indirect_dma semaphore(%arg22 : memref<!tpu.dma_semaphore, #tpu.memory_space<semaphore_mem>>) src(%arg13 : memref<128xf32, #tpu.memory_space<vmem>>) dst(%dma_wait3A_636 : memref<10240xf32, #tpu.memory_space<vmem_shared>>)
      } else {
      }
      %add3A_548 = arith.constant 4 : i32
      %add3A_549 = arith.addi %add3A_471, %add3A_548 : i32
      %lt3A_550 = arith.constant 2500 : i32
      %lt3A_551 = arith.cmpi slt, %add3A_549, %lt3A_550 : i32
      %convert_element_type3A_552 = arith.extui %lt3A_551 : i1 to i32
      %cond3A_553 = arith.constant 0 : i32
      %cond3A_554 = arith.cmpi ne, %convert_element_type3A_552, %cond3A_553 : i32
      scf.if %cond3A_554 {
        %dma_wait3A_631 = arith.constant 4 : i32
        %dma_wait3A_632 = arith.constant 0 : i32
        %dma_wait3A_633 = tpu.memref_slice %arg9[%dma_wait3A_631, %dma_wait3A_632] : memref<8x128xi32, #tpu.memory_space<vmem>> -> memref<1x128xi32, #tpu.memory_space<vmem>>
        %dma_wait3A_634 = tpu.memref_squeeze %dma_wait3A_633 : memref<1x128xi32, #tpu.memory_space<vmem>> -> memref<128xi32, #tpu.memory_space<vmem>>
        %dma_wait3A_635 = arith.constant 0 : i32
        %dma_wait3A_636 = arith.constant 0 : i32
        %dma_wait3A_637 = tpu.memref_slice %arg2[%dma_wait3A_635, %dma_wait3A_636] : memref<10000x128xf32, #tpu.memory_space<hbm>> -> memref<10000x128xf32, #tpu.memory_space<hbm>>
        tpu.wait_indirect_dma semaphore(%arg17 : memref<!tpu.dma_semaphore, #tpu.memory_space<semaphore_mem>>) src(%dma_wait3A_637 : memref<10000x128xf32, #tpu.memory_space<hbm>>) dst(%arg11 : memref<128x128xf32, #tpu.memory_space<vmem>>)
        %dma_start3A_638 = arith.constant 4 : i32
        %dma_start3A_639 = arith.constant 0 : i32
        %dma_start3A_640 = tpu.memref_slice %arg10[%dma_start3A_638, %dma_start3A_639] : memref<8x128xi32, #tpu.memory_space<vmem>> -> memref<1x128xi32, #tpu.memory_space<vmem>>
        %dma_start3A_641 = tpu.memref_squeeze %dma_start3A_640 : memref<1x128xi32, #tpu.memory_space<vmem>> -> memref<128xi32, #tpu.memory_space<vmem>>
        %dma_start3A_642 = arith.constant 0 : i32
        %dma_start3A_643 = arith.constant 0 : i32
        %dma_start3A_644 = tpu.memref_slice %arg15[%dma_start3A_642, %dma_start3A_643] : memref<10240x128xf32, #tpu.memory_space<vmem_shared>> -> memref<10240x128xf32, #tpu.memory_space<vmem_shared>>
        tpu.enqueue_indirect_dma source(%arg11 : memref<128x128xf32, #tpu.memory_space<vmem>>) target(%dma_start3A_644 : memref<10240x128xf32, #tpu.memory_space<vmem_shared>>) offsets(%dma_start3A_641 : memref<128xi32, #tpu.memory_space<vmem>>) semaphore(%arg19 : memref<!tpu.dma_semaphore, #tpu.memory_space<semaphore_mem>>) {add = true}
        %dma_start3A_645 = arith.constant 4 : i32
        %dma_start3A_646 = arith.constant 0 : i32
        %dma_start3A_647 = tpu.memref_slice %arg10[%dma_start3A_645, %dma_start3A_646] : memref<8x128xi32, #tpu.memory_space<vmem>> -> memref<1x128xi32, #tpu.memory_space<vmem>>
        %dma_start3A_648 = tpu.memref_squeeze %dma_start3A_647 : memref<1x128xi32, #tpu.memory_space<vmem>> -> memref<128xi32, #tpu.memory_space<vmem>>
        %dma_start3A_649 = arith.constant 0 : i32
        %dma_start3A_650 = tpu.memref_slice %arg16[%dma_start3A_649] : memref<10240xf32, #tpu.memory_space<vmem_shared>> -> memref<10240xf32, #tpu.memory_space<vmem_shared>>
        tpu.enqueue_indirect_dma source(%arg13 : memref<128xf32, #tpu.memory_space<vmem>>) target(%dma_start3A_650 : memref<10240xf32, #tpu.memory_space<vmem_shared>>) offsets(%dma_start3A_648 : memref<128xi32, #tpu.memory_space<vmem>>) semaphore(%arg21 : memref<!tpu.dma_semaphore, #tpu.memory_space<semaphore_mem>>) {add = true}
        %dma_wait3A_651 = arith.constant 4 : i32
        %dma_wait3A_652 = arith.constant 0 : i32
        %dma_wait3A_653 = tpu.memref_slice %arg10[%dma_wait3A_651, %dma_wait3A_652] : memref<8x128xi32, #tpu.memory_space<vmem>> -> memref<1x128xi32, #tpu.memory_space<vmem>>
        %dma_wait3A_654 = tpu.memref_squeeze %dma_wait3A_653 : memref<1x128xi32, #tpu.memory_space<vmem>> -> memref<128xi32, #tpu.memory_space<vmem>>
        %dma_wait3A_655 = arith.constant 0 : i32
        %dma_wait3A_656 = arith.constant 0 : i32
        %dma_wait3A_657 = tpu.memref_slice %arg15[%dma_wait3A_655, %dma_wait3A_656] : memref<10240x128xf32, #tpu.memory_space<vmem_shared>> -> memref<10240x128xf32, #tpu.memory_space<vmem_shared>>
        tpu.wait_indirect_dma semaphore(%arg19 : memref<!tpu.dma_semaphore, #tpu.memory_space<semaphore_mem>>) src(%arg11 : memref<128x128xf32, #tpu.memory_space<vmem>>) dst(%dma_wait3A_657 : memref<10240x128xf32, #tpu.memory_space<vmem_shared>>)
      } else {
      }
      %add3A_555 = arith.constant 4 : i32
      %add3A_556 = arith.addi %add3A_471, %add3A_555 : i32
      %add3A_557 = arith.constant 2 : i32
      %add3A_558 = arith.addi %add3A_556, %add3A_557 : i32
      %lt3A_559 = arith.constant 2500 : i32
      %lt3A_560 = arith.cmpi slt, %add3A_558, %lt3A_559 : i32
      %convert_element_type3A_561 = arith.extui %lt3A_560 : i1 to i32
      %cond3A_562 = arith.constant 0 : i32
      %cond3A_563 = arith.cmpi ne, %convert_element_type3A_561, %cond3A_562 : i32
      scf.if %cond3A_563 {
        %dma_start3A_631 = arith.constant 6 : i32
        %dma_start3A_632 = arith.constant 0 : i32
        %dma_start3A_633 = tpu.memref_slice %arg9[%dma_start3A_631, %dma_start3A_632] : memref<8x128xi32, #tpu.memory_space<vmem>> -> memref<1x128xi32, #tpu.memory_space<vmem>>
        %dma_start3A_634 = tpu.memref_squeeze %dma_start3A_633 : memref<1x128xi32, #tpu.memory_space<vmem>> -> memref<128xi32, #tpu.memory_space<vmem>>
        %dma_start3A_635 = arith.constant 0 : i32
        %dma_start3A_636 = arith.constant 0 : i32
        %dma_start3A_637 = tpu.memref_slice %arg2[%dma_start3A_635, %dma_start3A_636] : memref<10000x128xf32, #tpu.memory_space<hbm>> -> memref<10000x128xf32, #tpu.memory_space<hbm>>
        tpu.enqueue_indirect_dma source(%dma_start3A_637 : memref<10000x128xf32, #tpu.memory_space<hbm>>) target(%arg11 : memref<128x128xf32, #tpu.memory_space<vmem>>) offsets(%dma_start3A_634 : memref<128xi32, #tpu.memory_space<vmem>>) semaphore(%arg17 : memref<!tpu.dma_semaphore, #tpu.memory_space<semaphore_mem>>)
      } else {
      }
      %convert_element_type3A_564 = arith.extui %lt3A_551 : i1 to i32
      %cond3A_565 = arith.constant 0 : i32
      %cond3A_566 = arith.cmpi ne, %convert_element_type3A_564, %cond3A_565 : i32
      scf.if %cond3A_566 {
        %dma_wait3A_631 = arith.constant 4 : i32
        %dma_wait3A_632 = arith.constant 0 : i32
        %dma_wait3A_633 = tpu.memref_slice %arg10[%dma_wait3A_631, %dma_wait3A_632] : memref<8x128xi32, #tpu.memory_space<vmem>> -> memref<1x128xi32, #tpu.memory_space<vmem>>
        %dma_wait3A_634 = tpu.memref_squeeze %dma_wait3A_633 : memref<1x128xi32, #tpu.memory_space<vmem>> -> memref<128xi32, #tpu.memory_space<vmem>>
        %dma_wait3A_635 = arith.constant 0 : i32
        %dma_wait3A_636 = tpu.memref_slice %arg16[%dma_wait3A_635] : memref<10240xf32, #tpu.memory_space<vmem_shared>> -> memref<10240xf32, #tpu.memory_space<vmem_shared>>
        tpu.wait_indirect_dma semaphore(%arg21 : memref<!tpu.dma_semaphore, #tpu.memory_space<semaphore_mem>>) src(%arg13 : memref<128xf32, #tpu.memory_space<vmem>>) dst(%dma_wait3A_636 : memref<10240xf32, #tpu.memory_space<vmem_shared>>)
      } else {
      }
      %add3A_567 = arith.constant 5 : i32
      %add3A_568 = arith.addi %add3A_471, %add3A_567 : i32
      %lt3A_569 = arith.constant 2500 : i32
      %lt3A_570 = arith.cmpi slt, %add3A_568, %lt3A_569 : i32
      %convert_element_type3A_571 = arith.extui %lt3A_570 : i1 to i32
      %cond3A_572 = arith.constant 0 : i32
      %cond3A_573 = arith.cmpi ne, %convert_element_type3A_571, %cond3A_572 : i32
      scf.if %cond3A_573 {
        %dma_wait3A_631 = arith.constant 5 : i32
        %dma_wait3A_632 = arith.constant 0 : i32
        %dma_wait3A_633 = tpu.memref_slice %arg9[%dma_wait3A_631, %dma_wait3A_632] : memref<8x128xi32, #tpu.memory_space<vmem>> -> memref<1x128xi32, #tpu.memory_space<vmem>>
        %dma_wait3A_634 = tpu.memref_squeeze %dma_wait3A_633 : memref<1x128xi32, #tpu.memory_space<vmem>> -> memref<128xi32, #tpu.memory_space<vmem>>
        %dma_wait3A_635 = arith.constant 0 : i32
        %dma_wait3A_636 = arith.constant 0 : i32
        %dma_wait3A_637 = tpu.memref_slice %arg2[%dma_wait3A_635, %dma_wait3A_636] : memref<10000x128xf32, #tpu.memory_space<hbm>> -> memref<10000x128xf32, #tpu.memory_space<hbm>>
        tpu.wait_indirect_dma semaphore(%arg18 : memref<!tpu.dma_semaphore, #tpu.memory_space<semaphore_mem>>) src(%dma_wait3A_637 : memref<10000x128xf32, #tpu.memory_space<hbm>>) dst(%arg12 : memref<128x128xf32, #tpu.memory_space<vmem>>)
        %dma_start3A_638 = arith.constant 5 : i32
        %dma_start3A_639 = arith.constant 0 : i32
        %dma_start3A_640 = tpu.memref_slice %arg10[%dma_start3A_638, %dma_start3A_639] : memref<8x128xi32, #tpu.memory_space<vmem>> -> memref<1x128xi32, #tpu.memory_space<vmem>>
        %dma_start3A_641 = tpu.memref_squeeze %dma_start3A_640 : memref<1x128xi32, #tpu.memory_space<vmem>> -> memref<128xi32, #tpu.memory_space<vmem>>
        %dma_start3A_642 = arith.constant 0 : i32
        %dma_start3A_643 = arith.constant 0 : i32
        %dma_start3A_644 = tpu.memref_slice %arg15[%dma_start3A_642, %dma_start3A_643] : memref<10240x128xf32, #tpu.memory_space<vmem_shared>> -> memref<10240x128xf32, #tpu.memory_space<vmem_shared>>
        tpu.enqueue_indirect_dma source(%arg12 : memref<128x128xf32, #tpu.memory_space<vmem>>) target(%dma_start3A_644 : memref<10240x128xf32, #tpu.memory_space<vmem_shared>>) offsets(%dma_start3A_641 : memref<128xi32, #tpu.memory_space<vmem>>) semaphore(%arg20 : memref<!tpu.dma_semaphore, #tpu.memory_space<semaphore_mem>>) {add = true}
        %dma_start3A_645 = arith.constant 5 : i32
        %dma_start3A_646 = arith.constant 0 : i32
        %dma_start3A_647 = tpu.memref_slice %arg10[%dma_start3A_645, %dma_start3A_646] : memref<8x128xi32, #tpu.memory_space<vmem>> -> memref<1x128xi32, #tpu.memory_space<vmem>>
        %dma_start3A_648 = tpu.memref_squeeze %dma_start3A_647 : memref<1x128xi32, #tpu.memory_space<vmem>> -> memref<128xi32, #tpu.memory_space<vmem>>
        %dma_start3A_649 = arith.constant 0 : i32
        %dma_start3A_650 = tpu.memref_slice %arg16[%dma_start3A_649] : memref<10240xf32, #tpu.memory_space<vmem_shared>> -> memref<10240xf32, #tpu.memory_space<vmem_shared>>
        tpu.enqueue_indirect_dma source(%arg13 : memref<128xf32, #tpu.memory_space<vmem>>) target(%dma_start3A_650 : memref<10240xf32, #tpu.memory_space<vmem_shared>>) offsets(%dma_start3A_648 : memref<128xi32, #tpu.memory_space<vmem>>) semaphore(%arg22 : memref<!tpu.dma_semaphore, #tpu.memory_space<semaphore_mem>>) {add = true}
        %dma_wait3A_651 = arith.constant 5 : i32
        %dma_wait3A_652 = arith.constant 0 : i32
        %dma_wait3A_653 = tpu.memref_slice %arg10[%dma_wait3A_651, %dma_wait3A_652] : memref<8x128xi32, #tpu.memory_space<vmem>> -> memref<1x128xi32, #tpu.memory_space<vmem>>
        %dma_wait3A_654 = tpu.memref_squeeze %dma_wait3A_653 : memref<1x128xi32, #tpu.memory_space<vmem>> -> memref<128xi32, #tpu.memory_space<vmem>>
        %dma_wait3A_655 = arith.constant 0 : i32
        %dma_wait3A_656 = arith.constant 0 : i32
        %dma_wait3A_657 = tpu.memref_slice %arg15[%dma_wait3A_655, %dma_wait3A_656] : memref<10240x128xf32, #tpu.memory_space<vmem_shared>> -> memref<10240x128xf32, #tpu.memory_space<vmem_shared>>
        tpu.wait_indirect_dma semaphore(%arg20 : memref<!tpu.dma_semaphore, #tpu.memory_space<semaphore_mem>>) src(%arg12 : memref<128x128xf32, #tpu.memory_space<vmem>>) dst(%dma_wait3A_657 : memref<10240x128xf32, #tpu.memory_space<vmem_shared>>)
      } else {
      }
      %add3A_574 = arith.constant 5 : i32
      %add3A_575 = arith.addi %add3A_471, %add3A_574 : i32
      %add3A_576 = arith.constant 2 : i32
      %add3A_577 = arith.addi %add3A_575, %add3A_576 : i32
      %lt3A_578 = arith.constant 2500 : i32
      %lt3A_579 = arith.cmpi slt, %add3A_577, %lt3A_578 : i32
      %convert_element_type3A_580 = arith.extui %lt3A_579 : i1 to i32
      %cond3A_581 = arith.constant 0 : i32
      %cond3A_582 = arith.cmpi ne, %convert_element_type3A_580, %cond3A_581 : i32
      scf.if %cond3A_582 {
        %dma_start3A_631 = arith.constant 7 : i32
        %dma_start3A_632 = arith.constant 0 : i32
        %dma_start3A_633 = tpu.memref_slice %arg9[%dma_start3A_631, %dma_start3A_632] : memref<8x128xi32, #tpu.memory_space<vmem>> -> memref<1x128xi32, #tpu.memory_space<vmem>>
        %dma_start3A_634 = tpu.memref_squeeze %dma_start3A_633 : memref<1x128xi32, #tpu.memory_space<vmem>> -> memref<128xi32, #tpu.memory_space<vmem>>
        %dma_start3A_635 = arith.constant 0 : i32
        %dma_start3A_636 = arith.constant 0 : i32
        %dma_start3A_637 = tpu.memref_slice %arg2[%dma_start3A_635, %dma_start3A_636] : memref<10000x128xf32, #tpu.memory_space<hbm>> -> memref<10000x128xf32, #tpu.memory_space<hbm>>
        tpu.enqueue_indirect_dma source(%dma_start3A_637 : memref<10000x128xf32, #tpu.memory_space<hbm>>) target(%arg12 : memref<128x128xf32, #tpu.memory_space<vmem>>) offsets(%dma_start3A_634 : memref<128xi32, #tpu.memory_space<vmem>>) semaphore(%arg18 : memref<!tpu.dma_semaphore, #tpu.memory_space<semaphore_mem>>)
      } else {
      }
      %convert_element_type3A_583 = arith.extui %lt3A_570 : i1 to i32
      %cond3A_584 = arith.constant 0 : i32
      %cond3A_585 = arith.cmpi ne, %convert_element_type3A_583, %cond3A_584 : i32
      scf.if %cond3A_585 {
        %dma_wait3A_631 = arith.constant 5 : i32
        %dma_wait3A_632 = arith.constant 0 : i32
        %dma_wait3A_633 = tpu.memref_slice %arg10[%dma_wait3A_631, %dma_wait3A_632] : memref<8x128xi32, #tpu.memory_space<vmem>> -> memref<1x128xi32, #tpu.memory_space<vmem>>
        %dma_wait3A_634 = tpu.memref_squeeze %dma_wait3A_633 : memref<1x128xi32, #tpu.memory_space<vmem>> -> memref<128xi32, #tpu.memory_space<vmem>>
        %dma_wait3A_635 = arith.constant 0 : i32
        %dma_wait3A_636 = tpu.memref_slice %arg16[%dma_wait3A_635] : memref<10240xf32, #tpu.memory_space<vmem_shared>> -> memref<10240xf32, #tpu.memory_space<vmem_shared>>
        tpu.wait_indirect_dma semaphore(%arg22 : memref<!tpu.dma_semaphore, #tpu.memory_space<semaphore_mem>>) src(%arg13 : memref<128xf32, #tpu.memory_space<vmem>>) dst(%dma_wait3A_636 : memref<10240xf32, #tpu.memory_space<vmem_shared>>)
      } else {
      }
      %add3A_586 = arith.constant 6 : i32
      %add3A_587 = arith.addi %add3A_471, %add3A_586 : i32
      %lt3A_588 = arith.constant 2500 : i32
      %lt3A_589 = arith.cmpi slt, %add3A_587, %lt3A_588 : i32
      %convert_element_type3A_590 = arith.extui %lt3A_290 : i1 to i32
      %cond3A_591 = arith.constant 0 : i32
      %cond3A_592 = arith.cmpi ne, %convert_element_type3A_590, %cond3A_591 : i32
      scf.if %cond3A_592 {
        %dma_wait3A_631 = arith.constant 0 : i32
        %dma_wait3A_632 = arith.constant 0 : i32
        %dma_wait3A_633 = tpu.memref_slice %arg3[%dma_wait3A_631, %dma_wait3A_632] : memref<2560x128xi32, #tpu.memory_space<hbm>> -> memref<8x128xi32, #tpu.memory_space<hbm>>
        %dma_wait3A_634 = arith.constant 0 : i32
        %dma_wait3A_635 = arith.constant 0 : i32
        %dma_wait3A_636 = tpu.memref_slice %arg3[%dma_wait3A_634, %dma_wait3A_635] : memref<2560x128xi32, #tpu.memory_space<hbm>> -> memref<8x128xi32, #tpu.memory_space<hbm>>
        tpu.wait_dma2 semaphore(%arg23 : memref<!tpu.dma_semaphore, #tpu.memory_space<semaphore_mem>>) src(%dma_wait3A_636 : memref<8x128xi32, #tpu.memory_space<hbm>>) dst(%arg7 : memref<8x128xi32, #tpu.memory_space<vmem>>)
        %dma_wait3A_637 = arith.constant 0 : i32
        %dma_wait3A_638 = arith.constant 0 : i32
        %dma_wait3A_639 = tpu.memref_slice %arg4[%dma_wait3A_637, %dma_wait3A_638] : memref<2560x128xi32, #tpu.memory_space<hbm>> -> memref<8x128xi32, #tpu.memory_space<hbm>>
        %dma_wait3A_640 = arith.constant 0 : i32
        %dma_wait3A_641 = arith.constant 0 : i32
        %dma_wait3A_642 = tpu.memref_slice %arg4[%dma_wait3A_640, %dma_wait3A_641] : memref<2560x128xi32, #tpu.memory_space<hbm>> -> memref<8x128xi32, #tpu.memory_space<hbm>>
        tpu.wait_dma2 semaphore(%arg23 : memref<!tpu.dma_semaphore, #tpu.memory_space<semaphore_mem>>) src(%dma_wait3A_642 : memref<8x128xi32, #tpu.memory_space<hbm>>) dst(%arg8 : memref<8x128xi32, #tpu.memory_space<vmem>>)
      } else {
      }
      %convert_element_type3A_593 = arith.extui %lt3A_589 : i1 to i32
      %cond3A_594 = arith.constant 0 : i32
      %cond3A_595 = arith.cmpi ne, %convert_element_type3A_593, %cond3A_594 : i32
      scf.if %cond3A_595 {
        %dma_wait3A_631 = arith.constant 6 : i32
        %dma_wait3A_632 = arith.constant 0 : i32
        %dma_wait3A_633 = tpu.memref_slice %arg9[%dma_wait3A_631, %dma_wait3A_632] : memref<8x128xi32, #tpu.memory_space<vmem>> -> memref<1x128xi32, #tpu.memory_space<vmem>>
        %dma_wait3A_634 = tpu.memref_squeeze %dma_wait3A_633 : memref<1x128xi32, #tpu.memory_space<vmem>> -> memref<128xi32, #tpu.memory_space<vmem>>
        %dma_wait3A_635 = arith.constant 0 : i32
        %dma_wait3A_636 = arith.constant 0 : i32
        %dma_wait3A_637 = tpu.memref_slice %arg2[%dma_wait3A_635, %dma_wait3A_636] : memref<10000x128xf32, #tpu.memory_space<hbm>> -> memref<10000x128xf32, #tpu.memory_space<hbm>>
        tpu.wait_indirect_dma semaphore(%arg17 : memref<!tpu.dma_semaphore, #tpu.memory_space<semaphore_mem>>) src(%dma_wait3A_637 : memref<10000x128xf32, #tpu.memory_space<hbm>>) dst(%arg11 : memref<128x128xf32, #tpu.memory_space<vmem>>)
        %dma_start3A_638 = arith.constant 6 : i32
        %dma_start3A_639 = arith.constant 0 : i32
        %dma_start3A_640 = tpu.memref_slice %arg10[%dma_start3A_638, %dma_start3A_639] : memref<8x128xi32, #tpu.memory_space<vmem>> -> memref<1x128xi32, #tpu.memory_space<vmem>>
        %dma_start3A_641 = tpu.memref_squeeze %dma_start3A_640 : memref<1x128xi32, #tpu.memory_space<vmem>> -> memref<128xi32, #tpu.memory_space<vmem>>
        %dma_start3A_642 = arith.constant 0 : i32
        %dma_start3A_643 = arith.constant 0 : i32
        %dma_start3A_644 = tpu.memref_slice %arg15[%dma_start3A_642, %dma_start3A_643] : memref<10240x128xf32, #tpu.memory_space<vmem_shared>> -> memref<10240x128xf32, #tpu.memory_space<vmem_shared>>
        tpu.enqueue_indirect_dma source(%arg11 : memref<128x128xf32, #tpu.memory_space<vmem>>) target(%dma_start3A_644 : memref<10240x128xf32, #tpu.memory_space<vmem_shared>>) offsets(%dma_start3A_641 : memref<128xi32, #tpu.memory_space<vmem>>) semaphore(%arg19 : memref<!tpu.dma_semaphore, #tpu.memory_space<semaphore_mem>>) {add = true}
        %dma_start3A_645 = arith.constant 6 : i32
        %dma_start3A_646 = arith.constant 0 : i32
        %dma_start3A_647 = tpu.memref_slice %arg10[%dma_start3A_645, %dma_start3A_646] : memref<8x128xi32, #tpu.memory_space<vmem>> -> memref<1x128xi32, #tpu.memory_space<vmem>>
        %dma_start3A_648 = tpu.memref_squeeze %dma_start3A_647 : memref<1x128xi32, #tpu.memory_space<vmem>> -> memref<128xi32, #tpu.memory_space<vmem>>
        %dma_start3A_649 = arith.constant 0 : i32
        %dma_start3A_650 = tpu.memref_slice %arg16[%dma_start3A_649] : memref<10240xf32, #tpu.memory_space<vmem_shared>> -> memref<10240xf32, #tpu.memory_space<vmem_shared>>
        tpu.enqueue_indirect_dma source(%arg13 : memref<128xf32, #tpu.memory_space<vmem>>) target(%dma_start3A_650 : memref<10240xf32, #tpu.memory_space<vmem_shared>>) offsets(%dma_start3A_648 : memref<128xi32, #tpu.memory_space<vmem>>) semaphore(%arg21 : memref<!tpu.dma_semaphore, #tpu.memory_space<semaphore_mem>>) {add = true}
        %dma_wait3A_651 = arith.constant 6 : i32
        %dma_wait3A_652 = arith.constant 0 : i32
        %dma_wait3A_653 = tpu.memref_slice %arg10[%dma_wait3A_651, %dma_wait3A_652] : memref<8x128xi32, #tpu.memory_space<vmem>> -> memref<1x128xi32, #tpu.memory_space<vmem>>
        %dma_wait3A_654 = tpu.memref_squeeze %dma_wait3A_653 : memref<1x128xi32, #tpu.memory_space<vmem>> -> memref<128xi32, #tpu.memory_space<vmem>>
        %dma_wait3A_655 = arith.constant 0 : i32
        %dma_wait3A_656 = arith.constant 0 : i32
        %dma_wait3A_657 = tpu.memref_slice %arg15[%dma_wait3A_655, %dma_wait3A_656] : memref<10240x128xf32, #tpu.memory_space<vmem_shared>> -> memref<10240x128xf32, #tpu.memory_space<vmem_shared>>
        tpu.wait_indirect_dma semaphore(%arg19 : memref<!tpu.dma_semaphore, #tpu.memory_space<semaphore_mem>>) src(%arg11 : memref<128x128xf32, #tpu.memory_space<vmem>>) dst(%dma_wait3A_657 : memref<10240x128xf32, #tpu.memory_space<vmem_shared>>)
      } else {
      }
      %add3A_596 = arith.constant 6 : i32
      %add3A_597 = arith.addi %add3A_471, %add3A_596 : i32
      %add3A_598 = arith.constant 2 : i32
      %add3A_599 = arith.addi %add3A_597, %add3A_598 : i32
      %lt3A_600 = arith.constant 2500 : i32
      %lt3A_601 = arith.cmpi slt, %add3A_599, %lt3A_600 : i32
      %and3A = arith.andi %lt3A_290, %lt3A_601 : i1
      %convert_element_type3A_602 = arith.extui %and3A : i1 to i32
      %cond3A_603 = arith.constant 0 : i32
      %cond3A_604 = arith.cmpi ne, %convert_element_type3A_602, %cond3A_603 : i32
      scf.if %cond3A_604 {
        %dma_start3A_631 = arith.constant 0 : i32
        %dma_start3A_632 = arith.constant 0 : i32
        %dma_start3A_633 = tpu.memref_slice %arg7[%dma_start3A_631, %dma_start3A_632] : memref<8x128xi32, #tpu.memory_space<vmem>> -> memref<1x128xi32, #tpu.memory_space<vmem>>
        %dma_start3A_634 = tpu.memref_squeeze %dma_start3A_633 : memref<1x128xi32, #tpu.memory_space<vmem>> -> memref<128xi32, #tpu.memory_space<vmem>>
        %dma_start3A_635 = arith.constant 0 : i32
        %dma_start3A_636 = arith.constant 0 : i32
        %dma_start3A_637 = tpu.memref_slice %arg2[%dma_start3A_635, %dma_start3A_636] : memref<10000x128xf32, #tpu.memory_space<hbm>> -> memref<10000x128xf32, #tpu.memory_space<hbm>>
        tpu.enqueue_indirect_dma source(%dma_start3A_637 : memref<10000x128xf32, #tpu.memory_space<hbm>>) target(%arg11 : memref<128x128xf32, #tpu.memory_space<vmem>>) offsets(%dma_start3A_634 : memref<128xi32, #tpu.memory_space<vmem>>) semaphore(%arg17 : memref<!tpu.dma_semaphore, #tpu.memory_space<semaphore_mem>>)
      } else {
      }
      %convert_element_type3A_605 = arith.extui %lt3A_589 : i1 to i32
      %cond3A_606 = arith.constant 0 : i32
      %cond3A_607 = arith.cmpi ne, %convert_element_type3A_605, %cond3A_606 : i32
      scf.if %cond3A_607 {
        %dma_wait3A_631 = arith.constant 6 : i32
        %dma_wait3A_632 = arith.constant 0 : i32
        %dma_wait3A_633 = tpu.memref_slice %arg10[%dma_wait3A_631, %dma_wait3A_632] : memref<8x128xi32, #tpu.memory_space<vmem>> -> memref<1x128xi32, #tpu.memory_space<vmem>>
        %dma_wait3A_634 = tpu.memref_squeeze %dma_wait3A_633 : memref<1x128xi32, #tpu.memory_space<vmem>> -> memref<128xi32, #tpu.memory_space<vmem>>
        %dma_wait3A_635 = arith.constant 0 : i32
        %dma_wait3A_636 = tpu.memref_slice %arg16[%dma_wait3A_635] : memref<10240xf32, #tpu.memory_space<vmem_shared>> -> memref<10240xf32, #tpu.memory_space<vmem_shared>>
        tpu.wait_indirect_dma semaphore(%arg21 : memref<!tpu.dma_semaphore, #tpu.memory_space<semaphore_mem>>) src(%arg13 : memref<128xf32, #tpu.memory_space<vmem>>) dst(%dma_wait3A_636 : memref<10240xf32, #tpu.memory_space<vmem_shared>>)
      } else {
      }
      %add3A_608 = arith.constant 7 : i32
      %add3A_609 = arith.addi %add3A_471, %add3A_608 : i32
      %lt3A_610 = arith.constant 2500 : i32
      %lt3A_611 = arith.cmpi slt, %add3A_609, %lt3A_610 : i32
      %convert_element_type3A_612 = arith.extui %lt3A_611 : i1 to i32
      %cond3A_613 = arith.constant 0 : i32
      %cond3A_614 = arith.cmpi ne, %convert_element_type3A_612, %cond3A_613 : i32
      scf.if %cond3A_614 {
        %dma_wait3A_631 = arith.constant 7 : i32
        %dma_wait3A_632 = arith.constant 0 : i32
        %dma_wait3A_633 = tpu.memref_slice %arg9[%dma_wait3A_631, %dma_wait3A_632] : memref<8x128xi32, #tpu.memory_space<vmem>> -> memref<1x128xi32, #tpu.memory_space<vmem>>
        %dma_wait3A_634 = tpu.memref_squeeze %dma_wait3A_633 : memref<1x128xi32, #tpu.memory_space<vmem>> -> memref<128xi32, #tpu.memory_space<vmem>>
        %dma_wait3A_635 = arith.constant 0 : i32
        %dma_wait3A_636 = arith.constant 0 : i32
        %dma_wait3A_637 = tpu.memref_slice %arg2[%dma_wait3A_635, %dma_wait3A_636] : memref<10000x128xf32, #tpu.memory_space<hbm>> -> memref<10000x128xf32, #tpu.memory_space<hbm>>
        tpu.wait_indirect_dma semaphore(%arg18 : memref<!tpu.dma_semaphore, #tpu.memory_space<semaphore_mem>>) src(%dma_wait3A_637 : memref<10000x128xf32, #tpu.memory_space<hbm>>) dst(%arg12 : memref<128x128xf32, #tpu.memory_space<vmem>>)
        %dma_start3A_638 = arith.constant 7 : i32
        %dma_start3A_639 = arith.constant 0 : i32
        %dma_start3A_640 = tpu.memref_slice %arg10[%dma_start3A_638, %dma_start3A_639] : memref<8x128xi32, #tpu.memory_space<vmem>> -> memref<1x128xi32, #tpu.memory_space<vmem>>
        %dma_start3A_641 = tpu.memref_squeeze %dma_start3A_640 : memref<1x128xi32, #tpu.memory_space<vmem>> -> memref<128xi32, #tpu.memory_space<vmem>>
        %dma_start3A_642 = arith.constant 0 : i32
        %dma_start3A_643 = arith.constant 0 : i32
        %dma_start3A_644 = tpu.memref_slice %arg15[%dma_start3A_642, %dma_start3A_643] : memref<10240x128xf32, #tpu.memory_space<vmem_shared>> -> memref<10240x128xf32, #tpu.memory_space<vmem_shared>>
        tpu.enqueue_indirect_dma source(%arg12 : memref<128x128xf32, #tpu.memory_space<vmem>>) target(%dma_start3A_644 : memref<10240x128xf32, #tpu.memory_space<vmem_shared>>) offsets(%dma_start3A_641 : memref<128xi32, #tpu.memory_space<vmem>>) semaphore(%arg20 : memref<!tpu.dma_semaphore, #tpu.memory_space<semaphore_mem>>) {add = true}
        %dma_start3A_645 = arith.constant 7 : i32
        %dma_start3A_646 = arith.constant 0 : i32
        %dma_start3A_647 = tpu.memref_slice %arg10[%dma_start3A_645, %dma_start3A_646] : memref<8x128xi32, #tpu.memory_space<vmem>> -> memref<1x128xi32, #tpu.memory_space<vmem>>
        %dma_start3A_648 = tpu.memref_squeeze %dma_start3A_647 : memref<1x128xi32, #tpu.memory_space<vmem>> -> memref<128xi32, #tpu.memory_space<vmem>>
        %dma_start3A_649 = arith.constant 0 : i32
        %dma_start3A_650 = tpu.memref_slice %arg16[%dma_start3A_649] : memref<10240xf32, #tpu.memory_space<vmem_shared>> -> memref<10240xf32, #tpu.memory_space<vmem_shared>>
        tpu.enqueue_indirect_dma source(%arg13 : memref<128xf32, #tpu.memory_space<vmem>>) target(%dma_start3A_650 : memref<10240xf32, #tpu.memory_space<vmem_shared>>) offsets(%dma_start3A_648 : memref<128xi32, #tpu.memory_space<vmem>>) semaphore(%arg22 : memref<!tpu.dma_semaphore, #tpu.memory_space<semaphore_mem>>) {add = true}
        %dma_wait3A_651 = arith.constant 7 : i32
        %dma_wait3A_652 = arith.constant 0 : i32
        %dma_wait3A_653 = tpu.memref_slice %arg10[%dma_wait3A_651, %dma_wait3A_652] : memref<8x128xi32, #tpu.memory_space<vmem>> -> memref<1x128xi32, #tpu.memory_space<vmem>>
        %dma_wait3A_654 = tpu.memref_squeeze %dma_wait3A_653 : memref<1x128xi32, #tpu.memory_space<vmem>> -> memref<128xi32, #tpu.memory_space<vmem>>
        %dma_wait3A_655 = arith.constant 0 : i32
        %dma_wait3A_656 = arith.constant 0 : i32
        %dma_wait3A_657 = tpu.memref_slice %arg15[%dma_wait3A_655, %dma_wait3A_656] : memref<10240x128xf32, #tpu.memory_space<vmem_shared>> -> memref<10240x128xf32, #tpu.memory_space<vmem_shared>>
        tpu.wait_indirect_dma semaphore(%arg20 : memref<!tpu.dma_semaphore, #tpu.memory_space<semaphore_mem>>) src(%arg12 : memref<128x128xf32, #tpu.memory_space<vmem>>) dst(%dma_wait3A_657 : memref<10240x128xf32, #tpu.memory_space<vmem_shared>>)
      } else {
      }
      %add3A_615 = arith.constant 7 : i32
      %add3A_616 = arith.addi %add3A_471, %add3A_615 : i32
      %add3A_617 = arith.constant 2 : i32
      %add3A_618 = arith.addi %add3A_616, %add3A_617 : i32
      %lt3A_619 = arith.constant 2500 : i32
      %lt3A_620 = arith.cmpi slt, %add3A_618, %lt3A_619 : i32
      %and3A_621 = arith.andi %lt3A_290, %lt3A_620 : i1
      %convert_element_type3A_622 = arith.extui %and3A_621 : i1 to i32
      %cond3A_623 = arith.constant 0 : i32
      %cond3A_624 = arith.cmpi ne, %convert_element_type3A_622, %cond3A_623 : i32
      scf.if %cond3A_624 {
        %dma_start3A_631 = arith.constant 1 : i32
        %dma_start3A_632 = arith.constant 0 : i32
        %dma_start3A_633 = tpu.memref_slice %arg7[%dma_start3A_631, %dma_start3A_632] : memref<8x128xi32, #tpu.memory_space<vmem>> -> memref<1x128xi32, #tpu.memory_space<vmem>>
        %dma_start3A_634 = tpu.memref_squeeze %dma_start3A_633 : memref<1x128xi32, #tpu.memory_space<vmem>> -> memref<128xi32, #tpu.memory_space<vmem>>
        %dma_start3A_635 = arith.constant 0 : i32
        %dma_start3A_636 = arith.constant 0 : i32
        %dma_start3A_637 = tpu.memref_slice %arg2[%dma_start3A_635, %dma_start3A_636] : memref<10000x128xf32, #tpu.memory_space<hbm>> -> memref<10000x128xf32, #tpu.memory_space<hbm>>
        tpu.enqueue_indirect_dma source(%dma_start3A_637 : memref<10000x128xf32, #tpu.memory_space<hbm>>) target(%arg12 : memref<128x128xf32, #tpu.memory_space<vmem>>) offsets(%dma_start3A_634 : memref<128xi32, #tpu.memory_space<vmem>>) semaphore(%arg18 : memref<!tpu.dma_semaphore, #tpu.memory_space<semaphore_mem>>)
      } else {
      }
      %convert_element_type3A_625 = arith.extui %lt3A_611 : i1 to i32
      %cond3A_626 = arith.constant 0 : i32
      %cond3A_627 = arith.cmpi ne, %convert_element_type3A_625, %cond3A_626 : i32
      scf.if %cond3A_627 {
        %dma_wait3A_631 = arith.constant 7 : i32
        %dma_wait3A_632 = arith.constant 0 : i32
        %dma_wait3A_633 = tpu.memref_slice %arg10[%dma_wait3A_631, %dma_wait3A_632] : memref<8x128xi32, #tpu.memory_space<vmem>> -> memref<1x128xi32, #tpu.memory_space<vmem>>
        %dma_wait3A_634 = tpu.memref_squeeze %dma_wait3A_633 : memref<1x128xi32, #tpu.memory_space<vmem>> -> memref<128xi32, #tpu.memory_space<vmem>>
        %dma_wait3A_635 = arith.constant 0 : i32
        %dma_wait3A_636 = tpu.memref_slice %arg16[%dma_wait3A_635] : memref<10240xf32, #tpu.memory_space<vmem_shared>> -> memref<10240xf32, #tpu.memory_space<vmem_shared>>
        tpu.wait_indirect_dma semaphore(%arg22 : memref<!tpu.dma_semaphore, #tpu.memory_space<semaphore_mem>>) src(%arg13 : memref<128xf32, #tpu.memory_space<vmem>>) dst(%dma_wait3A_636 : memref<10240xf32, #tpu.memory_space<vmem_shared>>)
      } else {
      }
      %convert_element_type3A_628 = arith.extui %lt3A_290 : i1 to i32
      %cond3A_629 = arith.constant 0 : i32
      %cond3A_630 = arith.cmpi ne, %convert_element_type3A_628, %cond3A_629 : i32
      scf.if %cond3A_630 {
        %mul3A_631 = arith.constant 2 : i32
        %mul3A_632 = arith.muli %mul3A_631, %scan3A_288 : i32
        %add3A_633 = arith.constant 3 : i32
        %add3A_634 = arith.addi %mul3A_632, %add3A_633 : i32
        %mul3A_635 = arith.constant 8 : i32
        %mul3A_636 = arith.muli %add3A_634, %mul3A_635 : i32
        %add3A_637 = arith.addi %mul3A_4, %mul3A_636 : i32
        %dma_start3A_638 = arith.constant 0 : i32
        %dma_start3A_639 = tpu.memref_slice %arg3[%add3A_637, %dma_start3A_638] : memref<2560x128xi32, #tpu.memory_space<hbm>> -> memref<8x128xi32, #tpu.memory_space<hbm>>
        %dma_start3A_640 = arith.constant 0 : i32
        %dma_start3A_641 = tpu.memref_slice %arg3[%add3A_637, %dma_start3A_640] : memref<2560x128xi32, #tpu.memory_space<hbm>> -> memref<8x128xi32, #tpu.memory_space<hbm>>
        tpu.enqueue_dma source(%dma_start3A_641 : memref<8x128xi32, #tpu.memory_space<hbm>>) target(%arg9 : memref<8x128xi32, #tpu.memory_space<vmem>>) target_semaphore(%arg24 : memref<!tpu.dma_semaphore, #tpu.memory_space<semaphore_mem>>)
        %dma_start3A_642 = arith.constant 0 : i32
        %dma_start3A_643 = tpu.memref_slice %arg4[%add3A_637, %dma_start3A_642] : memref<2560x128xi32, #tpu.memory_space<hbm>> -> memref<8x128xi32, #tpu.memory_space<hbm>>
        %dma_start3A_644 = arith.constant 0 : i32
        %dma_start3A_645 = tpu.memref_slice %arg4[%add3A_637, %dma_start3A_644] : memref<2560x128xi32, #tpu.memory_space<hbm>> -> memref<8x128xi32, #tpu.memory_space<hbm>>
        tpu.enqueue_dma source(%dma_start3A_645 : memref<8x128xi32, #tpu.memory_space<hbm>>) target(%arg10 : memref<8x128xi32, #tpu.memory_space<vmem>>) target_semaphore(%arg24 : memref<!tpu.dma_semaphore, #tpu.memory_space<semaphore_mem>>)
      } else {
      }
    }
    %scan3A_277 = arith.constant 5 : i32
    %barrier3A_278 = arith.constant 0 : index
    tpu.barrier barrier_id(%barrier3A_278)
    %lt3A = arith.constant 15 : i32
    %lt3A_279 = arith.cmpi slt, %arg1, %lt3A : i32
    %convert_element_type3A = arith.extui %lt3A_279 : i1 to i32
    %cond3A = arith.constant 0 : i32
    %cond3A_280 = arith.cmpi ne, %convert_element_type3A, %cond3A : i32
    scf.if %cond3A_280 {
      %mul3A_288 = arith.constant 10000 : i32
      %mul3A_289 = arith.muli %arg0, %mul3A_288 : i32
      %add3A_290 = arith.addi %mul3A_289, %mul3A_0 : i32
      "tpu.region"() ({
        %run_scoped3A = tpu.sem_alloc : memref<!tpu.dma_semaphore, #tpu.memory_space<semaphore_mem>>
        %dma_start3A_291 = arith.constant 0 : i32
        %dma_start3A_292 = tpu.memref_slice %arg5[%add3A_290, %dma_start3A_291] : memref<20000x128xf32, #tpu.memory_space<hbm>> -> memref<640x128xf32, #tpu.memory_space<hbm>>
        %dma_start3A_293 = arith.constant 0 : i32
        %dma_start3A_294 = tpu.memref_slice %arg15[%mul3A_0, %dma_start3A_293] : memref<10240x128xf32, #tpu.memory_space<vmem_shared>> -> memref<640x128xf32, #tpu.memory_space<vmem_shared>>
        tpu.enqueue_dma source(%dma_start3A_294 : memref<640x128xf32, #tpu.memory_space<vmem_shared>>) target(%dma_start3A_292 : memref<640x128xf32, #tpu.memory_space<hbm>>) target_semaphore(%run_scoped3A : memref<!tpu.dma_semaphore, #tpu.memory_space<semaphore_mem>>)
        %dma_wait3A_295 = arith.constant 0 : i32
        %dma_wait3A_296 = tpu.memref_slice %arg5[%add3A_290, %dma_wait3A_295] : memref<20000x128xf32, #tpu.memory_space<hbm>> -> memref<640x128xf32, #tpu.memory_space<hbm>>
        %dma_wait3A_297 = arith.constant 0 : i32
        %dma_wait3A_298 = tpu.memref_slice %arg15[%mul3A_0, %dma_wait3A_297] : memref<10240x128xf32, #tpu.memory_space<vmem_shared>> -> memref<640x128xf32, #tpu.memory_space<vmem_shared>>
        tpu.wait_dma2 semaphore(%run_scoped3A : memref<!tpu.dma_semaphore, #tpu.memory_space<semaphore_mem>>) src(%dma_wait3A_298 : memref<640x128xf32, #tpu.memory_space<vmem_shared>>) dst(%dma_wait3A_296 : memref<640x128xf32, #tpu.memory_space<hbm>>)
        tpu.yield
      }) : () -> ()
    } else {
    }
    %eq3A = arith.constant 15 : i32
    %eq3A_281 = arith.cmpi eq, %arg1, %eq3A : i32
    %convert_element_type3A_282 = arith.extui %eq3A_281 : i1 to i32
    %cond3A_283 = arith.constant 0 : i32
    %cond3A_284 = arith.cmpi ne, %convert_element_type3A_282, %cond3A_283 : i32
    scf.if %cond3A_284 {
      %mul3A_288 = arith.constant 10000 : i32
      %mul3A_289 = arith.muli %arg0, %mul3A_288 : i32
      %add3A_290 = arith.addi %mul3A_289, %mul3A_0 : i32
      "tpu.region"() ({
        %run_scoped3A = tpu.sem_alloc : memref<!tpu.dma_semaphore, #tpu.memory_space<semaphore_mem>>
        %dma_start3A_291 = arith.constant 0 : i32
        %dma_start3A_292 = tpu.memref_slice %arg5[%add3A_290, %dma_start3A_291] : memref<20000x128xf32, #tpu.memory_space<hbm>> -> memref<400x128xf32, #tpu.memory_space<hbm>>
        %dma_start3A_293 = arith.constant 0 : i32
        %dma_start3A_294 = tpu.memref_slice %arg15[%mul3A_0, %dma_start3A_293] : memref<10240x128xf32, #tpu.memory_space<vmem_shared>> -> memref<400x128xf32, #tpu.memory_space<vmem_shared>>
        tpu.enqueue_dma source(%dma_start3A_294 : memref<400x128xf32, #tpu.memory_space<vmem_shared>>) target(%dma_start3A_292 : memref<400x128xf32, #tpu.memory_space<hbm>>) target_semaphore(%run_scoped3A : memref<!tpu.dma_semaphore, #tpu.memory_space<semaphore_mem>>)
        %dma_wait3A_295 = arith.constant 0 : i32
        %dma_wait3A_296 = tpu.memref_slice %arg5[%add3A_290, %dma_wait3A_295] : memref<20000x128xf32, #tpu.memory_space<hbm>> -> memref<400x128xf32, #tpu.memory_space<hbm>>
        %dma_wait3A_297 = arith.constant 0 : i32
        %dma_wait3A_298 = tpu.memref_slice %arg15[%mul3A_0, %dma_wait3A_297] : memref<10240x128xf32, #tpu.memory_space<vmem_shared>> -> memref<400x128xf32, #tpu.memory_space<vmem_shared>>
        tpu.wait_dma2 semaphore(%run_scoped3A : memref<!tpu.dma_semaphore, #tpu.memory_space<semaphore_mem>>) src(%dma_wait3A_298 : memref<400x128xf32, #tpu.memory_space<vmem_shared>>) dst(%dma_wait3A_296 : memref<400x128xf32, #tpu.memory_space<hbm>>)
        tpu.yield
      }) : () -> ()
    } else {
    }
    %mul3A_285 = arith.constant 10240 : i32
    %mul3A_286 = arith.muli %arg0, %mul3A_285 : i32
    %add3A_287 = arith.addi %mul3A_286, %mul3A_0 : i32
    "tpu.region"() ({
      %run_scoped3A = tpu.sem_alloc : memref<!tpu.dma_semaphore, #tpu.memory_space<semaphore_mem>>
      %dma_start3A_288 = tpu.memref_slice %arg6[%add3A_287] : memref<20480xf32, #tpu.memory_space<hbm>> -> memref<640xf32, #tpu.memory_space<hbm>>
      %dma_start3A_289 = tpu.memref_slice %arg16[%mul3A_0] : memref<10240xf32, #tpu.memory_space<vmem_shared>> -> memref<640xf32, #tpu.memory_space<vmem_shared>>
      tpu.enqueue_dma source(%dma_start3A_289 : memref<640xf32, #tpu.memory_space<vmem_shared>>) target(%dma_start3A_288 : memref<640xf32, #tpu.memory_space<hbm>>) target_semaphore(%run_scoped3A : memref<!tpu.dma_semaphore, #tpu.memory_space<semaphore_mem>>)
      %dma_wait3A_290 = tpu.memref_slice %arg6[%add3A_287] : memref<20480xf32, #tpu.memory_space<hbm>> -> memref<640xf32, #tpu.memory_space<hbm>>
      %dma_wait3A_291 = tpu.memref_slice %arg16[%mul3A_0] : memref<10240xf32, #tpu.memory_space<vmem_shared>> -> memref<640xf32, #tpu.memory_space<vmem_shared>>
      tpu.wait_dma2 semaphore(%run_scoped3A : memref<!tpu.dma_semaphore, #tpu.memory_space<semaphore_mem>>) src(%dma_wait3A_291 : memref<640xf32, #tpu.memory_space<vmem_shared>>) dst(%dma_wait3A_290 : memref<640xf32, #tpu.memory_space<hbm>>)
      tpu.yield
    }) : () -> ()
    return
  }
}

module attributes {stable_mosaic.version = 14 : i64} {
  func.func @_pre_body(%arg0: i32, %arg1: memref<2000x128xf32, #tpu.memory_space<vmem>>, %arg2: memref<128x128xf32, #tpu.memory_space<vmem>>, %arg3: memref<128x128xf32, #tpu.memory_space<vmem>>, %arg4: memref<1x128xf32, #tpu.memory_space<vmem>>, %arg5: memref<2000x128xf32, #tpu.memory_space<vmem>>, %arg6: memref<2000x128xf32, #tpu.memory_space<vmem>>) attributes {dimension_semantics = [#tpu.dimension_semantics<arbitrary>], iteration_bounds = array<i64: 5>, scalar_prefetch = 0 : i64, scratch_operands = 0 : i64, tpu.core_type = #tpu.core_type<tc>, window_params = [{transform_indices = @transform_0, window_bounds = array<i64: 2000, 128>}, {pipeline_mode = #tpu.pipeline_mode<synchronous>, transform_indices = @transform_1, window_bounds = array<i64: 128, 128>}, {pipeline_mode = #tpu.pipeline_mode<synchronous>, transform_indices = @transform_2, window_bounds = array<i64: 128, 128>}, {pipeline_mode = #tpu.pipeline_mode<synchronous>, transform_indices = @transform_3, window_bounds = array<i64: 1, 128>}, {transform_indices = @transform_4, window_bounds = array<i64: 2000, 128>}, {transform_indices = @transform_5, window_bounds = array<i64: 2000, 128>}]} {
    %get3A = arith.constant 0 : index
    %get3A_0 = arith.constant 0 : index
    %get3A_1 = vector.load %arg1[%get3A, %get3A_0] : memref<2000x128xf32, #tpu.memory_space<vmem>>, vector<2000x128xf32>
    %get3A_2 = arith.constant 0 : index
    %get3A_3 = arith.constant 0 : index
    %get3A_4 = vector.load %arg2[%get3A_2, %get3A_3] : memref<128x128xf32, #tpu.memory_space<vmem>>, vector<128x128xf32>
    %dot_general3A = arith.constant dense<0.000000e+00> : vector<2000x128xf32>
    %dot_general3A_5 = tpu.matmul %get3A_1, %get3A_4, %dot_general3A {dimension_numbers = #tpu.dot_dimension_numbers<[1], [1], [0], [0], [0, 0, 1, 0], [], []>, transpose_lhs_hint = false} : vector<2000x128xf32>, vector<128x128xf32>, vector<2000x128xf32> -> vector<2000x128xf32>
    %swap3A = arith.constant 0 : index
    %swap3A_6 = arith.constant 0 : index
    %swap3A_7 = vector.load %arg5[%swap3A, %swap3A_6] : memref<2000x128xf32, #tpu.memory_space<vmem>>, vector<2000x128xf32>
    tpu.vector_store %arg5[%swap3A, %swap3A_6], %dot_general3A_5 {strides = array<i32>} : memref<2000x128xf32, #tpu.memory_space<vmem>>, vector<2000x128xf32>,
    %get3A_8 = arith.constant 0 : index
    %get3A_9 = arith.constant 0 : index
    %get3A_10 = vector.load %arg3[%get3A_8, %get3A_9] : memref<128x128xf32, #tpu.memory_space<vmem>>, vector<128x128xf32>
    %dot_general3A_11 = arith.constant dense<0.000000e+00> : vector<2000x128xf32>
    %dot_general3A_12 = tpu.matmul %get3A_1, %get3A_10, %dot_general3A_11 {dimension_numbers = #tpu.dot_dimension_numbers<[1], [1], [0], [0], [0, 0, 1, 0], [], []>, transpose_lhs_hint = false} : vector<2000x128xf32>, vector<128x128xf32>, vector<2000x128xf32> -> vector<2000x128xf32>
    %get3A_13 = arith.constant 0 : index
    %get3A_14 = arith.constant 0 : index
    %get3A_15 = vector.load %arg4[%get3A_13, %get3A_14] : memref<1x128xf32, #tpu.memory_space<vmem>>, vector<1x128xf32>
    %add3A = vector.broadcast %get3A_15 : vector<1x128xf32> to vector<2000x128xf32>
    %add3A_16 = arith.addf %dot_general3A_12, %add3A : vector<2000x128xf32>
    %swap3A_17 = arith.constant 0 : index
    %swap3A_18 = arith.constant 0 : index
    %swap3A_19 = vector.load %arg6[%swap3A_17, %swap3A_18] : memref<2000x128xf32, #tpu.memory_space<vmem>>, vector<2000x128xf32>
    tpu.vector_store %arg6[%swap3A_17, %swap3A_18], %add3A_16 {strides = array<i32>} : memref<2000x128xf32, #tpu.memory_space<vmem>>, vector<2000x128xf32>,
    return
  }
  func.func @transform_0(%arg0: i32) -> (i32, i32) {
    %c0_i32 = arith.constant 0 : i32
    %c0_i32_0 = arith.constant 0 : i32
    return %arg0, %c0_i32 : i32, i32
  }
  func.func @transform_1(%arg0: i32) -> (i32, i32) {
    %c0_i32 = arith.constant 0 : i32
    %c0_i32_0 = arith.constant 0 : i32
    %c0_i32_1 = arith.constant 0 : i32
    return %c0_i32, %c0_i32_0 : i32, i32
  }
  func.func @transform_2(%arg0: i32) -> (i32, i32) {
    %c0_i32 = arith.constant 0 : i32
    %c0_i32_0 = arith.constant 0 : i32
    %c0_i32_1 = arith.constant 0 : i32
    return %c0_i32, %c0_i32_0 : i32, i32
  }
  func.func @transform_3(%arg0: i32) -> (i32, i32) {
    %c0_i32 = arith.constant 0 : i32
    %c0_i32_0 = arith.constant 0 : i32
    %c0_i32_1 = arith.constant 0 : i32
    return %c0_i32, %c0_i32_0 : i32, i32
  }
  func.func @transform_4(%arg0: i32) -> (i32, i32) {
    %c0_i32 = arith.constant 0 : i32
    %c0_i32_0 = arith.constant 0 : i32
    return %arg0, %c0_i32 : i32, i32
  }
  func.func @transform_5(%arg0: i32) -> (i32, i32) {
    %c0_i32 = arith.constant 0 : i32
    %c0_i32_0 = arith.constant 0 : i32
    return %arg0, %c0_i32 : i32, i32
  }
}

module attributes {stable_mosaic.version = 14 : i64} {
  func.func @_mid_body(%arg0: i32, %arg1: memref<2000x128xf32, #tpu.memory_space<vmem>>, %arg2: memref<2000x128xf32, #tpu.memory_space<vmem>>, %arg3: memref<2000x1xf32, #tpu.memory_space<vmem>>, %arg4: memref<2000x1xf32, #tpu.memory_space<vmem>>, %arg5: memref<2000x128xf32, #tpu.memory_space<vmem>>, %arg6: memref<128x128xf32, #tpu.memory_space<vmem>>, %arg7: memref<128x128xf32, #tpu.memory_space<vmem>>, %arg8: memref<1x128xf32, #tpu.memory_space<vmem>>, %arg9: memref<2000x128xf32, #tpu.memory_space<vmem>>, %arg10: memref<2000x128xf32, #tpu.memory_space<vmem>>) attributes {dimension_semantics = [#tpu.dimension_semantics<arbitrary>], iteration_bounds = array<i64: 5>, scalar_prefetch = 0 : i64, scratch_operands = 0 : i64, tpu.core_type = #tpu.core_type<tc>, window_params = [{transform_indices = @transform_0, window_bounds = array<i64: 2000, 128>}, {transform_indices = @transform_1, window_bounds = array<i64: 2000, 128>}, {transform_indices = @transform_2, window_bounds = array<i64: 2000, 1>}, {transform_indices = @transform_3, window_bounds = array<i64: 2000, 1>}, {transform_indices = @transform_4, window_bounds = array<i64: 2000, 128>}, {pipeline_mode = #tpu.pipeline_mode<synchronous>, transform_indices = @transform_5, window_bounds = array<i64: 128, 128>}, {pipeline_mode = #tpu.pipeline_mode<synchronous>, transform_indices = @transform_6, window_bounds = array<i64: 128, 128>}, {pipeline_mode = #tpu.pipeline_mode<synchronous>, transform_indices = @transform_7, window_bounds = array<i64: 1, 128>}, {transform_indices = @transform_8, window_bounds = array<i64: 2000, 128>}, {transform_indices = @transform_9, window_bounds = array<i64: 2000, 128>}]} {
    %get3A = arith.constant 0 : index
    %get3A_0 = arith.constant 0 : index
    %get3A_1 = vector.load %arg3[%get3A, %get3A_0] : memref<2000x1xf32, #tpu.memory_space<vmem>>, vector<2000x1xf32>
    %get3A_2 = arith.constant 0 : index
    %get3A_3 = arith.constant 0 : index
    %get3A_4 = vector.load %arg4[%get3A_2, %get3A_3] : memref<2000x1xf32, #tpu.memory_space<vmem>>, vector<2000x1xf32>
    %add3A = arith.addf %get3A_1, %get3A_4 : vector<2000x1xf32>
    %max3A = arith.constant 1.000000e+00 : f32
    %max3A_5 = vector.broadcast %max3A : f32 to vector<2000x1xf32>
    %max3A_6 = arith.maximumf %add3A, %max3A_5 : vector<2000x1xf32>
    %get3A_7 = arith.constant 0 : index
    %get3A_8 = arith.constant 0 : index
    %get3A_9 = vector.load %arg1[%get3A_7, %get3A_8] : memref<2000x128xf32, #tpu.memory_space<vmem>>, vector<2000x128xf32>
    %get3A_10 = arith.constant 0 : index
    %get3A_11 = arith.constant 0 : index
    %get3A_12 = vector.load %arg2[%get3A_10, %get3A_11] : memref<2000x128xf32, #tpu.memory_space<vmem>>, vector<2000x128xf32>
    %add3A_13 = arith.addf %get3A_9, %get3A_12 : vector<2000x128xf32>
    %div3A = vector.broadcast %max3A_6 : vector<2000x1xf32> to vector<2000x128xf32>
    %div3A_14 = arith.divf %add3A_13, %div3A : vector<2000x128xf32>
    %get3A_15 = arith.constant 0 : index
    %get3A_16 = arith.constant 0 : index
    %get3A_17 = vector.load %arg5[%get3A_15, %get3A_16] : memref<2000x128xf32, #tpu.memory_space<vmem>>, vector<2000x128xf32>
    %add3A_18 = arith.addf %div3A_14, %get3A_17 : vector<2000x128xf32>
    %max3A_19 = arith.constant 0.000000e+00 : f32
    %max3A_20 = vector.broadcast %max3A_19 : f32 to vector<2000x128xf32>
    %max3A_21 = arith.maximumf %add3A_18, %max3A_20 : vector<2000x128xf32>
    %get3A_22 = arith.constant 0 : index
    %get3A_23 = arith.constant 0 : index
    %get3A_24 = vector.load %arg6[%get3A_22, %get3A_23] : memref<128x128xf32, #tpu.memory_space<vmem>>, vector<128x128xf32>
    %dot_general3A = arith.constant dense<0.000000e+00> : vector<2000x128xf32>
    %dot_general3A_25 = tpu.matmul %max3A_21, %get3A_24, %dot_general3A {dimension_numbers = #tpu.dot_dimension_numbers<[1], [1], [0], [0], [0, 0, 1, 0], [], []>, transpose_lhs_hint = false} : vector<2000x128xf32>, vector<128x128xf32>, vector<2000x128xf32> -> vector<2000x128xf32>
    %swap3A = arith.constant 0 : index
    %swap3A_26 = arith.constant 0 : index
    %swap3A_27 = vector.load %arg9[%swap3A, %swap3A_26] : memref<2000x128xf32, #tpu.memory_space<vmem>>, vector<2000x128xf32>
    tpu.vector_store %arg9[%swap3A, %swap3A_26], %dot_general3A_25 {strides = array<i32>} : memref<2000x128xf32, #tpu.memory_space<vmem>>, vector<2000x128xf32>,
    %get3A_28 = arith.constant 0 : index
    %get3A_29 = arith.constant 0 : index
    %get3A_30 = vector.load %arg7[%get3A_28, %get3A_29] : memref<128x128xf32, #tpu.memory_space<vmem>>, vector<128x128xf32>
    %dot_general3A_31 = arith.constant dense<0.000000e+00> : vector<2000x128xf32>
    %dot_general3A_32 = tpu.matmul %max3A_21, %get3A_30, %dot_general3A_31 {dimension_numbers = #tpu.dot_dimension_numbers<[1], [1], [0], [0], [0, 0, 1, 0], [], []>, transpose_lhs_hint = false} : vector<2000x128xf32>, vector<128x128xf32>, vector<2000x128xf32> -> vector<2000x128xf32>
    %get3A_33 = arith.constant 0 : index
    %get3A_34 = arith.constant 0 : index
    %get3A_35 = vector.load %arg8[%get3A_33, %get3A_34] : memref<1x128xf32, #tpu.memory_space<vmem>>, vector<1x128xf32>
    %add3A_36 = vector.broadcast %get3A_35 : vector<1x128xf32> to vector<2000x128xf32>
    %add3A_37 = arith.addf %dot_general3A_32, %add3A_36 : vector<2000x128xf32>
    %swap3A_38 = arith.constant 0 : index
    %swap3A_39 = arith.constant 0 : index
    %swap3A_40 = vector.load %arg10[%swap3A_38, %swap3A_39] : memref<2000x128xf32, #tpu.memory_space<vmem>>, vector<2000x128xf32>
    tpu.vector_store %arg10[%swap3A_38, %swap3A_39], %add3A_37 {strides = array<i32>} : memref<2000x128xf32, #tpu.memory_space<vmem>>, vector<2000x128xf32>,
    return
  }
  func.func @transform_0(%arg0: i32) -> (i32, i32) {
    %c0_i32 = arith.constant 0 : i32
    %c0_i32_0 = arith.constant 0 : i32
    return %arg0, %c0_i32 : i32, i32
  }
  func.func @transform_1(%arg0: i32) -> (i32, i32) {
    %add3A = arith.constant 5 : i32
    %add3A_0 = arith.addi %arg0, %add3A : i32
    %c0_i32 = arith.constant 0 : i32
    %c0_i32_1 = arith.constant 0 : i32
    return %add3A_0, %c0_i32 : i32, i32
  }
  func.func @transform_2(%arg0: i32) -> (i32, i32) {
    %c0_i32 = arith.constant 0 : i32
    %c0_i32_0 = arith.constant 0 : i32
    return %arg0, %c0_i32 : i32, i32
  }
  func.func @transform_3(%arg0: i32) -> (i32, i32) {
    %c0_i32 = arith.constant 0 : i32
    %c0_i32_0 = arith.constant 0 : i32
    return %arg0, %c0_i32 : i32, i32
  }
  func.func @transform_4(%arg0: i32) -> (i32, i32) {
    %c0_i32 = arith.constant 0 : i32
    %c0_i32_0 = arith.constant 0 : i32
    return %arg0, %c0_i32 : i32, i32
  }
  func.func @transform_5(%arg0: i32) -> (i32, i32) {
    %c0_i32 = arith.constant 0 : i32
    %c0_i32_0 = arith.constant 0 : i32
    %c0_i32_1 = arith.constant 0 : i32
    return %c0_i32, %c0_i32_0 : i32, i32
  }
  func.func @transform_6(%arg0: i32) -> (i32, i32) {
    %c0_i32 = arith.constant 0 : i32
    %c0_i32_0 = arith.constant 0 : i32
    %c0_i32_1 = arith.constant 0 : i32
    return %c0_i32, %c0_i32_0 : i32, i32
  }
  func.func @transform_7(%arg0: i32) -> (i32, i32) {
    %c0_i32 = arith.constant 0 : i32
    %c0_i32_0 = arith.constant 0 : i32
    %c0_i32_1 = arith.constant 0 : i32
    return %c0_i32, %c0_i32_0 : i32, i32
  }
  func.func @transform_8(%arg0: i32) -> (i32, i32) {
    %c0_i32 = arith.constant 0 : i32
    %c0_i32_0 = arith.constant 0 : i32
    return %arg0, %c0_i32 : i32, i32
  }
  func.func @transform_9(%arg0: i32) -> (i32, i32) {
    %c0_i32 = arith.constant 0 : i32
    %c0_i32_0 = arith.constant 0 : i32
    return %arg0, %c0_i32 : i32, i32
  }
}

module attributes {stable_mosaic.version = 14 : i64} {
  func.func @_post_body(%arg0: i32, %arg1: memref<2000x128xf32, #tpu.memory_space<vmem>>, %arg2: memref<2000x128xf32, #tpu.memory_space<vmem>>, %arg3: memref<2000x1xf32, #tpu.memory_space<vmem>>, %arg4: memref<2000x1xf32, #tpu.memory_space<vmem>>, %arg5: memref<2000x128xf32, #tpu.memory_space<vmem>>, %arg6: memref<2000x128xf32, #tpu.memory_space<vmem>>) attributes {dimension_semantics = [#tpu.dimension_semantics<arbitrary>], iteration_bounds = array<i64: 5>, scalar_prefetch = 0 : i64, scratch_operands = 0 : i64, tpu.core_type = #tpu.core_type<tc>, window_params = [{transform_indices = @transform_0, window_bounds = array<i64: 2000, 128>}, {transform_indices = @transform_1, window_bounds = array<i64: 2000, 128>}, {transform_indices = @transform_2, window_bounds = array<i64: 2000, 1>}, {transform_indices = @transform_3, window_bounds = array<i64: 2000, 1>}, {transform_indices = @transform_4, window_bounds = array<i64: 2000, 128>}, {transform_indices = @transform_5, window_bounds = array<i64: 2000, 128>}]} {
    %get3A = arith.constant 0 : index
    %get3A_0 = arith.constant 0 : index
    %get3A_1 = vector.load %arg3[%get3A, %get3A_0] : memref<2000x1xf32, #tpu.memory_space<vmem>>, vector<2000x1xf32>
    %get3A_2 = arith.constant 0 : index
    %get3A_3 = arith.constant 0 : index
    %get3A_4 = vector.load %arg4[%get3A_2, %get3A_3] : memref<2000x1xf32, #tpu.memory_space<vmem>>, vector<2000x1xf32>
    %add3A = arith.addf %get3A_1, %get3A_4 : vector<2000x1xf32>
    %max3A = arith.constant 1.000000e+00 : f32
    %max3A_5 = vector.broadcast %max3A : f32 to vector<2000x1xf32>
    %max3A_6 = arith.maximumf %add3A, %max3A_5 : vector<2000x1xf32>
    %get3A_7 = arith.constant 0 : index
    %get3A_8 = arith.constant 0 : index
    %get3A_9 = vector.load %arg1[%get3A_7, %get3A_8] : memref<2000x128xf32, #tpu.memory_space<vmem>>, vector<2000x128xf32>
    %get3A_10 = arith.constant 0 : index
    %get3A_11 = arith.constant 0 : index
    %get3A_12 = vector.load %arg2[%get3A_10, %get3A_11] : memref<2000x128xf32, #tpu.memory_space<vmem>>, vector<2000x128xf32>
    %add3A_13 = arith.addf %get3A_9, %get3A_12 : vector<2000x128xf32>
    %div3A = vector.broadcast %max3A_6 : vector<2000x1xf32> to vector<2000x128xf32>
    %div3A_14 = arith.divf %add3A_13, %div3A : vector<2000x128xf32>
    %get3A_15 = arith.constant 0 : index
    %get3A_16 = arith.constant 0 : index
    %get3A_17 = vector.load %arg5[%get3A_15, %get3A_16] : memref<2000x128xf32, #tpu.memory_space<vmem>>, vector<2000x128xf32>
    %add3A_18 = arith.addf %div3A_14, %get3A_17 : vector<2000x128xf32>
    %swap3A = arith.constant 0 : index
    %swap3A_19 = arith.constant 0 : index
    %swap3A_20 = vector.load %arg6[%swap3A, %swap3A_19] : memref<2000x128xf32, #tpu.memory_space<vmem>>, vector<2000x128xf32>
    tpu.vector_store %arg6[%swap3A, %swap3A_19], %add3A_18 {strides = array<i32>} : memref<2000x128xf32, #tpu.memory_space<vmem>>, vector<2000x128xf32>,
    return
  }
  func.func @transform_0(%arg0: i32) -> (i32, i32) {
    %c0_i32 = arith.constant 0 : i32
    %c0_i32_0 = arith.constant 0 : i32
    return %arg0, %c0_i32 : i32, i32
  }
  func.func @transform_1(%arg0: i32) -> (i32, i32) {
    %add3A = arith.constant 5 : i32
    %add3A_0 = arith.addi %arg0, %add3A : i32
    %c0_i32 = arith.constant 0 : i32
    %c0_i32_1 = arith.constant 0 : i32
    return %add3A_0, %c0_i32 : i32, i32
  }
  func.func @transform_2(%arg0: i32) -> (i32, i32) {
    %c0_i32 = arith.constant 0 : i32
    %c0_i32_0 = arith.constant 0 : i32
    return %arg0, %c0_i32 : i32, i32
  }
  func.func @transform_3(%arg0: i32) -> (i32, i32) {
    %c0_i32 = arith.constant 0 : i32
    %c0_i32_0 = arith.constant 0 : i32
    return %arg0, %c0_i32 : i32, i32
  }
  func.func @transform_4(%arg0: i32) -> (i32, i32) {
    %c0_i32 = arith.constant 0 : i32
    %c0_i32_0 = arith.constant 0 : i32
    return %arg0, %c0_i32 : i32, i32
  }
  func.func @transform_5(%arg0: i32) -> (i32, i32) {
    %c0_i32 = arith.constant 0 : i32
    %c0_i32_0 = arith.constant 0 : i32
    return %arg0, %c0_i32 : i32, i32
  }
}

</mosaic_0001>

<sc_bundles>
// kernel: sage_segment_sum.3.cloned.1.call-start
scs
__scs_entry_jumppad:
0x0: {  	(pc) =	sbr.rel $0x88, $3  }
0x1: {  	(tag) =	ssettag $0x0;
	lr =	simm.s32 $0x1  }
0x2: {  	[smem:$0x3F99] =	sst lr;
	_ =	strace $0xD0000000  }
0x3: {  	_ = 	snop  }
0x4: {  	_ = 	snop  }
0x5: {  	_ = 	snop  }
0x6: {  	_ = 	snop  }
0x7: {  	_ = 	snop  }
__scs_overlays_trampoline_lowered:
0x8: {  	[smem:$0x3FA8] =	sst s0  }
0x9: {  	[smem:$0x3FA9] =	sst s1  }
0xa: {  	[smem:$0x3FAA] =	sst s2  }
0xb: {  	[smem:$0x3FAB] =	sst s3  }
0xc: {  	[smem:$0x3FAC] =	sst s4  }
0xd: {  	[smem:$0x3FAD] =	sst s5  }
0xe: {  	[smem:$0x3FAE] =	sst s6  }
0xf: {  	[smem:$0x3FAF] =	sst s7  }
0x10: {  	[smem:$0x3FB0] =	sst s8  }
0x11: {  	[smem:$0x3FB1] =	sst s9;
	s0 =	simm.s32 @!p0 $0x0  }
0x12: {  	s1 =	sld [smem:$0x3F97];
	s0 =	simm.s32 @p0 $0x1  }
0x13: {  	[smem:$0x3FB2] =	sst s0;
	s0 =	simm.s32 @!p1 $0x0  }
0x14: {  	s2 =	sld [smem:$0x3F96];
	s0 =	simm.s32 @p1 $0x1  }
0x15: {  	[smem:$0x3FB3] =	sst s0;
	s0 =	simm.s32 @!p2 $0x0  }
0x16: {  	s3 =	sld [smem:$0x3FDB];
	s0 =	simm.s32 @p2 $0x1  }
0x17: {  	s4 =	simm.s32 $0x1BF5;
	[smem:$0x3FB5] =	sst s0  }
0x18: {  	s0 =	sld [smem:$0x3F98];
	_ =	swait.ge [sflag:s4], $0x0  }
0x19: {  	s7 =	sld [smem:$0x3F99]  }
0x1a: {  	s8 =	sadd.s32 $0xFFFFE003, lr  }
0x1b: {  	s9 =	sadd.s32 $0xFFFFFEF7, lr;
	s5 =	simm.s32 $0xFFFFFFFF;
	p2 =	slt.u32 s8, $0xFFFFF086  }
0x1c: {  	p1 =	slt.u32 s9, $0xF7A;
	s5 =	simm.s32 @!p2 $0x0  }
0x1d: {  	s5 =	simm.s32 @p1 $0x1;
	p0 =	seq.s32 s7, s2  }
0x1e: {  	s7 =	smul.u32 @!p0 $0xF7A, s2;
	p2 =	seq.s32 @!p0 s5, $0x0  }
0x1f: {  	s9 =	smul.u32 $0xF7A, s1;
	s8 =	simm.s32 @!p0 $0x1BF5;
	p2 =	por !p2, p0  }
0x20: {  	[sflag:s8] =	ssyncset.s32 @!p0 $0xFFFFF086;
	s6 =	sadd.s32 @!p0 s3, s7;
	s7 =	simm.s32 @!p0 $0x108  }
0x21: {  	s3 =	sadd.s32 s3, s9;
	s6 =	sadd.s32 @!p0 $0x88, s6;
	s7 =	simm.s32 @p2 $0x1082  }
0x22: {  	[simem:s7], [sflag:s8] =	dma.local @!p0 [hbm:s6], $0xF7A  }
0x23: {  	s9 =	sor.u32 $0xD0000000, s2;
	s6 =	simm.s32 $0x108;
	_ =	swait.ge @!p0 [sflag:s8], $0x0  }
0x24: {  	s3 =	sadd.s32 $0x88, s3;
	s6 =	simm.s32 @!p1 $0x1082;
	[sflag:s4] =	ssyncset.s32 $0xFFFFF086  }
0x25: {  	[simem:s6], [sflag:s4] =	dma.local [hbm:s3], $0xF7A  }
0x26: {  	[smem:$0x3F99] =	sst s1;
	(tag) =	ssettag s2;
	_ =	strace s9  }
0x27: {  	s1 =	sld [smem:$0x3FA9]  }
0x28: {  	s2 =	sld [smem:$0x3FAA]  }
0x29: {  	s4 =	sld [smem:$0x3FAC]  }
0x2a: {  	p0 =	seq.s32 s5, $0x0;
	s5 =	sld [smem:$0x3FAD]  }
0x2b: {  	s6 =	sld [smem:$0x3FAE]  }
0x2c: {  	s7 =	sld [smem:$0x3FAF]  }
0x2d: {  	s3 =	simm.s32 $0x108;
	s8 =	sld [smem:$0x3FB0]  }
0x2e: {  	s3 =	simm.s32 @!p0 $0x1082;
	s9 =	sld [smem:$0x3FB1]  }
0x2f: {  	lr =	sadd.s32 s0, s3;
	s0 =	sld [smem:$0x3FA8]  }
0x30: {  	s3 =	sld [smem:$0x3FAB]  }
0x31: {  	[smem:$0x3FB4] =	sst s10  }
0x32: {  	s10 =	sld [smem:$0x3FB2];
	_ =	sdelay $0x3  }
0x33: {  	p0 =	seq.s32 s10, $0x1;
	s10 =	sld [smem:$0x3FB4];
	_ =	sdelay $0x3  }
0x34: {  	[smem:$0x3FB4] =	sst s10  }
0x35: {  	s10 =	sld [smem:$0x3FB3];
	_ =	sdelay $0x3  }
0x36: {  	p1 =	seq.s32 s10, $0x1;
	s10 =	sld [smem:$0x3FB4];
	_ =	sdelay $0x3  }
0x37: {  	[smem:$0x3FB4] =	sst s10  }
0x38: {  	s10 =	sld [smem:$0x3FB5]  }
0x39: {  	_ = 	snop;
	(pc) =	sbr.ind lr, $3  }
0x3a: {  	_ = 	snop  }
0x3b: {  	_ = 	snop  }
0x3c: {  	p2 =	seq.s32 s10, $0x1;
	s10 =	sld [smem:$0x3FB4]  }
0x3d: {  	_ =	shalt  }
0x3e: {  	_ =	shalt  }
0x3f: {  	_ =	shalt  }
0x40: {  	_ =	shalt  }
0x41: {  	_ =	shalt  }
0x42: {  	_ =	shalt  }
0x43: {  	_ =	shalt  }
0x44: {  	_ =	shalt  }
0x45: {  	_ =	shalt  }
0x46: {  	_ =	shalt  }
0x47: {  	_ =	shalt  }
0x48: {  	_ =	shalt  }
0x49: {  	_ =	shalt  }
0x4a: {  	_ =	shalt  }
0x4b: {  	_ =	shalt  }
0x4c: {  	_ =	shalt  }
0x4d: {  	_ =	shalt  }
0x4e: {  	_ =	shalt  }
0x4f: {  	_ =	shalt  }
0x50: {  	_ =	shalt  }
0x51: {  	_ =	shalt  }
0x52: {  	_ =	shalt  }
0x53: {  	_ =	shalt  }
0x54: {  	_ =	shalt  }
0x55: {  	_ =	shalt  }
0x56: {  	_ =	shalt  }
0x57: {  	_ =	shalt  }
0x58: {  	_ =	shalt  }
0x59: {  	_ =	shalt  }
0x5a: {  	_ =	shalt  }
0x5b: {  	_ =	shalt  }
0x5c: {  	_ =	shalt  }
0x5d: {  	_ =	shalt  }
0x5e: {  	_ =	shalt  }
0x5f: {  	_ =	shalt  }
0x60: {  	_ =	shalt  }
0x61: {  	_ =	shalt  }
0x62: {  	_ =	shalt  }
0x63: {  	_ =	shalt  }
0x64: {  	_ =	shalt  }
0x65: {  	_ =	shalt  }
0x66: {  	_ =	shalt  }
0x67: {  	_ =	shalt  }
0x68: {  	_ =	shalt  }
0x69: {  	_ =	shalt  }
0x6a: {  	_ =	shalt  }
0x6b: {  	_ =	shalt  }
0x6c: {  	_ =	shalt  }
0x6d: {  	_ =	shalt  }
0x6e: {  	_ =	shalt  }
0x6f: {  	_ =	shalt  }
0x70: {  	_ =	shalt  }
0x71: {  	_ =	shalt  }
0x72: {  	_ =	shalt  }
0x73: {  	_ =	shalt  }
0x74: {  	_ =	shalt  }
0x75: {  	_ =	shalt  }
0x76: {  	_ =	shalt  }
0x77: {  	_ =	shalt  }
0x78: {  	_ =	shalt  }
0x79: {  	_ =	shalt  }
0x7a: {  	_ =	shalt  }
0x7b: {  	_ =	shalt  }
0x7c: {  	_ =	shalt  }
0x7d: {  	_ =	shalt  }
0x7e: {  	_ =	shalt  }
0x7f: {  	_ =	shalt  }
0x80: {  	_ =	shalt  }
0x81: {  	_ =	shalt  }
0x82: {  	_ =	shalt  }
0x83: {  	_ =	shalt  }
0x84: {  	_ =	shalt  }
0x85: {  	_ =	shalt  }
0x86: {  	_ =	shalt  }
0x87: {  	_ =	shalt  }
.Lfunc_end0:
.L_simem_size_0:
called_computation.1_lowered:
.L_overlay_start_0:
0x88: {  	s2 =	sld [smem:$0x3FD9]  }
0x89: {  	s3 =	sld [smem:$0x3FFE];
	_ =	sdelay $0x1  }
0x8a: {  	s1 =	srdreg.scid  }
0x8b: {  	s0 =	sand.u32 $0x1, s1  }
0x8c: {  	s17 =	sshll.u32 s0, $0xA;
	s2 =	sadd.s32 s3, s2  }
0x8d: {  	s2 =	sadd.s32 s2, s17  }
0x8e: {  	[smem:$0x3FC0] =	sst s2  }
0x8f: {  	_ = 	snop  }
0x90: {  	s2 =	sld [smem:$0x3FD0];
	(tm) =	ssettm $0x1  }
0x91: {  	s18 =	sld [smem:$0x3FFB];
	_ =	sdelay $0x3  }
0x92: {  	_ =	strace s18  }
0x93: {  	s3 =	sld [smem:$0x3FFC];
	_ =	sdelay $0x3  }
0x94: {  	_ =	strace s3  }
0x95: {  	s3 =	sld [smem:$0x3FFD];
	_ =	sdelay $0x3  }
0x96: {  	_ =	strace s3  }
0x97: {  	_ =	strace $0x8FFFFFFF  }
0x98: {  	s19 =	sld [smem:$0x3FDB];
	_ =	sdelay $0x1  }
0x99: {  	s4 =	simm.s32 $_scs_section_size  }
0x9a: {  	s5 =	simm.s32 $_size__tile_overlayer_lowered;
	s6 =	simm.s32 $_tile_overlayer_lowered  }
0x9b: {  	s22 =	simm.s32 $0x1BFF;
	s21 =	sshll.u32 s6, $0x1;
	s3 =	sadd.s32 s4, s19  }
0x9c: {  	s7 =	simm.s32 $0x0;
	s20 =	sshll.u32 s5, $0x1;
	s5 =	sadd.s32 s21, s3  }
0x9d: {  	[timem:s7], [sflag:s22] =	dma.local [hbm:s5], s20  }
0x9e: {  	_ =	swait.ge [sflag:s22], s20  }
0x9f: {  	s4 =	ssub.s32 $0x0, s20;
	[sflag:s22] =	ssyncset.done $0x0  }
0xa0: {  	[sflag:s22] =	ssyncadd.s32 s4;
	_ =	sdelay $0x1  }
0xa1: {  	s23 =	simm.s32 $0x1B8B  }
0xa2: {  	_ =	swait.ge [sflag:s23], $0x1  }
0xa3: {  	[sflag:s23] =	ssyncset.done $0x0  }
0xa4: {  	s25 =	simm.s32 $0x1B8E;
	s24 =	sld [smem:$0x3FFE];
	[sflag:s23] =	ssyncadd.s32 $0xFFFFFFFF  }
0xa5: {  	s26 =	simm.s32 $execute0_lowered;
	[smem:$0x3FD2] =	sst s25  }
0xa6: {  	s5 =	sshll.u32 s26, $0x1;
	_ =	strace $0x80000049;
	[dreg:$0x1] =	wrdreg $0xFFFFFFFF  }
0xa7: {  	s28 =	simm.s32 $_size_execute0_lowered;
	s3 =	sadd.s32 s3, s5;
	[dreg:$0x0] =	wrdreg $0x0  }
0xa8: {  	s5 =	sshll.u32 s28, $0x1;
	[dreg:$0x2] =	wrdreg s3  }
0xa9: {  	[dreg:$0x3] =	wrdreg s5  }
0xaa: {  	[dreg:$0x4] =	wrdreg $0xC0  }
0xab: {  	_ =	task [dreg:s7], $0x5FFFF  }
0xac: {  	[dreg:$0x1] =	wrdreg $0xFFFFFFFF  }
0xad: {  	[dreg:$0x0] =	wrdreg $0x60  }
0xae: {  	[dreg:$0x2] =	wrdreg s2  }
0xaf: {  	[dreg:$0x3] =	wrdreg s24  }
0xb0: {  	[dreg:$0x4] =	wrdreg $0x93000  }
0xb1: {  	[dreg:$0x5] =	wrdreg $0x1D3000  }
0xb2: {  	[dreg:$0x6] =	wrdreg $0x9  }
0xb3: {  	_ =	task.clear_ibuf [dreg:s7], $0x7FFFF;
	_ =	strace $0x90000049  }
0xb4: {  	s29 =	simm.s32 $0x9;
	_ =	strace $0x8000004B  }
0xb5: {  	_ =	swait.ge [sflag:s29], $0x1  }
0xb6: {  	[sflag:s29] =	ssyncadd.s32 $0xFFFFFFFF  }
0xb7: {  	_ =	strace $0x9000004B  }
0xb8: {  	_ =	sfence  }
0xb9: {  	s30 =	sld [smem:$0x0];
	_ =	sdelay $0x2  }
0xba: {  	s31 =	sshll.u32 s1, $0xD;
	s1 =	sshrl.u32 s1, $0x2  }
0xbb: {  	s3 =	sand.u32 $0x4000, s31;
	s1 =	sadd.s32 s1, s30  }
0xbc: {  	s0 =	sor.u32 s3, s0;
	s1 =	sshll.u32 s1, $0x11  }
0xbd: {  	s0 =	sor.u32 s1, s0  }
0xbe: {  	s0 =	sadd.s32 $0x8F2B, s0  }
0xbf: {  	[sflag:s0] =	ssyncadd.remote.s32 $0x1  }
0xc0: {  	_ =	sfence.sel $0xFFFF  }
0xc1: {  	[dreg:$0x0] =	wrdreg $0xFFFFFFFF;
	(pc) =	sbr.abs _section_cstart, $3  }
0xc2: {  	[dreg:$0x1] =	wrdreg $0xFFFFFFFF  }
0xc3: {  	_ =	task.clear_ibuf [dreg:s7], $0x2FFFF;
	_ =	strace $0x9FFFFFFF  }
0xc4: {  	(tm) =	ssettm $0x7FFFFFFF  }
0xc5: {  	_ =	shalt  }
tec
execute0_lowered:
.L_overlay_start_1:
0x0: {  	(tag) =	ssettag $0x1  }
0x1: {  	s1 =	rddreg [dreg:$0x0]  }
0x2: {  	s0 =	rddreg [dreg:$0x1]  }
0x3: {  	s2 =	rddreg [dreg:$0x2]  }
0x4: {  	s3 =	rddreg [dreg:$0x3];
	s4 =	simm.s32 $0x0  }
0x5: {  	s5 =	srdreg.scid;
	s13 =	stileid.u32;
	s28 =	simm.s32 $0xC00  }
0x6: {  	s30 =	simm.s32 $0x80;
	s31 =	simm.s32 $0x5000;
	s29 =	simm.s32 $0xC80  }
0x7: {  	[smem:$0x7FF] =	sst s4;
	s5 =	sand.u32 $0x1, s5;
	s6 =	smul.u32 $0x50000, s13  }
0x8: {  	s7 =	sadd.s32 $0xC000, s0;
	s8 =	sadd.s32 $0x2000, s0;
	s0 =	sadd.s32 $0x16000, s0  }
0x9: {  	s24 =	smul.u32 $0x280, s13;
	p0 =	seq.s32 s13, $0xF;
	_ =	strace $0x8000004A  }
0xa: {  	s9 =	ssub.s32 $0x2, s5;
	s23 =	sshll.u32 s5, $0x4;
	s14 =	smul.u32 $0x2710, s5  }
0xb: {  	s21 =	smul.u32 $0x5000, s5;
	s10 =	sshrl.u32 s9, $0x1;
	s6 =	sshrl.u32 s6, $0x2  }
0xc: {  	s3 =	sadd.s32 s24, s3;
	s9 =	ssub.s32 s9, s10;
	s20 =	sadd.s32 s6, s2  }
0xd: {  	s10 =	sor.u32 s13, s23;
	[dreg:$0xa] =	wrdreg s3;
	s3 =	sadd.s32 s24, s14  }
0xe: {  	s23 =	smul.u32 $0x50, s13;
	s11 =	sadd.s32 $0x4000, s20;
	[dreg:$0x5] =	wrdreg s20  }
0xf: {  	s14 =	simm.s32 $0xF00;
	s25 =	sadd.s32 $0x8000, s20;
	[dreg:$0x6] =	wrdreg s11  }
0x10: {  	s26 =	sadd.s32 $0xC000, s20;
	s10 =	smul.u32 $0x500, s10;
	[dreg:$0x7] =	wrdreg s25  }
0x11: {  	s12 =	sadd.s32 $0x10000, s20;
	s3 =	sshll.u32 s3, $0x4;
	[dreg:$0x8] =	wrdreg s26  }
0x12: {  	s24 =	smax.u32 s9, $0x1;
	s9 =	simm.s32 $0x0;
	[dreg:$0x9] =	wrdreg s12  }
0x13: {  	s12 =	smul.u32 $0x138800, s5;
	[dreg:$0x11] =	wrdreg s24;
	s25 =	sadd.s32 s21, s7  }
0x14: {  	s5 =	smul.u32 $0x500, s5;
	s26 =	sadd.s32 s21, s8;
	[dreg:$0x12] =	wrdreg s25  }
0x15: {  	s24 =	simm.s32 $0x3;
	s15 =	sadd.s32 s7, s10;
	[dreg:$0x13] =	wrdreg s26  }
0x16: {  	s16 =	sor.u32 $0x80, s10;
	s10 =	sadd.s32 s8, s10;
	[dreg:$0xb] =	wrdreg s15  }
0x17: {  	s11 =	simm.s32 $0x980;
	s26 =	simm.s32 $0x800;
	[dreg:$0xc] =	wrdreg s10  }
0x18: {  	s17 =	sadd.s32 s7, s16;
	s18 =	sadd.s32 s8, s16;
	s19 =	sshrl.u32 s12, $0x3  }
0x19: {  	s21 =	sadd.s32 s23, s5;
	s8 =	simm.s32 $0x4;
	s5 =	simm.s32 $0x900  }
.Ltmp0:
0x1a: {  	s15 =	simm.s32 $0xF80;
	[dreg:$0xd] =	wrdreg s17;
	(pc) =	sbr.rel .LBB2_1-.Ltmp0, $4  }
0x1b: {  	[dreg:$0xe] =	wrdreg s18;
	s6 =	sadd.s32 s0, s19;
	s0 =	sadd.s32 s0, s3  }
0x1c: {  	s18 =	smul.u32 $0x500, s13;
	s19 =	simm.s32 $0x6;
	s13 =	simm.s32 $0xD00  }
0x1d: {  	[dreg:$0xf] =	wrdreg s0;
	s22 =	sadd.s32 $0x25800, s6;
	s0 =	simm.s32 $0x1  }
0x1e: {  	v0 =	vimm.f32 $0.0e+00;
	v1 =	vimm.f32 $1.000000000e+00;
	s6 =	simm.s32 $0x2;
	[dreg:$0x10] =	wrdreg s22;
	s22 =	simm.s32 $0x1000  }
.LBB2_18:
0x1f: {  	[bflag:$0x0] =	sbarrier.arrive $0xFFFF  }
0x20: {  	s20 =	rddreg [dreg:$0x5]  }
0x21: {  	s7 =	simm.s32 @p0 $0x1FC7;
	s9 =	rddreg [dreg:$0x10];
	s3 =	sshrl.u32 @p0 s20, $0x3  }
0x22: {  	[hbm:s9], [sflag:s7] =	dma.local @p0 [spmem:s3], $0x1900  }
0x23: {  	s3 =	simm.s32 @p0 $0x7  }
0x24: {  	s7 =	stileid.u32;
	_ =	swait.ge @p0 [sflag:s3], $0x1900  }
0x25: {  	s7 =	sshll.u32 @!p0 s7, $0x6;
	[sflag:s3] =	ssyncset.done @p0 $0x0;
	s9 =	rddreg [dreg:$0xf]  }
0x26: {  	[sflag:s3] =	ssyncadd.s32 @p0 $0xFFFFE700;
	s3 =	sor.u32 @!p0 $0x1C07, s7;
	s7 =	sshrl.u32 @!p0 s20, $0x3  }
0x27: {  	[hbm:s9], [sflag:s3] =	dma.local @!p0 [spmem:s7], $0x2800  }
0x28: {  	s3 =	simm.s32 @!p0 $0x7  }
0x29: {  	_ =	swait.ge @!p0 [sflag:s3], $0x2800  }
0x2a: {  	s23 =	rddreg [dreg:$0x14]  }
0x2b: {  	s25 =	rddreg [dreg:$0x11];
	s9 =	sadd.s32 $0x1, s23  }
0x2c: {  	p1 =	sne.s32 s9, s25  }
.Ltmp1:
0x2d: {  	_ = 	snop;
	(pc) =	sbr.rel @!p1 .LBB2_19-.Ltmp1, $3  }
0x2e: {  	_ =	sdelay $0x1  }
0x2f: {  	[sflag:s3] =	ssyncset.done @!p0 $0x0  }
0x30: {  	[sflag:s3] =	ssyncadd.s32 @!p0 $0xFFFFD800  }
.LBB2_1:
0x31: {  	[dreg:$0x14] =	wrdreg s9;
	s16 =	simm.s32 $0x0;
	s17 =	simm.s32 $0x200  }
.LBB2_2:
0x32: {  	p1 =	sne.s32 s17, $0xFE00;
	[tilespmem:s16+$0x1070] =	vst v0  }
0x33: {  	[tilespmem:s16+$0x1000] =	vst v0  }
0x34: {  	[tilespmem:s16+$0x1010] =	vst v0  }
.Ltmp2:
0x35: {  	[tilespmem:s16+$0x1020] =	vst v0;
	(pc) =	sbr.rel @p1 .LBB2_2-.Ltmp2, $4  }
0x36: {  	[tilespmem:s16+$0x1030] =	vst v0  }
0x37: {  	[tilespmem:s16+$0x1040] =	vst v0  }
0x38: {  	[tilespmem:s16+$0x1050] =	vst v0  }
0x39: {  	[tilespmem:s16+$0x1060] =	vst v0;
	s16 =	sshra.s32 s17, $0x2;
	s17 =	sadd.s32 $0x200, s17  }
0x3a: {  	[tilespmem:s16+$0x1070] =	vst v0  }
0x3b: {  	[tilespmem:s16+$0x1000] =	vst v0  }
0x3c: {  	[tilespmem:s16+$0x1010] =	vst v0  }
0x3d: {  	[tilespmem:s16+$0x1020] =	vst v0  }
0x3e: {  	[tilespmem:s16+$0x1030] =	vst v0  }
0x3f: {  	[tilespmem:s16+$0x1040] =	vst v0  }
0x40: {  	[tilespmem:s16+$0x1050] =	vst v0  }
0x41: {  	[tilespmem:s16+$0x1060] =	vst v0  }
0x42: {  	[tilespmem:$0x9000] =	vst v1  }
0x43: {  	[tilespmem:$0x9010] =	vst v1  }
0x44: {  	[tilespmem:$0x9020] =	vst v1  }
0x45: {  	[tilespmem:$0x9030] =	vst v1  }
0x46: {  	[tilespmem:$0x9040] =	vst v1  }
0x47: {  	[tilespmem:$0x9050] =	vst v1  }
0x48: {  	[tilespmem:$0x9060] =	vst v1  }
0x49: {  	[tilespmem:$0x9070] =	vst v1  }
0x4a: {  	[tilespmem:$0x9080] =	vst v0  }
0x4b: {  	[tilespmem:$0x9090] =	vst v0  }
0x4c: {  	[tilespmem:$0x90A0] =	vst v0  }
0x4d: {  	[tilespmem:$0x90B0] =	vst v0  }
0x4e: {  	[tilespmem:$0x90C0] =	vst v0  }
0x4f: {  	[tilespmem:$0x90D0] =	vst v0  }
0x50: {  	[tilespmem:$0x90E0] =	vst v0  }
0x51: {  	[tilespmem:$0x90F0] =	vst v0  }
0x52: {  	[tilespmem:$0x9100] =	vst v0  }
0x53: {  	[tilespmem:$0x9110] =	vst v0  }
0x54: {  	[tilespmem:$0x9120] =	vst v0  }
0x55: {  	[tilespmem:$0x9130] =	vst v0  }
0x56: {  	[tilespmem:$0x9140] =	vst v0  }
0x57: {  	[tilespmem:$0x9150] =	vst v0  }
0x58: {  	[tilespmem:$0x9160] =	vst v0  }
0x59: {  	[tilespmem:$0x9170] =	vst v0  }
0x5a: {  	[tilespmem:$0x9180] =	vst v0  }
0x5b: {  	[tilespmem:$0x9190] =	vst v0  }
0x5c: {  	[tilespmem:$0x91A0] =	vst v0  }
0x5d: {  	[tilespmem:$0x91B0] =	vst v0  }
0x5e: {  	[tilespmem:$0x91C0] =	vst v0  }
0x5f: {  	[tilespmem:$0x91D0] =	vst v0  }
0x60: {  	[tilespmem:$0x91E0] =	vst v0  }
0x61: {  	[tilespmem:$0x91F0] =	vst v0  }
0x62: {  	[tilespmem:$0x9200] =	vst v0  }
0x63: {  	[tilespmem:$0x9210] =	vst v0  }
0x64: {  	[tilespmem:$0x9220] =	vst v0  }
0x65: {  	[tilespmem:$0x9230] =	vst v0  }
0x66: {  	[tilespmem:$0x9240] =	vst v0  }
0x67: {  	[tilespmem:$0x9250] =	vst v0  }
0x68: {  	[tilespmem:$0x9260] =	vst v0  }
0x69: {  	[tilespmem:$0x9270] =	vst v0  }
0x6a: {  	[tilespmem:$0x9280] =	vst v0  }
0x6b: {  	[tilespmem:$0x9290] =	vst v0  }
0x6c: {  	[tilespmem:$0x92A0] =	vst v0  }
0x6d: {  	[tilespmem:$0x92B0] =	vst v0  }
0x6e: {  	[tilespmem:$0x92C0] =	vst v0  }
0x6f: {  	[tilespmem:$0x92D0] =	vst v0  }
0x70: {  	[tilespmem:$0x92E0] =	vst v0  }
0x71: {  	s7 =	simm.s32 $0x7;
	[tilespmem:$0x92F0] =	vst v0  }
0x72: {  	[spmem:s20] =	stream.linear.scatter [tilespmem:s22], [sflag:$0x7], $0x4000, $0x38;
	[tilespmem:$0x1D580] =	vst v63  }
0x73: {  	_ =	swait.ge [sflag:s7], $0x4000  }
0x74: {  	[sflag:s7] =	ssyncset.done $0x0  }
0x75: {  	s3 =	rddreg [dreg:$0x6];
	[sflag:s7] =	ssyncadd.s32 $0xFFFFC000  }
0x76: {  	[spmem:s3] =	stream.linear.scatter [tilespmem:s22], [sflag:$0x7], $0x4000, $0x38;
	[tilespmem:$0x1D580] =	vst v63  }
0x77: {  	_ =	swait.ge [sflag:s7], $0x4000  }
0x78: {  	[sflag:s7] =	ssyncset.done $0x0  }
0x79: {  	s17 =	rddreg [dreg:$0x7];
	[sflag:s7] =	ssyncadd.s32 $0xFFFFC000  }
0x7a: {  	[spmem:s17] =	stream.linear.scatter [tilespmem:s22], [sflag:$0x7], $0x4000, $0x38;
	[tilespmem:$0x1D580] =	vst v63  }
0x7b: {  	_ =	swait.ge [sflag:s7], $0x4000  }
0x7c: {  	[sflag:s7] =	ssyncset.done $0x0  }
0x7d: {  	s20 =	rddreg [dreg:$0x8];
	[sflag:s7] =	ssyncadd.s32 $0xFFFFC000  }
0x7e: {  	[spmem:s20] =	stream.linear.scatter [tilespmem:s22], [sflag:$0x7], $0x4000, $0x38;
	[tilespmem:$0x1D580] =	vst v63  }
0x7f: {  	_ =	swait.ge [sflag:s7], $0x4000  }
0x80: {  	[sflag:s7] =	ssyncset.done $0x0  }
0x81: {  	s23 =	rddreg [dreg:$0x9];
	[sflag:s7] =	ssyncadd.s32 $0xFFFFC000  }
0x82: {  	[spmem:s23] =	stream.linear.scatter [tilespmem:s22], [sflag:$0x7], $0x4000, $0x38;
	[tilespmem:$0x1D580] =	vst v63  }
0x83: {  	_ =	swait.ge [sflag:s7], $0x4000  }
0x84: {  	[sflag:s7] =	ssyncset.done $0x0  }
0x85: {  	s9 =	simm.s32 $0x9080;
	s25 =	rddreg [dreg:$0xa];
	[sflag:s7] =	ssyncadd.s32 $0xFFFFC000  }
0x86: {  	[spmem:s25] =	stream.linear.scatter [tilespmem:s9], [sflag:$0x7], $0x280, $0x38;
	[tilespmem:$0x1D580] =	vst v63  }
0x87: {  	_ =	swait.ge [sflag:s7], $0x280  }
0x88: {  	[sflag:s7] =	ssyncset.done $0x0  }
0x89: {  	s17 =	simm.s32 $0x0;
	s10 =	rddreg [dreg:$0xb];
	[sflag:s7] =	ssyncadd.s32 $0xFFFFFD80  }
0x8a: {  	[tilespmem:s17], [sflag:$0x5] =	stream.linear.gather [hbm4b:s10+s17], $0x400, $0x38;
	[tilespmem:$0x1D580] =	vst v63  }
0x8b: {  	s16 =	simm.s32 $0x400;
	s12 =	rddreg [dreg:$0xc]  }
0x8c: {  	[tilespmem:s16], [sflag:$0x5] =	stream.linear.gather [hbm4b:s12+s17], $0x400, $0x38;
	[tilespmem:$0x1D580] =	vst v63  }
0x8d: {  	s20 =	rddreg [dreg:$0xd]  }
0x8e: {  	[tilespmem:s26], [sflag:$0x6] =	stream.linear.gather [hbm4b:s20+s17], $0x400, $0x38;
	[tilespmem:$0x1D580] =	vst v63  }
0x8f: {  	s25 =	simm.s32 $0x5;
	s23 =	rddreg [dreg:$0xe]  }
0x90: {  	[tilespmem:s28], [sflag:$0x6] =	stream.linear.gather [hbm4b:s23+s17], $0x400, $0x38;
	[tilespmem:$0x1D580] =	vst v63  }
0x91: {  	_ =	swait.ge [sflag:s25], $0x400  }
0x92: {  	[sflag:s25] =	ssyncset.done $0x0  }
0x93: {  	[sflag:s25] =	ssyncadd.s32 $0xFFFFFC00  }
0x94: {  	_ =	swait.ge [sflag:s25], $0x400  }
0x95: {  	[sflag:s25] =	ssyncset.done $0x0  }
0x96: {  	[sflag:s25] =	ssyncadd.s32 $0xFFFFFC00  }
0x97: {  	[tilespmem:s22], [sflag:$0x1] =	stream.indirect.gather [hbm4b:s1+s30], $0x80, s17, s30, $0xb8;
	[tilespmem:$0x1D580] =	vst v63  }
.Ltmp3:
0x98: {  	_ = 	snop;
	(pc) =	sbr.rel .LBB2_4-.Ltmp3, $4  }
0x99: {  	[tilespmem:s31], [sflag:$0x2] =	stream.indirect.gather [hbm4b:s1+s30], $0x80, s30, s30, $0xb8;
	[tilespmem:$0x1D580] =	vst v63  }
0x9a: {  	[bflag:$0x0] =	sbarrier.arrive $0xFFFF  }
0x9b: {  	s20 =	rddreg [dreg:$0x13]  }
0x9c: {  	s16 =	rddreg [dreg:$0x12]  }
.LBB2_15:
0x9d: {  	_ =	swait.ge [sflag:s6], $0x4000  }
0x9e: {  	[sflag:s6] =	ssyncset.done $0x0  }
0x9f: {  	[sflag:s6] =	ssyncadd.s32 $0xFFFFC000  }
0xa0: {  	[spmem:s2] =	stream.indirect.scatter.add.f32 [tilespmem:s31], [sflag:$0x4], $0x80, s15, s30, $0xb8;
	[tilespmem:$0x1D580] =	vst v63  }
0xa1: {  	_ =	swait.ge [sflag:s8], $0x4000  }
0xa2: {  	[sflag:s8] =	ssyncset.done $0x0  }
0xa3: {  	[sflag:s8] =	ssyncadd.s32 $0xFFFFC000  }
.LBB2_16:
.Ltmp4:
0xa4: {  	(pc) =	sbr.rel @p1 .LBB2_18-.Ltmp4, $1  }
0xa5: {  	_ =	sdelay $0x3  }
.LBB2_17:
0xa6: {  	s3 =	sadd.s32 s16, s18  }
0xa7: {  	s25 =	sadd.s32 s20, s18;
	s16 =	sadd.s32 $0x100, s16;
	s3 =	sadd.s32 $0x180, s3  }
0xa8: {  	[tilespmem:s26], [sflag:$0x6] =	stream.linear.gather [hbm4b:s3+s4], $0x400, $0x38;
	[tilespmem:$0x1D580] =	vst v63  }
0xa9: {  	s20 =	sadd.s32 $0x100, s20;
	s17 =	sadd.s32 $0x10, s17;
	s3 =	sadd.s32 $0x180, s25  }
0xaa: {  	[tilespmem:s28], [sflag:$0x6] =	stream.linear.gather [hbm4b:s3+s4], $0x400, $0x38;
	[tilespmem:$0x1D580] =	vst v63  }
.LBB2_4:
0xab: {  	s23 =	sadd.s32 s17, s21  }
0xac: {  	p1 =	sgt.u32 s23, $0x9C3  }
.Ltmp5:
0xad: {  	_ = 	snop;
	(pc) =	sbr.rel @p1 .LBB2_8-.Ltmp5, $1  }
0xae: {  	_ =	sdelay $0x3  }
0xaf: {  	_ =	swait.ge [sflag:s0], $0x4000  }
0xb0: {  	[sflag:s0] =	ssyncset.done $0x0  }
0xb1: {  	s3 =	simm.s32 $0x400;
	[sflag:s0] =	ssyncadd.s32 $0xFFFFC000  }
0xb2: {  	[spmem:s2] =	stream.indirect.scatter.add.f32 [tilespmem:s22], [sflag:$0x3], $0x80, s3, s30, $0xb8;
	[tilespmem:$0x1D580] =	vst v63  }
0xb3: {  	_ =	swait.ge [sflag:s24], $0x4000  }
0xb4: {  	[sflag:s24] =	ssyncset.done $0x0  }
0xb5: {  	s9 =	simm.s32 $0x100;
	[sflag:s24] =	ssyncadd.s32 $0xFFFFC000  }
0xb6: {  	[tilespmem:s22], [sflag:$0x1] =	stream.indirect.gather [hbm4b:s1+s30], $0x80, s9, s30, $0xb8;
	[tilespmem:$0x1D580] =	vst v63  }
0xb7: {  	_ =	swait.ge [sflag:s6], $0x4000  }
0xb8: {  	[sflag:s6] =	ssyncset.done $0x0  }
0xb9: {  	s10 =	simm.s32 $0x480;
	[sflag:s6] =	ssyncadd.s32 $0xFFFFC000  }
0xba: {  	[spmem:s2] =	stream.indirect.scatter.add.f32 [tilespmem:s31], [sflag:$0x4], $0x80, s10, s30, $0xb8;
	[tilespmem:$0x1D580] =	vst v63  }
0xbb: {  	_ =	swait.ge [sflag:s8], $0x4000  }
0xbc: {  	[sflag:s8] =	ssyncset.done $0x0  }
0xbd: {  	s12 =	simm.s32 $0x180;
	[sflag:s8] =	ssyncadd.s32 $0xFFFFC000  }
0xbe: {  	[tilespmem:s31], [sflag:$0x2] =	stream.indirect.gather [hbm4b:s1+s30], $0x80, s12, s30, $0xb8;
	[tilespmem:$0x1D580] =	vst v63  }
0xbf: {  	_ =	swait.ge [sflag:s0], $0x4000  }
0xc0: {  	p1 =	sgt.u32 s23, $0x9BF;
	[sflag:s0] =	ssyncset.done $0x0  }
.Ltmp6:
0xc1: {  	s25 =	simm.s32 $0x500;
	[sflag:s0] =	ssyncadd.s32 $0xFFFFC000;
	(pc) =	sbr.rel @p1 .LBB2_7-.Ltmp6, $4  }
0xc2: {  	[spmem:s2] =	stream.indirect.scatter.add.f32 [tilespmem:s22], [sflag:$0x3], $0x80, s25, s30, $0xb8;
	[tilespmem:$0x1D580] =	vst v63  }
0xc3: {  	_ =	swait.ge [sflag:s24], $0x4000  }
0xc4: {  	[sflag:s24] =	ssyncset.done $0x0  }
0xc5: {  	[sflag:s24] =	ssyncadd.s32 $0xFFFFC000  }
0xc6: {  	s3 =	simm.s32 $0x200  }
0xc7: {  	[tilespmem:s22], [sflag:$0x1] =	stream.indirect.gather [hbm4b:s1+s30], $0x80, s3, s30, $0xb8;
	[tilespmem:$0x1D580] =	vst v63  }
0xc8: {  	_ =	swait.ge [sflag:s6], $0x4000  }
0xc9: {  	[sflag:s6] =	ssyncset.done $0x0  }
0xca: {  	s12 =	simm.s32 $0x580;
	[sflag:s6] =	ssyncadd.s32 $0xFFFFC000  }
0xcb: {  	[spmem:s2] =	stream.indirect.scatter.add.f32 [tilespmem:s31], [sflag:$0x4], $0x80, s12, s30, $0xb8;
	[tilespmem:$0x1D580] =	vst v63  }
0xcc: {  	_ =	swait.ge [sflag:s8], $0x4000  }
0xcd: {  	[sflag:s8] =	ssyncset.done $0x0  }
0xce: {  	s25 =	simm.s32 $0x280;
	[sflag:s8] =	ssyncadd.s32 $0xFFFFC000  }
0xcf: {  	[tilespmem:s31], [sflag:$0x2] =	stream.indirect.gather [hbm4b:s1+s30], $0x80, s25, s30, $0xb8;
	[tilespmem:$0x1D580] =	vst v63  }
0xd0: {  	_ =	swait.ge [sflag:s0], $0x4000  }
0xd1: {  	[sflag:s0] =	ssyncset.done $0x0  }
0xd2: {  	s7 =	simm.s32 $0x600;
	[sflag:s0] =	ssyncadd.s32 $0xFFFFC000  }
0xd3: {  	[spmem:s2] =	stream.indirect.scatter.add.f32 [tilespmem:s22], [sflag:$0x3], $0x80, s7, s30, $0xb8;
	[tilespmem:$0x1D580] =	vst v63  }
0xd4: {  	_ =	swait.ge [sflag:s24], $0x4000  }
0xd5: {  	[sflag:s24] =	ssyncset.done $0x0  }
0xd6: {  	s9 =	simm.s32 $0x300;
	[sflag:s24] =	ssyncadd.s32 $0xFFFFC000  }
0xd7: {  	[tilespmem:s22], [sflag:$0x1] =	stream.indirect.gather [hbm4b:s1+s30], $0x80, s9, s30, $0xb8;
	[tilespmem:$0x1D580] =	vst v63  }
0xd8: {  	_ =	swait.ge [sflag:s6], $0x4000  }
0xd9: {  	[sflag:s6] =	ssyncset.done $0x0  }
0xda: {  	s10 =	simm.s32 $0x680;
	[sflag:s6] =	ssyncadd.s32 $0xFFFFC000  }
0xdb: {  	[spmem:s2] =	stream.indirect.scatter.add.f32 [tilespmem:s31], [sflag:$0x4], $0x80, s10, s30, $0xb8;
	[tilespmem:$0x1D580] =	vst v63  }
0xdc: {  	_ =	swait.ge [sflag:s8], $0x4000  }
0xdd: {  	[sflag:s8] =	ssyncset.done $0x0  }
0xde: {  	s12 =	simm.s32 $0x380;
	[sflag:s8] =	ssyncadd.s32 $0xFFFFC000  }
0xdf: {  	[tilespmem:s31], [sflag:$0x2] =	stream.indirect.gather [hbm4b:s1+s30], $0x80, s12, s30, $0xb8;
	[tilespmem:$0x1D580] =	vst v63  }
0xe0: {  	_ =	swait.ge [sflag:s19], $0x400  }
0xe1: {  	[sflag:s19] =	ssyncset.done $0x0  }
0xe2: {  	[sflag:s19] =	ssyncadd.s32 $0xFFFFFC00  }
0xe3: {  	_ =	swait.ge [sflag:s19], $0x400  }
0xe4: {  	[sflag:s19] =	ssyncset.done $0x0  }
0xe5: {  	[sflag:s19] =	ssyncadd.s32 $0xFFFFFC00  }
0xe6: {  	_ =	swait.ge [sflag:s0], $0x4000  }
0xe7: {  	[sflag:s0] =	ssyncset.done $0x0  }
.Ltmp7:
0xe8: {  	s25 =	simm.s32 $0x700;
	[sflag:s0] =	ssyncadd.s32 $0xFFFFC000;
	(pc) =	sbr.rel .LBB2_9-.Ltmp7, $4  }
0xe9: {  	[spmem:s2] =	stream.indirect.scatter.add.f32 [tilespmem:s22], [sflag:$0x3], $0x80, s25, s30, $0xb8;
	[tilespmem:$0x1D580] =	vst v63  }
0xea: {  	_ =	swait.ge [sflag:s24], $0x4000  }
0xeb: {  	[sflag:s24] =	ssyncset.done $0x0  }
0xec: {  	[sflag:s24] =	ssyncadd.s32 $0xFFFFC000  }
.LBB2_8:
0xed: {  	_ =	swait.ge [sflag:s19], $0x400  }
0xee: {  	[sflag:s19] =	ssyncset.done $0x0  }
0xef: {  	[sflag:s19] =	ssyncadd.s32 $0xFFFFFC00  }
0xf0: {  	_ =	swait.ge [sflag:s19], $0x400  }
0xf1: {  	[sflag:s19] =	ssyncset.done $0x0  }
0xf2: {  	[sflag:s19] =	ssyncadd.s32 $0xFFFFFC00  }
.LBB2_9:
0xf3: {  	p1 =	sgt.u32 s23, $0x9BB  }
0xf4: {  	p2 =	sgt.u32 @p1 s23, $0x9C3  }
0xf5: {  	p2 =	por p2, !p1  }
0xf6: {  	s3 =	simm.s32 @!p2 $0x2  }
0xf7: {  	_ =	swait.ge @!p2 [sflag:s3], $0x4000  }
0xf8: {  	s7 =	simm.s32 @!p2 $0x780;
	[sflag:s3] =	ssyncset.done @!p2 $0x0  }
0xf9: {  	s9 =	simm.s32 @!p2 $0x5000;
	[sflag:s3] =	ssyncadd.s32 @!p2 $0xFFFFC000;
	s3 =	simm.s32 @!p2 $0x80  }
0xfa: {  	[spmem:s2] =	stream.indirect.scatter.add.f32 @!p2 [tilespmem:s9], [sflag:$0x4], $0x80, s7, s3, $0xb8;
	[tilespmem:$0x1D580] =	vst v63  }
0xfb: {  	s3 =	simm.s32 @!p2 $0x4  }
0xfc: {  	_ =	swait.ge @!p2 [sflag:s3], $0x4000  }
0xfd: {  	s7 =	simm.s32 @!p1 $0x800;
	[sflag:s3] =	ssyncset.done @!p2 $0x0  }
0xfe: {  	s9 =	simm.s32 @!p1 $0x1000;
	[sflag:s3] =	ssyncadd.s32 @!p2 $0xFFFFC000;
	s3 =	simm.s32 @!p1 $0x80  }
0xff: {  	[tilespmem:s9], [sflag:$0x1] =	stream.indirect.gather @!p1 [hbm4b:s1+s3], $0x80, s7, s3, $0xb8;
	[tilespmem:$0x1D580] =	vst v63  }
0x100: {  	s7 =	simm.s32 @!p1 $0x2  }
0x101: {  	_ =	swait.ge @!p1 [sflag:s7], $0x4000  }
0x102: {  	[sflag:s7] =	ssyncset.done @!p1 $0x0  }
0x103: {  	s9 =	simm.s32 @!p1 $0x5000;
	[sflag:s7] =	ssyncadd.s32 @!p1 $0xFFFFC000;
	s7 =	simm.s32 @!p1 $0x780  }
0x104: {  	[spmem:s2] =	stream.indirect.scatter.add.f32 @!p1 [tilespmem:s9], [sflag:$0x4], $0x80, s7, s3, $0xb8;
	[tilespmem:$0x1D580] =	vst v63  }
.Ltmp8:
0x105: {  	s7 =	simm.s32 @!p1 $0x4;
	(pc) =	sbr.rel .LBB2_10-.Ltmp8, $4  }
0x106: {  	_ =	swait.ge @!p1 [sflag:s7], $0x4000  }
0x107: {  	[sflag:s7] =	ssyncset.done @!p1 $0x0  }
0x108: {  	[sflag:s7] =	ssyncadd.s32 @!p1 $0xFFFFC000;
	s7 =	simm.s32 @!p1 $0x880  }
0x109: {  	[tilespmem:s9], [sflag:$0x2] =	stream.indirect.gather @!p1 [hbm4b:s1+s3], $0x80, s7, s3, $0xb8;
	[tilespmem:$0x1D580] =	vst v63  }
.LBB2_7:
0x10a: {  	_ =	swait.ge [sflag:s6], $0x4000  }
0x10b: {  	[sflag:s6] =	ssyncset.done $0x0  }
0x10c: {  	s3 =	simm.s32 $0x580;
	[sflag:s6] =	ssyncadd.s32 $0xFFFFC000  }
0x10d: {  	[spmem:s2] =	stream.indirect.scatter.add.f32 [tilespmem:s31], [sflag:$0x4], $0x80, s3, s30, $0xb8;
	[tilespmem:$0x1D580] =	vst v63  }
0x10e: {  	_ =	swait.ge [sflag:s8], $0x4000  }
0x10f: {  	[sflag:s8] =	ssyncset.done $0x0  }
0x110: {  	[sflag:s8] =	ssyncadd.s32 $0xFFFFC000  }
0x111: {  	_ =	swait.ge [sflag:s19], $0x400  }
0x112: {  	[sflag:s19] =	ssyncset.done $0x0  }
0x113: {  	[sflag:s19] =	ssyncadd.s32 $0xFFFFFC00  }
0x114: {  	_ =	swait.ge [sflag:s19], $0x400  }
0x115: {  	[sflag:s19] =	ssyncset.done $0x0  }
0x116: {  	[sflag:s19] =	ssyncadd.s32 $0xFFFFFC00  }
.LBB2_10:
0x117: {  	p1 =	seq.s32 s17, $0x40;
	s23 =	sadd.s32 $0x8, s23  }
0x118: {  	s3 =	sadd.s32 @!p1 s16, s18;
	p2 =	sgt.u32 s23, $0x9C3  }
.Ltmp9:
0x119: {  	s7 =	simm.s32 @!p1 $0x0;
	s3 =	sadd.s32 @!p1 $0x100, s3;
	(pc) =	sbr.rel @p2 .LBB2_12-.Ltmp9, $4  }
0x11a: {  	[tilespmem:s7], [sflag:$0x5] =	stream.linear.gather @!p1 [hbm4b:s3+s7], $0x400, $0x38;
	[tilespmem:$0x1D580] =	vst v63  }
0x11b: {  	s3 =	sadd.s32 @!p1 s20, s18  }
0x11c: {  	p3 =	por $0x0, $0x0;
	s9 =	simm.s32 @!p1 $0x400;
	s3 =	sadd.s32 @!p1 $0x100, s3  }
0x11d: {  	[tilespmem:s9], [sflag:$0x5] =	stream.linear.gather @!p1 [hbm4b:s3+s7], $0x400, $0x38;
	[tilespmem:$0x1D580] =	vst v63  }
0x11e: {  	_ =	swait.ge [sflag:s0], $0x4000  }
0x11f: {  	[sflag:s0] =	ssyncset.done $0x0  }
0x120: {  	[sflag:s0] =	ssyncadd.s32 $0xFFFFC000  }
0x121: {  	[spmem:s2] =	stream.indirect.scatter.add.f32 [tilespmem:s22], [sflag:$0x3], $0x80, s28, s30, $0xb8;
	[tilespmem:$0x1D580] =	vst v63  }
0x122: {  	_ =	swait.ge [sflag:s24], $0x4000  }
0x123: {  	[sflag:s24] =	ssyncset.done $0x0  }
0x124: {  	[sflag:s24] =	ssyncadd.s32 $0xFFFFC000  }
0x125: {  	[tilespmem:s22], [sflag:$0x1] =	stream.indirect.gather [hbm4b:s1+s30], $0x80, s5, s30, $0xb8;
	[tilespmem:$0x1D580] =	vst v63  }
0x126: {  	_ =	swait.ge [sflag:s6], $0x4000  }
0x127: {  	[sflag:s6] =	ssyncset.done $0x0  }
0x128: {  	[sflag:s6] =	ssyncadd.s32 $0xFFFFC000  }
0x129: {  	[spmem:s2] =	stream.indirect.scatter.add.f32 [tilespmem:s31], [sflag:$0x4], $0x80, s29, s30, $0xb8;
	[tilespmem:$0x1D580] =	vst v63  }
0x12a: {  	_ =	swait.ge [sflag:s8], $0x4000  }
0x12b: {  	[sflag:s8] =	ssyncset.done $0x0  }
0x12c: {  	[sflag:s8] =	ssyncadd.s32 $0xFFFFC000  }
0x12d: {  	[tilespmem:s31], [sflag:$0x2] =	stream.indirect.gather [hbm4b:s1+s30], $0x80, s11, s30, $0xb8;
	[tilespmem:$0x1D580] =	vst v63  }
0x12e: {  	_ =	swait.ge [sflag:s0], $0x4000  }
0x12f: {  	[sflag:s0] =	ssyncset.done $0x0  }
0x130: {  	[sflag:s0] =	ssyncadd.s32 $0xFFFFC000  }
0x131: {  	[spmem:s2] =	stream.indirect.scatter.add.f32 [tilespmem:s22], [sflag:$0x3], $0x80, s13, s30, $0xb8;
	[tilespmem:$0x1D580] =	vst v63  }
0x132: {  	_ =	swait.ge [sflag:s24], $0x4000  }
0x133: {  	p2 =	sgt.u32 s23, $0x9BF;
	[sflag:s24] =	ssyncset.done $0x0  }
0x134: {  	s3 =	simm.s32 @p2 $0x2;
	[sflag:s24] =	ssyncadd.s32 $0xFFFFC000  }
0x135: {  	_ =	swait.ge @p2 [sflag:s3], $0x4000  }
0x136: {  	s7 =	simm.s32 @p2 $0xD80;
	[sflag:s3] =	ssyncset.done @p2 $0x0  }
0x137: {  	s9 =	simm.s32 @p2 $0x5000;
	[sflag:s3] =	ssyncadd.s32 @p2 $0xFFFFC000;
	s3 =	simm.s32 @p2 $0x80  }
0x138: {  	[spmem:s2] =	stream.indirect.scatter.add.f32 @p2 [tilespmem:s9], [sflag:$0x4], $0x80, s7, s3, $0xb8;
	[tilespmem:$0x1D580] =	vst v63  }
0x139: {  	s3 =	simm.s32 @p2 $0x4  }
0x13a: {  	_ =	swait.ge @p2 [sflag:s3], $0x4000  }
0x13b: {  	s7 =	simm.s32 @!p2 $0xA00;
	[sflag:s3] =	ssyncset.done @p2 $0x0  }
0x13c: {  	s9 =	simm.s32 @!p2 $0x1000;
	[sflag:s3] =	ssyncadd.s32 @p2 $0xFFFFC000;
	s3 =	simm.s32 @!p2 $0x80  }
0x13d: {  	[tilespmem:s9], [sflag:$0x1] =	stream.indirect.gather @!p2 [hbm4b:s1+s3], $0x80, s7, s3, $0xb8;
	[tilespmem:$0x1D580] =	vst v63  }
0x13e: {  	s7 =	simm.s32 @!p2 $0x2  }
0x13f: {  	_ =	swait.ge @!p2 [sflag:s7], $0x4000  }
0x140: {  	[sflag:s7] =	ssyncset.done @!p2 $0x0  }
0x141: {  	s10 =	simm.s32 @!p2 $0xD80;
	s12 =	simm.s32 @!p2 $0x5000;
	[sflag:s7] =	ssyncadd.s32 @!p2 $0xFFFFC000  }
0x142: {  	[spmem:s2] =	stream.indirect.scatter.add.f32 @!p2 [tilespmem:s12], [sflag:$0x4], $0x80, s10, s3, $0xb8;
	[tilespmem:$0x1D580] =	vst v63  }
0x143: {  	s10 =	simm.s32 @!p2 $0x4  }
0x144: {  	_ =	swait.ge @!p2 [sflag:s10], $0x4000  }
0x145: {  	[sflag:s10] =	ssyncset.done @!p2 $0x0  }
0x146: {  	s25 =	simm.s32 @!p2 $0xA80;
	[sflag:s10] =	ssyncadd.s32 @!p2 $0xFFFFC000  }
0x147: {  	[tilespmem:s12], [sflag:$0x2] =	stream.indirect.gather @!p2 [hbm4b:s1+s3], $0x80, s25, s3, $0xb8;
	[tilespmem:$0x1D580] =	vst v63  }
0x148: {  	s25 =	simm.s32 @!p2 $0x1  }
0x149: {  	_ =	swait.ge @!p2 [sflag:s25], $0x4000  }
0x14a: {  	[sflag:s25] =	ssyncset.done @!p2 $0x0  }
0x14b: {  	[sflag:s25] =	ssyncadd.s32 @!p2 $0xFFFFC000;
	s25 =	simm.s32 @!p2 $0xE00  }
0x14c: {  	[spmem:s2] =	stream.indirect.scatter.add.f32 @!p2 [tilespmem:s9], [sflag:$0x3], $0x80, s25, s3, $0xb8;
	[tilespmem:$0x1D580] =	vst v63  }
0x14d: {  	s25 =	simm.s32 @!p2 $0x3  }
0x14e: {  	_ =	swait.ge @!p2 [sflag:s25], $0x4000  }
0x14f: {  	[sflag:s25] =	ssyncset.done @!p2 $0x0  }
0x150: {  	[sflag:s25] =	ssyncadd.s32 @!p2 $0xFFFFC000;
	s25 =	simm.s32 @!p2 $0xB00  }
0x151: {  	[tilespmem:s9], [sflag:$0x1] =	stream.indirect.gather @!p2 [hbm4b:s1+s3], $0x80, s25, s3, $0xb8;
	[tilespmem:$0x1D580] =	vst v63  }
0x152: {  	_ =	swait.ge @!p2 [sflag:s7], $0x4000  }
0x153: {  	[sflag:s7] =	ssyncset.done @!p2 $0x0  }
0x154: {  	[sflag:s7] =	ssyncadd.s32 @!p2 $0xFFFFC000;
	s7 =	simm.s32 @!p2 $0xE80  }
0x155: {  	[spmem:s2] =	stream.indirect.scatter.add.f32 @!p2 [tilespmem:s12], [sflag:$0x4], $0x80, s7, s3, $0xb8;
	[tilespmem:$0x1D580] =	vst v63  }
0x156: {  	_ =	swait.ge @!p2 [sflag:s10], $0x4000  }
0x157: {  	p3 =	por @p2 $0x0, $0x0;
	p4 =	por @!p2 $0x1, $0x1;
	[sflag:s10] =	ssyncset.done @!p2 $0x0  }
0x158: {  	p3 =	por @!p2 p4, p4;
	s7 =	simm.s32 @!p2 $0xB80;
	[sflag:s10] =	ssyncadd.s32 @!p2 $0xFFFFC000  }
0x159: {  	[tilespmem:s12], [sflag:$0x2] =	stream.indirect.gather @!p2 [hbm4b:s1+s3], $0x80, s7, s3, $0xb8;
	[tilespmem:$0x1D580] =	vst v63  }
.LBB2_12:
0x15a: {  	s3 =	simm.s32 @!p1 $0x5  }
0x15b: {  	_ =	swait.ge @!p1 [sflag:s3], $0x400  }
.Ltmp10:
0x15c: {  	[sflag:s3] =	ssyncset.done @!p1 $0x0;
	(pc) =	sbr.rel @!p3 .LBB2_16-.Ltmp10, $4  }
0x15d: {  	[sflag:s3] =	ssyncadd.s32 @!p1 $0xFFFFFC00  }
0x15e: {  	_ =	swait.ge @!p1 [sflag:s3], $0x400  }
0x15f: {  	[sflag:s3] =	ssyncset.done @!p1 $0x0  }
0x160: {  	[sflag:s3] =	ssyncadd.s32 @!p1 $0xFFFFFC00  }
0x161: {  	_ =	swait.ge [sflag:s0], $0x4000;
	p2 =	sgt.u32 @!p1 s23, $0x9BB  }
0x162: {  	[sflag:s0] =	ssyncset.done $0x0;
	p2 =	por p1, p2  }
.Ltmp11:
0x163: {  	[sflag:s0] =	ssyncadd.s32 $0xFFFFC000;
	(pc) =	sbr.rel @p2 .LBB2_15-.Ltmp11, $4  }
0x164: {  	[spmem:s2] =	stream.indirect.scatter.add.f32 [tilespmem:s22], [sflag:$0x3], $0x80, s14, s30, $0xb8;
	[tilespmem:$0x1D580] =	vst v63  }
0x165: {  	_ =	swait.ge [sflag:s24], $0x4000  }
0x166: {  	[sflag:s24] =	ssyncset.done $0x0  }
0x167: {  	[sflag:s24] =	ssyncadd.s32 $0xFFFFC000  }
0x168: {  	[tilespmem:s22], [sflag:$0x1] =	stream.indirect.gather [hbm4b:s1+s30], $0x80, s4, s30, $0xb8;
	[tilespmem:$0x1D580] =	vst v63  }
0x169: {  	_ =	swait.ge [sflag:s6], $0x4000  }
0x16a: {  	[sflag:s6] =	ssyncset.done $0x0  }
0x16b: {  	[sflag:s6] =	ssyncadd.s32 $0xFFFFC000  }
0x16c: {  	[spmem:s2] =	stream.indirect.scatter.add.f32 [tilespmem:s31], [sflag:$0x4], $0x80, s15, s30, $0xb8;
	[tilespmem:$0x1D580] =	vst v63  }
.Ltmp12:
0x16d: {  	_ = 	snop;
	(pc) =	sbr.rel .LBB2_17-.Ltmp12, $4  }
0x16e: {  	_ =	swait.ge [sflag:s8], $0x4000  }
0x16f: {  	[sflag:s8] =	ssyncset.done $0x0  }
0x170: {  	[sflag:s8] =	ssyncadd.s32 $0xFFFFC000  }
0x171: {  	[tilespmem:s31], [sflag:$0x2] =	stream.indirect.gather [hbm4b:s1+s30], $0x80, s30, s30, $0xb8;
	[tilespmem:$0x1D580] =	vst v63  }
.LBB2_19:
0x172: {  	_ =	sfence.sel $0x180000  }
0x173: {  	[bflag:$0x0] =	sbarrier.arrive $0xFFFF  }
0x174: {  	_ =	strace $0x9000004A  }
0x175: {  	s0 =	stileid.u32;
	[bflag:$0x2] =	sbarrier.arrive $0xFFFF  }
0x176: {  	p0 =	sne.s32 s0, $0x0;
	s0 =	rddreg [dreg:$0x4]  }
0x177: {  	s0 =	sadd.s32 @!p0 $0x100000, s0  }
0x178: {  	[sflag:s0] =	ssyncadd.tile.s32 @!p0 $0x1;
	_ =	shalt  }
.Lfunc_end2:
_tile_overlayer_lowered:
.L_overlay_start_2:
0x179: {  	(tag) =	ssettag $0x2  }
0x17a: {  	s0 =	rddreg [dreg:$0x0];
	s2 =	stileid.u32  }
0x17b: {  	s1 =	rddreg [dreg:$0x1];
	p0 =	sne.s32 s2, $0x0  }
0x17c: {  	s3 =	rddreg [dreg:$0x2];
	[bflag:$0x3] =	sbarrier.arrive $0xFFFF;
	s2 =	simm.s32 @!p0 $0x1C07  }
0x17d: {  	[timem:s3], [sflag:s2] =	dma.local @!p0 [hbm:s0], s1  }
0x17e: {  	s0 =	simm.s32 @!p0 $0x7  }
0x17f: {  	_ =	swait.ge @!p0 [sflag:s0], s1  }
0x180: {  	s1 =	ssub.s32 @!p0 $0x0, s1;
	[sflag:s0] =	ssyncset.done @!p0 $0x0  }
0x181: {  	[sflag:s0] =	ssyncadd.s32 @!p0 s1  }
0x182: {  	[bflag:$0x3] =	sbarrier.arrive $0xFFFF  }
0x183: {  	_ =	shalt  }

// kernel: sage_segment_sum_cnt.3.cloned.1.call-start
scs
__scs_entry_jumppad:
0x0: {  	(pc) =	sbr.rel $0x88, $3  }
0x1: {  	(tag) =	ssettag $0x0;
	lr =	simm.s32 $0x1  }
0x2: {  	[smem:$0x3F99] =	sst lr;
	_ =	strace $0xD0000000  }
0x3: {  	_ = 	snop  }
0x4: {  	_ = 	snop  }
0x5: {  	_ = 	snop  }
0x6: {  	_ = 	snop  }
0x7: {  	_ = 	snop  }
__scs_overlays_trampoline_lowered:
0x8: {  	[smem:$0x3FA8] =	sst s0  }
0x9: {  	[smem:$0x3FA9] =	sst s1  }
0xa: {  	[smem:$0x3FAA] =	sst s2  }
0xb: {  	[smem:$0x3FAB] =	sst s3  }
0xc: {  	[smem:$0x3FAC] =	sst s4  }
0xd: {  	[smem:$0x3FAD] =	sst s5  }
0xe: {  	[smem:$0x3FAE] =	sst s6  }
0xf: {  	[smem:$0x3FAF] =	sst s7  }
0x10: {  	[smem:$0x3FB0] =	sst s8  }
0x11: {  	[smem:$0x3FB1] =	sst s9;
	s0 =	simm.s32 @!p0 $0x0  }
0x12: {  	s1 =	sld [smem:$0x3F97];
	s0 =	simm.s32 @p0 $0x1  }
0x13: {  	[smem:$0x3FB2] =	sst s0;
	s0 =	simm.s32 @!p1 $0x0  }
0x14: {  	s2 =	sld [smem:$0x3F96];
	s0 =	simm.s32 @p1 $0x1  }
0x15: {  	[smem:$0x3FB3] =	sst s0;
	s0 =	simm.s32 @!p2 $0x0  }
0x16: {  	s3 =	sld [smem:$0x3FDB];
	s0 =	simm.s32 @p2 $0x1  }
0x17: {  	s4 =	simm.s32 $0x1BF5;
	[smem:$0x3FB5] =	sst s0  }
0x18: {  	s0 =	sld [smem:$0x3F98];
	_ =	swait.ge [sflag:s4], $0x0  }
0x19: {  	s7 =	sld [smem:$0x3F99]  }
0x1a: {  	s8 =	sadd.s32 $0xFFFFE003, lr  }
0x1b: {  	s9 =	sadd.s32 $0xFFFFFEF7, lr;
	s5 =	simm.s32 $0xFFFFFFFF;
	p2 =	slt.u32 s8, $0xFFFFF086  }
0x1c: {  	p1 =	slt.u32 s9, $0xF7A;
	s5 =	simm.s32 @!p2 $0x0  }
0x1d: {  	s5 =	simm.s32 @p1 $0x1;
	p0 =	seq.s32 s7, s2  }
0x1e: {  	s7 =	smul.u32 @!p0 $0xF7A, s2;
	p2 =	seq.s32 @!p0 s5, $0x0  }
0x1f: {  	s9 =	smul.u32 $0xF7A, s1;
	s8 =	simm.s32 @!p0 $0x1BF5;
	p2 =	por !p2, p0  }
0x20: {  	[sflag:s8] =	ssyncset.s32 @!p0 $0xFFFFF086;
	s6 =	sadd.s32 @!p0 s3, s7;
	s7 =	simm.s32 @!p0 $0x108  }
0x21: {  	s3 =	sadd.s32 s3, s9;
	s6 =	sadd.s32 @!p0 $0x88, s6;
	s7 =	simm.s32 @p2 $0x1082  }
0x22: {  	[simem:s7], [sflag:s8] =	dma.local @!p0 [hbm:s6], $0xF7A  }
0x23: {  	s9 =	sor.u32 $0xD0000000, s2;
	s6 =	simm.s32 $0x108;
	_ =	swait.ge @!p0 [sflag:s8], $0x0  }
0x24: {  	s3 =	sadd.s32 $0x88, s3;
	s6 =	simm.s32 @!p1 $0x1082;
	[sflag:s4] =	ssyncset.s32 $0xFFFFF086  }
0x25: {  	[simem:s6], [sflag:s4] =	dma.local [hbm:s3], $0xF7A  }
0x26: {  	[smem:$0x3F99] =	sst s1;
	(tag) =	ssettag s2;
	_ =	strace s9  }
0x27: {  	s1 =	sld [smem:$0x3FA9]  }
0x28: {  	s2 =	sld [smem:$0x3FAA]  }
0x29: {  	s4 =	sld [smem:$0x3FAC]  }
0x2a: {  	p0 =	seq.s32 s5, $0x0;
	s5 =	sld [smem:$0x3FAD]  }
0x2b: {  	s6 =	sld [smem:$0x3FAE]  }
0x2c: {  	s7 =	sld [smem:$0x3FAF]  }
0x2d: {  	s3 =	simm.s32 $0x108;
	s8 =	sld [smem:$0x3FB0]  }
0x2e: {  	s3 =	simm.s32 @!p0 $0x1082;
	s9 =	sld [smem:$0x3FB1]  }
0x2f: {  	lr =	sadd.s32 s0, s3;
	s0 =	sld [smem:$0x3FA8]  }
0x30: {  	s3 =	sld [smem:$0x3FAB]  }
0x31: {  	[smem:$0x3FB4] =	sst s10  }
0x32: {  	s10 =	sld [smem:$0x3FB2];
	_ =	sdelay $0x3  }
0x33: {  	p0 =	seq.s32 s10, $0x1;
	s10 =	sld [smem:$0x3FB4];
	_ =	sdelay $0x3  }
0x34: {  	[smem:$0x3FB4] =	sst s10  }
0x35: {  	s10 =	sld [smem:$0x3FB3];
	_ =	sdelay $0x3  }
0x36: {  	p1 =	seq.s32 s10, $0x1;
	s10 =	sld [smem:$0x3FB4];
	_ =	sdelay $0x3  }
0x37: {  	[smem:$0x3FB4] =	sst s10  }
0x38: {  	s10 =	sld [smem:$0x3FB5]  }
0x39: {  	_ = 	snop;
	(pc) =	sbr.ind lr, $3  }
0x3a: {  	_ = 	snop  }
0x3b: {  	_ = 	snop  }
0x3c: {  	p2 =	seq.s32 s10, $0x1;
	s10 =	sld [smem:$0x3FB4]  }
0x3d: {  	_ =	shalt  }
0x3e: {  	_ =	shalt  }
0x3f: {  	_ =	shalt  }
0x40: {  	_ =	shalt  }
0x41: {  	_ =	shalt  }
0x42: {  	_ =	shalt  }
0x43: {  	_ =	shalt  }
0x44: {  	_ =	shalt  }
0x45: {  	_ =	shalt  }
0x46: {  	_ =	shalt  }
0x47: {  	_ =	shalt  }
0x48: {  	_ =	shalt  }
0x49: {  	_ =	shalt  }
0x4a: {  	_ =	shalt  }
0x4b: {  	_ =	shalt  }
0x4c: {  	_ =	shalt  }
0x4d: {  	_ =	shalt  }
0x4e: {  	_ =	shalt  }
0x4f: {  	_ =	shalt  }
0x50: {  	_ =	shalt  }
0x51: {  	_ =	shalt  }
0x52: {  	_ =	shalt  }
0x53: {  	_ =	shalt  }
0x54: {  	_ =	shalt  }
0x55: {  	_ =	shalt  }
0x56: {  	_ =	shalt  }
0x57: {  	_ =	shalt  }
0x58: {  	_ =	shalt  }
0x59: {  	_ =	shalt  }
0x5a: {  	_ =	shalt  }
0x5b: {  	_ =	shalt  }
0x5c: {  	_ =	shalt  }
0x5d: {  	_ =	shalt  }
0x5e: {  	_ =	shalt  }
0x5f: {  	_ =	shalt  }
0x60: {  	_ =	shalt  }
0x61: {  	_ =	shalt  }
0x62: {  	_ =	shalt  }
0x63: {  	_ =	shalt  }
0x64: {  	_ =	shalt  }
0x65: {  	_ =	shalt  }
0x66: {  	_ =	shalt  }
0x67: {  	_ =	shalt  }
0x68: {  	_ =	shalt  }
0x69: {  	_ =	shalt  }
0x6a: {  	_ =	shalt  }
0x6b: {  	_ =	shalt  }
0x6c: {  	_ =	shalt  }
0x6d: {  	_ =	shalt  }
0x6e: {  	_ =	shalt  }
0x6f: {  	_ =	shalt  }
0x70: {  	_ =	shalt  }
0x71: {  	_ =	shalt  }
0x72: {  	_ =	shalt  }
0x73: {  	_ =	shalt  }
0x74: {  	_ =	shalt  }
0x75: {  	_ =	shalt  }
0x76: {  	_ =	shalt  }
0x77: {  	_ =	shalt  }
0x78: {  	_ =	shalt  }
0x79: {  	_ =	shalt  }
0x7a: {  	_ =	shalt  }
0x7b: {  	_ =	shalt  }
0x7c: {  	_ =	shalt  }
0x7d: {  	_ =	shalt  }
0x7e: {  	_ =	shalt  }
0x7f: {  	_ =	shalt  }
0x80: {  	_ =	shalt  }
0x81: {  	_ =	shalt  }
0x82: {  	_ =	shalt  }
0x83: {  	_ =	shalt  }
0x84: {  	_ =	shalt  }
0x85: {  	_ =	shalt  }
0x86: {  	_ =	shalt  }
0x87: {  	_ =	shalt  }
.Lfunc_end0:
.L_simem_size_0:
called_computation_lowered:
.L_overlay_start_0:
0x88: {  	s2 =	sld [smem:$0x3FD9]  }
0x89: {  	s3 =	sld [smem:$0x3FFE];
	_ =	sdelay $0x1  }
0x8a: {  	s1 =	srdreg.scid  }
0x8b: {  	s0 =	sand.u32 $0x1, s1  }
0x8c: {  	s17 =	sshll.u32 s0, $0xA;
	s2 =	sadd.s32 s3, s2  }
0x8d: {  	s2 =	sadd.s32 s2, s17  }
0x8e: {  	[smem:$0x3FC0] =	sst s2  }
0x8f: {  	_ = 	snop  }
0x90: {  	s2 =	sld [smem:$0x3FD0];
	(tm) =	ssettm $0x1  }
0x91: {  	s18 =	sld [smem:$0x3FFB];
	_ =	sdelay $0x3  }
0x92: {  	_ =	strace s18  }
0x93: {  	s3 =	sld [smem:$0x3FFC];
	_ =	sdelay $0x3  }
0x94: {  	_ =	strace s3  }
0x95: {  	s3 =	sld [smem:$0x3FFD];
	_ =	sdelay $0x3  }
0x96: {  	_ =	strace s3  }
0x97: {  	_ =	strace $0x8FFFFFFF  }
0x98: {  	s19 =	sld [smem:$0x3FDB];
	_ =	sdelay $0x1  }
0x99: {  	s4 =	simm.s32 $_scs_section_size  }
0x9a: {  	s5 =	simm.s32 $_size__tile_overlayer_lowered;
	s6 =	simm.s32 $_tile_overlayer_lowered  }
0x9b: {  	s22 =	simm.s32 $0x1BFF;
	s21 =	sshll.u32 s6, $0x1;
	s3 =	sadd.s32 s4, s19  }
0x9c: {  	s7 =	simm.s32 $0x0;
	s20 =	sshll.u32 s5, $0x1;
	s5 =	sadd.s32 s21, s3  }
0x9d: {  	[timem:s7], [sflag:s22] =	dma.local [hbm:s5], s20  }
0x9e: {  	_ =	swait.ge [sflag:s22], s20  }
0x9f: {  	s4 =	ssub.s32 $0x0, s20;
	[sflag:s22] =	ssyncset.done $0x0  }
0xa0: {  	[sflag:s22] =	ssyncadd.s32 s4;
	_ =	sdelay $0x1  }
0xa1: {  	s23 =	simm.s32 $0x1B8B  }
0xa2: {  	_ =	swait.ge [sflag:s23], $0x1  }
0xa3: {  	[sflag:s23] =	ssyncset.done $0x0  }
0xa4: {  	s25 =	simm.s32 $0x1B8E;
	s24 =	sld [smem:$0x3FFE];
	[sflag:s23] =	ssyncadd.s32 $0xFFFFFFFF  }
0xa5: {  	s26 =	simm.s32 $execute0_lowered;
	[smem:$0x3FD2] =	sst s25  }
0xa6: {  	s5 =	sshll.u32 s26, $0x1;
	_ =	strace $0x80000046;
	[dreg:$0x1] =	wrdreg $0xFFFFFFFF  }
0xa7: {  	s28 =	simm.s32 $_size_execute0_lowered;
	s3 =	sadd.s32 s3, s5;
	[dreg:$0x0] =	wrdreg $0x0  }
0xa8: {  	s5 =	sshll.u32 s28, $0x1;
	[dreg:$0x2] =	wrdreg s3  }
0xa9: {  	[dreg:$0x3] =	wrdreg s5  }
0xaa: {  	[dreg:$0x4] =	wrdreg $0xC0  }
0xab: {  	_ =	task [dreg:s7], $0x5FFFF  }
0xac: {  	[dreg:$0x1] =	wrdreg $0xFFFFFFFF  }
0xad: {  	[dreg:$0x0] =	wrdreg $0x60  }
0xae: {  	[dreg:$0x2] =	wrdreg s2  }
0xaf: {  	[dreg:$0x3] =	wrdreg s24  }
0xb0: {  	[dreg:$0x4] =	wrdreg $0x93000  }
0xb1: {  	[dreg:$0x5] =	wrdreg $0x1D3000  }
0xb2: {  	[dreg:$0x6] =	wrdreg $0x9  }
0xb3: {  	_ =	task.clear_ibuf [dreg:s7], $0x7FFFF;
	_ =	strace $0x90000046  }
0xb4: {  	s29 =	simm.s32 $0x9;
	_ =	strace $0x80000048  }
0xb5: {  	_ =	swait.ge [sflag:s29], $0x1  }
0xb6: {  	[sflag:s29] =	ssyncadd.s32 $0xFFFFFFFF  }
0xb7: {  	_ =	strace $0x90000048  }
0xb8: {  	_ =	sfence  }
0xb9: {  	s30 =	sld [smem:$0x0];
	_ =	sdelay $0x2  }
0xba: {  	s31 =	sshll.u32 s1, $0xD;
	s1 =	sshrl.u32 s1, $0x2  }
0xbb: {  	s3 =	sand.u32 $0x4000, s31;
	s1 =	sadd.s32 s1, s30  }
0xbc: {  	s0 =	sor.u32 s3, s0;
	s1 =	sshll.u32 s1, $0x11  }
0xbd: {  	s0 =	sor.u32 s1, s0  }
0xbe: {  	s0 =	sadd.s32 $0x8F2B, s0  }
0xbf: {  	[sflag:s0] =	ssyncadd.remote.s32 $0x1  }
0xc0: {  	_ =	sfence.sel $0xFFFF  }
0xc1: {  	[dreg:$0x0] =	wrdreg $0xFFFFFFFF;
	(pc) =	sbr.abs _section_cstart, $3  }
0xc2: {  	[dreg:$0x1] =	wrdreg $0xFFFFFFFF  }
0xc3: {  	_ =	task.clear_ibuf [dreg:s7], $0x2FFFF;
	_ =	strace $0x9FFFFFFF  }
0xc4: {  	(tm) =	ssettm $0x7FFFFFFF  }
0xc5: {  	_ =	shalt  }
tec
execute0_lowered:
.L_overlay_start_1:
0x0: {  	(tag) =	ssettag $0x1  }
0x1: {  	s1 =	rddreg [dreg:$0x0]  }
0x2: {  	s0 =	rddreg [dreg:$0x1]  }
0x3: {  	s3 =	rddreg [dreg:$0x2];
	s2 =	srdreg.scid  }
0x4: {  	s14 =	stileid.u32;
	s4 =	rddreg [dreg:$0x3];
	s5 =	simm.s32 $0x0  }
0x5: {  	s28 =	simm.s32 $0x800;
	s29 =	simm.s32 $0xC00;
	s31 =	simm.s32 $0x80  }
0x6: {  	s30 =	simm.s32 $0xD80;
	s2 =	sand.u32 $0x1, s2;
	s6 =	smul.u32 $0x280, s14  }
0x7: {  	[smem:$0x7FF] =	sst s5;
	s8 =	sadd.s32 $0xC000, s0;
	s9 =	sadd.s32 $0x2000, s0  }
0x8: {  	s10 =	smul.u32 $0x50000, s14;
	s11 =	sadd.s32 $0x3DC00, s0;
	p0 =	seq.s32 s14, $0xF  }
0x9: {  	s7 =	smul.u32 $0x2800, s2;
	_ =	strace $0x80000047;
	s16 =	ssub.s32 $0x2, s2  }
0xa: {  	s13 =	sshll.u32 s2, $0x4;
	s26 =	smul.u32 $0x2710, s2;
	s12 =	sshrl.u32 s16, $0x1  }
0xb: {  	s10 =	sshrl.u32 s10, $0x2;
	s17 =	sor.u32 s14, s13;
	s24 =	sadd.s32 s6, s4  }
0xc: {  	s7 =	sadd.s32 s6, s7;
	s19 =	sadd.s32 s10, s3;
	s20 =	smul.u32 $0x500, s17  }
0xd: {  	s6 =	sadd.s32 s6, s26;
	s17 =	smul.u32 $0x5000, s2;
	[dreg:$0xa] =	wrdreg s24  }
0xe: {  	s7 =	sshrl.u32 s7, $0x3;
	s10 =	sadd.s32 $0x4000, s19;
	[dreg:$0x5] =	wrdreg s19  }
0xf: {  	s18 =	sadd.s32 $0x8000, s19;
	s21 =	sadd.s32 $0xC000, s19;
	[dreg:$0x6] =	wrdreg s10  }
0x10: {  	s22 =	sadd.s32 $0x10000, s19;
	s6 =	sshll.u32 s6, $0x4;
	[dreg:$0x7] =	wrdreg s18  }
0x11: {  	s0 =	sadd.s32 s7, s0;
	s7 =	ssub.s32 s16, s12;
	[dreg:$0x8] =	wrdreg s21  }
0x12: {  	[dreg:$0x9] =	wrdreg s22;
	s23 =	sadd.s32 s8, s20;
	s16 =	smul.u32 $0x138800, s2  }
0x13: {  	s25 =	sor.u32 $0x80, s20;
	s10 =	sadd.s32 s9, s20;
	s18 =	smul.u32 $0x500, s14  }
0x14: {  	s6 =	sadd.s32 s11, s6;
	s2 =	smul.u32 $0x500, s2;
	[dreg:$0xb] =	wrdreg s23  }
0x15: {  	s22 =	smul.u32 $0x50, s14;
	s26 =	sadd.s32 s17, s9;
	[dreg:$0xc] =	wrdreg s10  }
0x16: {  	s14 =	simm.s32 $0x4;
	s15 =	sadd.s32 s8, s25;
	[dreg:$0xf] =	wrdreg s6  }
0x17: {  	s12 =	sadd.s32 s9, s25;
	s0 =	sadd.s32 $0x3D200, s0;
	[dreg:$0xd] =	wrdreg s15  }
0x18: {  	s23 =	smax.u32 s7, $0x1;
	s25 =	sadd.s32 s17, s8;
	[dreg:$0xe] =	wrdreg s12  }
0x19: {  	s17 =	simm.s32 $0x400;
	s7 =	simm.s32 $0x9000;
	[dreg:$0x11] =	wrdreg s0  }
0x1a: {  	s8 =	simm.s32 $0x3;
	s10 =	sshrl.u32 s16, $0x3;
	[dreg:$0x12] =	wrdreg s23  }
0x1b: {  	s20 =	sadd.s32 s18, s25;
	s0 =	sadd.s32 s22, s2;
	s23 =	simm.s32 $0x1000  }
0x1c: {  	s2 =	simm.s32 $0x5000;
	s25 =	simm.s32 $0x1;
	s12 =	simm.s32 $0x2  }
.Ltmp0:
0x1d: {  	s16 =	simm.s32 $0x6;
	s22 =	simm.s32 $0xC80;
	(pc) =	sbr.rel .LBB2_1-.Ltmp0, $4  }
0x1e: {  	s15 =	simm.s32 $0x0;
	s21 =	sadd.s32 s11, s10;
	s0 =	sor.u32 $0x8, s0  }
0x1f: {  	s11 =	simm.s32 $0x9;
	s10 =	simm.s32 $0x5;
	s6 =	sadd.s32 $0x25800, s21  }
0x20: {  	s21 =	sadd.s32 s18, s26;
	[dreg:$0x13] =	wrdreg s0;
	s0 =	simm.s32 $0x580  }
0x21: {  	v0 =	vimm.f32 $0.0e+00;
	v1 =	vimm.f32 $1.000000000e+00;
	s18 =	simm.s32 $0x8;
	[dreg:$0x10] =	wrdreg s6;
	s6 =	simm.s32 $0xD00  }
.LBB2_10:
0x22: {  	[bflag:$0x0] =	sbarrier.arrive $0xFFFF  }
0x23: {  	s19 =	rddreg [dreg:$0x5]  }
0x24: {  	s11 =	simm.s32 @p0 $0x1FC9;
	s13 =	rddreg [dreg:$0x10];
	s9 =	sshrl.u32 @p0 s19, $0x3  }
0x25: {  	[hbm:s13], [sflag:s11] =	dma.local @p0 [spmem:s9], $0x1900  }
0x26: {  	s9 =	simm.s32 @p0 $0x9  }
0x27: {  	s15 =	stileid.u32;
	_ =	swait.ge @p0 [sflag:s9], $0x1900  }
0x28: {  	s11 =	sshll.u32 @!p0 s15, $0x6;
	[sflag:s9] =	ssyncset.done @p0 $0x0;
	s13 =	rddreg [dreg:$0xf]  }
0x29: {  	[sflag:s9] =	ssyncadd.s32 @p0 $0xFFFFE700;
	s9 =	sor.u32 @!p0 $0x1C09, s11;
	s11 =	sshrl.u32 @!p0 s19, $0x3  }
0x2a: {  	[hbm:s13], [sflag:s9] =	dma.local @!p0 [spmem:s11], $0x2800  }
0x2b: {  	s9 =	simm.s32 @!p0 $0x9  }
0x2c: {  	s26 =	sshll.u32 s15, $0x6;
	_ =	swait.ge @!p0 [sflag:s9], $0x2800  }
0x2d: {  	s11 =	sor.u32 $0x1C09, s26;
	[sflag:s9] =	ssyncset.done @!p0 $0x0;
	s24 =	rddreg [dreg:$0xa]  }
0x2e: {  	s26 =	rddreg [dreg:$0x11];
	[sflag:s9] =	ssyncadd.s32 @!p0 $0xFFFFD800;
	s15 =	sshrl.u32 s24, $0x3  }
0x2f: {  	[hbm:s26], [sflag:s11] =	dma.local [spmem:s15], $0x50  }
0x30: {  	s11 =	simm.s32 $0x9  }
0x31: {  	_ =	swait.ge [sflag:s11], $0x50  }
0x32: {  	s9 =	rddreg [dreg:$0x14]  }
0x33: {  	s26 =	rddreg [dreg:$0x12];
	s15 =	sadd.s32 $0x1, s9  }
0x34: {  	p1 =	sne.s32 s15, s26  }
.Ltmp1:
0x35: {  	_ = 	snop;
	(pc) =	sbr.rel @!p1 .LBB2_11-.Ltmp1, $3  }
0x36: {  	_ =	sdelay $0x1  }
0x37: {  	[sflag:s11] =	ssyncset.done $0x0  }
0x38: {  	s13 =	stileid.u32;
	[sflag:s11] =	ssyncadd.s32 $0xFFFFFFB0  }
.LBB2_1:
0x39: {  	[dreg:$0x14] =	wrdreg s15;
	s9 =	simm.s32 $0x0;
	s15 =	simm.s32 $0x200  }
.LBB2_2:
0x3a: {  	p1 =	sne.s32 s15, $0xFE00;
	[tilespmem:s9+$0x1070] =	vst v0  }
0x3b: {  	[tilespmem:s9+$0x1000] =	vst v0  }
0x3c: {  	[tilespmem:s9+$0x1010] =	vst v0  }
.Ltmp2:
0x3d: {  	[tilespmem:s9+$0x1020] =	vst v0;
	(pc) =	sbr.rel @p1 .LBB2_2-.Ltmp2, $4  }
0x3e: {  	[tilespmem:s9+$0x1030] =	vst v0  }
0x3f: {  	[tilespmem:s9+$0x1040] =	vst v0  }
0x40: {  	[tilespmem:s9+$0x1050] =	vst v0  }
0x41: {  	[tilespmem:s9+$0x1060] =	vst v0;
	s9 =	sshra.s32 s15, $0x2;
	s15 =	sadd.s32 $0x200, s15  }
0x42: {  	[tilespmem:s9+$0x1070] =	vst v0  }
0x43: {  	[tilespmem:s9+$0x1000] =	vst v0  }
0x44: {  	[tilespmem:s9+$0x1010] =	vst v0  }
0x45: {  	[tilespmem:s9+$0x1020] =	vst v0  }
0x46: {  	[tilespmem:s9+$0x1030] =	vst v0  }
0x47: {  	[tilespmem:s9+$0x1040] =	vst v0  }
0x48: {  	[tilespmem:s9+$0x1050] =	vst v0  }
0x49: {  	[tilespmem:s9+$0x1060] =	vst v0  }
0x4a: {  	[tilespmem:$0x9000] =	vst v1  }
0x4b: {  	[tilespmem:$0x9010] =	vst v1  }
0x4c: {  	[tilespmem:$0x9020] =	vst v1  }
0x4d: {  	[tilespmem:$0x9030] =	vst v1  }
0x4e: {  	[tilespmem:$0x9040] =	vst v1  }
0x4f: {  	[tilespmem:$0x9050] =	vst v1  }
0x50: {  	[tilespmem:$0x9060] =	vst v1  }
0x51: {  	[tilespmem:$0x9070] =	vst v1  }
0x52: {  	[tilespmem:$0x9080] =	vst v0  }
0x53: {  	[tilespmem:$0x9090] =	vst v0  }
0x54: {  	[tilespmem:$0x90A0] =	vst v0  }
0x55: {  	[tilespmem:$0x90B0] =	vst v0  }
0x56: {  	[tilespmem:$0x90C0] =	vst v0  }
0x57: {  	[tilespmem:$0x90D0] =	vst v0  }
0x58: {  	[tilespmem:$0x90E0] =	vst v0  }
0x59: {  	[tilespmem:$0x90F0] =	vst v0  }
0x5a: {  	[tilespmem:$0x9100] =	vst v0  }
0x5b: {  	[tilespmem:$0x9110] =	vst v0  }
0x5c: {  	[tilespmem:$0x9120] =	vst v0  }
0x5d: {  	[tilespmem:$0x9130] =	vst v0  }
0x5e: {  	[tilespmem:$0x9140] =	vst v0  }
0x5f: {  	[tilespmem:$0x9150] =	vst v0  }
0x60: {  	[tilespmem:$0x9160] =	vst v0  }
0x61: {  	[tilespmem:$0x9170] =	vst v0  }
0x62: {  	[tilespmem:$0x9180] =	vst v0  }
0x63: {  	[tilespmem:$0x9190] =	vst v0  }
0x64: {  	[tilespmem:$0x91A0] =	vst v0  }
0x65: {  	[tilespmem:$0x91B0] =	vst v0  }
0x66: {  	[tilespmem:$0x91C0] =	vst v0  }
0x67: {  	[tilespmem:$0x91D0] =	vst v0  }
0x68: {  	[tilespmem:$0x91E0] =	vst v0  }
0x69: {  	[tilespmem:$0x91F0] =	vst v0  }
0x6a: {  	[tilespmem:$0x9200] =	vst v0  }
0x6b: {  	[tilespmem:$0x9210] =	vst v0  }
0x6c: {  	[tilespmem:$0x9220] =	vst v0  }
0x6d: {  	[tilespmem:$0x9230] =	vst v0  }
0x6e: {  	[tilespmem:$0x9240] =	vst v0  }
0x6f: {  	[tilespmem:$0x9250] =	vst v0  }
0x70: {  	[tilespmem:$0x9260] =	vst v0  }
0x71: {  	[tilespmem:$0x9270] =	vst v0  }
0x72: {  	[tilespmem:$0x9280] =	vst v0  }
0x73: {  	[tilespmem:$0x9290] =	vst v0  }
0x74: {  	[tilespmem:$0x92A0] =	vst v0  }
0x75: {  	[tilespmem:$0x92B0] =	vst v0  }
0x76: {  	[tilespmem:$0x92C0] =	vst v0  }
0x77: {  	[tilespmem:$0x92D0] =	vst v0  }
0x78: {  	[tilespmem:$0x92E0] =	vst v0  }
0x79: {  	[tilespmem:$0x92F0] =	vst v0  }
0x7a: {  	[spmem:s19] =	stream.linear.scatter [tilespmem:s23], [sflag:$0x9], $0x4000, $0x38;
	[tilespmem:$0x1D580] =	vst v63  }
0x7b: {  	_ =	swait.ge [sflag:s11], $0x4000  }
0x7c: {  	[sflag:s11] =	ssyncset.done $0x0  }
0x7d: {  	s26 =	rddreg [dreg:$0x6];
	[sflag:s11] =	ssyncadd.s32 $0xFFFFC000  }
0x7e: {  	[spmem:s26] =	stream.linear.scatter [tilespmem:s23], [sflag:$0x9], $0x4000, $0x38;
	[tilespmem:$0x1D580] =	vst v63  }
0x7f: {  	_ =	swait.ge [sflag:s11], $0x4000  }
0x80: {  	[sflag:s11] =	ssyncset.done $0x0  }
0x81: {  	s13 =	rddreg [dreg:$0x7];
	[sflag:s11] =	ssyncadd.s32 $0xFFFFC000  }
0x82: {  	[spmem:s13] =	stream.linear.scatter [tilespmem:s23], [sflag:$0x9], $0x4000, $0x38;
	[tilespmem:$0x1D580] =	vst v63  }
0x83: {  	_ =	swait.ge [sflag:s11], $0x4000  }
0x84: {  	[sflag:s11] =	ssyncset.done $0x0  }
0x85: {  	s15 =	rddreg [dreg:$0x8];
	[sflag:s11] =	ssyncadd.s32 $0xFFFFC000  }
0x86: {  	[spmem:s15] =	stream.linear.scatter [tilespmem:s23], [sflag:$0x9], $0x4000, $0x38;
	[tilespmem:$0x1D580] =	vst v63  }
0x87: {  	_ =	swait.ge [sflag:s11], $0x4000  }
0x88: {  	[sflag:s11] =	ssyncset.done $0x0  }
0x89: {  	s19 =	rddreg [dreg:$0x9];
	[sflag:s11] =	ssyncadd.s32 $0xFFFFC000  }
0x8a: {  	[spmem:s19] =	stream.linear.scatter [tilespmem:s23], [sflag:$0x9], $0x4000, $0x38;
	[tilespmem:$0x1D580] =	vst v63  }
0x8b: {  	_ =	swait.ge [sflag:s11], $0x4000  }
0x8c: {  	[sflag:s11] =	ssyncset.done $0x0  }
0x8d: {  	s26 =	simm.s32 $0x9080;
	[sflag:s11] =	ssyncadd.s32 $0xFFFFC000  }
0x8e: {  	[spmem:s24] =	stream.linear.scatter [tilespmem:s26], [sflag:$0x9], $0x280, $0x38;
	[tilespmem:$0x1D580] =	vst v63  }
0x8f: {  	_ =	swait.ge [sflag:s11], $0x280  }
0x90: {  	[sflag:s11] =	ssyncset.done $0x0  }
0x91: {  	s9 =	simm.s32 $0x0;
	s13 =	rddreg [dreg:$0xb];
	[sflag:s11] =	ssyncadd.s32 $0xFFFFFD80  }
0x92: {  	[tilespmem:s9], [sflag:$0x7] =	stream.linear.gather [hbm4b:s13+s9], $0x400, $0x38;
	[tilespmem:$0x1D580] =	vst v63  }
0x93: {  	s15 =	rddreg [dreg:$0xc]  }
0x94: {  	[tilespmem:s17], [sflag:$0x7] =	stream.linear.gather [hbm4b:s15+s9], $0x400, $0x38;
	[tilespmem:$0x1D580] =	vst v63  }
0x95: {  	s19 =	rddreg [dreg:$0xd]  }
0x96: {  	[tilespmem:s28], [sflag:$0x8] =	stream.linear.gather [hbm4b:s19+s9], $0x400, $0x38;
	[tilespmem:$0x1D580] =	vst v63  }
0x97: {  	s26 =	simm.s32 $0x7;
	s24 =	rddreg [dreg:$0xe]  }
0x98: {  	[tilespmem:s29], [sflag:$0x8] =	stream.linear.gather [hbm4b:s24+s9], $0x400, $0x38;
	[tilespmem:$0x1D580] =	vst v63  }
0x99: {  	_ =	swait.ge [sflag:s26], $0x400  }
0x9a: {  	[sflag:s26] =	ssyncset.done $0x0  }
0x9b: {  	[sflag:s26] =	ssyncadd.s32 $0xFFFFFC00  }
0x9c: {  	_ =	swait.ge [sflag:s26], $0x400  }
0x9d: {  	[sflag:s26] =	ssyncset.done $0x0  }
0x9e: {  	[sflag:s26] =	ssyncadd.s32 $0xFFFFFC00  }
0x9f: {  	[tilespmem:s23], [sflag:$0x1] =	stream.indirect.gather [hbm4b:s1+s31], $0x80, s9, s31, $0xb8;
	[tilespmem:$0x1D580] =	vst v63  }
0xa0: {  	_ = 	snop  }
0xa1: {  	[tilespmem:s2], [sflag:$0x2] =	stream.indirect.gather [hbm4b:s1+s31], $0x80, s31, s31, $0xb8;
	[tilespmem:$0x1D580] =	vst v63  }
0xa2: {  	[bflag:$0x0] =	sbarrier.arrive $0xFFFF  }
0xa3: {  	s15 =	rddreg [dreg:$0x13]  }
.LBB2_4:
0xa4: {  	s19 =	sadd.s32 $0xFFFFFFF8, s15  }
0xa5: {  	p2 =	sgt.u32 s19, $0x9C3  }
.Ltmp3:
0xa6: {  	_ = 	snop;
	(pc) =	sbr.rel @p2 .LBB2_6-.Ltmp3, $2  }
0xa7: {  	_ =	sdelay $0x2  }
0xa8: {  	p1 =	por $0x0, $0x0;
	p3 =	por $0x0, $0x0  }
0xa9: {  	_ =	swait.ge [sflag:s25], $0x4000  }
0xaa: {  	[sflag:s25] =	ssyncset.done $0x0  }
0xab: {  	s11 =	simm.s32 $0x400;
	[sflag:s25] =	ssyncadd.s32 $0xFFFFC000  }
0xac: {  	[spmem:s3] =	stream.indirect.scatter.add.f32 [tilespmem:s23], [sflag:$0x3], $0x80, s11, s31, $0xb8;
	[tilespmem:$0x1D580] =	vst v63  }
0xad: {  	_ = 	snop  }
0xae: {  	[spmem:s4] =	stream.indirect.scatter.add.f32 [tilespmem:s7], [sflag:$0x5], $0x1, s11, s31, $0xb8;
	[tilespmem:$0x1D580] =	vst v63  }
0xaf: {  	_ =	swait.ge [sflag:s8], $0x4000  }
0xb0: {  	[sflag:s8] =	ssyncset.done $0x0  }
0xb1: {  	s26 =	simm.s32 $0x100;
	[sflag:s8] =	ssyncadd.s32 $0xFFFFC000  }
0xb2: {  	[tilespmem:s23], [sflag:$0x1] =	stream.indirect.gather [hbm4b:s1+s31], $0x80, s26, s31, $0xb8;
	[tilespmem:$0x1D580] =	vst v63  }
0xb3: {  	_ =	swait.ge [sflag:s10], $0x80  }
0xb4: {  	[sflag:s10] =	ssyncset.done $0x0  }
0xb5: {  	[sflag:s10] =	ssyncadd.s32 $0xFFFFFF80  }
0xb6: {  	_ =	swait.ge [sflag:s12], $0x4000  }
0xb7: {  	[sflag:s12] =	ssyncset.done $0x0  }
0xb8: {  	s13 =	simm.s32 $0x480;
	[sflag:s12] =	ssyncadd.s32 $0xFFFFC000  }
0xb9: {  	[spmem:s3] =	stream.indirect.scatter.add.f32 [tilespmem:s2], [sflag:$0x4], $0x80, s13, s31, $0xb8;
	[tilespmem:$0x1D580] =	vst v63  }
0xba: {  	_ = 	snop  }
0xbb: {  	[spmem:s4] =	stream.indirect.scatter.add.f32 [tilespmem:s7], [sflag:$0x6], $0x1, s13, s31, $0xb8;
	[tilespmem:$0x1D580] =	vst v63  }
0xbc: {  	_ =	swait.ge [sflag:s14], $0x4000  }
0xbd: {  	[sflag:s14] =	ssyncset.done $0x0  }
0xbe: {  	s24 =	simm.s32 $0x180;
	[sflag:s14] =	ssyncadd.s32 $0xFFFFC000  }
0xbf: {  	[tilespmem:s2], [sflag:$0x2] =	stream.indirect.gather [hbm4b:s1+s31], $0x80, s24, s31, $0xb8;
	[tilespmem:$0x1D580] =	vst v63  }
0xc0: {  	_ =	swait.ge [sflag:s16], $0x80  }
0xc1: {  	[sflag:s16] =	ssyncset.done $0x0  }
0xc2: {  	[sflag:s16] =	ssyncadd.s32 $0xFFFFFF80  }
0xc3: {  	_ =	swait.ge [sflag:s25], $0x4000  }
0xc4: {  	[sflag:s25] =	ssyncset.done $0x0  }
0xc5: {  	s26 =	simm.s32 $0x500;
	[sflag:s25] =	ssyncadd.s32 $0xFFFFC000  }
0xc6: {  	[spmem:s3] =	stream.indirect.scatter.add.f32 [tilespmem:s23], [sflag:$0x3], $0x80, s26, s31, $0xb8;
	[tilespmem:$0x1D580] =	vst v63  }
0xc7: {  	_ = 	snop  }
0xc8: {  	[spmem:s4] =	stream.indirect.scatter.add.f32 [tilespmem:s7], [sflag:$0x5], $0x1, s26, s31, $0xb8;
	[tilespmem:$0x1D580] =	vst v63  }
0xc9: {  	p2 =	sgt.u32 s19, $0x9BF;
	_ =	swait.ge [sflag:s8], $0x4000  }
0xca: {  	s28 =	simm.s32 @!p2 $0x1000;
	[sflag:s8] =	ssyncset.done $0x0  }
0xcb: {  	s11 =	simm.s32 @!p2 $0x80;
	s24 =	simm.s32 @!p2 $0x200;
	[sflag:s8] =	ssyncadd.s32 $0xFFFFC000  }
0xcc: {  	[tilespmem:s28], [sflag:$0x1] =	stream.indirect.gather @!p2 [hbm4b:s1+s11], $0x80, s24, s11, $0xb8;
	[tilespmem:$0x1D580] =	vst v63  }
0xcd: {  	_ =	swait.ge [sflag:s10], $0x80  }
0xce: {  	[sflag:s10] =	ssyncset.done $0x0  }
0xcf: {  	[sflag:s10] =	ssyncadd.s32 $0xFFFFFF80  }
0xd0: {  	_ =	swait.ge [sflag:s12], $0x4000  }
0xd1: {  	[sflag:s12] =	ssyncset.done $0x0  }
0xd2: {  	[sflag:s12] =	ssyncadd.s32 $0xFFFFC000  }
0xd3: {  	[spmem:s3] =	stream.indirect.scatter.add.f32 [tilespmem:s2], [sflag:$0x4], $0x80, s0, s31, $0xb8;
	[tilespmem:$0x1D580] =	vst v63  }
0xd4: {  	_ = 	snop  }
0xd5: {  	[spmem:s4] =	stream.indirect.scatter.add.f32 [tilespmem:s7], [sflag:$0x6], $0x1, s0, s31, $0xb8;
	[tilespmem:$0x1D580] =	vst v63  }
0xd6: {  	_ =	swait.ge [sflag:s14], $0x4000  }
0xd7: {  	[sflag:s14] =	ssyncset.done $0x0  }
0xd8: {  	s13 =	simm.s32 @!p2 $0x5000;
	s24 =	simm.s32 @!p2 $0x280;
	[sflag:s14] =	ssyncadd.s32 $0xFFFFC000  }
0xd9: {  	[tilespmem:s13], [sflag:$0x2] =	stream.indirect.gather @!p2 [hbm4b:s1+s11], $0x80, s24, s11, $0xb8;
	[tilespmem:$0x1D580] =	vst v63  }
0xda: {  	s24 =	simm.s32 @!p2 $0x6  }
0xdb: {  	_ =	swait.ge @!p2 [sflag:s24], $0x80  }
0xdc: {  	[sflag:s24] =	ssyncset.done @!p2 $0x0  }
0xdd: {  	[sflag:s24] =	ssyncadd.s32 @!p2 $0xFFFFFF80;
	s24 =	simm.s32 @!p2 $0x1  }
0xde: {  	_ =	swait.ge @!p2 [sflag:s24], $0x4000  }
0xdf: {  	[sflag:s24] =	ssyncset.done @!p2 $0x0  }
0xe0: {  	[sflag:s24] =	ssyncadd.s32 @!p2 $0xFFFFC000;
	s24 =	simm.s32 @!p2 $0x600  }
0xe1: {  	[spmem:s3] =	stream.indirect.scatter.add.f32 @!p2 [tilespmem:s28], [sflag:$0x3], $0x80, s24, s11, $0xb8;
	[tilespmem:$0x1D580] =	vst v63  }
0xe2: {  	s26 =	simm.s32 @!p2 $0x9000  }
0xe3: {  	[spmem:s4] =	stream.indirect.scatter.add.f32 @!p2 [tilespmem:s26], [sflag:$0x5], $0x1, s24, s11, $0xb8;
	[tilespmem:$0x1D580] =	vst v63  }
0xe4: {  	s24 =	simm.s32 @!p2 $0x3  }
0xe5: {  	_ =	swait.ge @!p2 [sflag:s24], $0x4000  }
0xe6: {  	[sflag:s24] =	ssyncset.done @!p2 $0x0  }
0xe7: {  	[sflag:s24] =	ssyncadd.s32 @!p2 $0xFFFFC000;
	s24 =	simm.s32 @!p2 $0x300  }
0xe8: {  	[tilespmem:s28], [sflag:$0x1] =	stream.indirect.gather @!p2 [hbm4b:s1+s11], $0x80, s24, s11, $0xb8;
	[tilespmem:$0x1D580] =	vst v63  }
0xe9: {  	s24 =	simm.s32 @!p2 $0x5  }
0xea: {  	_ =	swait.ge @!p2 [sflag:s24], $0x80  }
0xeb: {  	[sflag:s24] =	ssyncset.done @!p2 $0x0  }
0xec: {  	[sflag:s24] =	ssyncadd.s32 @!p2 $0xFFFFFF80;
	s24 =	simm.s32 @!p2 $0x2  }
0xed: {  	_ =	swait.ge @!p2 [sflag:s24], $0x4000  }
0xee: {  	[sflag:s24] =	ssyncset.done @!p2 $0x0  }
0xef: {  	[sflag:s24] =	ssyncadd.s32 @!p2 $0xFFFFC000;
	s24 =	simm.s32 @!p2 $0x680  }
0xf0: {  	[spmem:s3] =	stream.indirect.scatter.add.f32 @!p2 [tilespmem:s13], [sflag:$0x4], $0x80, s24, s11, $0xb8;
	[tilespmem:$0x1D580] =	vst v63  }
0xf1: {  	_ = 	snop  }
0xf2: {  	[spmem:s4] =	stream.indirect.scatter.add.f32 @!p2 [tilespmem:s26], [sflag:$0x6], $0x1, s24, s11, $0xb8;
	[tilespmem:$0x1D580] =	vst v63  }
0xf3: {  	s24 =	simm.s32 @!p2 $0x4  }
0xf4: {  	_ =	swait.ge @!p2 [sflag:s24], $0x4000  }
0xf5: {  	[sflag:s24] =	ssyncset.done @!p2 $0x0  }
0xf6: {  	[sflag:s24] =	ssyncadd.s32 @!p2 $0xFFFFC000;
	s24 =	simm.s32 @!p2 $0x380  }
0xf7: {  	[tilespmem:s13], [sflag:$0x2] =	stream.indirect.gather @!p2 [hbm4b:s1+s11], $0x80, s24, s11, $0xb8;
	[tilespmem:$0x1D580] =	vst v63  }
0xf8: {  	_ =	swait.ge [sflag:s16], $0x80  }
0xf9: {  	s17 =	simm.s32 $0x400;
	[sflag:s16] =	ssyncset.done $0x0  }
0xfa: {  	p3 =	slt.u32 s19, $0x9C0;
	s28 =	simm.s32 $0x800;
	[sflag:s16] =	ssyncadd.s32 $0xFFFFFF80  }
.LBB2_6:
0xfb: {  	_ =	swait.ge [sflag:s18], $0x400  }
0xfc: {  	[sflag:s18] =	ssyncset.done $0x0  }
0xfd: {  	[sflag:s18] =	ssyncadd.s32 $0xFFFFFC00  }
0xfe: {  	_ =	swait.ge [sflag:s18], $0x400  }
0xff: {  	[sflag:s18] =	ssyncset.done $0x0  }
0x100: {  	s11 =	simm.s32 @p3 $0x1;
	[sflag:s18] =	ssyncadd.s32 $0xFFFFFC00  }
0x101: {  	_ =	swait.ge @p3 [sflag:s11], $0x4000  }
0x102: {  	s13 =	simm.s32 @p3 $0x700;
	[sflag:s11] =	ssyncset.done @p3 $0x0  }
0x103: {  	s24 =	simm.s32 @p3 $0x1000;
	[sflag:s11] =	ssyncadd.s32 @p3 $0xFFFFC000;
	s11 =	simm.s32 @p3 $0x80  }
0x104: {  	[spmem:s3] =	stream.indirect.scatter.add.f32 @p3 [tilespmem:s24], [sflag:$0x3], $0x80, s13, s11, $0xb8;
	[tilespmem:$0x1D580] =	vst v63  }
0x105: {  	s24 =	simm.s32 @p3 $0x9000  }
0x106: {  	[spmem:s4] =	stream.indirect.scatter.add.f32 @p3 [tilespmem:s24], [sflag:$0x5], $0x1, s13, s11, $0xb8;
	[tilespmem:$0x1D580] =	vst v63  }
0x107: {  	s13 =	simm.s32 @p3 $0x3  }
0x108: {  	p2 =	sgt.u32 s19, $0x9BB;
	_ =	swait.ge @p3 [sflag:s13], $0x4000  }
0x109: {  	s19 =	simm.s32 @!p2 $0x800;
	[sflag:s13] =	ssyncset.done @p3 $0x0  }
0x10a: {  	s26 =	simm.s32 @!p2 $0x1000;
	[sflag:s13] =	ssyncadd.s32 @p3 $0xFFFFC000;
	s13 =	simm.s32 @!p2 $0x80  }
0x10b: {  	[tilespmem:s26], [sflag:$0x1] =	stream.indirect.gather @!p2 [hbm4b:s1+s13], $0x80, s19, s13, $0xb8;
	[tilespmem:$0x1D580] =	vst v63  }
0x10c: {  	s19 =	simm.s32 @p3 $0x5  }
0x10d: {  	_ =	swait.ge @p3 [sflag:s19], $0x80  }
0x10e: {  	[sflag:s19] =	ssyncset.done @p3 $0x0  }
0x10f: {  	[sflag:s19] =	ssyncadd.s32 @p3 $0xFFFFFF80;
	s19 =	simm.s32 @p3 $0x2  }
0x110: {  	_ =	swait.ge @p3 [sflag:s19], $0x4000  }
0x111: {  	[sflag:s19] =	ssyncset.done @p3 $0x0  }
0x112: {  	s26 =	simm.s32 @p3 $0x5000;
	[sflag:s19] =	ssyncadd.s32 @p3 $0xFFFFC000;
	s19 =	simm.s32 @p3 $0x780  }
0x113: {  	[spmem:s3] =	stream.indirect.scatter.add.f32 @p3 [tilespmem:s26], [sflag:$0x4], $0x80, s19, s11, $0xb8;
	[tilespmem:$0x1D580] =	vst v63  }
0x114: {  	_ = 	snop  }
0x115: {  	[spmem:s4] =	stream.indirect.scatter.add.f32 @p3 [tilespmem:s24], [sflag:$0x6], $0x1, s19, s11, $0xb8;
	[tilespmem:$0x1D580] =	vst v63  }
0x116: {  	s11 =	simm.s32 @p3 $0x4  }
0x117: {  	_ =	swait.ge @p3 [sflag:s11], $0x4000  }
0x118: {  	[sflag:s11] =	ssyncset.done @p3 $0x0  }
0x119: {  	s19 =	simm.s32 @!p2 $0x5000;
	[sflag:s11] =	ssyncadd.s32 @p3 $0xFFFFC000;
	s11 =	simm.s32 @!p2 $0x880  }
0x11a: {  	[tilespmem:s19], [sflag:$0x2] =	stream.indirect.gather @!p2 [hbm4b:s1+s13], $0x80, s11, s13, $0xb8;
	[tilespmem:$0x1D580] =	vst v63  }
0x11b: {  	s11 =	simm.s32 @p3 $0x6  }
0x11c: {  	_ =	swait.ge @p3 [sflag:s11], $0x80  }
0x11d: {  	p2 =	seq.s32 s9, $0x400;
	[sflag:s11] =	ssyncset.done @p3 $0x0  }
0x11e: {  	s13 =	sadd.s32 @!p2 s9, s20;
	[sflag:s11] =	ssyncadd.s32 @p3 $0xFFFFFF80;
	p3 =	sgt.u32 s15, $0x9C3  }
.Ltmp4:
0x11f: {  	s11 =	sadd.s32 @!p2 $0x100, s13;
	s13 =	simm.s32 @!p2 $0x0;
	(pc) =	sbr.rel @p3 .LBB2_8-.Ltmp4, $4  }
0x120: {  	[tilespmem:s13], [sflag:$0x7] =	stream.linear.gather @!p2 [hbm4b:s11+s13], $0x400, $0x38;
	[tilespmem:$0x1D580] =	vst v63  }
0x121: {  	s11 =	sadd.s32 @!p2 s9, s21  }
0x122: {  	s19 =	simm.s32 @!p2 $0x400;
	s11 =	sadd.s32 @!p2 $0x100, s11  }
0x123: {  	[tilespmem:s19], [sflag:$0x7] =	stream.linear.gather @!p2 [hbm4b:s11+s13], $0x400, $0x38;
	[tilespmem:$0x1D580] =	vst v63  }
0x124: {  	_ =	swait.ge [sflag:s25], $0x4000  }
0x125: {  	[sflag:s25] =	ssyncset.done $0x0  }
0x126: {  	[sflag:s25] =	ssyncadd.s32 $0xFFFFC000  }
0x127: {  	[spmem:s3] =	stream.indirect.scatter.add.f32 [tilespmem:s23], [sflag:$0x3], $0x80, s29, s31, $0xb8;
	[tilespmem:$0x1D580] =	vst v63  }
0x128: {  	_ = 	snop  }
0x129: {  	[spmem:s4] =	stream.indirect.scatter.add.f32 [tilespmem:s7], [sflag:$0x5], $0x1, s29, s31, $0xb8;
	[tilespmem:$0x1D580] =	vst v63  }
0x12a: {  	_ =	swait.ge [sflag:s8], $0x4000  }
0x12b: {  	[sflag:s8] =	ssyncset.done $0x0  }
0x12c: {  	s11 =	simm.s32 $0x900;
	[sflag:s8] =	ssyncadd.s32 $0xFFFFC000  }
0x12d: {  	[tilespmem:s23], [sflag:$0x1] =	stream.indirect.gather [hbm4b:s1+s31], $0x80, s11, s31, $0xb8;
	[tilespmem:$0x1D580] =	vst v63  }
0x12e: {  	_ =	swait.ge [sflag:s10], $0x80  }
0x12f: {  	[sflag:s10] =	ssyncset.done $0x0  }
0x130: {  	[sflag:s10] =	ssyncadd.s32 $0xFFFFFF80  }
0x131: {  	_ =	swait.ge [sflag:s12], $0x4000  }
0x132: {  	[sflag:s12] =	ssyncset.done $0x0  }
0x133: {  	[sflag:s12] =	ssyncadd.s32 $0xFFFFC000  }
0x134: {  	[spmem:s3] =	stream.indirect.scatter.add.f32 [tilespmem:s2], [sflag:$0x4], $0x80, s22, s31, $0xb8;
	[tilespmem:$0x1D580] =	vst v63  }
0x135: {  	_ = 	snop  }
0x136: {  	[spmem:s4] =	stream.indirect.scatter.add.f32 [tilespmem:s7], [sflag:$0x6], $0x1, s22, s31, $0xb8;
	[tilespmem:$0x1D580] =	vst v63  }
0x137: {  	_ =	swait.ge [sflag:s14], $0x4000  }
0x138: {  	[sflag:s14] =	ssyncset.done $0x0  }
0x139: {  	s26 =	simm.s32 $0x980;
	[sflag:s14] =	ssyncadd.s32 $0xFFFFC000  }
0x13a: {  	[tilespmem:s2], [sflag:$0x2] =	stream.indirect.gather [hbm4b:s1+s31], $0x80, s26, s31, $0xb8;
	[tilespmem:$0x1D580] =	vst v63  }
0x13b: {  	_ =	swait.ge [sflag:s16], $0x80  }
0x13c: {  	[sflag:s16] =	ssyncset.done $0x0  }
0x13d: {  	[sflag:s16] =	ssyncadd.s32 $0xFFFFFF80  }
0x13e: {  	_ =	swait.ge [sflag:s25], $0x4000  }
0x13f: {  	[sflag:s25] =	ssyncset.done $0x0  }
0x140: {  	[sflag:s25] =	ssyncadd.s32 $0xFFFFC000  }
0x141: {  	[spmem:s3] =	stream.indirect.scatter.add.f32 [tilespmem:s23], [sflag:$0x3], $0x80, s6, s31, $0xb8;
	[tilespmem:$0x1D580] =	vst v63  }
0x142: {  	_ = 	snop  }
0x143: {  	[spmem:s4] =	stream.indirect.scatter.add.f32 [tilespmem:s7], [sflag:$0x5], $0x1, s6, s31, $0xb8;
	[tilespmem:$0x1D580] =	vst v63  }
0x144: {  	p1 =	sgt.u32 s15, $0x9BF;
	_ =	swait.ge [sflag:s8], $0x4000  }
0x145: {  	s13 =	simm.s32 @!p1 $0xA00;
	[sflag:s8] =	ssyncset.done $0x0  }
0x146: {  	s19 =	simm.s32 @!p1 $0x1000;
	s11 =	simm.s32 @!p1 $0x80;
	[sflag:s8] =	ssyncadd.s32 $0xFFFFC000  }
0x147: {  	[tilespmem:s19], [sflag:$0x1] =	stream.indirect.gather @!p1 [hbm4b:s1+s11], $0x80, s13, s11, $0xb8;
	[tilespmem:$0x1D580] =	vst v63  }
0x148: {  	_ =	swait.ge [sflag:s10], $0x80  }
0x149: {  	[sflag:s10] =	ssyncset.done $0x0  }
0x14a: {  	[sflag:s10] =	ssyncadd.s32 $0xFFFFFF80  }
0x14b: {  	_ =	swait.ge [sflag:s12], $0x4000  }
0x14c: {  	[sflag:s12] =	ssyncset.done $0x0  }
0x14d: {  	[sflag:s12] =	ssyncadd.s32 $0xFFFFC000  }
0x14e: {  	[spmem:s3] =	stream.indirect.scatter.add.f32 [tilespmem:s2], [sflag:$0x4], $0x80, s30, s31, $0xb8;
	[tilespmem:$0x1D580] =	vst v63  }
0x14f: {  	_ = 	snop  }
0x150: {  	[spmem:s4] =	stream.indirect.scatter.add.f32 [tilespmem:s7], [sflag:$0x6], $0x1, s30, s31, $0xb8;
	[tilespmem:$0x1D580] =	vst v63  }
0x151: {  	_ =	swait.ge [sflag:s14], $0x4000  }
0x152: {  	[sflag:s14] =	ssyncset.done $0x0  }
0x153: {  	s24 =	simm.s32 @!p1 $0x5000;
	s13 =	simm.s32 @!p1 $0xA80;
	[sflag:s14] =	ssyncadd.s32 $0xFFFFC000  }
0x154: {  	[tilespmem:s24], [sflag:$0x2] =	stream.indirect.gather @!p1 [hbm4b:s1+s11], $0x80, s13, s11, $0xb8;
	[tilespmem:$0x1D580] =	vst v63  }
0x155: {  	s13 =	simm.s32 @!p1 $0x6  }
0x156: {  	_ =	swait.ge @!p1 [sflag:s13], $0x80  }
0x157: {  	[sflag:s13] =	ssyncset.done @!p1 $0x0  }
0x158: {  	[sflag:s13] =	ssyncadd.s32 @!p1 $0xFFFFFF80;
	s13 =	simm.s32 @!p1 $0x1  }
0x159: {  	_ =	swait.ge @!p1 [sflag:s13], $0x4000  }
0x15a: {  	[sflag:s13] =	ssyncset.done @!p1 $0x0  }
0x15b: {  	[sflag:s13] =	ssyncadd.s32 @!p1 $0xFFFFC000;
	s13 =	simm.s32 @!p1 $0xE00  }
0x15c: {  	[spmem:s3] =	stream.indirect.scatter.add.f32 @!p1 [tilespmem:s19], [sflag:$0x3], $0x80, s13, s11, $0xb8;
	[tilespmem:$0x1D580] =	vst v63  }
0x15d: {  	s26 =	simm.s32 @!p1 $0x9000  }
0x15e: {  	[spmem:s4] =	stream.indirect.scatter.add.f32 @!p1 [tilespmem:s26], [sflag:$0x5], $0x1, s13, s11, $0xb8;
	[tilespmem:$0x1D580] =	vst v63  }
0x15f: {  	s13 =	simm.s32 @!p1 $0x3  }
0x160: {  	_ =	swait.ge @!p1 [sflag:s13], $0x4000  }
0x161: {  	[sflag:s13] =	ssyncset.done @!p1 $0x0  }
0x162: {  	[sflag:s13] =	ssyncadd.s32 @!p1 $0xFFFFC000;
	s13 =	simm.s32 @!p1 $0xB00  }
0x163: {  	[tilespmem:s19], [sflag:$0x1] =	stream.indirect.gather @!p1 [hbm4b:s1+s11], $0x80, s13, s11, $0xb8;
	[tilespmem:$0x1D580] =	vst v63  }
0x164: {  	s13 =	simm.s32 @!p1 $0x5  }
0x165: {  	_ =	swait.ge @!p1 [sflag:s13], $0x80  }
0x166: {  	[sflag:s13] =	ssyncset.done @!p1 $0x0  }
0x167: {  	[sflag:s13] =	ssyncadd.s32 @!p1 $0xFFFFFF80;
	s13 =	simm.s32 @!p1 $0x2  }
0x168: {  	_ =	swait.ge @!p1 [sflag:s13], $0x4000  }
0x169: {  	[sflag:s13] =	ssyncset.done @!p1 $0x0  }
0x16a: {  	[sflag:s13] =	ssyncadd.s32 @!p1 $0xFFFFC000;
	s13 =	simm.s32 @!p1 $0xE80  }
0x16b: {  	[spmem:s3] =	stream.indirect.scatter.add.f32 @!p1 [tilespmem:s24], [sflag:$0x4], $0x80, s13, s11, $0xb8;
	[tilespmem:$0x1D580] =	vst v63  }
0x16c: {  	_ = 	snop  }
0x16d: {  	[spmem:s4] =	stream.indirect.scatter.add.f32 @!p1 [tilespmem:s26], [sflag:$0x6], $0x1, s13, s11, $0xb8;
	[tilespmem:$0x1D580] =	vst v63  }
0x16e: {  	s13 =	simm.s32 @!p1 $0x4  }
0x16f: {  	_ =	swait.ge @!p1 [sflag:s13], $0x4000  }
0x170: {  	[sflag:s13] =	ssyncset.done @!p1 $0x0  }
0x171: {  	[sflag:s13] =	ssyncadd.s32 @!p1 $0xFFFFC000;
	s13 =	simm.s32 @!p1 $0xB80  }
0x172: {  	[tilespmem:s24], [sflag:$0x2] =	stream.indirect.gather @!p1 [hbm4b:s1+s11], $0x80, s13, s11, $0xb8;
	[tilespmem:$0x1D580] =	vst v63  }
0x173: {  	_ =	swait.ge [sflag:s16], $0x80  }
0x174: {  	[sflag:s16] =	ssyncset.done $0x0  }
0x175: {  	p1 =	slt.u32 s15, $0x9C0;
	[sflag:s16] =	ssyncadd.s32 $0xFFFFFF80  }
.LBB2_8:
0x176: {  	s11 =	simm.s32 @!p2 $0x7  }
0x177: {  	_ =	swait.ge @!p2 [sflag:s11], $0x400  }
0x178: {  	[sflag:s11] =	ssyncset.done @!p2 $0x0  }
0x179: {  	[sflag:s11] =	ssyncadd.s32 @!p2 $0xFFFFFC00  }
0x17a: {  	_ =	swait.ge @!p2 [sflag:s11], $0x400  }
0x17b: {  	[sflag:s11] =	ssyncset.done @!p2 $0x0  }
0x17c: {  	[sflag:s11] =	ssyncadd.s32 @!p2 $0xFFFFFC00;
	s11 =	simm.s32 @p1 $0x1  }
0x17d: {  	s13 =	simm.s32 @p1 $0xF00;
	_ =	swait.ge @p1 [sflag:s11], $0x4000  }
0x17e: {  	s19 =	simm.s32 @p1 $0x1000;
	p3 =	sne.s32 @p1 s9, $0x400;
	[sflag:s11] =	ssyncset.done @p1 $0x0  }
0x17f: {  	p4 =	slt.u32 @p1 s15, $0x9BC;
	[sflag:s11] =	ssyncadd.s32 @p1 $0xFFFFC000;
	s11 =	simm.s32 @p1 $0x80  }
0x180: {  	[spmem:s3] =	stream.indirect.scatter.add.f32 @p1 [tilespmem:s19], [sflag:$0x3], $0x80, s13, s11, $0xb8;
	[tilespmem:$0x1D580] =	vst v63  }
0x181: {  	p3 =	por @p1 !p3, !p4;
	s19 =	simm.s32 @p1 $0x9000  }
0x182: {  	[spmem:s4] =	stream.indirect.scatter.add.f32 @p1 [tilespmem:s19], [sflag:$0x5], $0x1, s13, s11, $0xb8;
	[tilespmem:$0x1D580] =	vst v63  }
0x183: {  	p3 =	por @p1 !p3, !p3;
	s13 =	simm.s32 @p1 $0x3  }
0x184: {  	p3 =	por !p3, !p1;
	_ =	swait.ge @p1 [sflag:s13], $0x4000  }
0x185: {  	s24 =	simm.s32 @!p3 $0x0;
	[sflag:s13] =	ssyncset.done @p1 $0x0  }
0x186: {  	s26 =	simm.s32 @!p3 $0x1000;
	[sflag:s13] =	ssyncadd.s32 @p1 $0xFFFFC000;
	s13 =	simm.s32 @!p3 $0x80  }
0x187: {  	[tilespmem:s26], [sflag:$0x1] =	stream.indirect.gather @!p3 [hbm4b:s1+s13], $0x80, s24, s13, $0xb8;
	[tilespmem:$0x1D580] =	vst v63  }
0x188: {  	s24 =	simm.s32 @p1 $0x5  }
0x189: {  	_ =	swait.ge @p1 [sflag:s24], $0x80  }
0x18a: {  	[sflag:s24] =	ssyncset.done @p1 $0x0  }
0x18b: {  	[sflag:s24] =	ssyncadd.s32 @p1 $0xFFFFFF80;
	s24 =	simm.s32 @p1 $0x2  }
0x18c: {  	_ =	swait.ge @p1 [sflag:s24], $0x4000  }
0x18d: {  	[sflag:s24] =	ssyncset.done @p1 $0x0  }
0x18e: {  	s26 =	simm.s32 @p1 $0x5000;
	[sflag:s24] =	ssyncadd.s32 @p1 $0xFFFFC000;
	s24 =	simm.s32 @p1 $0xF80  }
0x18f: {  	[spmem:s3] =	stream.indirect.scatter.add.f32 @p1 [tilespmem:s26], [sflag:$0x4], $0x80, s24, s11, $0xb8;
	[tilespmem:$0x1D580] =	vst v63  }
0x190: {  	_ = 	snop  }
0x191: {  	[spmem:s4] =	stream.indirect.scatter.add.f32 @p1 [tilespmem:s19], [sflag:$0x6], $0x1, s24, s11, $0xb8;
	[tilespmem:$0x1D580] =	vst v63  }
0x192: {  	s11 =	simm.s32 @p1 $0x4  }
0x193: {  	_ =	swait.ge @p1 [sflag:s11], $0x4000  }
0x194: {  	[sflag:s11] =	ssyncset.done @p1 $0x0  }
0x195: {  	[sflag:s11] =	ssyncadd.s32 @p1 $0xFFFFC000;
	s11 =	simm.s32 @!p3 $0x5000  }
0x196: {  	[tilespmem:s11], [sflag:$0x2] =	stream.indirect.gather @!p3 [hbm4b:s1+s13], $0x80, s13, s13, $0xb8;
	[tilespmem:$0x1D580] =	vst v63  }
.Ltmp5:
0x197: {  	_ = 	snop;
	(pc) =	sbr.rel @p2 .LBB2_10-.Ltmp5, $4  }
0x198: {  	s11 =	simm.s32 @p1 $0x6  }
0x199: {  	_ =	swait.ge @p1 [sflag:s11], $0x80  }
0x19a: {  	[sflag:s11] =	ssyncset.done @p1 $0x0  }
0x19b: {  	[sflag:s11] =	ssyncadd.s32 @p1 $0xFFFFFF80  }
.Ltmp6:
0x19c: {  	s11 =	sadd.s32 s9, s20;
	(pc) =	sbr.rel .LBB2_4-.Ltmp6, $4  }
0x19d: {  	s26 =	sadd.s32 s9, s21;
	s11 =	sadd.s32 $0x180, s11  }
0x19e: {  	[tilespmem:s28], [sflag:$0x8] =	stream.linear.gather [hbm4b:s11+s5], $0x400, $0x38;
	[tilespmem:$0x1D580] =	vst v63  }
0x19f: {  	s9 =	sadd.s32 $0x100, s9;
	s15 =	sadd.s32 $0x10, s15;
	s11 =	sadd.s32 $0x180, s26  }
0x1a0: {  	[tilespmem:s29], [sflag:$0x8] =	stream.linear.gather [hbm4b:s11+s5], $0x400, $0x38;
	[tilespmem:$0x1D580] =	vst v63  }
.LBB2_11:
0x1a1: {  	_ =	sfence.sel $0x180000  }
0x1a2: {  	[bflag:$0x0] =	sbarrier.arrive $0xFFFF  }
0x1a3: {  	_ =	strace $0x90000047  }
0x1a4: {  	[bflag:$0x2] =	sbarrier.arrive $0xFFFF  }
0x1a5: {  	p0 =	sne.s32 s13, $0x0;
	s0 =	rddreg [dreg:$0x4]  }
0x1a6: {  	s0 =	sadd.s32 @!p0 $0x100000, s0  }
0x1a7: {  	[sflag:s0] =	ssyncadd.tile.s32 @!p0 $0x1;
	_ =	shalt  }
.Lfunc_end2:
_tile_overlayer_lowered:
.L_overlay_start_2:
0x1a8: {  	(tag) =	ssettag $0x2  }
0x1a9: {  	s0 =	rddreg [dreg:$0x0];
	s2 =	stileid.u32  }
0x1aa: {  	s1 =	rddreg [dreg:$0x1];
	p0 =	sne.s32 s2, $0x0  }
0x1ab: {  	s3 =	rddreg [dreg:$0x2];
	[bflag:$0x3] =	sbarrier.arrive $0xFFFF;
	s2 =	simm.s32 @!p0 $0x1C09  }
0x1ac: {  	[timem:s3], [sflag:s2] =	dma.local @!p0 [hbm:s0], s1  }
0x1ad: {  	s0 =	simm.s32 @!p0 $0x9  }
0x1ae: {  	_ =	swait.ge @!p0 [sflag:s0], s1  }
0x1af: {  	s1 =	ssub.s32 @!p0 $0x0, s1;
	[sflag:s0] =	ssyncset.done @!p0 $0x0  }
0x1b0: {  	[sflag:s0] =	ssyncadd.s32 @!p0 s1  }
0x1b1: {  	[bflag:$0x3] =	sbarrier.arrive $0xFFFF  }
0x1b2: {  	_ =	shalt  }

</sc_bundles>
